<compile_context>
chip_gen: v7x
topology: tpu7x:2x2x1
jax: 0.10.2.dev20260603
libtpu: 0.0.44.dev20260713+nightly
codegen_flags: <defaults>
</compile_context>

<pallas_src>
import functools

import jax
import jax.numpy as jnp
from jax import lax
from jax.experimental import pallas as pl
from jax.experimental.pallas import tpu as pltpu
from jax.experimental.pallas import tpu_sc as plsc

NN = 10000
EE = 320000
DD = 128
FF = 16
CC = 7

NC = 2
NS = 16
NW = NC * NS

IW = 128
KK = 8
N_OUTER = 10
EP = NW * N_OUTER * KK * IW
RI = EP // IW
RI_PAD = 2624

NP = 10112
ZR = NP // NS

_mesh = plsc.VectorSubcoreMesh(core_axis_name="c", subcore_axis_name="s")
_sc_params = pltpu.CompilerParams(use_tc_tiling_on_sc=False)



RW = N_OUTER * KK


@functools.partial(
    pl.kernel,
    out_type=jax.ShapeDtypeStruct((NC, NP, FF), jnp.float32),
    mesh=_mesh,
    compiler_params=_sc_params,
    scratch_types=[
        pltpu.VMEM((RW, IW), jnp.int32),
        pltpu.VMEM((IW, FF), jnp.float32),
        pltpu.VMEM((ZR, FF), jnp.float32),
        pltpu.VMEM_SHARED((NP, FF), jnp.float32),
        pltpu.SemaphoreType.DMA,
    ],
)
def _deg_sc(dst_hbm, out_hbm, didx, ones, zbuf, acc, ssem):
    cid = lax.axis_index("c")
    sid = lax.axis_index("s")
    wid = cid * NS + sid

    pltpu.sync_copy(dst_hbm.at[pl.ds(wid * RW, RW)], didx)

    @pl.loop(0, ZR)
    def _(i):
        zbuf[i, :] = jnp.zeros((FF,), jnp.float32)

    @pl.loop(0, IW)
    def _(i):
        ones[i, :] = jnp.ones((FF,), jnp.float32)

    pltpu.sync_copy(zbuf, acc.at[pl.ds(sid * ZR, ZR)])
    plsc.subcore_barrier()

    @pl.loop(0, N_OUTER // 2)
    def _(it):
        copies = []
        for j in range(2 * KK):
            copies.append(pltpu.async_copy(
                ones, acc.at[didx.at[it * 2 * KK + j]], ssem, add=True))
        for c in copies:
            c.wait()

    plsc.subcore_barrier()
    pltpu.sync_copy(acc.at[pl.ds(sid * ZR, ZR)],
                    out_hbm.at[cid, pl.ds(sid * ZR, ZR)])


NG = N_OUTER // 2

CH_FAST = 14
CH_SLOW = 6
FAST_CID = 0


@functools.partial(
    pl.kernel,
    out_type=jax.ShapeDtypeStruct((NC, NP, FF), jnp.float32),
    mesh=_mesh,
    compiler_params=_sc_params,
    scratch_types=[
        pltpu.VMEM((CH_FAST * KK, IW), jnp.int32),
        pltpu.VMEM((CH_FAST * KK, IW), jnp.int32),
        pltpu.VMEM((KK * IW, FF), jnp.float32),
        pltpu.VMEM((KK * IW, FF), jnp.float32),
        pltpu.VMEM((ZR, FF), jnp.float32),
        pltpu.VMEM_SHARED((NP, FF), jnp.float32),
        pltpu.SemaphoreType.DMA,
        pltpu.SemaphoreType.DMA,
        pltpu.SemaphoreType.DMA,
        pltpu.SemaphoreType.DMA,
    ],
)
def _agg_sc(h_hbm, src_hbm, dst_hbm, out_hbm, sidx, didx, rows0, rows1,
            zbuf, acc, gsem0, gsem1, ssem0, ssem1):
    cid = lax.axis_index("c")
    sid = lax.axis_index("s")
    wid = cid * NS + sid

    rows = (rows0, rows1)
    gsem = (gsem0, gsem1)
    ssem = (ssem0, ssem1)

    fast = cid == FAST_CID
    ng = jnp.where(fast, CH_FAST // 2, CH_SLOW // 2)
    base = jnp.where(fast, sid * (CH_FAST * KK),
                     NS * CH_FAST * KK + sid * (CH_SLOW * KK))
    pltpu.sync_copy(src_hbm.at[pl.ds(base, CH_FAST * KK)], sidx)
    pltpu.sync_copy(dst_hbm.at[pl.ds(base, CH_FAST * KK)], didx)

    @pl.loop(0, ZR)
    def _(i):
        zbuf[i, :] = jnp.zeros((FF,), jnp.float32)

    pltpu.sync_copy(zbuf, acc.at[pl.ds(sid * ZR, ZR)])
    plsc.subcore_barrier()

    def fire_gathers(b, c):
        return [pltpu.async_copy(h_hbm.at[sidx.at[c * KK + j]],
                                 rows[b].at[pl.ds(j * IW, IW)], gsem[b])
                for j in range(KK)]

    def fire_scatters(b, c):
        return [pltpu.async_copy(rows[b].at[pl.ds(j * IW, IW)],
                                 acc.at[didx.at[c * KK + j]], ssem[b],
                                 add=True)
                for j in range(KK)]

    @pl.loop(0, CH_FAST // 2)
    def _(g):
        @pl.when(g < ng)
        def _():
            c0 = 2 * g
            g0 = fire_gathers(0, c0)
            g1 = fire_gathers(1, c0 + 1)
            for c in g0:
                c.wait()
            s0 = fire_scatters(0, c0)
            for c in g1:
                c.wait()
            s1 = fire_scatters(1, c0 + 1)
            for c in s0:
                c.wait()
            for c in s1:
                c.wait()

    plsc.subcore_barrier()
    pltpu.sync_copy(acc.at[pl.ds(sid * ZR, ZR)],
                    out_hbm.at[cid, pl.ds(sid * ZR, ZR)])



_BN = NN
_GRID = NN // _BN
_ER = EE // IW


def _prep_body(ei_ref, src_ref, dst_ref):
    pr = RI_PAD - _ER
    src_ref[pl.ds(0, _ER), :] = ei_ref[0, :, :]
    dst_ref[pl.ds(0, _ER), :] = ei_ref[1, :, :]
    src_ref[pl.ds(_ER, pr), :] = jnp.zeros((pr, IW), jnp.int32)
    dst_ref[pl.ds(_ER, pr), :] = NN + (
        lax.broadcasted_iota(jnp.int32, (pr, IW), 1) % NS)


def _prep(edge_index):
    ei3 = edge_index.reshape(2, _ER, IW)
    return pl.pallas_call(
        _prep_body,
        grid=(1,),
        in_specs=[pl.BlockSpec((2, _ER, IW), lambda i: (0, 0, 0))],
        out_specs=[
            pl.BlockSpec((RI_PAD, IW), lambda i: (0, 0)),
            pl.BlockSpec((RI_PAD, IW), lambda i: (0, 0)),
        ],
        out_shape=[
            jax.ShapeDtypeStruct((RI_PAD, IW), jnp.int32),
            jax.ShapeDtypeStruct((RI_PAD, IW), jnp.int32),
        ],
    )(ei3)


def _tc0_body(x_ref, w1_ref, h1_ref):
    h1_ref[...] = jnp.dot(x_ref[...], w1_ref[...],
                          preferred_element_type=jnp.float32)


def _tc0(x, W1):
    return pl.pallas_call(
        _tc0_body,
        grid=(_GRID,),
        in_specs=[
            pl.BlockSpec((_BN, DD), lambda i: (i, 0)),
            pl.BlockSpec((DD, FF), lambda i: (0, 0)),
        ],
        out_specs=pl.BlockSpec((_BN, FF), lambda i: (i, 0)),
        out_shape=jax.ShapeDtypeStruct((NN, FF), jnp.float32),
    )(x, W1)


def _tc1_body(h1_ref, degp_ref, h1s_ref, dis_ref):
    deg = degp_ref[0, :, :] + degp_ref[1, :, :] + 1.0
    dis = lax.rsqrt(deg)
    h1s_ref[...] = h1_ref[...] * dis
    dis_ref[...] = dis


def _tc1(h1, degp):
    return pl.pallas_call(
        _tc1_body,
        grid=(_GRID,),
        in_specs=[
            pl.BlockSpec((_BN, FF), lambda i: (i, 0)),
            pl.BlockSpec((NC, _BN, FF), lambda i: (0, i, 0)),
        ],
        out_specs=[
            pl.BlockSpec((_BN, FF), lambda i: (i, 0)),
            pl.BlockSpec((_BN, FF), lambda i: (i, 0)),
        ],
        out_shape=[
            jax.ShapeDtypeStruct((NN, FF), jnp.float32),
            jax.ShapeDtypeStruct((NN, FF), jnp.float32),
        ],
    )(h1, degp)


def _tc2_body(aggp_ref, h1s_ref, dis_ref, b1_ref, w2_ref, h2s_ref):
    agg = aggp_ref[0, :, :] + aggp_ref[1, :, :] + h1s_ref[...]
    z = jnp.maximum(dis_ref[...] * agg + b1_ref[...], 0.0)
    h2 = jnp.dot(z, w2_ref[...], preferred_element_type=jnp.float32)
    h2s_ref[...] = h2 * dis_ref[...]


def _tc2(aggp, h1s, dis, b1, W2p):
    return pl.pallas_call(
        _tc2_body,
        grid=(_GRID,),
        in_specs=[
            pl.BlockSpec((NC, _BN, FF), lambda i: (0, i, 0)),
            pl.BlockSpec((_BN, FF), lambda i: (i, 0)),
            pl.BlockSpec((_BN, FF), lambda i: (i, 0)),
            pl.BlockSpec((1, FF), lambda i: (0, 0)),
            pl.BlockSpec((FF, FF), lambda i: (0, 0)),
        ],
        out_specs=pl.BlockSpec((_BN, FF), lambda i: (i, 0)),
        out_shape=jax.ShapeDtypeStruct((NN, FF), jnp.float32),
    )(aggp, h1s, dis, b1, W2p)


def _tc3_body(aggp_ref, h2s_ref, dis_ref, b2_ref, out_ref):
    agg = aggp_ref[0, :, :] + aggp_ref[1, :, :] + h2s_ref[...]
    z = dis_ref[...] * agg + b2_ref[...]
    z7 = z[:, :CC]
    m = jnp.max(z7, axis=1, keepdims=True)
    lse = jnp.log(jnp.sum(jnp.exp(z7 - m), axis=1, keepdims=True)) + m
    out_ref[...] = z7 - lse


def _tc3(aggp, h2s, dis, b2):
    return pl.pallas_call(
        _tc3_body,
        grid=(_GRID,),
        in_specs=[
            pl.BlockSpec((NC, _BN, FF), lambda i: (0, i, 0)),
            pl.BlockSpec((_BN, FF), lambda i: (i, 0)),
            pl.BlockSpec((_BN, FF), lambda i: (i, 0)),
            pl.BlockSpec((1, FF), lambda i: (0, 0)),
        ],
        out_specs=pl.BlockSpec((_BN, CC), lambda i: (i, 0)),
        out_shape=jax.ShapeDtypeStruct((NN, CC), jnp.float32),
    )(aggp, h2s, dis, b2)



def kernel(x, edge_index, W1, b1, W2, b2):
    src2d, dst2d = _prep(edge_index)

    W2p = jnp.zeros((FF, FF), jnp.float32).at[:, :CC].set(W2)
    b1r = b1.reshape(1, FF)
    b2r = jnp.zeros((1, FF), jnp.float32).at[0, :CC].set(b2)

    degp = _deg_sc(dst2d)
    h1 = _tc0(x, W1)
    h1s, dis = _tc1(h1, degp)
    agg1p = _agg_sc(h1s, src2d, dst2d)
    h2s = _tc2(agg1p, h1s, dis, b1r, W2p)
    agg2p = _agg_sc(h2s, src2d, dst2d)
    return _tc3(agg2p, h2s, dis, b2r)

# --- scband reference (transcript-rebuilt; emitter-appended) ---
"""Pipeline reference for scband-gcn-2946347565080 (READ-ONLY COPY).

The authoritative reference and input builder live on the scoring server;
editing this copy changes nothing except your own understanding.
"""

import jax, jax.numpy as jnp
import numpy as np

N = 10000
E = 320000
D = 128
H = 16
C = 7


def setup_inputs(seed: int = 0) -> dict:
    key = jax.random.key(seed)
    k1, k2, k3, k4, k5, k6 = jax.random.split(key, 6)
    x = jax.random.normal(k1, (N, D), dtype=jnp.float32)
    edge_index = jax.random.randint(k2, (2, E), 0, N, dtype=jnp.int32)
    W1 = jax.random.normal(k3, (D, H), dtype=jnp.float32) * (1.0 / np.sqrt(D))
    b1 = jnp.zeros((H,), dtype=jnp.float32)
    W2 = jax.random.normal(k4, (H, C), dtype=jnp.float32) * (1.0 / np.sqrt(H))
    b2 = jnp.zeros((C,), dtype=jnp.float32)
    return {"x": x, "edge_index": edge_index, "W1": W1, "b1": b1, "W2": W2, "b2": b2}


def gcn_conv(x, edge_index, W, b, num_nodes):
    # GCNConv: linear transform, add self loops, symmetric normalization, scatter-add aggregation
    h = x @ W
    loop = jnp.arange(num_nodes, dtype=edge_index.dtype)
    src = jnp.concatenate([edge_index[0], loop])
    dst = jnp.concatenate([edge_index[1], loop])
    deg = jnp.zeros((num_nodes,), dtype=h.dtype).at[dst].add(1.0)
    deg_inv_sqrt = jnp.where(deg > 0, 1.0 / jnp.sqrt(deg), 0.0)
    norm = deg_inv_sqrt[src] * deg_inv_sqrt[dst]
    msg = h[src] * norm[:, None]
    out = jnp.zeros((num_nodes, h.shape[1]), dtype=h.dtype).at[dst].add(msg)
    return out + b


def reference(x, edge_index, W1, b1, W2, b2):
    h = gcn_conv(x, edge_index, W1, b1, N)
    h = jax.nn.relu(h)
    # dropout is identity in eval mode
    h = gcn_conv(h, edge_index, W2, b2, N)
    return jax.nn.log_softmax(h, axis=1)

if __name__ == "__main__":
    import jax
    _d = setup_inputs()
    print(jax.jit(kernel)(*tuple(_d.values())))

</pallas_src>

<mosaic_0001>
#map = affine_map<(d0, d1) -> (0, 0)>
#map1 = affine_map<(d0, d1) -> (0, 0, 0)>
module attributes {stable_mosaic.version = 14 : i64} {
  func.func @_agg_sc(%arg0: i32, %arg1: i32, %arg2: memref<10000x16xf32, #tpu.memory_space<hbm>>, %arg3: memref<2624x128xi32, #tpu.memory_space<hbm>>, %arg4: memref<2624x128xi32, #tpu.memory_space<hbm>>, %arg5: memref<2x10112x16xf32, #tpu.memory_space<hbm>>, %arg6: memref<112x128xi32, #tpu.memory_space<vmem>>, %arg7: memref<112x128xi32, #tpu.memory_space<vmem>>, %arg8: memref<1024x16xf32, #tpu.memory_space<vmem>>, %arg9: memref<1024x16xf32, #tpu.memory_space<vmem>>, %arg10: memref<632x16xf32, #tpu.memory_space<vmem>>, %arg11: memref<10112x16xf32, #tpu.memory_space<vmem_shared>>, %arg12: memref<!tpu.dma_semaphore, #tpu.memory_space<semaphore_mem>>, %arg13: memref<!tpu.dma_semaphore, #tpu.memory_space<semaphore_mem>>, %arg14: memref<!tpu.dma_semaphore, #tpu.memory_space<semaphore_mem>>, %arg15: memref<!tpu.dma_semaphore, #tpu.memory_space<semaphore_mem>>) attributes {dimension_semantics = [#tpu.dimension_semantics<core_parallel>, #tpu.dimension_semantics<subcore_parallel>], iteration_bounds = array<i64: 2, 16>, scalar_prefetch = 0 : i64, scratch_operands = 10 : i64, tpu.core_type = #tpu.core_type<sc_vector_subcore>, window_params = [{transform_indices = #map}, {transform_indices = #map}, {transform_indices = #map}, {transform_indices = #map1}]} {
    %mul3A = arith.constant 16 : i32
    %mul3A_0 = arith.muli %arg0, %mul3A : i32
    %add3A = arith.addi %mul3A_0, %arg1 : i32
    %eq3A = arith.constant 0 : i32
    %eq3A_1 = arith.cmpi eq, %arg0, %eq3A : i32
    %jit3A = arith.constant 7 : i32
    %jit3A_2 = arith.constant 3 : i32
    %select_n3A = arith.select %eq3A_1, %jit3A, %jit3A_2 : i32
    %mul3A_3 = arith.constant 112 : i32
    %mul3A_4 = arith.muli %arg1, %mul3A_3 : i32
    %mul3A_5 = arith.constant 48 : i32
    %mul3A_6 = arith.muli %arg1, %mul3A_5 : i32
    %add3A_7 = arith.constant 1792 : i32
    %add3A_8 = arith.addi %add3A_7, %mul3A_6 : i32
    %select_n3A_9 = arith.select %eq3A_1, %mul3A_4, %add3A_8 : i32
    "tpu.region"() ({
      %run_scoped3A = tpu.sem_alloc : memref<!tpu.dma_semaphore, #tpu.memory_space<semaphore_mem>>
      %dma_start3A = arith.constant 0 : i32
      %dma_start3A_26 = tpu.memref_slice %arg3[%select_n3A_9, %dma_start3A] : memref<2624x128xi32, #tpu.memory_space<hbm>> -> memref<112x128xi32, #tpu.memory_space<hbm>>
      %dma_start3A_27 = arith.constant 0 : i32
      %dma_start3A_28 = tpu.memref_slice %arg3[%select_n3A_9, %dma_start3A_27] : memref<2624x128xi32, #tpu.memory_space<hbm>> -> memref<112x128xi32, #tpu.memory_space<hbm>>
      tpu.enqueue_dma source(%dma_start3A_28 : memref<112x128xi32, #tpu.memory_space<hbm>>) target(%arg6 : memref<112x128xi32, #tpu.memory_space<vmem>>) target_semaphore(%run_scoped3A : memref<!tpu.dma_semaphore, #tpu.memory_space<semaphore_mem>>)
      %dma_wait3A = arith.constant 0 : i32
      %dma_wait3A_29 = tpu.memref_slice %arg3[%select_n3A_9, %dma_wait3A] : memref<2624x128xi32, #tpu.memory_space<hbm>> -> memref<112x128xi32, #tpu.memory_space<hbm>>
      %dma_wait3A_30 = arith.constant 0 : i32
      %dma_wait3A_31 = tpu.memref_slice %arg3[%select_n3A_9, %dma_wait3A_30] : memref<2624x128xi32, #tpu.memory_space<hbm>> -> memref<112x128xi32, #tpu.memory_space<hbm>>
      tpu.wait_dma2 semaphore(%run_scoped3A : memref<!tpu.dma_semaphore, #tpu.memory_space<semaphore_mem>>) src(%dma_wait3A_31 : memref<112x128xi32, #tpu.memory_space<hbm>>) dst(%arg6 : memref<112x128xi32, #tpu.memory_space<vmem>>)
      tpu.yield
    }) : () -> ()
    "tpu.region"() ({
      %run_scoped3A = tpu.sem_alloc : memref<!tpu.dma_semaphore, #tpu.memory_space<semaphore_mem>>
      %dma_start3A = arith.constant 0 : i32
      %dma_start3A_26 = tpu.memref_slice %arg4[%select_n3A_9, %dma_start3A] : memref<2624x128xi32, #tpu.memory_space<hbm>> -> memref<112x128xi32, #tpu.memory_space<hbm>>
      %dma_start3A_27 = arith.constant 0 : i32
      %dma_start3A_28 = tpu.memref_slice %arg4[%select_n3A_9, %dma_start3A_27] : memref<2624x128xi32, #tpu.memory_space<hbm>> -> memref<112x128xi32, #tpu.memory_space<hbm>>
      tpu.enqueue_dma source(%dma_start3A_28 : memref<112x128xi32, #tpu.memory_space<hbm>>) target(%arg7 : memref<112x128xi32, #tpu.memory_space<vmem>>) target_semaphore(%run_scoped3A : memref<!tpu.dma_semaphore, #tpu.memory_space<semaphore_mem>>)
      %dma_wait3A = arith.constant 0 : i32
      %dma_wait3A_29 = tpu.memref_slice %arg4[%select_n3A_9, %dma_wait3A] : memref<2624x128xi32, #tpu.memory_space<hbm>> -> memref<112x128xi32, #tpu.memory_space<hbm>>
      %dma_wait3A_30 = arith.constant 0 : i32
      %dma_wait3A_31 = tpu.memref_slice %arg4[%select_n3A_9, %dma_wait3A_30] : memref<2624x128xi32, #tpu.memory_space<hbm>> -> memref<112x128xi32, #tpu.memory_space<hbm>>
      tpu.wait_dma2 semaphore(%run_scoped3A : memref<!tpu.dma_semaphore, #tpu.memory_space<semaphore_mem>>) src(%dma_wait3A_31 : memref<112x128xi32, #tpu.memory_space<hbm>>) dst(%arg7 : memref<112x128xi32, #tpu.memory_space<vmem>>)
      tpu.yield
    }) : () -> ()
    %scan3A = arith.constant 0 : i32
    %scan3A_10 = arith.constant 632 : i32
    %scan3A_11 = arith.addi %scan3A, %scan3A_10 : i32
    %scan3A_12 = arith.constant 1 : i32
    scf.for %scan3A_26 = %scan3A to %scan3A_11 step %scan3A_12  : i32 {
      %mul3A_27 = arith.constant 1 : i32
      %mul3A_28 = arith.muli %scan3A_26, %mul3A_27 : i32
      %add3A_29 = arith.constant 0 : i32
      %add3A_30 = arith.addi %add3A_29, %mul3A_28 : i32
      %broadcast_in_dim3A = arith.constant 0.000000e+00 : f32
      %broadcast_in_dim3A_31 = vector.broadcast %broadcast_in_dim3A : f32 to vector<16xf32>
      %swap3A = arith.index_cast %add3A_30 : i32 to index
      %swap3A_32 = arith.constant 0 : index
      %swap3A_33 = tpu.vector_load %arg10[%swap3A, %swap3A_32] {strides = array<i32>} : memref<632x16xf32, #tpu.memory_space<vmem>>, vector<1x16xf32>,
      %swap3A_34 = vector.shape_cast %swap3A_33 : vector<1x16xf32> to vector<16xf32>
      %swap3A_35 = vector.shape_cast %broadcast_in_dim3A_31 : vector<16xf32> to vector<1x16xf32>
      tpu.vector_store %arg10[%swap3A, %swap3A_32], %swap3A_35 {strides = array<i32>} : memref<632x16xf32, #tpu.memory_space<vmem>>, vector<1x16xf32>,
    }
    %scan3A_13 = arith.constant 632 : i32
    %mul3A_14 = arith.constant 632 : i32
    %mul3A_15 = arith.muli %arg1, %mul3A_14 : i32
    "tpu.region"() ({
      %run_scoped3A = tpu.sem_alloc : memref<!tpu.dma_semaphore, #tpu.memory_space<semaphore_mem>>
      %dma_start3A = arith.constant 0 : i32
      %dma_start3A_26 = tpu.memref_slice %arg11[%mul3A_15, %dma_start3A] : memref<10112x16xf32, #tpu.memory_space<vmem_shared>> -> memref<632x16xf32, #tpu.memory_space<vmem_shared>>
      %dma_start3A_27 = arith.constant 0 : i32
      %dma_start3A_28 = tpu.memref_slice %arg11[%mul3A_15, %dma_start3A_27] : memref<10112x16xf32, #tpu.memory_space<vmem_shared>> -> memref<632x16xf32, #tpu.memory_space<vmem_shared>>
      tpu.enqueue_dma source(%arg10 : memref<632x16xf32, #tpu.memory_space<vmem>>) target(%dma_start3A_28 : memref<632x16xf32, #tpu.memory_space<vmem_shared>>) target_semaphore(%run_scoped3A : memref<!tpu.dma_semaphore, #tpu.memory_space<semaphore_mem>>)
      %dma_wait3A = arith.constant 0 : i32
      %dma_wait3A_29 = tpu.memref_slice %arg11[%mul3A_15, %dma_wait3A] : memref<10112x16xf32, #tpu.memory_space<vmem_shared>> -> memref<632x16xf32, #tpu.memory_space<vmem_shared>>
      %dma_wait3A_30 = arith.constant 0 : i32
      %dma_wait3A_31 = tpu.memref_slice %arg11[%mul3A_15, %dma_wait3A_30] : memref<10112x16xf32, #tpu.memory_space<vmem_shared>> -> memref<632x16xf32, #tpu.memory_space<vmem_shared>>
      tpu.wait_dma2 semaphore(%run_scoped3A : memref<!tpu.dma_semaphore, #tpu.memory_space<semaphore_mem>>) src(%arg10 : memref<632x16xf32, #tpu.memory_space<vmem>>) dst(%dma_wait3A_31 : memref<632x16xf32, #tpu.memory_space<vmem_shared>>)
      tpu.yield
    }) : () -> ()
    %barrier3A = arith.constant 0 : index
    tpu.barrier barrier_id(%barrier3A)
    %scan3A_16 = arith.constant 0 : i32
    %scan3A_17 = arith.constant 7 : i32
    %scan3A_18 = arith.addi %scan3A_16, %scan3A_17 : i32
    %scan3A_19 = arith.constant 1 : i32
    scf.for %scan3A_26 = %scan3A_16 to %scan3A_18 step %scan3A_19  : i32 {
      %mul3A_27 = arith.constant 1 : i32
      %mul3A_28 = arith.muli %scan3A_26, %mul3A_27 : i32
      %add3A_29 = arith.constant 0 : i32
      %add3A_30 = arith.addi %add3A_29, %mul3A_28 : i32
      %lt3A = arith.cmpi slt, %add3A_30, %select_n3A : i32
      %convert_element_type3A = arith.extui %lt3A : i1 to i32
      %cond3A = arith.constant 0 : i32
      %cond3A_31 = arith.cmpi ne, %convert_element_type3A, %cond3A : i32
      scf.if %cond3A_31 {
        %mul3A_32 = arith.constant 2 : i32
        %mul3A_33 = arith.muli %mul3A_32, %add3A_30 : i32
        %mul3A_34 = arith.constant 8 : i32
        %mul3A_35 = arith.muli %mul3A_33, %mul3A_34 : i32
        %add3A_36 = arith.constant 0 : i32
        %add3A_37 = arith.addi %mul3A_35, %add3A_36 : i32
        %dma_start3A = arith.constant 0 : i32
        %dma_start3A_38 = arith.constant 0 : i32
        %dma_start3A_39 = tpu.memref_slice %arg8[%dma_start3A, %dma_start3A_38] : memref<1024x16xf32, #tpu.memory_space<vmem>> -> memref<128x16xf32, #tpu.memory_space<vmem>>
        %dma_start3A_40 = arith.constant 0 : i32
        %dma_start3A_41 = tpu.memref_slice %arg6[%add3A_37, %dma_start3A_40] : memref<112x128xi32, #tpu.memory_space<vmem>> -> memref<1x128xi32, #tpu.memory_space<vmem>>
        %dma_start3A_42 = tpu.memref_squeeze %dma_start3A_41 : memref<1x128xi32, #tpu.memory_space<vmem>> -> memref<128xi32, #tpu.memory_space<vmem>>
        %dma_start3A_43 = arith.constant 0 : i32
        %dma_start3A_44 = arith.constant 0 : i32
        %dma_start3A_45 = tpu.memref_slice %arg2[%dma_start3A_43, %dma_start3A_44] : memref<10000x16xf32, #tpu.memory_space<hbm>> -> memref<10000x16xf32, #tpu.memory_space<hbm>>
        tpu.enqueue_indirect_dma source(%dma_start3A_45 : memref<10000x16xf32, #tpu.memory_space<hbm>>) target(%dma_start3A_39 : memref<128x16xf32, #tpu.memory_space<vmem>>) offsets(%dma_start3A_42 : memref<128xi32, #tpu.memory_space<vmem>>) semaphore(%arg12 : memref<!tpu.dma_semaphore, #tpu.memory_space<semaphore_mem>>)
        %mul3A_46 = arith.constant 8 : i32
        %mul3A_47 = arith.muli %mul3A_33, %mul3A_46 : i32
        %add3A_48 = arith.constant 1 : i32
        %add3A_49 = arith.addi %mul3A_47, %add3A_48 : i32
        %dma_start3A_50 = arith.constant 128 : i32
        %dma_start3A_51 = arith.constant 0 : i32
        %dma_start3A_52 = tpu.memref_slice %arg8[%dma_start3A_50, %dma_start3A_51] : memref<1024x16xf32, #tpu.memory_space<vmem>> -> memref<128x16xf32, #tpu.memory_space<vmem>>
        %dma_start3A_53 = arith.constant 0 : i32
        %dma_start3A_54 = tpu.memref_slice %arg6[%add3A_49, %dma_start3A_53] : memref<112x128xi32, #tpu.memory_space<vmem>> -> memref<1x128xi32, #tpu.memory_space<vmem>>
        %dma_start3A_55 = tpu.memref_squeeze %dma_start3A_54 : memref<1x128xi32, #tpu.memory_space<vmem>> -> memref<128xi32, #tpu.memory_space<vmem>>
        %dma_start3A_56 = arith.constant 0 : i32
        %dma_start3A_57 = arith.constant 0 : i32
        %dma_start3A_58 = tpu.memref_slice %arg2[%dma_start3A_56, %dma_start3A_57] : memref<10000x16xf32, #tpu.memory_space<hbm>> -> memref<10000x16xf32, #tpu.memory_space<hbm>>
        tpu.enqueue_indirect_dma source(%dma_start3A_58 : memref<10000x16xf32, #tpu.memory_space<hbm>>) target(%dma_start3A_52 : memref<128x16xf32, #tpu.memory_space<vmem>>) offsets(%dma_start3A_55 : memref<128xi32, #tpu.memory_space<vmem>>) semaphore(%arg12 : memref<!tpu.dma_semaphore, #tpu.memory_space<semaphore_mem>>)
        %mul3A_59 = arith.constant 8 : i32
        %mul3A_60 = arith.muli %mul3A_33, %mul3A_59 : i32
        %add3A_61 = arith.constant 2 : i32
        %add3A_62 = arith.addi %mul3A_60, %add3A_61 : i32
        %dma_start3A_63 = arith.constant 256 : i32
        %dma_start3A_64 = arith.constant 0 : i32
        %dma_start3A_65 = tpu.memref_slice %arg8[%dma_start3A_63, %dma_start3A_64] : memref<1024x16xf32, #tpu.memory_space<vmem>> -> memref<128x16xf32, #tpu.memory_space<vmem>>
        %dma_start3A_66 = arith.constant 0 : i32
        %dma_start3A_67 = tpu.memref_slice %arg6[%add3A_62, %dma_start3A_66] : memref<112x128xi32, #tpu.memory_space<vmem>> -> memref<1x128xi32, #tpu.memory_space<vmem>>
        %dma_start3A_68 = tpu.memref_squeeze %dma_start3A_67 : memref<1x128xi32, #tpu.memory_space<vmem>> -> memref<128xi32, #tpu.memory_space<vmem>>
        %dma_start3A_69 = arith.constant 0 : i32
        %dma_start3A_70 = arith.constant 0 : i32
        %dma_start3A_71 = tpu.memref_slice %arg2[%dma_start3A_69, %dma_start3A_70] : memref<10000x16xf32, #tpu.memory_space<hbm>> -> memref<10000x16xf32, #tpu.memory_space<hbm>>
        tpu.enqueue_indirect_dma source(%dma_start3A_71 : memref<10000x16xf32, #tpu.memory_space<hbm>>) target(%dma_start3A_65 : memref<128x16xf32, #tpu.memory_space<vmem>>) offsets(%dma_start3A_68 : memref<128xi32, #tpu.memory_space<vmem>>) semaphore(%arg12 : memref<!tpu.dma_semaphore, #tpu.memory_space<semaphore_mem>>)
        %mul3A_72 = arith.constant 8 : i32
        %mul3A_73 = arith.muli %mul3A_33, %mul3A_72 : i32
        %add3A_74 = arith.constant 3 : i32
        %add3A_75 = arith.addi %mul3A_73, %add3A_74 : i32
        %dma_start3A_76 = arith.constant 384 : i32
        %dma_start3A_77 = arith.constant 0 : i32
        %dma_start3A_78 = tpu.memref_slice %arg8[%dma_start3A_76, %dma_start3A_77] : memref<1024x16xf32, #tpu.memory_space<vmem>> -> memref<128x16xf32, #tpu.memory_space<vmem>>
        %dma_start3A_79 = arith.constant 0 : i32
        %dma_start3A_80 = tpu.memref_slice %arg6[%add3A_75, %dma_start3A_79] : memref<112x128xi32, #tpu.memory_space<vmem>> -> memref<1x128xi32, #tpu.memory_space<vmem>>
        %dma_start3A_81 = tpu.memref_squeeze %dma_start3A_80 : memref<1x128xi32, #tpu.memory_space<vmem>> -> memref<128xi32, #tpu.memory_space<vmem>>
        %dma_start3A_82 = arith.constant 0 : i32
        %dma_start3A_83 = arith.constant 0 : i32
        %dma_start3A_84 = tpu.memref_slice %arg2[%dma_start3A_82, %dma_start3A_83] : memref<10000x16xf32, #tpu.memory_space<hbm>> -> memref<10000x16xf32, #tpu.memory_space<hbm>>
        tpu.enqueue_indirect_dma source(%dma_start3A_84 : memref<10000x16xf32, #tpu.memory_space<hbm>>) target(%dma_start3A_78 : memref<128x16xf32, #tpu.memory_space<vmem>>) offsets(%dma_start3A_81 : memref<128xi32, #tpu.memory_space<vmem>>) semaphore(%arg12 : memref<!tpu.dma_semaphore, #tpu.memory_space<semaphore_mem>>)
        %mul3A_85 = arith.constant 8 : i32
        %mul3A_86 = arith.muli %mul3A_33, %mul3A_85 : i32
        %add3A_87 = arith.constant 4 : i32
        %add3A_88 = arith.addi %mul3A_86, %add3A_87 : i32
        %dma_start3A_89 = arith.constant 512 : i32
        %dma_start3A_90 = arith.constant 0 : i32
        %dma_start3A_91 = tpu.memref_slice %arg8[%dma_start3A_89, %dma_start3A_90] : memref<1024x16xf32, #tpu.memory_space<vmem>> -> memref<128x16xf32, #tpu.memory_space<vmem>>
        %dma_start3A_92 = arith.constant 0 : i32
        %dma_start3A_93 = tpu.memref_slice %arg6[%add3A_88, %dma_start3A_92] : memref<112x128xi32, #tpu.memory_space<vmem>> -> memref<1x128xi32, #tpu.memory_space<vmem>>
        %dma_start3A_94 = tpu.memref_squeeze %dma_start3A_93 : memref<1x128xi32, #tpu.memory_space<vmem>> -> memref<128xi32, #tpu.memory_space<vmem>>
        %dma_start3A_95 = arith.constant 0 : i32
        %dma_start3A_96 = arith.constant 0 : i32
        %dma_start3A_97 = tpu.memref_slice %arg2[%dma_start3A_95, %dma_start3A_96] : memref<10000x16xf32, #tpu.memory_space<hbm>> -> memref<10000x16xf32, #tpu.memory_space<hbm>>
        tpu.enqueue_indirect_dma source(%dma_start3A_97 : memref<10000x16xf32, #tpu.memory_space<hbm>>) target(%dma_start3A_91 : memref<128x16xf32, #tpu.memory_space<vmem>>) offsets(%dma_start3A_94 : memref<128xi32, #tpu.memory_space<vmem>>) semaphore(%arg12 : memref<!tpu.dma_semaphore, #tpu.memory_space<semaphore_mem>>)
        %mul3A_98 = arith.constant 8 : i32
        %mul3A_99 = arith.muli %mul3A_33, %mul3A_98 : i32
        %add3A_100 = arith.constant 5 : i32
        %add3A_101 = arith.addi %mul3A_99, %add3A_100 : i32
        %dma_start3A_102 = arith.constant 640 : i32
        %dma_start3A_103 = arith.constant 0 : i32
        %dma_start3A_104 = tpu.memref_slice %arg8[%dma_start3A_102, %dma_start3A_103] : memref<1024x16xf32, #tpu.memory_space<vmem>> -> memref<128x16xf32, #tpu.memory_space<vmem>>
        %dma_start3A_105 = arith.constant 0 : i32
        %dma_start3A_106 = tpu.memref_slice %arg6[%add3A_101, %dma_start3A_105] : memref<112x128xi32, #tpu.memory_space<vmem>> -> memref<1x128xi32, #tpu.memory_space<vmem>>
        %dma_start3A_107 = tpu.memref_squeeze %dma_start3A_106 : memref<1x128xi32, #tpu.memory_space<vmem>> -> memref<128xi32, #tpu.memory_space<vmem>>
        %dma_start3A_108 = arith.constant 0 : i32
        %dma_start3A_109 = arith.constant 0 : i32
        %dma_start3A_110 = tpu.memref_slice %arg2[%dma_start3A_108, %dma_start3A_109] : memref<10000x16xf32, #tpu.memory_space<hbm>> -> memref<10000x16xf32, #tpu.memory_space<hbm>>
        tpu.enqueue_indirect_dma source(%dma_start3A_110 : memref<10000x16xf32, #tpu.memory_space<hbm>>) target(%dma_start3A_104 : memref<128x16xf32, #tpu.memory_space<vmem>>) offsets(%dma_start3A_107 : memref<128xi32, #tpu.memory_space<vmem>>) semaphore(%arg12 : memref<!tpu.dma_semaphore, #tpu.memory_space<semaphore_mem>>)
        %mul3A_111 = arith.constant 8 : i32
        %mul3A_112 = arith.muli %mul3A_33, %mul3A_111 : i32
        %add3A_113 = arith.constant 6 : i32
        %add3A_114 = arith.addi %mul3A_112, %add3A_113 : i32
        %dma_start3A_115 = arith.constant 768 : i32
        %dma_start3A_116 = arith.constant 0 : i32
        %dma_start3A_117 = tpu.memref_slice %arg8[%dma_start3A_115, %dma_start3A_116] : memref<1024x16xf32, #tpu.memory_space<vmem>> -> memref<128x16xf32, #tpu.memory_space<vmem>>
        %dma_start3A_118 = arith.constant 0 : i32
        %dma_start3A_119 = tpu.memref_slice %arg6[%add3A_114, %dma_start3A_118] : memref<112x128xi32, #tpu.memory_space<vmem>> -> memref<1x128xi32, #tpu.memory_space<vmem>>
        %dma_start3A_120 = tpu.memref_squeeze %dma_start3A_119 : memref<1x128xi32, #tpu.memory_space<vmem>> -> memref<128xi32, #tpu.memory_space<vmem>>
        %dma_start3A_121 = arith.constant 0 : i32
        %dma_start3A_122 = arith.constant 0 : i32
        %dma_start3A_123 = tpu.memref_slice %arg2[%dma_start3A_121, %dma_start3A_122] : memref<10000x16xf32, #tpu.memory_space<hbm>> -> memref<10000x16xf32, #tpu.memory_space<hbm>>
        tpu.enqueue_indirect_dma source(%dma_start3A_123 : memref<10000x16xf32, #tpu.memory_space<hbm>>) target(%dma_start3A_117 : memref<128x16xf32, #tpu.memory_space<vmem>>) offsets(%dma_start3A_120 : memref<128xi32, #tpu.memory_space<vmem>>) semaphore(%arg12 : memref<!tpu.dma_semaphore, #tpu.memory_space<semaphore_mem>>)
        %mul3A_124 = arith.constant 8 : i32
        %mul3A_125 = arith.muli %mul3A_33, %mul3A_124 : i32
        %add3A_126 = arith.constant 7 : i32
        %add3A_127 = arith.addi %mul3A_125, %add3A_126 : i32
        %dma_start3A_128 = arith.constant 896 : i32
        %dma_start3A_129 = arith.constant 0 : i32
        %dma_start3A_130 = tpu.memref_slice %arg8[%dma_start3A_128, %dma_start3A_129] : memref<1024x16xf32, #tpu.memory_space<vmem>> -> memref<128x16xf32, #tpu.memory_space<vmem>>
        %dma_start3A_131 = arith.constant 0 : i32
        %dma_start3A_132 = tpu.memref_slice %arg6[%add3A_127, %dma_start3A_131] : memref<112x128xi32, #tpu.memory_space<vmem>> -> memref<1x128xi32, #tpu.memory_space<vmem>>
        %dma_start3A_133 = tpu.memref_squeeze %dma_start3A_132 : memref<1x128xi32, #tpu.memory_space<vmem>> -> memref<128xi32, #tpu.memory_space<vmem>>
        %dma_start3A_134 = arith.constant 0 : i32
        %dma_start3A_135 = arith.constant 0 : i32
        %dma_start3A_136 = tpu.memref_slice %arg2[%dma_start3A_134, %dma_start3A_135] : memref<10000x16xf32, #tpu.memory_space<hbm>> -> memref<10000x16xf32, #tpu.memory_space<hbm>>
        tpu.enqueue_indirect_dma source(%dma_start3A_136 : memref<10000x16xf32, #tpu.memory_space<hbm>>) target(%dma_start3A_130 : memref<128x16xf32, #tpu.memory_space<vmem>>) offsets(%dma_start3A_133 : memref<128xi32, #tpu.memory_space<vmem>>) semaphore(%arg12 : memref<!tpu.dma_semaphore, #tpu.memory_space<semaphore_mem>>)
        %add3A_137 = arith.constant 1 : i32
        %add3A_138 = arith.addi %mul3A_33, %add3A_137 : i32
        %mul3A_139 = arith.constant 8 : i32
        %mul3A_140 = arith.muli %add3A_138, %mul3A_139 : i32
        %add3A_141 = arith.constant 0 : i32
        %add3A_142 = arith.addi %mul3A_140, %add3A_141 : i32
        %dma_start3A_143 = arith.constant 0 : i32
        %dma_start3A_144 = arith.constant 0 : i32
        %dma_start3A_145 = tpu.memref_slice %arg9[%dma_start3A_143, %dma_start3A_144] : memref<1024x16xf32, #tpu.memory_space<vmem>> -> memref<128x16xf32, #tpu.memory_space<vmem>>
        %dma_start3A_146 = arith.constant 0 : i32
        %dma_start3A_147 = tpu.memref_slice %arg6[%add3A_142, %dma_start3A_146] : memref<112x128xi32, #tpu.memory_space<vmem>> -> memref<1x128xi32, #tpu.memory_space<vmem>>
        %dma_start3A_148 = tpu.memref_squeeze %dma_start3A_147 : memref<1x128xi32, #tpu.memory_space<vmem>> -> memref<128xi32, #tpu.memory_space<vmem>>
        %dma_start3A_149 = arith.constant 0 : i32
        %dma_start3A_150 = arith.constant 0 : i32
        %dma_start3A_151 = tpu.memref_slice %arg2[%dma_start3A_149, %dma_start3A_150] : memref<10000x16xf32, #tpu.memory_space<hbm>> -> memref<10000x16xf32, #tpu.memory_space<hbm>>
        tpu.enqueue_indirect_dma source(%dma_start3A_151 : memref<10000x16xf32, #tpu.memory_space<hbm>>) target(%dma_start3A_145 : memref<128x16xf32, #tpu.memory_space<vmem>>) offsets(%dma_start3A_148 : memref<128xi32, #tpu.memory_space<vmem>>) semaphore(%arg13 : memref<!tpu.dma_semaphore, #tpu.memory_space<semaphore_mem>>)
        %mul3A_152 = arith.constant 8 : i32
        %mul3A_153 = arith.muli %add3A_138, %mul3A_152 : i32
        %add3A_154 = arith.constant 1 : i32
        %add3A_155 = arith.addi %mul3A_153, %add3A_154 : i32
        %dma_start3A_156 = arith.constant 128 : i32
        %dma_start3A_157 = arith.constant 0 : i32
        %dma_start3A_158 = tpu.memref_slice %arg9[%dma_start3A_156, %dma_start3A_157] : memref<1024x16xf32, #tpu.memory_space<vmem>> -> memref<128x16xf32, #tpu.memory_space<vmem>>
        %dma_start3A_159 = arith.constant 0 : i32
        %dma_start3A_160 = tpu.memref_slice %arg6[%add3A_155, %dma_start3A_159] : memref<112x128xi32, #tpu.memory_space<vmem>> -> memref<1x128xi32, #tpu.memory_space<vmem>>
        %dma_start3A_161 = tpu.memref_squeeze %dma_start3A_160 : memref<1x128xi32, #tpu.memory_space<vmem>> -> memref<128xi32, #tpu.memory_space<vmem>>
        %dma_start3A_162 = arith.constant 0 : i32
        %dma_start3A_163 = arith.constant 0 : i32
        %dma_start3A_164 = tpu.memref_slice %arg2[%dma_start3A_162, %dma_start3A_163] : memref<10000x16xf32, #tpu.memory_space<hbm>> -> memref<10000x16xf32, #tpu.memory_space<hbm>>
        tpu.enqueue_indirect_dma source(%dma_start3A_164 : memref<10000x16xf32, #tpu.memory_space<hbm>>) target(%dma_start3A_158 : memref<128x16xf32, #tpu.memory_space<vmem>>) offsets(%dma_start3A_161 : memref<128xi32, #tpu.memory_space<vmem>>) semaphore(%arg13 : memref<!tpu.dma_semaphore, #tpu.memory_space<semaphore_mem>>)
        %mul3A_165 = arith.constant 8 : i32
        %mul3A_166 = arith.muli %add3A_138, %mul3A_165 : i32
        %add3A_167 = arith.constant 2 : i32
        %add3A_168 = arith.addi %mul3A_166, %add3A_167 : i32
        %dma_start3A_169 = arith.constant 256 : i32
        %dma_start3A_170 = arith.constant 0 : i32
        %dma_start3A_171 = tpu.memref_slice %arg9[%dma_start3A_169, %dma_start3A_170] : memref<1024x16xf32, #tpu.memory_space<vmem>> -> memref<128x16xf32, #tpu.memory_space<vmem>>
        %dma_start3A_172 = arith.constant 0 : i32
        %dma_start3A_173 = tpu.memref_slice %arg6[%add3A_168, %dma_start3A_172] : memref<112x128xi32, #tpu.memory_space<vmem>> -> memref<1x128xi32, #tpu.memory_space<vmem>>
        %dma_start3A_174 = tpu.memref_squeeze %dma_start3A_173 : memref<1x128xi32, #tpu.memory_space<vmem>> -> memref<128xi32, #tpu.memory_space<vmem>>
        %dma_start3A_175 = arith.constant 0 : i32
        %dma_start3A_176 = arith.constant 0 : i32
        %dma_start3A_177 = tpu.memref_slice %arg2[%dma_start3A_175, %dma_start3A_176] : memref<10000x16xf32, #tpu.memory_space<hbm>> -> memref<10000x16xf32, #tpu.memory_space<hbm>>
        tpu.enqueue_indirect_dma source(%dma_start3A_177 : memref<10000x16xf32, #tpu.memory_space<hbm>>) target(%dma_start3A_171 : memref<128x16xf32, #tpu.memory_space<vmem>>) offsets(%dma_start3A_174 : memref<128xi32, #tpu.memory_space<vmem>>) semaphore(%arg13 : memref<!tpu.dma_semaphore, #tpu.memory_space<semaphore_mem>>)
        %mul3A_178 = arith.constant 8 : i32
        %mul3A_179 = arith.muli %add3A_138, %mul3A_178 : i32
        %add3A_180 = arith.constant 3 : i32
        %add3A_181 = arith.addi %mul3A_179, %add3A_180 : i32
        %dma_start3A_182 = arith.constant 384 : i32
        %dma_start3A_183 = arith.constant 0 : i32
        %dma_start3A_184 = tpu.memref_slice %arg9[%dma_start3A_182, %dma_start3A_183] : memref<1024x16xf32, #tpu.memory_space<vmem>> -> memref<128x16xf32, #tpu.memory_space<vmem>>
        %dma_start3A_185 = arith.constant 0 : i32
        %dma_start3A_186 = tpu.memref_slice %arg6[%add3A_181, %dma_start3A_185] : memref<112x128xi32, #tpu.memory_space<vmem>> -> memref<1x128xi32, #tpu.memory_space<vmem>>
        %dma_start3A_187 = tpu.memref_squeeze %dma_start3A_186 : memref<1x128xi32, #tpu.memory_space<vmem>> -> memref<128xi32, #tpu.memory_space<vmem>>
        %dma_start3A_188 = arith.constant 0 : i32
        %dma_start3A_189 = arith.constant 0 : i32
        %dma_start3A_190 = tpu.memref_slice %arg2[%dma_start3A_188, %dma_start3A_189] : memref<10000x16xf32, #tpu.memory_space<hbm>> -> memref<10000x16xf32, #tpu.memory_space<hbm>>
        tpu.enqueue_indirect_dma source(%dma_start3A_190 : memref<10000x16xf32, #tpu.memory_space<hbm>>) target(%dma_start3A_184 : memref<128x16xf32, #tpu.memory_space<vmem>>) offsets(%dma_start3A_187 : memref<128xi32, #tpu.memory_space<vmem>>) semaphore(%arg13 : memref<!tpu.dma_semaphore, #tpu.memory_space<semaphore_mem>>)
        %mul3A_191 = arith.constant 8 : i32
        %mul3A_192 = arith.muli %add3A_138, %mul3A_191 : i32
        %add3A_193 = arith.constant 4 : i32
        %add3A_194 = arith.addi %mul3A_192, %add3A_193 : i32
        %dma_start3A_195 = arith.constant 512 : i32
        %dma_start3A_196 = arith.constant 0 : i32
        %dma_start3A_197 = tpu.memref_slice %arg9[%dma_start3A_195, %dma_start3A_196] : memref<1024x16xf32, #tpu.memory_space<vmem>> -> memref<128x16xf32, #tpu.memory_space<vmem>>
        %dma_start3A_198 = arith.constant 0 : i32
        %dma_start3A_199 = tpu.memref_slice %arg6[%add3A_194, %dma_start3A_198] : memref<112x128xi32, #tpu.memory_space<vmem>> -> memref<1x128xi32, #tpu.memory_space<vmem>>
        %dma_start3A_200 = tpu.memref_squeeze %dma_start3A_199 : memref<1x128xi32, #tpu.memory_space<vmem>> -> memref<128xi32, #tpu.memory_space<vmem>>
        %dma_start3A_201 = arith.constant 0 : i32
        %dma_start3A_202 = arith.constant 0 : i32
        %dma_start3A_203 = tpu.memref_slice %arg2[%dma_start3A_201, %dma_start3A_202] : memref<10000x16xf32, #tpu.memory_space<hbm>> -> memref<10000x16xf32, #tpu.memory_space<hbm>>
        tpu.enqueue_indirect_dma source(%dma_start3A_203 : memref<10000x16xf32, #tpu.memory_space<hbm>>) target(%dma_start3A_197 : memref<128x16xf32, #tpu.memory_space<vmem>>) offsets(%dma_start3A_200 : memref<128xi32, #tpu.memory_space<vmem>>) semaphore(%arg13 : memref<!tpu.dma_semaphore, #tpu.memory_space<semaphore_mem>>)
        %mul3A_204 = arith.constant 8 : i32
        %mul3A_205 = arith.muli %add3A_138, %mul3A_204 : i32
        %add3A_206 = arith.constant 5 : i32
        %add3A_207 = arith.addi %mul3A_205, %add3A_206 : i32
        %dma_start3A_208 = arith.constant 640 : i32
        %dma_start3A_209 = arith.constant 0 : i32
        %dma_start3A_210 = tpu.memref_slice %arg9[%dma_start3A_208, %dma_start3A_209] : memref<1024x16xf32, #tpu.memory_space<vmem>> -> memref<128x16xf32, #tpu.memory_space<vmem>>
        %dma_start3A_211 = arith.constant 0 : i32
        %dma_start3A_212 = tpu.memref_slice %arg6[%add3A_207, %dma_start3A_211] : memref<112x128xi32, #tpu.memory_space<vmem>> -> memref<1x128xi32, #tpu.memory_space<vmem>>
        %dma_start3A_213 = tpu.memref_squeeze %dma_start3A_212 : memref<1x128xi32, #tpu.memory_space<vmem>> -> memref<128xi32, #tpu.memory_space<vmem>>
        %dma_start3A_214 = arith.constant 0 : i32
        %dma_start3A_215 = arith.constant 0 : i32
        %dma_start3A_216 = tpu.memref_slice %arg2[%dma_start3A_214, %dma_start3A_215] : memref<10000x16xf32, #tpu.memory_space<hbm>> -> memref<10000x16xf32, #tpu.memory_space<hbm>>
        tpu.enqueue_indirect_dma source(%dma_start3A_216 : memref<10000x16xf32, #tpu.memory_space<hbm>>) target(%dma_start3A_210 : memref<128x16xf32, #tpu.memory_space<vmem>>) offsets(%dma_start3A_213 : memref<128xi32, #tpu.memory_space<vmem>>) semaphore(%arg13 : memref<!tpu.dma_semaphore, #tpu.memory_space<semaphore_mem>>)
        %mul3A_217 = arith.constant 8 : i32
        %mul3A_218 = arith.muli %add3A_138, %mul3A_217 : i32
        %add3A_219 = arith.constant 6 : i32
        %add3A_220 = arith.addi %mul3A_218, %add3A_219 : i32
        %dma_start3A_221 = arith.constant 768 : i32
        %dma_start3A_222 = arith.constant 0 : i32
        %dma_start3A_223 = tpu.memref_slice %arg9[%dma_start3A_221, %dma_start3A_222] : memref<1024x16xf32, #tpu.memory_space<vmem>> -> memref<128x16xf32, #tpu.memory_space<vmem>>
        %dma_start3A_224 = arith.constant 0 : i32
        %dma_start3A_225 = tpu.memref_slice %arg6[%add3A_220, %dma_start3A_224] : memref<112x128xi32, #tpu.memory_space<vmem>> -> memref<1x128xi32, #tpu.memory_space<vmem>>
        %dma_start3A_226 = tpu.memref_squeeze %dma_start3A_225 : memref<1x128xi32, #tpu.memory_space<vmem>> -> memref<128xi32, #tpu.memory_space<vmem>>
        %dma_start3A_227 = arith.constant 0 : i32
        %dma_start3A_228 = arith.constant 0 : i32
        %dma_start3A_229 = tpu.memref_slice %arg2[%dma_start3A_227, %dma_start3A_228] : memref<10000x16xf32, #tpu.memory_space<hbm>> -> memref<10000x16xf32, #tpu.memory_space<hbm>>
        tpu.enqueue_indirect_dma source(%dma_start3A_229 : memref<10000x16xf32, #tpu.memory_space<hbm>>) target(%dma_start3A_223 : memref<128x16xf32, #tpu.memory_space<vmem>>) offsets(%dma_start3A_226 : memref<128xi32, #tpu.memory_space<vmem>>) semaphore(%arg13 : memref<!tpu.dma_semaphore, #tpu.memory_space<semaphore_mem>>)
        %mul3A_230 = arith.constant 8 : i32
        %mul3A_231 = arith.muli %add3A_138, %mul3A_230 : i32
        %add3A_232 = arith.constant 7 : i32
        %add3A_233 = arith.addi %mul3A_231, %add3A_232 : i32
        %dma_start3A_234 = arith.constant 896 : i32
        %dma_start3A_235 = arith.constant 0 : i32
        %dma_start3A_236 = tpu.memref_slice %arg9[%dma_start3A_234, %dma_start3A_235] : memref<1024x16xf32, #tpu.memory_space<vmem>> -> memref<128x16xf32, #tpu.memory_space<vmem>>
        %dma_start3A_237 = arith.constant 0 : i32
        %dma_start3A_238 = tpu.memref_slice %arg6[%add3A_233, %dma_start3A_237] : memref<112x128xi32, #tpu.memory_space<vmem>> -> memref<1x128xi32, #tpu.memory_space<vmem>>
        %dma_start3A_239 = tpu.memref_squeeze %dma_start3A_238 : memref<1x128xi32, #tpu.memory_space<vmem>> -> memref<128xi32, #tpu.memory_space<vmem>>
        %dma_start3A_240 = arith.constant 0 : i32
        %dma_start3A_241 = arith.constant 0 : i32
        %dma_start3A_242 = tpu.memref_slice %arg2[%dma_start3A_240, %dma_start3A_241] : memref<10000x16xf32, #tpu.memory_space<hbm>> -> memref<10000x16xf32, #tpu.memory_space<hbm>>
        tpu.enqueue_indirect_dma source(%dma_start3A_242 : memref<10000x16xf32, #tpu.memory_space<hbm>>) target(%dma_start3A_236 : memref<128x16xf32, #tpu.memory_space<vmem>>) offsets(%dma_start3A_239 : memref<128xi32, #tpu.memory_space<vmem>>) semaphore(%arg13 : memref<!tpu.dma_semaphore, #tpu.memory_space<semaphore_mem>>)
        %dma_wait3A = arith.constant 0 : i32
        %dma_wait3A_243 = arith.constant 0 : i32
        %dma_wait3A_244 = tpu.memref_slice %arg8[%dma_wait3A, %dma_wait3A_243] : memref<1024x16xf32, #tpu.memory_space<vmem>> -> memref<128x16xf32, #tpu.memory_space<vmem>>
        %dma_wait3A_245 = arith.constant 0 : i32
        %dma_wait3A_246 = tpu.memref_slice %arg6[%add3A_37, %dma_wait3A_245] : memref<112x128xi32, #tpu.memory_space<vmem>> -> memref<1x128xi32, #tpu.memory_space<vmem>>
        %dma_wait3A_247 = tpu.memref_squeeze %dma_wait3A_246 : memref<1x128xi32, #tpu.memory_space<vmem>> -> memref<128xi32, #tpu.memory_space<vmem>>
        %dma_wait3A_248 = arith.constant 0 : i32
        %dma_wait3A_249 = arith.constant 0 : i32
        %dma_wait3A_250 = tpu.memref_slice %arg2[%dma_wait3A_248, %dma_wait3A_249] : memref<10000x16xf32, #tpu.memory_space<hbm>> -> memref<10000x16xf32, #tpu.memory_space<hbm>>
        tpu.wait_indirect_dma semaphore(%arg12 : memref<!tpu.dma_semaphore, #tpu.memory_space<semaphore_mem>>) src(%dma_wait3A_250 : memref<10000x16xf32, #tpu.memory_space<hbm>>) dst(%dma_wait3A_244 : memref<128x16xf32, #tpu.memory_space<vmem>>)
        %dma_wait3A_251 = arith.constant 128 : i32
        %dma_wait3A_252 = arith.constant 0 : i32
        %dma_wait3A_253 = tpu.memref_slice %arg8[%dma_wait3A_251, %dma_wait3A_252] : memref<1024x16xf32, #tpu.memory_space<vmem>> -> memref<128x16xf32, #tpu.memory_space<vmem>>
        %dma_wait3A_254 = arith.constant 0 : i32
        %dma_wait3A_255 = tpu.memref_slice %arg6[%add3A_49, %dma_wait3A_254] : memref<112x128xi32, #tpu.memory_space<vmem>> -> memref<1x128xi32, #tpu.memory_space<vmem>>
        %dma_wait3A_256 = tpu.memref_squeeze %dma_wait3A_255 : memref<1x128xi32, #tpu.memory_space<vmem>> -> memref<128xi32, #tpu.memory_space<vmem>>
        %dma_wait3A_257 = arith.constant 0 : i32
        %dma_wait3A_258 = arith.constant 0 : i32
        %dma_wait3A_259 = tpu.memref_slice %arg2[%dma_wait3A_257, %dma_wait3A_258] : memref<10000x16xf32, #tpu.memory_space<hbm>> -> memref<10000x16xf32, #tpu.memory_space<hbm>>
        tpu.wait_indirect_dma semaphore(%arg12 : memref<!tpu.dma_semaphore, #tpu.memory_space<semaphore_mem>>) src(%dma_wait3A_259 : memref<10000x16xf32, #tpu.memory_space<hbm>>) dst(%dma_wait3A_253 : memref<128x16xf32, #tpu.memory_space<vmem>>)
        %dma_wait3A_260 = arith.constant 256 : i32
        %dma_wait3A_261 = arith.constant 0 : i32
        %dma_wait3A_262 = tpu.memref_slice %arg8[%dma_wait3A_260, %dma_wait3A_261] : memref<1024x16xf32, #tpu.memory_space<vmem>> -> memref<128x16xf32, #tpu.memory_space<vmem>>
        %dma_wait3A_263 = arith.constant 0 : i32
        %dma_wait3A_264 = tpu.memref_slice %arg6[%add3A_62, %dma_wait3A_263] : memref<112x128xi32, #tpu.memory_space<vmem>> -> memref<1x128xi32, #tpu.memory_space<vmem>>
        %dma_wait3A_265 = tpu.memref_squeeze %dma_wait3A_264 : memref<1x128xi32, #tpu.memory_space<vmem>> -> memref<128xi32, #tpu.memory_space<vmem>>
        %dma_wait3A_266 = arith.constant 0 : i32
        %dma_wait3A_267 = arith.constant 0 : i32
        %dma_wait3A_268 = tpu.memref_slice %arg2[%dma_wait3A_266, %dma_wait3A_267] : memref<10000x16xf32, #tpu.memory_space<hbm>> -> memref<10000x16xf32, #tpu.memory_space<hbm>>
        tpu.wait_indirect_dma semaphore(%arg12 : memref<!tpu.dma_semaphore, #tpu.memory_space<semaphore_mem>>) src(%dma_wait3A_268 : memref<10000x16xf32, #tpu.memory_space<hbm>>) dst(%dma_wait3A_262 : memref<128x16xf32, #tpu.memory_space<vmem>>)
        %dma_wait3A_269 = arith.constant 384 : i32
        %dma_wait3A_270 = arith.constant 0 : i32
        %dma_wait3A_271 = tpu.memref_slice %arg8[%dma_wait3A_269, %dma_wait3A_270] : memref<1024x16xf32, #tpu.memory_space<vmem>> -> memref<128x16xf32, #tpu.memory_space<vmem>>
        %dma_wait3A_272 = arith.constant 0 : i32
        %dma_wait3A_273 = tpu.memref_slice %arg6[%add3A_75, %dma_wait3A_272] : memref<112x128xi32, #tpu.memory_space<vmem>> -> memref<1x128xi32, #tpu.memory_space<vmem>>
        %dma_wait3A_274 = tpu.memref_squeeze %dma_wait3A_273 : memref<1x128xi32, #tpu.memory_space<vmem>> -> memref<128xi32, #tpu.memory_space<vmem>>
        %dma_wait3A_275 = arith.constant 0 : i32
        %dma_wait3A_276 = arith.constant 0 : i32
        %dma_wait3A_277 = tpu.memref_slice %arg2[%dma_wait3A_275, %dma_wait3A_276] : memref<10000x16xf32, #tpu.memory_space<hbm>> -> memref<10000x16xf32, #tpu.memory_space<hbm>>
        tpu.wait_indirect_dma semaphore(%arg12 : memref<!tpu.dma_semaphore, #tpu.memory_space<semaphore_mem>>) src(%dma_wait3A_277 : memref<10000x16xf32, #tpu.memory_space<hbm>>) dst(%dma_wait3A_271 : memref<128x16xf32, #tpu.memory_space<vmem>>)
        %dma_wait3A_278 = arith.constant 512 : i32
        %dma_wait3A_279 = arith.constant 0 : i32
        %dma_wait3A_280 = tpu.memref_slice %arg8[%dma_wait3A_278, %dma_wait3A_279] : memref<1024x16xf32, #tpu.memory_space<vmem>> -> memref<128x16xf32, #tpu.memory_space<vmem>>
        %dma_wait3A_281 = arith.constant 0 : i32
        %dma_wait3A_282 = tpu.memref_slice %arg6[%add3A_88, %dma_wait3A_281] : memref<112x128xi32, #tpu.memory_space<vmem>> -> memref<1x128xi32, #tpu.memory_space<vmem>>
        %dma_wait3A_283 = tpu.memref_squeeze %dma_wait3A_282 : memref<1x128xi32, #tpu.memory_space<vmem>> -> memref<128xi32, #tpu.memory_space<vmem>>
        %dma_wait3A_284 = arith.constant 0 : i32
        %dma_wait3A_285 = arith.constant 0 : i32
        %dma_wait3A_286 = tpu.memref_slice %arg2[%dma_wait3A_284, %dma_wait3A_285] : memref<10000x16xf32, #tpu.memory_space<hbm>> -> memref<10000x16xf32, #tpu.memory_space<hbm>>
        tpu.wait_indirect_dma semaphore(%arg12 : memref<!tpu.dma_semaphore, #tpu.memory_space<semaphore_mem>>) src(%dma_wait3A_286 : memref<10000x16xf32, #tpu.memory_space<hbm>>) dst(%dma_wait3A_280 : memref<128x16xf32, #tpu.memory_space<vmem>>)
        %dma_wait3A_287 = arith.constant 640 : i32
        %dma_wait3A_288 = arith.constant 0 : i32
        %dma_wait3A_289 = tpu.memref_slice %arg8[%dma_wait3A_287, %dma_wait3A_288] : memref<1024x16xf32, #tpu.memory_space<vmem>> -> memref<128x16xf32, #tpu.memory_space<vmem>>
        %dma_wait3A_290 = arith.constant 0 : i32
        %dma_wait3A_291 = tpu.memref_slice %arg6[%add3A_101, %dma_wait3A_290] : memref<112x128xi32, #tpu.memory_space<vmem>> -> memref<1x128xi32, #tpu.memory_space<vmem>>
        %dma_wait3A_292 = tpu.memref_squeeze %dma_wait3A_291 : memref<1x128xi32, #tpu.memory_space<vmem>> -> memref<128xi32, #tpu.memory_space<vmem>>
        %dma_wait3A_293 = arith.constant 0 : i32
        %dma_wait3A_294 = arith.constant 0 : i32
        %dma_wait3A_295 = tpu.memref_slice %arg2[%dma_wait3A_293, %dma_wait3A_294] : memref<10000x16xf32, #tpu.memory_space<hbm>> -> memref<10000x16xf32, #tpu.memory_space<hbm>>
        tpu.wait_indirect_dma semaphore(%arg12 : memref<!tpu.dma_semaphore, #tpu.memory_space<semaphore_mem>>) src(%dma_wait3A_295 : memref<10000x16xf32, #tpu.memory_space<hbm>>) dst(%dma_wait3A_289 : memref<128x16xf32, #tpu.memory_space<vmem>>)
        %dma_wait3A_296 = arith.constant 768 : i32
        %dma_wait3A_297 = arith.constant 0 : i32
        %dma_wait3A_298 = tpu.memref_slice %arg8[%dma_wait3A_296, %dma_wait3A_297] : memref<1024x16xf32, #tpu.memory_space<vmem>> -> memref<128x16xf32, #tpu.memory_space<vmem>>
        %dma_wait3A_299 = arith.constant 0 : i32
        %dma_wait3A_300 = tpu.memref_slice %arg6[%add3A_114, %dma_wait3A_299] : memref<112x128xi32, #tpu.memory_space<vmem>> -> memref<1x128xi32, #tpu.memory_space<vmem>>
        %dma_wait3A_301 = tpu.memref_squeeze %dma_wait3A_300 : memref<1x128xi32, #tpu.memory_space<vmem>> -> memref<128xi32, #tpu.memory_space<vmem>>
        %dma_wait3A_302 = arith.constant 0 : i32
        %dma_wait3A_303 = arith.constant 0 : i32
        %dma_wait3A_304 = tpu.memref_slice %arg2[%dma_wait3A_302, %dma_wait3A_303] : memref<10000x16xf32, #tpu.memory_space<hbm>> -> memref<10000x16xf32, #tpu.memory_space<hbm>>
        tpu.wait_indirect_dma semaphore(%arg12 : memref<!tpu.dma_semaphore, #tpu.memory_space<semaphore_mem>>) src(%dma_wait3A_304 : memref<10000x16xf32, #tpu.memory_space<hbm>>) dst(%dma_wait3A_298 : memref<128x16xf32, #tpu.memory_space<vmem>>)
        %dma_wait3A_305 = arith.constant 896 : i32
        %dma_wait3A_306 = arith.constant 0 : i32
        %dma_wait3A_307 = tpu.memref_slice %arg8[%dma_wait3A_305, %dma_wait3A_306] : memref<1024x16xf32, #tpu.memory_space<vmem>> -> memref<128x16xf32, #tpu.memory_space<vmem>>
        %dma_wait3A_308 = arith.constant 0 : i32
        %dma_wait3A_309 = tpu.memref_slice %arg6[%add3A_127, %dma_wait3A_308] : memref<112x128xi32, #tpu.memory_space<vmem>> -> memref<1x128xi32, #tpu.memory_space<vmem>>
        %dma_wait3A_310 = tpu.memref_squeeze %dma_wait3A_309 : memref<1x128xi32, #tpu.memory_space<vmem>> -> memref<128xi32, #tpu.memory_space<vmem>>
        %dma_wait3A_311 = arith.constant 0 : i32
        %dma_wait3A_312 = arith.constant 0 : i32
        %dma_wait3A_313 = tpu.memref_slice %arg2[%dma_wait3A_311, %dma_wait3A_312] : memref<10000x16xf32, #tpu.memory_space<hbm>> -> memref<10000x16xf32, #tpu.memory_space<hbm>>
        tpu.wait_indirect_dma semaphore(%arg12 : memref<!tpu.dma_semaphore, #tpu.memory_space<semaphore_mem>>) src(%dma_wait3A_313 : memref<10000x16xf32, #tpu.memory_space<hbm>>) dst(%dma_wait3A_307 : memref<128x16xf32, #tpu.memory_space<vmem>>)
        %mul3A_314 = arith.constant 8 : i32
        %mul3A_315 = arith.muli %mul3A_33, %mul3A_314 : i32
        %add3A_316 = arith.constant 0 : i32
        %add3A_317 = arith.addi %mul3A_315, %add3A_316 : i32
        %dma_start3A_318 = arith.constant 0 : i32
        %dma_start3A_319 = arith.constant 0 : i32
        %dma_start3A_320 = tpu.memref_slice %arg8[%dma_start3A_318, %dma_start3A_319] : memref<1024x16xf32, #tpu.memory_space<vmem>> -> memref<128x16xf32, #tpu.memory_space<vmem>>
        %dma_start3A_321 = arith.constant 0 : i32
        %dma_start3A_322 = tpu.memref_slice %arg7[%add3A_317, %dma_start3A_321] : memref<112x128xi32, #tpu.memory_space<vmem>> -> memref<1x128xi32, #tpu.memory_space<vmem>>
        %dma_start3A_323 = tpu.memref_squeeze %dma_start3A_322 : memref<1x128xi32, #tpu.memory_space<vmem>> -> memref<128xi32, #tpu.memory_space<vmem>>
        %dma_start3A_324 = arith.constant 0 : i32
        %dma_start3A_325 = arith.constant 0 : i32
        %dma_start3A_326 = tpu.memref_slice %arg11[%dma_start3A_324, %dma_start3A_325] : memref<10112x16xf32, #tpu.memory_space<vmem_shared>> -> memref<10112x16xf32, #tpu.memory_space<vmem_shared>>
        tpu.enqueue_indirect_dma source(%dma_start3A_320 : memref<128x16xf32, #tpu.memory_space<vmem>>) target(%dma_start3A_326 : memref<10112x16xf32, #tpu.memory_space<vmem_shared>>) offsets(%dma_start3A_323 : memref<128xi32, #tpu.memory_space<vmem>>) semaphore(%arg14 : memref<!tpu.dma_semaphore, #tpu.memory_space<semaphore_mem>>) {add = true}
        %mul3A_327 = arith.constant 8 : i32
        %mul3A_328 = arith.muli %mul3A_33, %mul3A_327 : i32
        %add3A_329 = arith.constant 1 : i32
        %add3A_330 = arith.addi %mul3A_328, %add3A_329 : i32
        %dma_start3A_331 = arith.constant 128 : i32
        %dma_start3A_332 = arith.constant 0 : i32
        %dma_start3A_333 = tpu.memref_slice %arg8[%dma_start3A_331, %dma_start3A_332] : memref<1024x16xf32, #tpu.memory_space<vmem>> -> memref<128x16xf32, #tpu.memory_space<vmem>>
        %dma_start3A_334 = arith.constant 0 : i32
        %dma_start3A_335 = tpu.memref_slice %arg7[%add3A_330, %dma_start3A_334] : memref<112x128xi32, #tpu.memory_space<vmem>> -> memref<1x128xi32, #tpu.memory_space<vmem>>
        %dma_start3A_336 = tpu.memref_squeeze %dma_start3A_335 : memref<1x128xi32, #tpu.memory_space<vmem>> -> memref<128xi32, #tpu.memory_space<vmem>>
        %dma_start3A_337 = arith.constant 0 : i32
        %dma_start3A_338 = arith.constant 0 : i32
        %dma_start3A_339 = tpu.memref_slice %arg11[%dma_start3A_337, %dma_start3A_338] : memref<10112x16xf32, #tpu.memory_space<vmem_shared>> -> memref<10112x16xf32, #tpu.memory_space<vmem_shared>>
        tpu.enqueue_indirect_dma source(%dma_start3A_333 : memref<128x16xf32, #tpu.memory_space<vmem>>) target(%dma_start3A_339 : memref<10112x16xf32, #tpu.memory_space<vmem_shared>>) offsets(%dma_start3A_336 : memref<128xi32, #tpu.memory_space<vmem>>) semaphore(%arg14 : memref<!tpu.dma_semaphore, #tpu.memory_space<semaphore_mem>>) {add = true}
        %mul3A_340 = arith.constant 8 : i32
        %mul3A_341 = arith.muli %mul3A_33, %mul3A_340 : i32
        %add3A_342 = arith.constant 2 : i32
        %add3A_343 = arith.addi %mul3A_341, %add3A_342 : i32
        %dma_start3A_344 = arith.constant 256 : i32
        %dma_start3A_345 = arith.constant 0 : i32
        %dma_start3A_346 = tpu.memref_slice %arg8[%dma_start3A_344, %dma_start3A_345] : memref<1024x16xf32, #tpu.memory_space<vmem>> -> memref<128x16xf32, #tpu.memory_space<vmem>>
        %dma_start3A_347 = arith.constant 0 : i32
        %dma_start3A_348 = tpu.memref_slice %arg7[%add3A_343, %dma_start3A_347] : memref<112x128xi32, #tpu.memory_space<vmem>> -> memref<1x128xi32, #tpu.memory_space<vmem>>
        %dma_start3A_349 = tpu.memref_squeeze %dma_start3A_348 : memref<1x128xi32, #tpu.memory_space<vmem>> -> memref<128xi32, #tpu.memory_space<vmem>>
        %dma_start3A_350 = arith.constant 0 : i32
        %dma_start3A_351 = arith.constant 0 : i32
        %dma_start3A_352 = tpu.memref_slice %arg11[%dma_start3A_350, %dma_start3A_351] : memref<10112x16xf32, #tpu.memory_space<vmem_shared>> -> memref<10112x16xf32, #tpu.memory_space<vmem_shared>>
        tpu.enqueue_indirect_dma source(%dma_start3A_346 : memref<128x16xf32, #tpu.memory_space<vmem>>) target(%dma_start3A_352 : memref<10112x16xf32, #tpu.memory_space<vmem_shared>>) offsets(%dma_start3A_349 : memref<128xi32, #tpu.memory_space<vmem>>) semaphore(%arg14 : memref<!tpu.dma_semaphore, #tpu.memory_space<semaphore_mem>>) {add = true}
        %mul3A_353 = arith.constant 8 : i32
        %mul3A_354 = arith.muli %mul3A_33, %mul3A_353 : i32
        %add3A_355 = arith.constant 3 : i32
        %add3A_356 = arith.addi %mul3A_354, %add3A_355 : i32
        %dma_start3A_357 = arith.constant 384 : i32
        %dma_start3A_358 = arith.constant 0 : i32
        %dma_start3A_359 = tpu.memref_slice %arg8[%dma_start3A_357, %dma_start3A_358] : memref<1024x16xf32, #tpu.memory_space<vmem>> -> memref<128x16xf32, #tpu.memory_space<vmem>>
        %dma_start3A_360 = arith.constant 0 : i32
        %dma_start3A_361 = tpu.memref_slice %arg7[%add3A_356, %dma_start3A_360] : memref<112x128xi32, #tpu.memory_space<vmem>> -> memref<1x128xi32, #tpu.memory_space<vmem>>
        %dma_start3A_362 = tpu.memref_squeeze %dma_start3A_361 : memref<1x128xi32, #tpu.memory_space<vmem>> -> memref<128xi32, #tpu.memory_space<vmem>>
        %dma_start3A_363 = arith.constant 0 : i32
        %dma_start3A_364 = arith.constant 0 : i32
        %dma_start3A_365 = tpu.memref_slice %arg11[%dma_start3A_363, %dma_start3A_364] : memref<10112x16xf32, #tpu.memory_space<vmem_shared>> -> memref<10112x16xf32, #tpu.memory_space<vmem_shared>>
        tpu.enqueue_indirect_dma source(%dma_start3A_359 : memref<128x16xf32, #tpu.memory_space<vmem>>) target(%dma_start3A_365 : memref<10112x16xf32, #tpu.memory_space<vmem_shared>>) offsets(%dma_start3A_362 : memref<128xi32, #tpu.memory_space<vmem>>) semaphore(%arg14 : memref<!tpu.dma_semaphore, #tpu.memory_space<semaphore_mem>>) {add = true}
        %mul3A_366 = arith.constant 8 : i32
        %mul3A_367 = arith.muli %mul3A_33, %mul3A_366 : i32
        %add3A_368 = arith.constant 4 : i32
        %add3A_369 = arith.addi %mul3A_367, %add3A_368 : i32
        %dma_start3A_370 = arith.constant 512 : i32
        %dma_start3A_371 = arith.constant 0 : i32
        %dma_start3A_372 = tpu.memref_slice %arg8[%dma_start3A_370, %dma_start3A_371] : memref<1024x16xf32, #tpu.memory_space<vmem>> -> memref<128x16xf32, #tpu.memory_space<vmem>>
        %dma_start3A_373 = arith.constant 0 : i32
        %dma_start3A_374 = tpu.memref_slice %arg7[%add3A_369, %dma_start3A_373] : memref<112x128xi32, #tpu.memory_space<vmem>> -> memref<1x128xi32, #tpu.memory_space<vmem>>
        %dma_start3A_375 = tpu.memref_squeeze %dma_start3A_374 : memref<1x128xi32, #tpu.memory_space<vmem>> -> memref<128xi32, #tpu.memory_space<vmem>>
        %dma_start3A_376 = arith.constant 0 : i32
        %dma_start3A_377 = arith.constant 0 : i32
        %dma_start3A_378 = tpu.memref_slice %arg11[%dma_start3A_376, %dma_start3A_377] : memref<10112x16xf32, #tpu.memory_space<vmem_shared>> -> memref<10112x16xf32, #tpu.memory_space<vmem_shared>>
        tpu.enqueue_indirect_dma source(%dma_start3A_372 : memref<128x16xf32, #tpu.memory_space<vmem>>) target(%dma_start3A_378 : memref<10112x16xf32, #tpu.memory_space<vmem_shared>>) offsets(%dma_start3A_375 : memref<128xi32, #tpu.memory_space<vmem>>) semaphore(%arg14 : memref<!tpu.dma_semaphore, #tpu.memory_space<semaphore_mem>>) {add = true}
        %mul3A_379 = arith.constant 8 : i32
        %mul3A_380 = arith.muli %mul3A_33, %mul3A_379 : i32
        %add3A_381 = arith.constant 5 : i32
        %add3A_382 = arith.addi %mul3A_380, %add3A_381 : i32
        %dma_start3A_383 = arith.constant 640 : i32
        %dma_start3A_384 = arith.constant 0 : i32
        %dma_start3A_385 = tpu.memref_slice %arg8[%dma_start3A_383, %dma_start3A_384] : memref<1024x16xf32, #tpu.memory_space<vmem>> -> memref<128x16xf32, #tpu.memory_space<vmem>>
        %dma_start3A_386 = arith.constant 0 : i32
        %dma_start3A_387 = tpu.memref_slice %arg7[%add3A_382, %dma_start3A_386] : memref<112x128xi32, #tpu.memory_space<vmem>> -> memref<1x128xi32, #tpu.memory_space<vmem>>
        %dma_start3A_388 = tpu.memref_squeeze %dma_start3A_387 : memref<1x128xi32, #tpu.memory_space<vmem>> -> memref<128xi32, #tpu.memory_space<vmem>>
        %dma_start3A_389 = arith.constant 0 : i32
        %dma_start3A_390 = arith.constant 0 : i32
        %dma_start3A_391 = tpu.memref_slice %arg11[%dma_start3A_389, %dma_start3A_390] : memref<10112x16xf32, #tpu.memory_space<vmem_shared>> -> memref<10112x16xf32, #tpu.memory_space<vmem_shared>>
        tpu.enqueue_indirect_dma source(%dma_start3A_385 : memref<128x16xf32, #tpu.memory_space<vmem>>) target(%dma_start3A_391 : memref<10112x16xf32, #tpu.memory_space<vmem_shared>>) offsets(%dma_start3A_388 : memref<128xi32, #tpu.memory_space<vmem>>) semaphore(%arg14 : memref<!tpu.dma_semaphore, #tpu.memory_space<semaphore_mem>>) {add = true}
        %mul3A_392 = arith.constant 8 : i32
        %mul3A_393 = arith.muli %mul3A_33, %mul3A_392 : i32
        %add3A_394 = arith.constant 6 : i32
        %add3A_395 = arith.addi %mul3A_393, %add3A_394 : i32
        %dma_start3A_396 = arith.constant 768 : i32
        %dma_start3A_397 = arith.constant 0 : i32
        %dma_start3A_398 = tpu.memref_slice %arg8[%dma_start3A_396, %dma_start3A_397] : memref<1024x16xf32, #tpu.memory_space<vmem>> -> memref<128x16xf32, #tpu.memory_space<vmem>>
        %dma_start3A_399 = arith.constant 0 : i32
        %dma_start3A_400 = tpu.memref_slice %arg7[%add3A_395, %dma_start3A_399] : memref<112x128xi32, #tpu.memory_space<vmem>> -> memref<1x128xi32, #tpu.memory_space<vmem>>
        %dma_start3A_401 = tpu.memref_squeeze %dma_start3A_400 : memref<1x128xi32, #tpu.memory_space<vmem>> -> memref<128xi32, #tpu.memory_space<vmem>>
        %dma_start3A_402 = arith.constant 0 : i32
        %dma_start3A_403 = arith.constant 0 : i32
        %dma_start3A_404 = tpu.memref_slice %arg11[%dma_start3A_402, %dma_start3A_403] : memref<10112x16xf32, #tpu.memory_space<vmem_shared>> -> memref<10112x16xf32, #tpu.memory_space<vmem_shared>>
        tpu.enqueue_indirect_dma source(%dma_start3A_398 : memref<128x16xf32, #tpu.memory_space<vmem>>) target(%dma_start3A_404 : memref<10112x16xf32, #tpu.memory_space<vmem_shared>>) offsets(%dma_start3A_401 : memref<128xi32, #tpu.memory_space<vmem>>) semaphore(%arg14 : memref<!tpu.dma_semaphore, #tpu.memory_space<semaphore_mem>>) {add = true}
        %mul3A_405 = arith.constant 8 : i32
        %mul3A_406 = arith.muli %mul3A_33, %mul3A_405 : i32
        %add3A_407 = arith.constant 7 : i32
        %add3A_408 = arith.addi %mul3A_406, %add3A_407 : i32
        %dma_start3A_409 = arith.constant 896 : i32
        %dma_start3A_410 = arith.constant 0 : i32
        %dma_start3A_411 = tpu.memref_slice %arg8[%dma_start3A_409, %dma_start3A_410] : memref<1024x16xf32, #tpu.memory_space<vmem>> -> memref<128x16xf32, #tpu.memory_space<vmem>>
        %dma_start3A_412 = arith.constant 0 : i32
        %dma_start3A_413 = tpu.memref_slice %arg7[%add3A_408, %dma_start3A_412] : memref<112x128xi32, #tpu.memory_space<vmem>> -> memref<1x128xi32, #tpu.memory_space<vmem>>
        %dma_start3A_414 = tpu.memref_squeeze %dma_start3A_413 : memref<1x128xi32, #tpu.memory_space<vmem>> -> memref<128xi32, #tpu.memory_space<vmem>>
        %dma_start3A_415 = arith.constant 0 : i32
        %dma_start3A_416 = arith.constant 0 : i32
        %dma_start3A_417 = tpu.memref_slice %arg11[%dma_start3A_415, %dma_start3A_416] : memref<10112x16xf32, #tpu.memory_space<vmem_shared>> -> memref<10112x16xf32, #tpu.memory_space<vmem_shared>>
        tpu.enqueue_indirect_dma source(%dma_start3A_411 : memref<128x16xf32, #tpu.memory_space<vmem>>) target(%dma_start3A_417 : memref<10112x16xf32, #tpu.memory_space<vmem_shared>>) offsets(%dma_start3A_414 : memref<128xi32, #tpu.memory_space<vmem>>) semaphore(%arg14 : memref<!tpu.dma_semaphore, #tpu.memory_space<semaphore_mem>>) {add = true}
        %dma_wait3A_418 = arith.constant 0 : i32
        %dma_wait3A_419 = arith.constant 0 : i32
        %dma_wait3A_420 = tpu.memref_slice %arg9[%dma_wait3A_418, %dma_wait3A_419] : memref<1024x16xf32, #tpu.memory_space<vmem>> -> memref<128x16xf32, #tpu.memory_space<vmem>>
        %dma_wait3A_421 = arith.constant 0 : i32
        %dma_wait3A_422 = tpu.memref_slice %arg6[%add3A_142, %dma_wait3A_421] : memref<112x128xi32, #tpu.memory_space<vmem>> -> memref<1x128xi32, #tpu.memory_space<vmem>>
        %dma_wait3A_423 = tpu.memref_squeeze %dma_wait3A_422 : memref<1x128xi32, #tpu.memory_space<vmem>> -> memref<128xi32, #tpu.memory_space<vmem>>
        %dma_wait3A_424 = arith.constant 0 : i32
        %dma_wait3A_425 = arith.constant 0 : i32
        %dma_wait3A_426 = tpu.memref_slice %arg2[%dma_wait3A_424, %dma_wait3A_425] : memref<10000x16xf32, #tpu.memory_space<hbm>> -> memref<10000x16xf32, #tpu.memory_space<hbm>>
        tpu.wait_indirect_dma semaphore(%arg13 : memref<!tpu.dma_semaphore, #tpu.memory_space<semaphore_mem>>) src(%dma_wait3A_426 : memref<10000x16xf32, #tpu.memory_space<hbm>>) dst(%dma_wait3A_420 : memref<128x16xf32, #tpu.memory_space<vmem>>)
        %dma_wait3A_427 = arith.constant 128 : i32
        %dma_wait3A_428 = arith.constant 0 : i32
        %dma_wait3A_429 = tpu.memref_slice %arg9[%dma_wait3A_427, %dma_wait3A_428] : memref<1024x16xf32, #tpu.memory_space<vmem>> -> memref<128x16xf32, #tpu.memory_space<vmem>>
        %dma_wait3A_430 = arith.constant 0 : i32
        %dma_wait3A_431 = tpu.memref_slice %arg6[%add3A_155, %dma_wait3A_430] : memref<112x128xi32, #tpu.memory_space<vmem>> -> memref<1x128xi32, #tpu.memory_space<vmem>>
        %dma_wait3A_432 = tpu.memref_squeeze %dma_wait3A_431 : memref<1x128xi32, #tpu.memory_space<vmem>> -> memref<128xi32, #tpu.memory_space<vmem>>
        %dma_wait3A_433 = arith.constant 0 : i32
        %dma_wait3A_434 = arith.constant 0 : i32
        %dma_wait3A_435 = tpu.memref_slice %arg2[%dma_wait3A_433, %dma_wait3A_434] : memref<10000x16xf32, #tpu.memory_space<hbm>> -> memref<10000x16xf32, #tpu.memory_space<hbm>>
        tpu.wait_indirect_dma semaphore(%arg13 : memref<!tpu.dma_semaphore, #tpu.memory_space<semaphore_mem>>) src(%dma_wait3A_435 : memref<10000x16xf32, #tpu.memory_space<hbm>>) dst(%dma_wait3A_429 : memref<128x16xf32, #tpu.memory_space<vmem>>)
        %dma_wait3A_436 = arith.constant 256 : i32
        %dma_wait3A_437 = arith.constant 0 : i32
        %dma_wait3A_438 = tpu.memref_slice %arg9[%dma_wait3A_436, %dma_wait3A_437] : memref<1024x16xf32, #tpu.memory_space<vmem>> -> memref<128x16xf32, #tpu.memory_space<vmem>>
        %dma_wait3A_439 = arith.constant 0 : i32
        %dma_wait3A_440 = tpu.memref_slice %arg6[%add3A_168, %dma_wait3A_439] : memref<112x128xi32, #tpu.memory_space<vmem>> -> memref<1x128xi32, #tpu.memory_space<vmem>>
        %dma_wait3A_441 = tpu.memref_squeeze %dma_wait3A_440 : memref<1x128xi32, #tpu.memory_space<vmem>> -> memref<128xi32, #tpu.memory_space<vmem>>
        %dma_wait3A_442 = arith.constant 0 : i32
        %dma_wait3A_443 = arith.constant 0 : i32
        %dma_wait3A_444 = tpu.memref_slice %arg2[%dma_wait3A_442, %dma_wait3A_443] : memref<10000x16xf32, #tpu.memory_space<hbm>> -> memref<10000x16xf32, #tpu.memory_space<hbm>>
        tpu.wait_indirect_dma semaphore(%arg13 : memref<!tpu.dma_semaphore, #tpu.memory_space<semaphore_mem>>) src(%dma_wait3A_444 : memref<10000x16xf32, #tpu.memory_space<hbm>>) dst(%dma_wait3A_438 : memref<128x16xf32, #tpu.memory_space<vmem>>)
        %dma_wait3A_445 = arith.constant 384 : i32
        %dma_wait3A_446 = arith.constant 0 : i32
        %dma_wait3A_447 = tpu.memref_slice %arg9[%dma_wait3A_445, %dma_wait3A_446] : memref<1024x16xf32, #tpu.memory_space<vmem>> -> memref<128x16xf32, #tpu.memory_space<vmem>>
        %dma_wait3A_448 = arith.constant 0 : i32
        %dma_wait3A_449 = tpu.memref_slice %arg6[%add3A_181, %dma_wait3A_448] : memref<112x128xi32, #tpu.memory_space<vmem>> -> memref<1x128xi32, #tpu.memory_space<vmem>>
        %dma_wait3A_450 = tpu.memref_squeeze %dma_wait3A_449 : memref<1x128xi32, #tpu.memory_space<vmem>> -> memref<128xi32, #tpu.memory_space<vmem>>
        %dma_wait3A_451 = arith.constant 0 : i32
        %dma_wait3A_452 = arith.constant 0 : i32
        %dma_wait3A_453 = tpu.memref_slice %arg2[%dma_wait3A_451, %dma_wait3A_452] : memref<10000x16xf32, #tpu.memory_space<hbm>> -> memref<10000x16xf32, #tpu.memory_space<hbm>>
        tpu.wait_indirect_dma semaphore(%arg13 : memref<!tpu.dma_semaphore, #tpu.memory_space<semaphore_mem>>) src(%dma_wait3A_453 : memref<10000x16xf32, #tpu.memory_space<hbm>>) dst(%dma_wait3A_447 : memref<128x16xf32, #tpu.memory_space<vmem>>)
        %dma_wait3A_454 = arith.constant 512 : i32
        %dma_wait3A_455 = arith.constant 0 : i32
        %dma_wait3A_456 = tpu.memref_slice %arg9[%dma_wait3A_454, %dma_wait3A_455] : memref<1024x16xf32, #tpu.memory_space<vmem>> -> memref<128x16xf32, #tpu.memory_space<vmem>>
        %dma_wait3A_457 = arith.constant 0 : i32
        %dma_wait3A_458 = tpu.memref_slice %arg6[%add3A_194, %dma_wait3A_457] : memref<112x128xi32, #tpu.memory_space<vmem>> -> memref<1x128xi32, #tpu.memory_space<vmem>>
        %dma_wait3A_459 = tpu.memref_squeeze %dma_wait3A_458 : memref<1x128xi32, #tpu.memory_space<vmem>> -> memref<128xi32, #tpu.memory_space<vmem>>
        %dma_wait3A_460 = arith.constant 0 : i32
        %dma_wait3A_461 = arith.constant 0 : i32
        %dma_wait3A_462 = tpu.memref_slice %arg2[%dma_wait3A_460, %dma_wait3A_461] : memref<10000x16xf32, #tpu.memory_space<hbm>> -> memref<10000x16xf32, #tpu.memory_space<hbm>>
        tpu.wait_indirect_dma semaphore(%arg13 : memref<!tpu.dma_semaphore, #tpu.memory_space<semaphore_mem>>) src(%dma_wait3A_462 : memref<10000x16xf32, #tpu.memory_space<hbm>>) dst(%dma_wait3A_456 : memref<128x16xf32, #tpu.memory_space<vmem>>)
        %dma_wait3A_463 = arith.constant 640 : i32
        %dma_wait3A_464 = arith.constant 0 : i32
        %dma_wait3A_465 = tpu.memref_slice %arg9[%dma_wait3A_463, %dma_wait3A_464] : memref<1024x16xf32, #tpu.memory_space<vmem>> -> memref<128x16xf32, #tpu.memory_space<vmem>>
        %dma_wait3A_466 = arith.constant 0 : i32
        %dma_wait3A_467 = tpu.memref_slice %arg6[%add3A_207, %dma_wait3A_466] : memref<112x128xi32, #tpu.memory_space<vmem>> -> memref<1x128xi32, #tpu.memory_space<vmem>>
        %dma_wait3A_468 = tpu.memref_squeeze %dma_wait3A_467 : memref<1x128xi32, #tpu.memory_space<vmem>> -> memref<128xi32, #tpu.memory_space<vmem>>
        %dma_wait3A_469 = arith.constant 0 : i32
        %dma_wait3A_470 = arith.constant 0 : i32
        %dma_wait3A_471 = tpu.memref_slice %arg2[%dma_wait3A_469, %dma_wait3A_470] : memref<10000x16xf32, #tpu.memory_space<hbm>> -> memref<10000x16xf32, #tpu.memory_space<hbm>>
        tpu.wait_indirect_dma semaphore(%arg13 : memref<!tpu.dma_semaphore, #tpu.memory_space<semaphore_mem>>) src(%dma_wait3A_471 : memref<10000x16xf32, #tpu.memory_space<hbm>>) dst(%dma_wait3A_465 : memref<128x16xf32, #tpu.memory_space<vmem>>)
        %dma_wait3A_472 = arith.constant 768 : i32
        %dma_wait3A_473 = arith.constant 0 : i32
        %dma_wait3A_474 = tpu.memref_slice %arg9[%dma_wait3A_472, %dma_wait3A_473] : memref<1024x16xf32, #tpu.memory_space<vmem>> -> memref<128x16xf32, #tpu.memory_space<vmem>>
        %dma_wait3A_475 = arith.constant 0 : i32
        %dma_wait3A_476 = tpu.memref_slice %arg6[%add3A_220, %dma_wait3A_475] : memref<112x128xi32, #tpu.memory_space<vmem>> -> memref<1x128xi32, #tpu.memory_space<vmem>>
        %dma_wait3A_477 = tpu.memref_squeeze %dma_wait3A_476 : memref<1x128xi32, #tpu.memory_space<vmem>> -> memref<128xi32, #tpu.memory_space<vmem>>
        %dma_wait3A_478 = arith.constant 0 : i32
        %dma_wait3A_479 = arith.constant 0 : i32
        %dma_wait3A_480 = tpu.memref_slice %arg2[%dma_wait3A_478, %dma_wait3A_479] : memref<10000x16xf32, #tpu.memory_space<hbm>> -> memref<10000x16xf32, #tpu.memory_space<hbm>>
        tpu.wait_indirect_dma semaphore(%arg13 : memref<!tpu.dma_semaphore, #tpu.memory_space<semaphore_mem>>) src(%dma_wait3A_480 : memref<10000x16xf32, #tpu.memory_space<hbm>>) dst(%dma_wait3A_474 : memref<128x16xf32, #tpu.memory_space<vmem>>)
        %dma_wait3A_481 = arith.constant 896 : i32
        %dma_wait3A_482 = arith.constant 0 : i32
        %dma_wait3A_483 = tpu.memref_slice %arg9[%dma_wait3A_481, %dma_wait3A_482] : memref<1024x16xf32, #tpu.memory_space<vmem>> -> memref<128x16xf32, #tpu.memory_space<vmem>>
        %dma_wait3A_484 = arith.constant 0 : i32
        %dma_wait3A_485 = tpu.memref_slice %arg6[%add3A_233, %dma_wait3A_484] : memref<112x128xi32, #tpu.memory_space<vmem>> -> memref<1x128xi32, #tpu.memory_space<vmem>>
        %dma_wait3A_486 = tpu.memref_squeeze %dma_wait3A_485 : memref<1x128xi32, #tpu.memory_space<vmem>> -> memref<128xi32, #tpu.memory_space<vmem>>
        %dma_wait3A_487 = arith.constant 0 : i32
        %dma_wait3A_488 = arith.constant 0 : i32
        %dma_wait3A_489 = tpu.memref_slice %arg2[%dma_wait3A_487, %dma_wait3A_488] : memref<10000x16xf32, #tpu.memory_space<hbm>> -> memref<10000x16xf32, #tpu.memory_space<hbm>>
        tpu.wait_indirect_dma semaphore(%arg13 : memref<!tpu.dma_semaphore, #tpu.memory_space<semaphore_mem>>) src(%dma_wait3A_489 : memref<10000x16xf32, #tpu.memory_space<hbm>>) dst(%dma_wait3A_483 : memref<128x16xf32, #tpu.memory_space<vmem>>)
        %add3A_490 = arith.constant 1 : i32
        %add3A_491 = arith.addi %mul3A_33, %add3A_490 : i32
        %mul3A_492 = arith.constant 8 : i32
        %mul3A_493 = arith.muli %add3A_491, %mul3A_492 : i32
        %add3A_494 = arith.constant 0 : i32
        %add3A_495 = arith.addi %mul3A_493, %add3A_494 : i32
        %dma_start3A_496 = arith.constant 0 : i32
        %dma_start3A_497 = arith.constant 0 : i32
        %dma_start3A_498 = tpu.memref_slice %arg9[%dma_start3A_496, %dma_start3A_497] : memref<1024x16xf32, #tpu.memory_space<vmem>> -> memref<128x16xf32, #tpu.memory_space<vmem>>
        %dma_start3A_499 = arith.constant 0 : i32
        %dma_start3A_500 = tpu.memref_slice %arg7[%add3A_495, %dma_start3A_499] : memref<112x128xi32, #tpu.memory_space<vmem>> -> memref<1x128xi32, #tpu.memory_space<vmem>>
        %dma_start3A_501 = tpu.memref_squeeze %dma_start3A_500 : memref<1x128xi32, #tpu.memory_space<vmem>> -> memref<128xi32, #tpu.memory_space<vmem>>
        %dma_start3A_502 = arith.constant 0 : i32
        %dma_start3A_503 = arith.constant 0 : i32
        %dma_start3A_504 = tpu.memref_slice %arg11[%dma_start3A_502, %dma_start3A_503] : memref<10112x16xf32, #tpu.memory_space<vmem_shared>> -> memref<10112x16xf32, #tpu.memory_space<vmem_shared>>
        tpu.enqueue_indirect_dma source(%dma_start3A_498 : memref<128x16xf32, #tpu.memory_space<vmem>>) target(%dma_start3A_504 : memref<10112x16xf32, #tpu.memory_space<vmem_shared>>) offsets(%dma_start3A_501 : memref<128xi32, #tpu.memory_space<vmem>>) semaphore(%arg15 : memref<!tpu.dma_semaphore, #tpu.memory_space<semaphore_mem>>) {add = true}
        %mul3A_505 = arith.constant 8 : i32
        %mul3A_506 = arith.muli %add3A_491, %mul3A_505 : i32
        %add3A_507 = arith.constant 1 : i32
        %add3A_508 = arith.addi %mul3A_506, %add3A_507 : i32
        %dma_start3A_509 = arith.constant 128 : i32
        %dma_start3A_510 = arith.constant 0 : i32
        %dma_start3A_511 = tpu.memref_slice %arg9[%dma_start3A_509, %dma_start3A_510] : memref<1024x16xf32, #tpu.memory_space<vmem>> -> memref<128x16xf32, #tpu.memory_space<vmem>>
        %dma_start3A_512 = arith.constant 0 : i32
        %dma_start3A_513 = tpu.memref_slice %arg7[%add3A_508, %dma_start3A_512] : memref<112x128xi32, #tpu.memory_space<vmem>> -> memref<1x128xi32, #tpu.memory_space<vmem>>
        %dma_start3A_514 = tpu.memref_squeeze %dma_start3A_513 : memref<1x128xi32, #tpu.memory_space<vmem>> -> memref<128xi32, #tpu.memory_space<vmem>>
        %dma_start3A_515 = arith.constant 0 : i32
        %dma_start3A_516 = arith.constant 0 : i32
        %dma_start3A_517 = tpu.memref_slice %arg11[%dma_start3A_515, %dma_start3A_516] : memref<10112x16xf32, #tpu.memory_space<vmem_shared>> -> memref<10112x16xf32, #tpu.memory_space<vmem_shared>>
        tpu.enqueue_indirect_dma source(%dma_start3A_511 : memref<128x16xf32, #tpu.memory_space<vmem>>) target(%dma_start3A_517 : memref<10112x16xf32, #tpu.memory_space<vmem_shared>>) offsets(%dma_start3A_514 : memref<128xi32, #tpu.memory_space<vmem>>) semaphore(%arg15 : memref<!tpu.dma_semaphore, #tpu.memory_space<semaphore_mem>>) {add = true}
        %mul3A_518 = arith.constant 8 : i32
        %mul3A_519 = arith.muli %add3A_491, %mul3A_518 : i32
        %add3A_520 = arith.constant 2 : i32
        %add3A_521 = arith.addi %mul3A_519, %add3A_520 : i32
        %dma_start3A_522 = arith.constant 256 : i32
        %dma_start3A_523 = arith.constant 0 : i32
        %dma_start3A_524 = tpu.memref_slice %arg9[%dma_start3A_522, %dma_start3A_523] : memref<1024x16xf32, #tpu.memory_space<vmem>> -> memref<128x16xf32, #tpu.memory_space<vmem>>
        %dma_start3A_525 = arith.constant 0 : i32
        %dma_start3A_526 = tpu.memref_slice %arg7[%add3A_521, %dma_start3A_525] : memref<112x128xi32, #tpu.memory_space<vmem>> -> memref<1x128xi32, #tpu.memory_space<vmem>>
        %dma_start3A_527 = tpu.memref_squeeze %dma_start3A_526 : memref<1x128xi32, #tpu.memory_space<vmem>> -> memref<128xi32, #tpu.memory_space<vmem>>
        %dma_start3A_528 = arith.constant 0 : i32
        %dma_start3A_529 = arith.constant 0 : i32
        %dma_start3A_530 = tpu.memref_slice %arg11[%dma_start3A_528, %dma_start3A_529] : memref<10112x16xf32, #tpu.memory_space<vmem_shared>> -> memref<10112x16xf32, #tpu.memory_space<vmem_shared>>
        tpu.enqueue_indirect_dma source(%dma_start3A_524 : memref<128x16xf32, #tpu.memory_space<vmem>>) target(%dma_start3A_530 : memref<10112x16xf32, #tpu.memory_space<vmem_shared>>) offsets(%dma_start3A_527 : memref<128xi32, #tpu.memory_space<vmem>>) semaphore(%arg15 : memref<!tpu.dma_semaphore, #tpu.memory_space<semaphore_mem>>) {add = true}
        %mul3A_531 = arith.constant 8 : i32
        %mul3A_532 = arith.muli %add3A_491, %mul3A_531 : i32
        %add3A_533 = arith.constant 3 : i32
        %add3A_534 = arith.addi %mul3A_532, %add3A_533 : i32
        %dma_start3A_535 = arith.constant 384 : i32
        %dma_start3A_536 = arith.constant 0 : i32
        %dma_start3A_537 = tpu.memref_slice %arg9[%dma_start3A_535, %dma_start3A_536] : memref<1024x16xf32, #tpu.memory_space<vmem>> -> memref<128x16xf32, #tpu.memory_space<vmem>>
        %dma_start3A_538 = arith.constant 0 : i32
        %dma_start3A_539 = tpu.memref_slice %arg7[%add3A_534, %dma_start3A_538] : memref<112x128xi32, #tpu.memory_space<vmem>> -> memref<1x128xi32, #tpu.memory_space<vmem>>
        %dma_start3A_540 = tpu.memref_squeeze %dma_start3A_539 : memref<1x128xi32, #tpu.memory_space<vmem>> -> memref<128xi32, #tpu.memory_space<vmem>>
        %dma_start3A_541 = arith.constant 0 : i32
        %dma_start3A_542 = arith.constant 0 : i32
        %dma_start3A_543 = tpu.memref_slice %arg11[%dma_start3A_541, %dma_start3A_542] : memref<10112x16xf32, #tpu.memory_space<vmem_shared>> -> memref<10112x16xf32, #tpu.memory_space<vmem_shared>>
        tpu.enqueue_indirect_dma source(%dma_start3A_537 : memref<128x16xf32, #tpu.memory_space<vmem>>) target(%dma_start3A_543 : memref<10112x16xf32, #tpu.memory_space<vmem_shared>>) offsets(%dma_start3A_540 : memref<128xi32, #tpu.memory_space<vmem>>) semaphore(%arg15 : memref<!tpu.dma_semaphore, #tpu.memory_space<semaphore_mem>>) {add = true}
        %mul3A_544 = arith.constant 8 : i32
        %mul3A_545 = arith.muli %add3A_491, %mul3A_544 : i32
        %add3A_546 = arith.constant 4 : i32
        %add3A_547 = arith.addi %mul3A_545, %add3A_546 : i32
        %dma_start3A_548 = arith.constant 512 : i32
        %dma_start3A_549 = arith.constant 0 : i32
        %dma_start3A_550 = tpu.memref_slice %arg9[%dma_start3A_548, %dma_start3A_549] : memref<1024x16xf32, #tpu.memory_space<vmem>> -> memref<128x16xf32, #tpu.memory_space<vmem>>
        %dma_start3A_551 = arith.constant 0 : i32
        %dma_start3A_552 = tpu.memref_slice %arg7[%add3A_547, %dma_start3A_551] : memref<112x128xi32, #tpu.memory_space<vmem>> -> memref<1x128xi32, #tpu.memory_space<vmem>>
        %dma_start3A_553 = tpu.memref_squeeze %dma_start3A_552 : memref<1x128xi32, #tpu.memory_space<vmem>> -> memref<128xi32, #tpu.memory_space<vmem>>
        %dma_start3A_554 = arith.constant 0 : i32
        %dma_start3A_555 = arith.constant 0 : i32
        %dma_start3A_556 = tpu.memref_slice %arg11[%dma_start3A_554, %dma_start3A_555] : memref<10112x16xf32, #tpu.memory_space<vmem_shared>> -> memref<10112x16xf32, #tpu.memory_space<vmem_shared>>
        tpu.enqueue_indirect_dma source(%dma_start3A_550 : memref<128x16xf32, #tpu.memory_space<vmem>>) target(%dma_start3A_556 : memref<10112x16xf32, #tpu.memory_space<vmem_shared>>) offsets(%dma_start3A_553 : memref<128xi32, #tpu.memory_space<vmem>>) semaphore(%arg15 : memref<!tpu.dma_semaphore, #tpu.memory_space<semaphore_mem>>) {add = true}
        %mul3A_557 = arith.constant 8 : i32
        %mul3A_558 = arith.muli %add3A_491, %mul3A_557 : i32
        %add3A_559 = arith.constant 5 : i32
        %add3A_560 = arith.addi %mul3A_558, %add3A_559 : i32
        %dma_start3A_561 = arith.constant 640 : i32
        %dma_start3A_562 = arith.constant 0 : i32
        %dma_start3A_563 = tpu.memref_slice %arg9[%dma_start3A_561, %dma_start3A_562] : memref<1024x16xf32, #tpu.memory_space<vmem>> -> memref<128x16xf32, #tpu.memory_space<vmem>>
        %dma_start3A_564 = arith.constant 0 : i32
        %dma_start3A_565 = tpu.memref_slice %arg7[%add3A_560, %dma_start3A_564] : memref<112x128xi32, #tpu.memory_space<vmem>> -> memref<1x128xi32, #tpu.memory_space<vmem>>
        %dma_start3A_566 = tpu.memref_squeeze %dma_start3A_565 : memref<1x128xi32, #tpu.memory_space<vmem>> -> memref<128xi32, #tpu.memory_space<vmem>>
        %dma_start3A_567 = arith.constant 0 : i32
        %dma_start3A_568 = arith.constant 0 : i32
        %dma_start3A_569 = tpu.memref_slice %arg11[%dma_start3A_567, %dma_start3A_568] : memref<10112x16xf32, #tpu.memory_space<vmem_shared>> -> memref<10112x16xf32, #tpu.memory_space<vmem_shared>>
        tpu.enqueue_indirect_dma source(%dma_start3A_563 : memref<128x16xf32, #tpu.memory_space<vmem>>) target(%dma_start3A_569 : memref<10112x16xf32, #tpu.memory_space<vmem_shared>>) offsets(%dma_start3A_566 : memref<128xi32, #tpu.memory_space<vmem>>) semaphore(%arg15 : memref<!tpu.dma_semaphore, #tpu.memory_space<semaphore_mem>>) {add = true}
        %mul3A_570 = arith.constant 8 : i32
        %mul3A_571 = arith.muli %add3A_491, %mul3A_570 : i32
        %add3A_572 = arith.constant 6 : i32
        %add3A_573 = arith.addi %mul3A_571, %add3A_572 : i32
        %dma_start3A_574 = arith.constant 768 : i32
        %dma_start3A_575 = arith.constant 0 : i32
        %dma_start3A_576 = tpu.memref_slice %arg9[%dma_start3A_574, %dma_start3A_575] : memref<1024x16xf32, #tpu.memory_space<vmem>> -> memref<128x16xf32, #tpu.memory_space<vmem>>
        %dma_start3A_577 = arith.constant 0 : i32
        %dma_start3A_578 = tpu.memref_slice %arg7[%add3A_573, %dma_start3A_577] : memref<112x128xi32, #tpu.memory_space<vmem>> -> memref<1x128xi32, #tpu.memory_space<vmem>>
        %dma_start3A_579 = tpu.memref_squeeze %dma_start3A_578 : memref<1x128xi32, #tpu.memory_space<vmem>> -> memref<128xi32, #tpu.memory_space<vmem>>
        %dma_start3A_580 = arith.constant 0 : i32
        %dma_start3A_581 = arith.constant 0 : i32
        %dma_start3A_582 = tpu.memref_slice %arg11[%dma_start3A_580, %dma_start3A_581] : memref<10112x16xf32, #tpu.memory_space<vmem_shared>> -> memref<10112x16xf32, #tpu.memory_space<vmem_shared>>
        tpu.enqueue_indirect_dma source(%dma_start3A_576 : memref<128x16xf32, #tpu.memory_space<vmem>>) target(%dma_start3A_582 : memref<10112x16xf32, #tpu.memory_space<vmem_shared>>) offsets(%dma_start3A_579 : memref<128xi32, #tpu.memory_space<vmem>>) semaphore(%arg15 : memref<!tpu.dma_semaphore, #tpu.memory_space<semaphore_mem>>) {add = true}
        %mul3A_583 = arith.constant 8 : i32
        %mul3A_584 = arith.muli %add3A_491, %mul3A_583 : i32
        %add3A_585 = arith.constant 7 : i32
        %add3A_586 = arith.addi %mul3A_584, %add3A_585 : i32
        %dma_start3A_587 = arith.constant 896 : i32
        %dma_start3A_588 = arith.constant 0 : i32
        %dma_start3A_589 = tpu.memref_slice %arg9[%dma_start3A_587, %dma_start3A_588] : memref<1024x16xf32, #tpu.memory_space<vmem>> -> memref<128x16xf32, #tpu.memory_space<vmem>>
        %dma_start3A_590 = arith.constant 0 : i32
        %dma_start3A_591 = tpu.memref_slice %arg7[%add3A_586, %dma_start3A_590] : memref<112x128xi32, #tpu.memory_space<vmem>> -> memref<1x128xi32, #tpu.memory_space<vmem>>
        %dma_start3A_592 = tpu.memref_squeeze %dma_start3A_591 : memref<1x128xi32, #tpu.memory_space<vmem>> -> memref<128xi32, #tpu.memory_space<vmem>>
        %dma_start3A_593 = arith.constant 0 : i32
        %dma_start3A_594 = arith.constant 0 : i32
        %dma_start3A_595 = tpu.memref_slice %arg11[%dma_start3A_593, %dma_start3A_594] : memref<10112x16xf32, #tpu.memory_space<vmem_shared>> -> memref<10112x16xf32, #tpu.memory_space<vmem_shared>>
        tpu.enqueue_indirect_dma source(%dma_start3A_589 : memref<128x16xf32, #tpu.memory_space<vmem>>) target(%dma_start3A_595 : memref<10112x16xf32, #tpu.memory_space<vmem_shared>>) offsets(%dma_start3A_592 : memref<128xi32, #tpu.memory_space<vmem>>) semaphore(%arg15 : memref<!tpu.dma_semaphore, #tpu.memory_space<semaphore_mem>>) {add = true}
        %dma_wait3A_596 = arith.constant 0 : i32
        %dma_wait3A_597 = arith.constant 0 : i32
        %dma_wait3A_598 = tpu.memref_slice %arg8[%dma_wait3A_596, %dma_wait3A_597] : memref<1024x16xf32, #tpu.memory_space<vmem>> -> memref<128x16xf32, #tpu.memory_space<vmem>>
        %dma_wait3A_599 = arith.constant 0 : i32
        %dma_wait3A_600 = tpu.memref_slice %arg7[%add3A_317, %dma_wait3A_599] : memref<112x128xi32, #tpu.memory_space<vmem>> -> memref<1x128xi32, #tpu.memory_space<vmem>>
        %dma_wait3A_601 = tpu.memref_squeeze %dma_wait3A_600 : memref<1x128xi32, #tpu.memory_space<vmem>> -> memref<128xi32, #tpu.memory_space<vmem>>
        %dma_wait3A_602 = arith.constant 0 : i32
        %dma_wait3A_603 = arith.constant 0 : i32
        %dma_wait3A_604 = tpu.memref_slice %arg11[%dma_wait3A_602, %dma_wait3A_603] : memref<10112x16xf32, #tpu.memory_space<vmem_shared>> -> memref<10112x16xf32, #tpu.memory_space<vmem_shared>>
        tpu.wait_indirect_dma semaphore(%arg14 : memref<!tpu.dma_semaphore, #tpu.memory_space<semaphore_mem>>) src(%dma_wait3A_598 : memref<128x16xf32, #tpu.memory_space<vmem>>) dst(%dma_wait3A_604 : memref<10112x16xf32, #tpu.memory_space<vmem_shared>>)
        %dma_wait3A_605 = arith.constant 128 : i32
        %dma_wait3A_606 = arith.constant 0 : i32
        %dma_wait3A_607 = tpu.memref_slice %arg8[%dma_wait3A_605, %dma_wait3A_606] : memref<1024x16xf32, #tpu.memory_space<vmem>> -> memref<128x16xf32, #tpu.memory_space<vmem>>
        %dma_wait3A_608 = arith.constant 0 : i32
        %dma_wait3A_609 = tpu.memref_slice %arg7[%add3A_330, %dma_wait3A_608] : memref<112x128xi32, #tpu.memory_space<vmem>> -> memref<1x128xi32, #tpu.memory_space<vmem>>
        %dma_wait3A_610 = tpu.memref_squeeze %dma_wait3A_609 : memref<1x128xi32, #tpu.memory_space<vmem>> -> memref<128xi32, #tpu.memory_space<vmem>>
        %dma_wait3A_611 = arith.constant 0 : i32
        %dma_wait3A_612 = arith.constant 0 : i32
        %dma_wait3A_613 = tpu.memref_slice %arg11[%dma_wait3A_611, %dma_wait3A_612] : memref<10112x16xf32, #tpu.memory_space<vmem_shared>> -> memref<10112x16xf32, #tpu.memory_space<vmem_shared>>
        tpu.wait_indirect_dma semaphore(%arg14 : memref<!tpu.dma_semaphore, #tpu.memory_space<semaphore_mem>>) src(%dma_wait3A_607 : memref<128x16xf32, #tpu.memory_space<vmem>>) dst(%dma_wait3A_613 : memref<10112x16xf32, #tpu.memory_space<vmem_shared>>)
        %dma_wait3A_614 = arith.constant 256 : i32
        %dma_wait3A_615 = arith.constant 0 : i32
        %dma_wait3A_616 = tpu.memref_slice %arg8[%dma_wait3A_614, %dma_wait3A_615] : memref<1024x16xf32, #tpu.memory_space<vmem>> -> memref<128x16xf32, #tpu.memory_space<vmem>>
        %dma_wait3A_617 = arith.constant 0 : i32
        %dma_wait3A_618 = tpu.memref_slice %arg7[%add3A_343, %dma_wait3A_617] : memref<112x128xi32, #tpu.memory_space<vmem>> -> memref<1x128xi32, #tpu.memory_space<vmem>>
        %dma_wait3A_619 = tpu.memref_squeeze %dma_wait3A_618 : memref<1x128xi32, #tpu.memory_space<vmem>> -> memref<128xi32, #tpu.memory_space<vmem>>
        %dma_wait3A_620 = arith.constant 0 : i32
        %dma_wait3A_621 = arith.constant 0 : i32
        %dma_wait3A_622 = tpu.memref_slice %arg11[%dma_wait3A_620, %dma_wait3A_621] : memref<10112x16xf32, #tpu.memory_space<vmem_shared>> -> memref<10112x16xf32, #tpu.memory_space<vmem_shared>>
        tpu.wait_indirect_dma semaphore(%arg14 : memref<!tpu.dma_semaphore, #tpu.memory_space<semaphore_mem>>) src(%dma_wait3A_616 : memref<128x16xf32, #tpu.memory_space<vmem>>) dst(%dma_wait3A_622 : memref<10112x16xf32, #tpu.memory_space<vmem_shared>>)
        %dma_wait3A_623 = arith.constant 384 : i32
        %dma_wait3A_624 = arith.constant 0 : i32
        %dma_wait3A_625 = tpu.memref_slice %arg8[%dma_wait3A_623, %dma_wait3A_624] : memref<1024x16xf32, #tpu.memory_space<vmem>> -> memref<128x16xf32, #tpu.memory_space<vmem>>
        %dma_wait3A_626 = arith.constant 0 : i32
        %dma_wait3A_627 = tpu.memref_slice %arg7[%add3A_356, %dma_wait3A_626] : memref<112x128xi32, #tpu.memory_space<vmem>> -> memref<1x128xi32, #tpu.memory_space<vmem>>
        %dma_wait3A_628 = tpu.memref_squeeze %dma_wait3A_627 : memref<1x128xi32, #tpu.memory_space<vmem>> -> memref<128xi32, #tpu.memory_space<vmem>>
        %dma_wait3A_629 = arith.constant 0 : i32
        %dma_wait3A_630 = arith.constant 0 : i32
        %dma_wait3A_631 = tpu.memref_slice %arg11[%dma_wait3A_629, %dma_wait3A_630] : memref<10112x16xf32, #tpu.memory_space<vmem_shared>> -> memref<10112x16xf32, #tpu.memory_space<vmem_shared>>
        tpu.wait_indirect_dma semaphore(%arg14 : memref<!tpu.dma_semaphore, #tpu.memory_space<semaphore_mem>>) src(%dma_wait3A_625 : memref<128x16xf32, #tpu.memory_space<vmem>>) dst(%dma_wait3A_631 : memref<10112x16xf32, #tpu.memory_space<vmem_shared>>)
        %dma_wait3A_632 = arith.constant 512 : i32
        %dma_wait3A_633 = arith.constant 0 : i32
        %dma_wait3A_634 = tpu.memref_slice %arg8[%dma_wait3A_632, %dma_wait3A_633] : memref<1024x16xf32, #tpu.memory_space<vmem>> -> memref<128x16xf32, #tpu.memory_space<vmem>>
        %dma_wait3A_635 = arith.constant 0 : i32
        %dma_wait3A_636 = tpu.memref_slice %arg7[%add3A_369, %dma_wait3A_635] : memref<112x128xi32, #tpu.memory_space<vmem>> -> memref<1x128xi32, #tpu.memory_space<vmem>>
        %dma_wait3A_637 = tpu.memref_squeeze %dma_wait3A_636 : memref<1x128xi32, #tpu.memory_space<vmem>> -> memref<128xi32, #tpu.memory_space<vmem>>
        %dma_wait3A_638 = arith.constant 0 : i32
        %dma_wait3A_639 = arith.constant 0 : i32
        %dma_wait3A_640 = tpu.memref_slice %arg11[%dma_wait3A_638, %dma_wait3A_639] : memref<10112x16xf32, #tpu.memory_space<vmem_shared>> -> memref<10112x16xf32, #tpu.memory_space<vmem_shared>>
        tpu.wait_indirect_dma semaphore(%arg14 : memref<!tpu.dma_semaphore, #tpu.memory_space<semaphore_mem>>) src(%dma_wait3A_634 : memref<128x16xf32, #tpu.memory_space<vmem>>) dst(%dma_wait3A_640 : memref<10112x16xf32, #tpu.memory_space<vmem_shared>>)
        %dma_wait3A_641 = arith.constant 640 : i32
        %dma_wait3A_642 = arith.constant 0 : i32
        %dma_wait3A_643 = tpu.memref_slice %arg8[%dma_wait3A_641, %dma_wait3A_642] : memref<1024x16xf32, #tpu.memory_space<vmem>> -> memref<128x16xf32, #tpu.memory_space<vmem>>
        %dma_wait3A_644 = arith.constant 0 : i32
        %dma_wait3A_645 = tpu.memref_slice %arg7[%add3A_382, %dma_wait3A_644] : memref<112x128xi32, #tpu.memory_space<vmem>> -> memref<1x128xi32, #tpu.memory_space<vmem>>
        %dma_wait3A_646 = tpu.memref_squeeze %dma_wait3A_645 : memref<1x128xi32, #tpu.memory_space<vmem>> -> memref<128xi32, #tpu.memory_space<vmem>>
        %dma_wait3A_647 = arith.constant 0 : i32
        %dma_wait3A_648 = arith.constant 0 : i32
        %dma_wait3A_649 = tpu.memref_slice %arg11[%dma_wait3A_647, %dma_wait3A_648] : memref<10112x16xf32, #tpu.memory_space<vmem_shared>> -> memref<10112x16xf32, #tpu.memory_space<vmem_shared>>
        tpu.wait_indirect_dma semaphore(%arg14 : memref<!tpu.dma_semaphore, #tpu.memory_space<semaphore_mem>>) src(%dma_wait3A_643 : memref<128x16xf32, #tpu.memory_space<vmem>>) dst(%dma_wait3A_649 : memref<10112x16xf32, #tpu.memory_space<vmem_shared>>)
        %dma_wait3A_650 = arith.constant 768 : i32
        %dma_wait3A_651 = arith.constant 0 : i32
        %dma_wait3A_652 = tpu.memref_slice %arg8[%dma_wait3A_650, %dma_wait3A_651] : memref<1024x16xf32, #tpu.memory_space<vmem>> -> memref<128x16xf32, #tpu.memory_space<vmem>>
        %dma_wait3A_653 = arith.constant 0 : i32
        %dma_wait3A_654 = tpu.memref_slice %arg7[%add3A_395, %dma_wait3A_653] : memref<112x128xi32, #tpu.memory_space<vmem>> -> memref<1x128xi32, #tpu.memory_space<vmem>>
        %dma_wait3A_655 = tpu.memref_squeeze %dma_wait3A_654 : memref<1x128xi32, #tpu.memory_space<vmem>> -> memref<128xi32, #tpu.memory_space<vmem>>
        %dma_wait3A_656 = arith.constant 0 : i32
        %dma_wait3A_657 = arith.constant 0 : i32
        %dma_wait3A_658 = tpu.memref_slice %arg11[%dma_wait3A_656, %dma_wait3A_657] : memref<10112x16xf32, #tpu.memory_space<vmem_shared>> -> memref<10112x16xf32, #tpu.memory_space<vmem_shared>>
        tpu.wait_indirect_dma semaphore(%arg14 : memref<!tpu.dma_semaphore, #tpu.memory_space<semaphore_mem>>) src(%dma_wait3A_652 : memref<128x16xf32, #tpu.memory_space<vmem>>) dst(%dma_wait3A_658 : memref<10112x16xf32, #tpu.memory_space<vmem_shared>>)
        %dma_wait3A_659 = arith.constant 896 : i32
        %dma_wait3A_660 = arith.constant 0 : i32
        %dma_wait3A_661 = tpu.memref_slice %arg8[%dma_wait3A_659, %dma_wait3A_660] : memref<1024x16xf32, #tpu.memory_space<vmem>> -> memref<128x16xf32, #tpu.memory_space<vmem>>
        %dma_wait3A_662 = arith.constant 0 : i32
        %dma_wait3A_663 = tpu.memref_slice %arg7[%add3A_408, %dma_wait3A_662] : memref<112x128xi32, #tpu.memory_space<vmem>> -> memref<1x128xi32, #tpu.memory_space<vmem>>
        %dma_wait3A_664 = tpu.memref_squeeze %dma_wait3A_663 : memref<1x128xi32, #tpu.memory_space<vmem>> -> memref<128xi32, #tpu.memory_space<vmem>>
        %dma_wait3A_665 = arith.constant 0 : i32
        %dma_wait3A_666 = arith.constant 0 : i32
        %dma_wait3A_667 = tpu.memref_slice %arg11[%dma_wait3A_665, %dma_wait3A_666] : memref<10112x16xf32, #tpu.memory_space<vmem_shared>> -> memref<10112x16xf32, #tpu.memory_space<vmem_shared>>
        tpu.wait_indirect_dma semaphore(%arg14 : memref<!tpu.dma_semaphore, #tpu.memory_space<semaphore_mem>>) src(%dma_wait3A_661 : memref<128x16xf32, #tpu.memory_space<vmem>>) dst(%dma_wait3A_667 : memref<10112x16xf32, #tpu.memory_space<vmem_shared>>)
        %dma_wait3A_668 = arith.constant 0 : i32
        %dma_wait3A_669 = arith.constant 0 : i32
        %dma_wait3A_670 = tpu.memref_slice %arg9[%dma_wait3A_668, %dma_wait3A_669] : memref<1024x16xf32, #tpu.memory_space<vmem>> -> memref<128x16xf32, #tpu.memory_space<vmem>>
        %dma_wait3A_671 = arith.constant 0 : i32
        %dma_wait3A_672 = tpu.memref_slice %arg7[%add3A_495, %dma_wait3A_671] : memref<112x128xi32, #tpu.memory_space<vmem>> -> memref<1x128xi32, #tpu.memory_space<vmem>>
        %dma_wait3A_673 = tpu.memref_squeeze %dma_wait3A_672 : memref<1x128xi32, #tpu.memory_space<vmem>> -> memref<128xi32, #tpu.memory_space<vmem>>
        %dma_wait3A_674 = arith.constant 0 : i32
        %dma_wait3A_675 = arith.constant 0 : i32
        %dma_wait3A_676 = tpu.memref_slice %arg11[%dma_wait3A_674, %dma_wait3A_675] : memref<10112x16xf32, #tpu.memory_space<vmem_shared>> -> memref<10112x16xf32, #tpu.memory_space<vmem_shared>>
        tpu.wait_indirect_dma semaphore(%arg15 : memref<!tpu.dma_semaphore, #tpu.memory_space<semaphore_mem>>) src(%dma_wait3A_670 : memref<128x16xf32, #tpu.memory_space<vmem>>) dst(%dma_wait3A_676 : memref<10112x16xf32, #tpu.memory_space<vmem_shared>>)
        %dma_wait3A_677 = arith.constant 128 : i32
        %dma_wait3A_678 = arith.constant 0 : i32
        %dma_wait3A_679 = tpu.memref_slice %arg9[%dma_wait3A_677, %dma_wait3A_678] : memref<1024x16xf32, #tpu.memory_space<vmem>> -> memref<128x16xf32, #tpu.memory_space<vmem>>
        %dma_wait3A_680 = arith.constant 0 : i32
        %dma_wait3A_681 = tpu.memref_slice %arg7[%add3A_508, %dma_wait3A_680] : memref<112x128xi32, #tpu.memory_space<vmem>> -> memref<1x128xi32, #tpu.memory_space<vmem>>
        %dma_wait3A_682 = tpu.memref_squeeze %dma_wait3A_681 : memref<1x128xi32, #tpu.memory_space<vmem>> -> memref<128xi32, #tpu.memory_space<vmem>>
        %dma_wait3A_683 = arith.constant 0 : i32
        %dma_wait3A_684 = arith.constant 0 : i32
        %dma_wait3A_685 = tpu.memref_slice %arg11[%dma_wait3A_683, %dma_wait3A_684] : memref<10112x16xf32, #tpu.memory_space<vmem_shared>> -> memref<10112x16xf32, #tpu.memory_space<vmem_shared>>
        tpu.wait_indirect_dma semaphore(%arg15 : memref<!tpu.dma_semaphore, #tpu.memory_space<semaphore_mem>>) src(%dma_wait3A_679 : memref<128x16xf32, #tpu.memory_space<vmem>>) dst(%dma_wait3A_685 : memref<10112x16xf32, #tpu.memory_space<vmem_shared>>)
        %dma_wait3A_686 = arith.constant 256 : i32
        %dma_wait3A_687 = arith.constant 0 : i32
        %dma_wait3A_688 = tpu.memref_slice %arg9[%dma_wait3A_686, %dma_wait3A_687] : memref<1024x16xf32, #tpu.memory_space<vmem>> -> memref<128x16xf32, #tpu.memory_space<vmem>>
        %dma_wait3A_689 = arith.constant 0 : i32
        %dma_wait3A_690 = tpu.memref_slice %arg7[%add3A_521, %dma_wait3A_689] : memref<112x128xi32, #tpu.memory_space<vmem>> -> memref<1x128xi32, #tpu.memory_space<vmem>>
        %dma_wait3A_691 = tpu.memref_squeeze %dma_wait3A_690 : memref<1x128xi32, #tpu.memory_space<vmem>> -> memref<128xi32, #tpu.memory_space<vmem>>
        %dma_wait3A_692 = arith.constant 0 : i32
        %dma_wait3A_693 = arith.constant 0 : i32
        %dma_wait3A_694 = tpu.memref_slice %arg11[%dma_wait3A_692, %dma_wait3A_693] : memref<10112x16xf32, #tpu.memory_space<vmem_shared>> -> memref<10112x16xf32, #tpu.memory_space<vmem_shared>>
        tpu.wait_indirect_dma semaphore(%arg15 : memref<!tpu.dma_semaphore, #tpu.memory_space<semaphore_mem>>) src(%dma_wait3A_688 : memref<128x16xf32, #tpu.memory_space<vmem>>) dst(%dma_wait3A_694 : memref<10112x16xf32, #tpu.memory_space<vmem_shared>>)
        %dma_wait3A_695 = arith.constant 384 : i32
        %dma_wait3A_696 = arith.constant 0 : i32
        %dma_wait3A_697 = tpu.memref_slice %arg9[%dma_wait3A_695, %dma_wait3A_696] : memref<1024x16xf32, #tpu.memory_space<vmem>> -> memref<128x16xf32, #tpu.memory_space<vmem>>
        %dma_wait3A_698 = arith.constant 0 : i32
        %dma_wait3A_699 = tpu.memref_slice %arg7[%add3A_534, %dma_wait3A_698] : memref<112x128xi32, #tpu.memory_space<vmem>> -> memref<1x128xi32, #tpu.memory_space<vmem>>
        %dma_wait3A_700 = tpu.memref_squeeze %dma_wait3A_699 : memref<1x128xi32, #tpu.memory_space<vmem>> -> memref<128xi32, #tpu.memory_space<vmem>>
        %dma_wait3A_701 = arith.constant 0 : i32
        %dma_wait3A_702 = arith.constant 0 : i32
        %dma_wait3A_703 = tpu.memref_slice %arg11[%dma_wait3A_701, %dma_wait3A_702] : memref<10112x16xf32, #tpu.memory_space<vmem_shared>> -> memref<10112x16xf32, #tpu.memory_space<vmem_shared>>
        tpu.wait_indirect_dma semaphore(%arg15 : memref<!tpu.dma_semaphore, #tpu.memory_space<semaphore_mem>>) src(%dma_wait3A_697 : memref<128x16xf32, #tpu.memory_space<vmem>>) dst(%dma_wait3A_703 : memref<10112x16xf32, #tpu.memory_space<vmem_shared>>)
        %dma_wait3A_704 = arith.constant 512 : i32
        %dma_wait3A_705 = arith.constant 0 : i32
        %dma_wait3A_706 = tpu.memref_slice %arg9[%dma_wait3A_704, %dma_wait3A_705] : memref<1024x16xf32, #tpu.memory_space<vmem>> -> memref<128x16xf32, #tpu.memory_space<vmem>>
        %dma_wait3A_707 = arith.constant 0 : i32
        %dma_wait3A_708 = tpu.memref_slice %arg7[%add3A_547, %dma_wait3A_707] : memref<112x128xi32, #tpu.memory_space<vmem>> -> memref<1x128xi32, #tpu.memory_space<vmem>>
        %dma_wait3A_709 = tpu.memref_squeeze %dma_wait3A_708 : memref<1x128xi32, #tpu.memory_space<vmem>> -> memref<128xi32, #tpu.memory_space<vmem>>
        %dma_wait3A_710 = arith.constant 0 : i32
        %dma_wait3A_711 = arith.constant 0 : i32
        %dma_wait3A_712 = tpu.memref_slice %arg11[%dma_wait3A_710, %dma_wait3A_711] : memref<10112x16xf32, #tpu.memory_space<vmem_shared>> -> memref<10112x16xf32, #tpu.memory_space<vmem_shared>>
        tpu.wait_indirect_dma semaphore(%arg15 : memref<!tpu.dma_semaphore, #tpu.memory_space<semaphore_mem>>) src(%dma_wait3A_706 : memref<128x16xf32, #tpu.memory_space<vmem>>) dst(%dma_wait3A_712 : memref<10112x16xf32, #tpu.memory_space<vmem_shared>>)
        %dma_wait3A_713 = arith.constant 640 : i32
        %dma_wait3A_714 = arith.constant 0 : i32
        %dma_wait3A_715 = tpu.memref_slice %arg9[%dma_wait3A_713, %dma_wait3A_714] : memref<1024x16xf32, #tpu.memory_space<vmem>> -> memref<128x16xf32, #tpu.memory_space<vmem>>
        %dma_wait3A_716 = arith.constant 0 : i32
        %dma_wait3A_717 = tpu.memref_slice %arg7[%add3A_560, %dma_wait3A_716] : memref<112x128xi32, #tpu.memory_space<vmem>> -> memref<1x128xi32, #tpu.memory_space<vmem>>
        %dma_wait3A_718 = tpu.memref_squeeze %dma_wait3A_717 : memref<1x128xi32, #tpu.memory_space<vmem>> -> memref<128xi32, #tpu.memory_space<vmem>>
        %dma_wait3A_719 = arith.constant 0 : i32
        %dma_wait3A_720 = arith.constant 0 : i32
        %dma_wait3A_721 = tpu.memref_slice %arg11[%dma_wait3A_719, %dma_wait3A_720] : memref<10112x16xf32, #tpu.memory_space<vmem_shared>> -> memref<10112x16xf32, #tpu.memory_space<vmem_shared>>
        tpu.wait_indirect_dma semaphore(%arg15 : memref<!tpu.dma_semaphore, #tpu.memory_space<semaphore_mem>>) src(%dma_wait3A_715 : memref<128x16xf32, #tpu.memory_space<vmem>>) dst(%dma_wait3A_721 : memref<10112x16xf32, #tpu.memory_space<vmem_shared>>)
        %dma_wait3A_722 = arith.constant 768 : i32
        %dma_wait3A_723 = arith.constant 0 : i32
        %dma_wait3A_724 = tpu.memref_slice %arg9[%dma_wait3A_722, %dma_wait3A_723] : memref<1024x16xf32, #tpu.memory_space<vmem>> -> memref<128x16xf32, #tpu.memory_space<vmem>>
        %dma_wait3A_725 = arith.constant 0 : i32
        %dma_wait3A_726 = tpu.memref_slice %arg7[%add3A_573, %dma_wait3A_725] : memref<112x128xi32, #tpu.memory_space<vmem>> -> memref<1x128xi32, #tpu.memory_space<vmem>>
        %dma_wait3A_727 = tpu.memref_squeeze %dma_wait3A_726 : memref<1x128xi32, #tpu.memory_space<vmem>> -> memref<128xi32, #tpu.memory_space<vmem>>
        %dma_wait3A_728 = arith.constant 0 : i32
        %dma_wait3A_729 = arith.constant 0 : i32
        %dma_wait3A_730 = tpu.memref_slice %arg11[%dma_wait3A_728, %dma_wait3A_729] : memref<10112x16xf32, #tpu.memory_space<vmem_shared>> -> memref<10112x16xf32, #tpu.memory_space<vmem_shared>>
        tpu.wait_indirect_dma semaphore(%arg15 : memref<!tpu.dma_semaphore, #tpu.memory_space<semaphore_mem>>) src(%dma_wait3A_724 : memref<128x16xf32, #tpu.memory_space<vmem>>) dst(%dma_wait3A_730 : memref<10112x16xf32, #tpu.memory_space<vmem_shared>>)
        %dma_wait3A_731 = arith.constant 896 : i32
        %dma_wait3A_732 = arith.constant 0 : i32
        %dma_wait3A_733 = tpu.memref_slice %arg9[%dma_wait3A_731, %dma_wait3A_732] : memref<1024x16xf32, #tpu.memory_space<vmem>> -> memref<128x16xf32, #tpu.memory_space<vmem>>
        %dma_wait3A_734 = arith.constant 0 : i32
        %dma_wait3A_735 = tpu.memref_slice %arg7[%add3A_586, %dma_wait3A_734] : memref<112x128xi32, #tpu.memory_space<vmem>> -> memref<1x128xi32, #tpu.memory_space<vmem>>
        %dma_wait3A_736 = tpu.memref_squeeze %dma_wait3A_735 : memref<1x128xi32, #tpu.memory_space<vmem>> -> memref<128xi32, #tpu.memory_space<vmem>>
        %dma_wait3A_737 = arith.constant 0 : i32
        %dma_wait3A_738 = arith.constant 0 : i32
        %dma_wait3A_739 = tpu.memref_slice %arg11[%dma_wait3A_737, %dma_wait3A_738] : memref<10112x16xf32, #tpu.memory_space<vmem_shared>> -> memref<10112x16xf32, #tpu.memory_space<vmem_shared>>
        tpu.wait_indirect_dma semaphore(%arg15 : memref<!tpu.dma_semaphore, #tpu.memory_space<semaphore_mem>>) src(%dma_wait3A_733 : memref<128x16xf32, #tpu.memory_space<vmem>>) dst(%dma_wait3A_739 : memref<10112x16xf32, #tpu.memory_space<vmem_shared>>)
      } else {
      }
    }
    %scan3A_20 = arith.constant 7 : i32
    %barrier3A_21 = arith.constant 0 : index
    tpu.barrier barrier_id(%barrier3A_21)
    %mul3A_22 = arith.constant 632 : i32
    %mul3A_23 = arith.muli %arg1, %mul3A_22 : i32
    %mul3A_24 = arith.constant 632 : i32
    %mul3A_25 = arith.muli %arg1, %mul3A_24 : i32
    "tpu.region"() ({
      %run_scoped3A = tpu.sem_alloc : memref<!tpu.dma_semaphore, #tpu.memory_space<semaphore_mem>>
      %dma_start3A = arith.constant 0 : i32
      %dma_start3A_26 = tpu.memref_slice %arg5[%arg0, %mul3A_25, %dma_start3A] : memref<2x10112x16xf32, #tpu.memory_space<hbm>> -> memref<1x632x16xf32, #tpu.memory_space<hbm>>
      %dma_start3A_27 = tpu.memref_squeeze %dma_start3A_26 : memref<1x632x16xf32, #tpu.memory_space<hbm>> -> memref<632x16xf32, #tpu.memory_space<hbm>>
      %dma_start3A_28 = arith.constant 0 : i32
      %dma_start3A_29 = tpu.memref_slice %arg11[%mul3A_23, %dma_start3A_28] : memref<10112x16xf32, #tpu.memory_space<vmem_shared>> -> memref<632x16xf32, #tpu.memory_space<vmem_shared>>
      tpu.enqueue_dma source(%dma_start3A_29 : memref<632x16xf32, #tpu.memory_space<vmem_shared>>) target(%dma_start3A_27 : memref<632x16xf32, #tpu.memory_space<hbm>>) target_semaphore(%run_scoped3A : memref<!tpu.dma_semaphore, #tpu.memory_space<semaphore_mem>>)
      %dma_wait3A = arith.constant 0 : i32
      %dma_wait3A_30 = tpu.memref_slice %arg5[%arg0, %mul3A_25, %dma_wait3A] : memref<2x10112x16xf32, #tpu.memory_space<hbm>> -> memref<1x632x16xf32, #tpu.memory_space<hbm>>
      %dma_wait3A_31 = tpu.memref_squeeze %dma_wait3A_30 : memref<1x632x16xf32, #tpu.memory_space<hbm>> -> memref<632x16xf32, #tpu.memory_space<hbm>>
      %dma_wait3A_32 = arith.constant 0 : i32
      %dma_wait3A_33 = tpu.memref_slice %arg11[%mul3A_23, %dma_wait3A_32] : memref<10112x16xf32, #tpu.memory_space<vmem_shared>> -> memref<632x16xf32, #tpu.memory_space<vmem_shared>>
      tpu.wait_dma2 semaphore(%run_scoped3A : memref<!tpu.dma_semaphore, #tpu.memory_space<semaphore_mem>>) src(%dma_wait3A_33 : memref<632x16xf32, #tpu.memory_space<vmem_shared>>) dst(%dma_wait3A_31 : memref<632x16xf32, #tpu.memory_space<hbm>>)
      tpu.yield
    }) : () -> ()
    return
  }
}

#map = affine_map<(d0, d1) -> (0, 0)>
#map1 = affine_map<(d0, d1) -> (0, 0, 0)>
module attributes {stable_mosaic.version = 14 : i64} {
  func.func @_deg_sc(%arg0: i32, %arg1: i32, %arg2: memref<2624x128xi32, #tpu.memory_space<hbm>>, %arg3: memref<2x10112x16xf32, #tpu.memory_space<hbm>>, %arg4: memref<80x128xi32, #tpu.memory_space<vmem>>, %arg5: memref<128x16xf32, #tpu.memory_space<vmem>>, %arg6: memref<632x16xf32, #tpu.memory_space<vmem>>, %arg7: memref<10112x16xf32, #tpu.memory_space<vmem_shared>>, %arg8: memref<!tpu.dma_semaphore, #tpu.memory_space<semaphore_mem>>) attributes {dimension_semantics = [#tpu.dimension_semantics<core_parallel>, #tpu.dimension_semantics<subcore_parallel>], iteration_bounds = array<i64: 2, 16>, scalar_prefetch = 0 : i64, scratch_operands = 5 : i64, tpu.core_type = #tpu.core_type<sc_vector_subcore>, window_params = [{transform_indices = #map}, {transform_indices = #map1}]} {
    %mul3A = arith.constant 16 : i32
    %mul3A_0 = arith.muli %arg0, %mul3A : i32
    %add3A = arith.addi %mul3A_0, %arg1 : i32
    %mul3A_1 = arith.constant 80 : i32
    %mul3A_2 = arith.muli %add3A, %mul3A_1 : i32
    "tpu.region"() ({
      %run_scoped3A = tpu.sem_alloc : memref<!tpu.dma_semaphore, #tpu.memory_space<semaphore_mem>>
      %dma_start3A = arith.constant 0 : i32
      %dma_start3A_24 = tpu.memref_slice %arg2[%mul3A_2, %dma_start3A] : memref<2624x128xi32, #tpu.memory_space<hbm>> -> memref<80x128xi32, #tpu.memory_space<hbm>>
      %dma_start3A_25 = arith.constant 0 : i32
      %dma_start3A_26 = tpu.memref_slice %arg2[%mul3A_2, %dma_start3A_25] : memref<2624x128xi32, #tpu.memory_space<hbm>> -> memref<80x128xi32, #tpu.memory_space<hbm>>
      tpu.enqueue_dma source(%dma_start3A_26 : memref<80x128xi32, #tpu.memory_space<hbm>>) target(%arg4 : memref<80x128xi32, #tpu.memory_space<vmem>>) target_semaphore(%run_scoped3A : memref<!tpu.dma_semaphore, #tpu.memory_space<semaphore_mem>>)
      %dma_wait3A = arith.constant 0 : i32
      %dma_wait3A_27 = tpu.memref_slice %arg2[%mul3A_2, %dma_wait3A] : memref<2624x128xi32, #tpu.memory_space<hbm>> -> memref<80x128xi32, #tpu.memory_space<hbm>>
      %dma_wait3A_28 = arith.constant 0 : i32
      %dma_wait3A_29 = tpu.memref_slice %arg2[%mul3A_2, %dma_wait3A_28] : memref<2624x128xi32, #tpu.memory_space<hbm>> -> memref<80x128xi32, #tpu.memory_space<hbm>>
      tpu.wait_dma2 semaphore(%run_scoped3A : memref<!tpu.dma_semaphore, #tpu.memory_space<semaphore_mem>>) src(%dma_wait3A_29 : memref<80x128xi32, #tpu.memory_space<hbm>>) dst(%arg4 : memref<80x128xi32, #tpu.memory_space<vmem>>)
      tpu.yield
    }) : () -> ()
    %scan3A = arith.constant 0 : i32
    %scan3A_3 = arith.constant 632 : i32
    %scan3A_4 = arith.addi %scan3A, %scan3A_3 : i32
    %scan3A_5 = arith.constant 1 : i32
    scf.for %scan3A_24 = %scan3A to %scan3A_4 step %scan3A_5  : i32 {
      %mul3A_25 = arith.constant 1 : i32
      %mul3A_26 = arith.muli %scan3A_24, %mul3A_25 : i32
      %add3A_27 = arith.constant 0 : i32
      %add3A_28 = arith.addi %add3A_27, %mul3A_26 : i32
      %broadcast_in_dim3A = arith.constant 0.000000e+00 : f32
      %broadcast_in_dim3A_29 = vector.broadcast %broadcast_in_dim3A : f32 to vector<16xf32>
      %swap3A = arith.index_cast %add3A_28 : i32 to index
      %swap3A_30 = arith.constant 0 : index
      %swap3A_31 = tpu.vector_load %arg6[%swap3A, %swap3A_30] {strides = array<i32>} : memref<632x16xf32, #tpu.memory_space<vmem>>, vector<1x16xf32>,
      %swap3A_32 = vector.shape_cast %swap3A_31 : vector<1x16xf32> to vector<16xf32>
      %swap3A_33 = vector.shape_cast %broadcast_in_dim3A_29 : vector<16xf32> to vector<1x16xf32>
      tpu.vector_store %arg6[%swap3A, %swap3A_30], %swap3A_33 {strides = array<i32>} : memref<632x16xf32, #tpu.memory_space<vmem>>, vector<1x16xf32>,
    }
    %scan3A_6 = arith.constant 632 : i32
    %scan3A_7 = arith.constant 0 : i32
    %scan3A_8 = arith.constant 128 : i32
    %scan3A_9 = arith.addi %scan3A_7, %scan3A_8 : i32
    %scan3A_10 = arith.constant 1 : i32
    scf.for %scan3A_24 = %scan3A_7 to %scan3A_9 step %scan3A_10  : i32 {
      %mul3A_25 = arith.constant 1 : i32
      %mul3A_26 = arith.muli %scan3A_24, %mul3A_25 : i32
      %add3A_27 = arith.constant 0 : i32
      %add3A_28 = arith.addi %add3A_27, %mul3A_26 : i32
      %broadcast_in_dim3A = arith.constant 1.000000e+00 : f32
      %broadcast_in_dim3A_29 = vector.broadcast %broadcast_in_dim3A : f32 to vector<16xf32>
      %swap3A = arith.index_cast %add3A_28 : i32 to index
      %swap3A_30 = arith.constant 0 : index
      %swap3A_31 = tpu.vector_load %arg5[%swap3A, %swap3A_30] {strides = array<i32>} : memref<128x16xf32, #tpu.memory_space<vmem>>, vector<1x16xf32>,
      %swap3A_32 = vector.shape_cast %swap3A_31 : vector<1x16xf32> to vector<16xf32>
      %swap3A_33 = vector.shape_cast %broadcast_in_dim3A_29 : vector<16xf32> to vector<1x16xf32>
      tpu.vector_store %arg5[%swap3A, %swap3A_30], %swap3A_33 {strides = array<i32>} : memref<128x16xf32, #tpu.memory_space<vmem>>, vector<1x16xf32>,
    }
    %scan3A_11 = arith.constant 128 : i32
    %mul3A_12 = arith.constant 632 : i32
    %mul3A_13 = arith.muli %arg1, %mul3A_12 : i32
    "tpu.region"() ({
      %run_scoped3A = tpu.sem_alloc : memref<!tpu.dma_semaphore, #tpu.memory_space<semaphore_mem>>
      %dma_start3A = arith.constant 0 : i32
      %dma_start3A_24 = tpu.memref_slice %arg7[%mul3A_13, %dma_start3A] : memref<10112x16xf32, #tpu.memory_space<vmem_shared>> -> memref<632x16xf32, #tpu.memory_space<vmem_shared>>
      %dma_start3A_25 = arith.constant 0 : i32
      %dma_start3A_26 = tpu.memref_slice %arg7[%mul3A_13, %dma_start3A_25] : memref<10112x16xf32, #tpu.memory_space<vmem_shared>> -> memref<632x16xf32, #tpu.memory_space<vmem_shared>>
      tpu.enqueue_dma source(%arg6 : memref<632x16xf32, #tpu.memory_space<vmem>>) target(%dma_start3A_26 : memref<632x16xf32, #tpu.memory_space<vmem_shared>>) target_semaphore(%run_scoped3A : memref<!tpu.dma_semaphore, #tpu.memory_space<semaphore_mem>>)
      %dma_wait3A = arith.constant 0 : i32
      %dma_wait3A_27 = tpu.memref_slice %arg7[%mul3A_13, %dma_wait3A] : memref<10112x16xf32, #tpu.memory_space<vmem_shared>> -> memref<632x16xf32, #tpu.memory_space<vmem_shared>>
      %dma_wait3A_28 = arith.constant 0 : i32
      %dma_wait3A_29 = tpu.memref_slice %arg7[%mul3A_13, %dma_wait3A_28] : memref<10112x16xf32, #tpu.memory_space<vmem_shared>> -> memref<632x16xf32, #tpu.memory_space<vmem_shared>>
      tpu.wait_dma2 semaphore(%run_scoped3A : memref<!tpu.dma_semaphore, #tpu.memory_space<semaphore_mem>>) src(%arg6 : memref<632x16xf32, #tpu.memory_space<vmem>>) dst(%dma_wait3A_29 : memref<632x16xf32, #tpu.memory_space<vmem_shared>>)
      tpu.yield
    }) : () -> ()
    %barrier3A = arith.constant 0 : index
    tpu.barrier barrier_id(%barrier3A)
    %scan3A_14 = arith.constant 0 : i32
    %scan3A_15 = arith.constant 5 : i32
    %scan3A_16 = arith.addi %scan3A_14, %scan3A_15 : i32
    %scan3A_17 = arith.constant 1 : i32
    scf.for %scan3A_24 = %scan3A_14 to %scan3A_16 step %scan3A_17  : i32 {
      %mul3A_25 = arith.constant 1 : i32
      %mul3A_26 = arith.muli %scan3A_24, %mul3A_25 : i32
      %add3A_27 = arith.constant 0 : i32
      %add3A_28 = arith.addi %add3A_27, %mul3A_26 : i32
      %mul3A_29 = arith.constant 2 : i32
      %mul3A_30 = arith.muli %add3A_28, %mul3A_29 : i32
      %mul3A_31 = arith.constant 8 : i32
      %mul3A_32 = arith.muli %mul3A_30, %mul3A_31 : i32
      %add3A_33 = arith.constant 0 : i32
      %add3A_34 = arith.addi %mul3A_32, %add3A_33 : i32
      %dma_start3A = arith.constant 0 : i32
      %dma_start3A_35 = tpu.memref_slice %arg4[%add3A_34, %dma_start3A] : memref<80x128xi32, #tpu.memory_space<vmem>> -> memref<1x128xi32, #tpu.memory_space<vmem>>
      %dma_start3A_36 = tpu.memref_squeeze %dma_start3A_35 : memref<1x128xi32, #tpu.memory_space<vmem>> -> memref<128xi32, #tpu.memory_space<vmem>>
      %dma_start3A_37 = arith.constant 0 : i32
      %dma_start3A_38 = arith.constant 0 : i32
      %dma_start3A_39 = tpu.memref_slice %arg7[%dma_start3A_37, %dma_start3A_38] : memref<10112x16xf32, #tpu.memory_space<vmem_shared>> -> memref<10112x16xf32, #tpu.memory_space<vmem_shared>>
      tpu.enqueue_indirect_dma source(%arg5 : memref<128x16xf32, #tpu.memory_space<vmem>>) target(%dma_start3A_39 : memref<10112x16xf32, #tpu.memory_space<vmem_shared>>) offsets(%dma_start3A_36 : memref<128xi32, #tpu.memory_space<vmem>>) semaphore(%arg8 : memref<!tpu.dma_semaphore, #tpu.memory_space<semaphore_mem>>) {add = true}
      %mul3A_40 = arith.constant 2 : i32
      %mul3A_41 = arith.muli %add3A_28, %mul3A_40 : i32
      %mul3A_42 = arith.constant 8 : i32
      %mul3A_43 = arith.muli %mul3A_41, %mul3A_42 : i32
      %add3A_44 = arith.constant 1 : i32
      %add3A_45 = arith.addi %mul3A_43, %add3A_44 : i32
      %dma_start3A_46 = arith.constant 0 : i32
      %dma_start3A_47 = tpu.memref_slice %arg4[%add3A_45, %dma_start3A_46] : memref<80x128xi32, #tpu.memory_space<vmem>> -> memref<1x128xi32, #tpu.memory_space<vmem>>
      %dma_start3A_48 = tpu.memref_squeeze %dma_start3A_47 : memref<1x128xi32, #tpu.memory_space<vmem>> -> memref<128xi32, #tpu.memory_space<vmem>>
      %dma_start3A_49 = arith.constant 0 : i32
      %dma_start3A_50 = arith.constant 0 : i32
      %dma_start3A_51 = tpu.memref_slice %arg7[%dma_start3A_49, %dma_start3A_50] : memref<10112x16xf32, #tpu.memory_space<vmem_shared>> -> memref<10112x16xf32, #tpu.memory_space<vmem_shared>>
      tpu.enqueue_indirect_dma source(%arg5 : memref<128x16xf32, #tpu.memory_space<vmem>>) target(%dma_start3A_51 : memref<10112x16xf32, #tpu.memory_space<vmem_shared>>) offsets(%dma_start3A_48 : memref<128xi32, #tpu.memory_space<vmem>>) semaphore(%arg8 : memref<!tpu.dma_semaphore, #tpu.memory_space<semaphore_mem>>) {add = true}
      %mul3A_52 = arith.constant 2 : i32
      %mul3A_53 = arith.muli %add3A_28, %mul3A_52 : i32
      %mul3A_54 = arith.constant 8 : i32
      %mul3A_55 = arith.muli %mul3A_53, %mul3A_54 : i32
      %add3A_56 = arith.constant 2 : i32
      %add3A_57 = arith.addi %mul3A_55, %add3A_56 : i32
      %dma_start3A_58 = arith.constant 0 : i32
      %dma_start3A_59 = tpu.memref_slice %arg4[%add3A_57, %dma_start3A_58] : memref<80x128xi32, #tpu.memory_space<vmem>> -> memref<1x128xi32, #tpu.memory_space<vmem>>
      %dma_start3A_60 = tpu.memref_squeeze %dma_start3A_59 : memref<1x128xi32, #tpu.memory_space<vmem>> -> memref<128xi32, #tpu.memory_space<vmem>>
      %dma_start3A_61 = arith.constant 0 : i32
      %dma_start3A_62 = arith.constant 0 : i32
      %dma_start3A_63 = tpu.memref_slice %arg7[%dma_start3A_61, %dma_start3A_62] : memref<10112x16xf32, #tpu.memory_space<vmem_shared>> -> memref<10112x16xf32, #tpu.memory_space<vmem_shared>>
      tpu.enqueue_indirect_dma source(%arg5 : memref<128x16xf32, #tpu.memory_space<vmem>>) target(%dma_start3A_63 : memref<10112x16xf32, #tpu.memory_space<vmem_shared>>) offsets(%dma_start3A_60 : memref<128xi32, #tpu.memory_space<vmem>>) semaphore(%arg8 : memref<!tpu.dma_semaphore, #tpu.memory_space<semaphore_mem>>) {add = true}
      %mul3A_64 = arith.constant 2 : i32
      %mul3A_65 = arith.muli %add3A_28, %mul3A_64 : i32
      %mul3A_66 = arith.constant 8 : i32
      %mul3A_67 = arith.muli %mul3A_65, %mul3A_66 : i32
      %add3A_68 = arith.constant 3 : i32
      %add3A_69 = arith.addi %mul3A_67, %add3A_68 : i32
      %dma_start3A_70 = arith.constant 0 : i32
      %dma_start3A_71 = tpu.memref_slice %arg4[%add3A_69, %dma_start3A_70] : memref<80x128xi32, #tpu.memory_space<vmem>> -> memref<1x128xi32, #tpu.memory_space<vmem>>
      %dma_start3A_72 = tpu.memref_squeeze %dma_start3A_71 : memref<1x128xi32, #tpu.memory_space<vmem>> -> memref<128xi32, #tpu.memory_space<vmem>>
      %dma_start3A_73 = arith.constant 0 : i32
      %dma_start3A_74 = arith.constant 0 : i32
      %dma_start3A_75 = tpu.memref_slice %arg7[%dma_start3A_73, %dma_start3A_74] : memref<10112x16xf32, #tpu.memory_space<vmem_shared>> -> memref<10112x16xf32, #tpu.memory_space<vmem_shared>>
      tpu.enqueue_indirect_dma source(%arg5 : memref<128x16xf32, #tpu.memory_space<vmem>>) target(%dma_start3A_75 : memref<10112x16xf32, #tpu.memory_space<vmem_shared>>) offsets(%dma_start3A_72 : memref<128xi32, #tpu.memory_space<vmem>>) semaphore(%arg8 : memref<!tpu.dma_semaphore, #tpu.memory_space<semaphore_mem>>) {add = true}
      %mul3A_76 = arith.constant 2 : i32
      %mul3A_77 = arith.muli %add3A_28, %mul3A_76 : i32
      %mul3A_78 = arith.constant 8 : i32
      %mul3A_79 = arith.muli %mul3A_77, %mul3A_78 : i32
      %add3A_80 = arith.constant 4 : i32
      %add3A_81 = arith.addi %mul3A_79, %add3A_80 : i32
      %dma_start3A_82 = arith.constant 0 : i32
      %dma_start3A_83 = tpu.memref_slice %arg4[%add3A_81, %dma_start3A_82] : memref<80x128xi32, #tpu.memory_space<vmem>> -> memref<1x128xi32, #tpu.memory_space<vmem>>
      %dma_start3A_84 = tpu.memref_squeeze %dma_start3A_83 : memref<1x128xi32, #tpu.memory_space<vmem>> -> memref<128xi32, #tpu.memory_space<vmem>>
      %dma_start3A_85 = arith.constant 0 : i32
      %dma_start3A_86 = arith.constant 0 : i32
      %dma_start3A_87 = tpu.memref_slice %arg7[%dma_start3A_85, %dma_start3A_86] : memref<10112x16xf32, #tpu.memory_space<vmem_shared>> -> memref<10112x16xf32, #tpu.memory_space<vmem_shared>>
      tpu.enqueue_indirect_dma source(%arg5 : memref<128x16xf32, #tpu.memory_space<vmem>>) target(%dma_start3A_87 : memref<10112x16xf32, #tpu.memory_space<vmem_shared>>) offsets(%dma_start3A_84 : memref<128xi32, #tpu.memory_space<vmem>>) semaphore(%arg8 : memref<!tpu.dma_semaphore, #tpu.memory_space<semaphore_mem>>) {add = true}
      %mul3A_88 = arith.constant 2 : i32
      %mul3A_89 = arith.muli %add3A_28, %mul3A_88 : i32
      %mul3A_90 = arith.constant 8 : i32
      %mul3A_91 = arith.muli %mul3A_89, %mul3A_90 : i32
      %add3A_92 = arith.constant 5 : i32
      %add3A_93 = arith.addi %mul3A_91, %add3A_92 : i32
      %dma_start3A_94 = arith.constant 0 : i32
      %dma_start3A_95 = tpu.memref_slice %arg4[%add3A_93, %dma_start3A_94] : memref<80x128xi32, #tpu.memory_space<vmem>> -> memref<1x128xi32, #tpu.memory_space<vmem>>
      %dma_start3A_96 = tpu.memref_squeeze %dma_start3A_95 : memref<1x128xi32, #tpu.memory_space<vmem>> -> memref<128xi32, #tpu.memory_space<vmem>>
      %dma_start3A_97 = arith.constant 0 : i32
      %dma_start3A_98 = arith.constant 0 : i32
      %dma_start3A_99 = tpu.memref_slice %arg7[%dma_start3A_97, %dma_start3A_98] : memref<10112x16xf32, #tpu.memory_space<vmem_shared>> -> memref<10112x16xf32, #tpu.memory_space<vmem_shared>>
      tpu.enqueue_indirect_dma source(%arg5 : memref<128x16xf32, #tpu.memory_space<vmem>>) target(%dma_start3A_99 : memref<10112x16xf32, #tpu.memory_space<vmem_shared>>) offsets(%dma_start3A_96 : memref<128xi32, #tpu.memory_space<vmem>>) semaphore(%arg8 : memref<!tpu.dma_semaphore, #tpu.memory_space<semaphore_mem>>) {add = true}
      %mul3A_100 = arith.constant 2 : i32
      %mul3A_101 = arith.muli %add3A_28, %mul3A_100 : i32
      %mul3A_102 = arith.constant 8 : i32
      %mul3A_103 = arith.muli %mul3A_101, %mul3A_102 : i32
      %add3A_104 = arith.constant 6 : i32
      %add3A_105 = arith.addi %mul3A_103, %add3A_104 : i32
      %dma_start3A_106 = arith.constant 0 : i32
      %dma_start3A_107 = tpu.memref_slice %arg4[%add3A_105, %dma_start3A_106] : memref<80x128xi32, #tpu.memory_space<vmem>> -> memref<1x128xi32, #tpu.memory_space<vmem>>
      %dma_start3A_108 = tpu.memref_squeeze %dma_start3A_107 : memref<1x128xi32, #tpu.memory_space<vmem>> -> memref<128xi32, #tpu.memory_space<vmem>>
      %dma_start3A_109 = arith.constant 0 : i32
      %dma_start3A_110 = arith.constant 0 : i32
      %dma_start3A_111 = tpu.memref_slice %arg7[%dma_start3A_109, %dma_start3A_110] : memref<10112x16xf32, #tpu.memory_space<vmem_shared>> -> memref<10112x16xf32, #tpu.memory_space<vmem_shared>>
      tpu.enqueue_indirect_dma source(%arg5 : memref<128x16xf32, #tpu.memory_space<vmem>>) target(%dma_start3A_111 : memref<10112x16xf32, #tpu.memory_space<vmem_shared>>) offsets(%dma_start3A_108 : memref<128xi32, #tpu.memory_space<vmem>>) semaphore(%arg8 : memref<!tpu.dma_semaphore, #tpu.memory_space<semaphore_mem>>) {add = true}
      %mul3A_112 = arith.constant 2 : i32
      %mul3A_113 = arith.muli %add3A_28, %mul3A_112 : i32
      %mul3A_114 = arith.constant 8 : i32
      %mul3A_115 = arith.muli %mul3A_113, %mul3A_114 : i32
      %add3A_116 = arith.constant 7 : i32
      %add3A_117 = arith.addi %mul3A_115, %add3A_116 : i32
      %dma_start3A_118 = arith.constant 0 : i32
      %dma_start3A_119 = tpu.memref_slice %arg4[%add3A_117, %dma_start3A_118] : memref<80x128xi32, #tpu.memory_space<vmem>> -> memref<1x128xi32, #tpu.memory_space<vmem>>
      %dma_start3A_120 = tpu.memref_squeeze %dma_start3A_119 : memref<1x128xi32, #tpu.memory_space<vmem>> -> memref<128xi32, #tpu.memory_space<vmem>>
      %dma_start3A_121 = arith.constant 0 : i32
      %dma_start3A_122 = arith.constant 0 : i32
      %dma_start3A_123 = tpu.memref_slice %arg7[%dma_start3A_121, %dma_start3A_122] : memref<10112x16xf32, #tpu.memory_space<vmem_shared>> -> memref<10112x16xf32, #tpu.memory_space<vmem_shared>>
      tpu.enqueue_indirect_dma source(%arg5 : memref<128x16xf32, #tpu.memory_space<vmem>>) target(%dma_start3A_123 : memref<10112x16xf32, #tpu.memory_space<vmem_shared>>) offsets(%dma_start3A_120 : memref<128xi32, #tpu.memory_space<vmem>>) semaphore(%arg8 : memref<!tpu.dma_semaphore, #tpu.memory_space<semaphore_mem>>) {add = true}
      %mul3A_124 = arith.constant 2 : i32
      %mul3A_125 = arith.muli %add3A_28, %mul3A_124 : i32
      %mul3A_126 = arith.constant 8 : i32
      %mul3A_127 = arith.muli %mul3A_125, %mul3A_126 : i32
      %add3A_128 = arith.constant 8 : i32
      %add3A_129 = arith.addi %mul3A_127, %add3A_128 : i32
      %dma_start3A_130 = arith.constant 0 : i32
      %dma_start3A_131 = tpu.memref_slice %arg4[%add3A_129, %dma_start3A_130] : memref<80x128xi32, #tpu.memory_space<vmem>> -> memref<1x128xi32, #tpu.memory_space<vmem>>
      %dma_start3A_132 = tpu.memref_squeeze %dma_start3A_131 : memref<1x128xi32, #tpu.memory_space<vmem>> -> memref<128xi32, #tpu.memory_space<vmem>>
      %dma_start3A_133 = arith.constant 0 : i32
      %dma_start3A_134 = arith.constant 0 : i32
      %dma_start3A_135 = tpu.memref_slice %arg7[%dma_start3A_133, %dma_start3A_134] : memref<10112x16xf32, #tpu.memory_space<vmem_shared>> -> memref<10112x16xf32, #tpu.memory_space<vmem_shared>>
      tpu.enqueue_indirect_dma source(%arg5 : memref<128x16xf32, #tpu.memory_space<vmem>>) target(%dma_start3A_135 : memref<10112x16xf32, #tpu.memory_space<vmem_shared>>) offsets(%dma_start3A_132 : memref<128xi32, #tpu.memory_space<vmem>>) semaphore(%arg8 : memref<!tpu.dma_semaphore, #tpu.memory_space<semaphore_mem>>) {add = true}
      %mul3A_136 = arith.constant 2 : i32
      %mul3A_137 = arith.muli %add3A_28, %mul3A_136 : i32
      %mul3A_138 = arith.constant 8 : i32
      %mul3A_139 = arith.muli %mul3A_137, %mul3A_138 : i32
      %add3A_140 = arith.constant 9 : i32
      %add3A_141 = arith.addi %mul3A_139, %add3A_140 : i32
      %dma_start3A_142 = arith.constant 0 : i32
      %dma_start3A_143 = tpu.memref_slice %arg4[%add3A_141, %dma_start3A_142] : memref<80x128xi32, #tpu.memory_space<vmem>> -> memref<1x128xi32, #tpu.memory_space<vmem>>
      %dma_start3A_144 = tpu.memref_squeeze %dma_start3A_143 : memref<1x128xi32, #tpu.memory_space<vmem>> -> memref<128xi32, #tpu.memory_space<vmem>>
      %dma_start3A_145 = arith.constant 0 : i32
      %dma_start3A_146 = arith.constant 0 : i32
      %dma_start3A_147 = tpu.memref_slice %arg7[%dma_start3A_145, %dma_start3A_146] : memref<10112x16xf32, #tpu.memory_space<vmem_shared>> -> memref<10112x16xf32, #tpu.memory_space<vmem_shared>>
      tpu.enqueue_indirect_dma source(%arg5 : memref<128x16xf32, #tpu.memory_space<vmem>>) target(%dma_start3A_147 : memref<10112x16xf32, #tpu.memory_space<vmem_shared>>) offsets(%dma_start3A_144 : memref<128xi32, #tpu.memory_space<vmem>>) semaphore(%arg8 : memref<!tpu.dma_semaphore, #tpu.memory_space<semaphore_mem>>) {add = true}
      %mul3A_148 = arith.constant 2 : i32
      %mul3A_149 = arith.muli %add3A_28, %mul3A_148 : i32
      %mul3A_150 = arith.constant 8 : i32
      %mul3A_151 = arith.muli %mul3A_149, %mul3A_150 : i32
      %add3A_152 = arith.constant 10 : i32
      %add3A_153 = arith.addi %mul3A_151, %add3A_152 : i32
      %dma_start3A_154 = arith.constant 0 : i32
      %dma_start3A_155 = tpu.memref_slice %arg4[%add3A_153, %dma_start3A_154] : memref<80x128xi32, #tpu.memory_space<vmem>> -> memref<1x128xi32, #tpu.memory_space<vmem>>
      %dma_start3A_156 = tpu.memref_squeeze %dma_start3A_155 : memref<1x128xi32, #tpu.memory_space<vmem>> -> memref<128xi32, #tpu.memory_space<vmem>>
      %dma_start3A_157 = arith.constant 0 : i32
      %dma_start3A_158 = arith.constant 0 : i32
      %dma_start3A_159 = tpu.memref_slice %arg7[%dma_start3A_157, %dma_start3A_158] : memref<10112x16xf32, #tpu.memory_space<vmem_shared>> -> memref<10112x16xf32, #tpu.memory_space<vmem_shared>>
      tpu.enqueue_indirect_dma source(%arg5 : memref<128x16xf32, #tpu.memory_space<vmem>>) target(%dma_start3A_159 : memref<10112x16xf32, #tpu.memory_space<vmem_shared>>) offsets(%dma_start3A_156 : memref<128xi32, #tpu.memory_space<vmem>>) semaphore(%arg8 : memref<!tpu.dma_semaphore, #tpu.memory_space<semaphore_mem>>) {add = true}
      %mul3A_160 = arith.constant 2 : i32
      %mul3A_161 = arith.muli %add3A_28, %mul3A_160 : i32
      %mul3A_162 = arith.constant 8 : i32
      %mul3A_163 = arith.muli %mul3A_161, %mul3A_162 : i32
      %add3A_164 = arith.constant 11 : i32
      %add3A_165 = arith.addi %mul3A_163, %add3A_164 : i32
      %dma_start3A_166 = arith.constant 0 : i32
      %dma_start3A_167 = tpu.memref_slice %arg4[%add3A_165, %dma_start3A_166] : memref<80x128xi32, #tpu.memory_space<vmem>> -> memref<1x128xi32, #tpu.memory_space<vmem>>
      %dma_start3A_168 = tpu.memref_squeeze %dma_start3A_167 : memref<1x128xi32, #tpu.memory_space<vmem>> -> memref<128xi32, #tpu.memory_space<vmem>>
      %dma_start3A_169 = arith.constant 0 : i32
      %dma_start3A_170 = arith.constant 0 : i32
      %dma_start3A_171 = tpu.memref_slice %arg7[%dma_start3A_169, %dma_start3A_170] : memref<10112x16xf32, #tpu.memory_space<vmem_shared>> -> memref<10112x16xf32, #tpu.memory_space<vmem_shared>>
      tpu.enqueue_indirect_dma source(%arg5 : memref<128x16xf32, #tpu.memory_space<vmem>>) target(%dma_start3A_171 : memref<10112x16xf32, #tpu.memory_space<vmem_shared>>) offsets(%dma_start3A_168 : memref<128xi32, #tpu.memory_space<vmem>>) semaphore(%arg8 : memref<!tpu.dma_semaphore, #tpu.memory_space<semaphore_mem>>) {add = true}
      %mul3A_172 = arith.constant 2 : i32
      %mul3A_173 = arith.muli %add3A_28, %mul3A_172 : i32
      %mul3A_174 = arith.constant 8 : i32
      %mul3A_175 = arith.muli %mul3A_173, %mul3A_174 : i32
      %add3A_176 = arith.constant 12 : i32
      %add3A_177 = arith.addi %mul3A_175, %add3A_176 : i32
      %dma_start3A_178 = arith.constant 0 : i32
      %dma_start3A_179 = tpu.memref_slice %arg4[%add3A_177, %dma_start3A_178] : memref<80x128xi32, #tpu.memory_space<vmem>> -> memref<1x128xi32, #tpu.memory_space<vmem>>
      %dma_start3A_180 = tpu.memref_squeeze %dma_start3A_179 : memref<1x128xi32, #tpu.memory_space<vmem>> -> memref<128xi32, #tpu.memory_space<vmem>>
      %dma_start3A_181 = arith.constant 0 : i32
      %dma_start3A_182 = arith.constant 0 : i32
      %dma_start3A_183 = tpu.memref_slice %arg7[%dma_start3A_181, %dma_start3A_182] : memref<10112x16xf32, #tpu.memory_space<vmem_shared>> -> memref<10112x16xf32, #tpu.memory_space<vmem_shared>>
      tpu.enqueue_indirect_dma source(%arg5 : memref<128x16xf32, #tpu.memory_space<vmem>>) target(%dma_start3A_183 : memref<10112x16xf32, #tpu.memory_space<vmem_shared>>) offsets(%dma_start3A_180 : memref<128xi32, #tpu.memory_space<vmem>>) semaphore(%arg8 : memref<!tpu.dma_semaphore, #tpu.memory_space<semaphore_mem>>) {add = true}
      %mul3A_184 = arith.constant 2 : i32
      %mul3A_185 = arith.muli %add3A_28, %mul3A_184 : i32
      %mul3A_186 = arith.constant 8 : i32
      %mul3A_187 = arith.muli %mul3A_185, %mul3A_186 : i32
      %add3A_188 = arith.constant 13 : i32
      %add3A_189 = arith.addi %mul3A_187, %add3A_188 : i32
      %dma_start3A_190 = arith.constant 0 : i32
      %dma_start3A_191 = tpu.memref_slice %arg4[%add3A_189, %dma_start3A_190] : memref<80x128xi32, #tpu.memory_space<vmem>> -> memref<1x128xi32, #tpu.memory_space<vmem>>
      %dma_start3A_192 = tpu.memref_squeeze %dma_start3A_191 : memref<1x128xi32, #tpu.memory_space<vmem>> -> memref<128xi32, #tpu.memory_space<vmem>>
      %dma_start3A_193 = arith.constant 0 : i32
      %dma_start3A_194 = arith.constant 0 : i32
      %dma_start3A_195 = tpu.memref_slice %arg7[%dma_start3A_193, %dma_start3A_194] : memref<10112x16xf32, #tpu.memory_space<vmem_shared>> -> memref<10112x16xf32, #tpu.memory_space<vmem_shared>>
      tpu.enqueue_indirect_dma source(%arg5 : memref<128x16xf32, #tpu.memory_space<vmem>>) target(%dma_start3A_195 : memref<10112x16xf32, #tpu.memory_space<vmem_shared>>) offsets(%dma_start3A_192 : memref<128xi32, #tpu.memory_space<vmem>>) semaphore(%arg8 : memref<!tpu.dma_semaphore, #tpu.memory_space<semaphore_mem>>) {add = true}
      %mul3A_196 = arith.constant 2 : i32
      %mul3A_197 = arith.muli %add3A_28, %mul3A_196 : i32
      %mul3A_198 = arith.constant 8 : i32
      %mul3A_199 = arith.muli %mul3A_197, %mul3A_198 : i32
      %add3A_200 = arith.constant 14 : i32
      %add3A_201 = arith.addi %mul3A_199, %add3A_200 : i32
      %dma_start3A_202 = arith.constant 0 : i32
      %dma_start3A_203 = tpu.memref_slice %arg4[%add3A_201, %dma_start3A_202] : memref<80x128xi32, #tpu.memory_space<vmem>> -> memref<1x128xi32, #tpu.memory_space<vmem>>
      %dma_start3A_204 = tpu.memref_squeeze %dma_start3A_203 : memref<1x128xi32, #tpu.memory_space<vmem>> -> memref<128xi32, #tpu.memory_space<vmem>>
      %dma_start3A_205 = arith.constant 0 : i32
      %dma_start3A_206 = arith.constant 0 : i32
      %dma_start3A_207 = tpu.memref_slice %arg7[%dma_start3A_205, %dma_start3A_206] : memref<10112x16xf32, #tpu.memory_space<vmem_shared>> -> memref<10112x16xf32, #tpu.memory_space<vmem_shared>>
      tpu.enqueue_indirect_dma source(%arg5 : memref<128x16xf32, #tpu.memory_space<vmem>>) target(%dma_start3A_207 : memref<10112x16xf32, #tpu.memory_space<vmem_shared>>) offsets(%dma_start3A_204 : memref<128xi32, #tpu.memory_space<vmem>>) semaphore(%arg8 : memref<!tpu.dma_semaphore, #tpu.memory_space<semaphore_mem>>) {add = true}
      %mul3A_208 = arith.constant 2 : i32
      %mul3A_209 = arith.muli %add3A_28, %mul3A_208 : i32
      %mul3A_210 = arith.constant 8 : i32
      %mul3A_211 = arith.muli %mul3A_209, %mul3A_210 : i32
      %add3A_212 = arith.constant 15 : i32
      %add3A_213 = arith.addi %mul3A_211, %add3A_212 : i32
      %dma_start3A_214 = arith.constant 0 : i32
      %dma_start3A_215 = tpu.memref_slice %arg4[%add3A_213, %dma_start3A_214] : memref<80x128xi32, #tpu.memory_space<vmem>> -> memref<1x128xi32, #tpu.memory_space<vmem>>
      %dma_start3A_216 = tpu.memref_squeeze %dma_start3A_215 : memref<1x128xi32, #tpu.memory_space<vmem>> -> memref<128xi32, #tpu.memory_space<vmem>>
      %dma_start3A_217 = arith.constant 0 : i32
      %dma_start3A_218 = arith.constant 0 : i32
      %dma_start3A_219 = tpu.memref_slice %arg7[%dma_start3A_217, %dma_start3A_218] : memref<10112x16xf32, #tpu.memory_space<vmem_shared>> -> memref<10112x16xf32, #tpu.memory_space<vmem_shared>>
      tpu.enqueue_indirect_dma source(%arg5 : memref<128x16xf32, #tpu.memory_space<vmem>>) target(%dma_start3A_219 : memref<10112x16xf32, #tpu.memory_space<vmem_shared>>) offsets(%dma_start3A_216 : memref<128xi32, #tpu.memory_space<vmem>>) semaphore(%arg8 : memref<!tpu.dma_semaphore, #tpu.memory_space<semaphore_mem>>) {add = true}
      %dma_wait3A = arith.constant 0 : i32
      %dma_wait3A_220 = tpu.memref_slice %arg4[%add3A_34, %dma_wait3A] : memref<80x128xi32, #tpu.memory_space<vmem>> -> memref<1x128xi32, #tpu.memory_space<vmem>>
      %dma_wait3A_221 = tpu.memref_squeeze %dma_wait3A_220 : memref<1x128xi32, #tpu.memory_space<vmem>> -> memref<128xi32, #tpu.memory_space<vmem>>
      %dma_wait3A_222 = arith.constant 0 : i32
      %dma_wait3A_223 = arith.constant 0 : i32
      %dma_wait3A_224 = tpu.memref_slice %arg7[%dma_wait3A_222, %dma_wait3A_223] : memref<10112x16xf32, #tpu.memory_space<vmem_shared>> -> memref<10112x16xf32, #tpu.memory_space<vmem_shared>>
      tpu.wait_indirect_dma semaphore(%arg8 : memref<!tpu.dma_semaphore, #tpu.memory_space<semaphore_mem>>) src(%arg5 : memref<128x16xf32, #tpu.memory_space<vmem>>) dst(%dma_wait3A_224 : memref<10112x16xf32, #tpu.memory_space<vmem_shared>>)
      %dma_wait3A_225 = arith.constant 0 : i32
      %dma_wait3A_226 = tpu.memref_slice %arg4[%add3A_45, %dma_wait3A_225] : memref<80x128xi32, #tpu.memory_space<vmem>> -> memref<1x128xi32, #tpu.memory_space<vmem>>
      %dma_wait3A_227 = tpu.memref_squeeze %dma_wait3A_226 : memref<1x128xi32, #tpu.memory_space<vmem>> -> memref<128xi32, #tpu.memory_space<vmem>>
      %dma_wait3A_228 = arith.constant 0 : i32
      %dma_wait3A_229 = arith.constant 0 : i32
      %dma_wait3A_230 = tpu.memref_slice %arg7[%dma_wait3A_228, %dma_wait3A_229] : memref<10112x16xf32, #tpu.memory_space<vmem_shared>> -> memref<10112x16xf32, #tpu.memory_space<vmem_shared>>
      tpu.wait_indirect_dma semaphore(%arg8 : memref<!tpu.dma_semaphore, #tpu.memory_space<semaphore_mem>>) src(%arg5 : memref<128x16xf32, #tpu.memory_space<vmem>>) dst(%dma_wait3A_230 : memref<10112x16xf32, #tpu.memory_space<vmem_shared>>)
      %dma_wait3A_231 = arith.constant 0 : i32
      %dma_wait3A_232 = tpu.memref_slice %arg4[%add3A_57, %dma_wait3A_231] : memref<80x128xi32, #tpu.memory_space<vmem>> -> memref<1x128xi32, #tpu.memory_space<vmem>>
      %dma_wait3A_233 = tpu.memref_squeeze %dma_wait3A_232 : memref<1x128xi32, #tpu.memory_space<vmem>> -> memref<128xi32, #tpu.memory_space<vmem>>
      %dma_wait3A_234 = arith.constant 0 : i32
      %dma_wait3A_235 = arith.constant 0 : i32
      %dma_wait3A_236 = tpu.memref_slice %arg7[%dma_wait3A_234, %dma_wait3A_235] : memref<10112x16xf32, #tpu.memory_space<vmem_shared>> -> memref<10112x16xf32, #tpu.memory_space<vmem_shared>>
      tpu.wait_indirect_dma semaphore(%arg8 : memref<!tpu.dma_semaphore, #tpu.memory_space<semaphore_mem>>) src(%arg5 : memref<128x16xf32, #tpu.memory_space<vmem>>) dst(%dma_wait3A_236 : memref<10112x16xf32, #tpu.memory_space<vmem_shared>>)
      %dma_wait3A_237 = arith.constant 0 : i32
      %dma_wait3A_238 = tpu.memref_slice %arg4[%add3A_69, %dma_wait3A_237] : memref<80x128xi32, #tpu.memory_space<vmem>> -> memref<1x128xi32, #tpu.memory_space<vmem>>
      %dma_wait3A_239 = tpu.memref_squeeze %dma_wait3A_238 : memref<1x128xi32, #tpu.memory_space<vmem>> -> memref<128xi32, #tpu.memory_space<vmem>>
      %dma_wait3A_240 = arith.constant 0 : i32
      %dma_wait3A_241 = arith.constant 0 : i32
      %dma_wait3A_242 = tpu.memref_slice %arg7[%dma_wait3A_240, %dma_wait3A_241] : memref<10112x16xf32, #tpu.memory_space<vmem_shared>> -> memref<10112x16xf32, #tpu.memory_space<vmem_shared>>
      tpu.wait_indirect_dma semaphore(%arg8 : memref<!tpu.dma_semaphore, #tpu.memory_space<semaphore_mem>>) src(%arg5 : memref<128x16xf32, #tpu.memory_space<vmem>>) dst(%dma_wait3A_242 : memref<10112x16xf32, #tpu.memory_space<vmem_shared>>)
      %dma_wait3A_243 = arith.constant 0 : i32
      %dma_wait3A_244 = tpu.memref_slice %arg4[%add3A_81, %dma_wait3A_243] : memref<80x128xi32, #tpu.memory_space<vmem>> -> memref<1x128xi32, #tpu.memory_space<vmem>>
      %dma_wait3A_245 = tpu.memref_squeeze %dma_wait3A_244 : memref<1x128xi32, #tpu.memory_space<vmem>> -> memref<128xi32, #tpu.memory_space<vmem>>
      %dma_wait3A_246 = arith.constant 0 : i32
      %dma_wait3A_247 = arith.constant 0 : i32
      %dma_wait3A_248 = tpu.memref_slice %arg7[%dma_wait3A_246, %dma_wait3A_247] : memref<10112x16xf32, #tpu.memory_space<vmem_shared>> -> memref<10112x16xf32, #tpu.memory_space<vmem_shared>>
      tpu.wait_indirect_dma semaphore(%arg8 : memref<!tpu.dma_semaphore, #tpu.memory_space<semaphore_mem>>) src(%arg5 : memref<128x16xf32, #tpu.memory_space<vmem>>) dst(%dma_wait3A_248 : memref<10112x16xf32, #tpu.memory_space<vmem_shared>>)
      %dma_wait3A_249 = arith.constant 0 : i32
      %dma_wait3A_250 = tpu.memref_slice %arg4[%add3A_93, %dma_wait3A_249] : memref<80x128xi32, #tpu.memory_space<vmem>> -> memref<1x128xi32, #tpu.memory_space<vmem>>
      %dma_wait3A_251 = tpu.memref_squeeze %dma_wait3A_250 : memref<1x128xi32, #tpu.memory_space<vmem>> -> memref<128xi32, #tpu.memory_space<vmem>>
      %dma_wait3A_252 = arith.constant 0 : i32
      %dma_wait3A_253 = arith.constant 0 : i32
      %dma_wait3A_254 = tpu.memref_slice %arg7[%dma_wait3A_252, %dma_wait3A_253] : memref<10112x16xf32, #tpu.memory_space<vmem_shared>> -> memref<10112x16xf32, #tpu.memory_space<vmem_shared>>
      tpu.wait_indirect_dma semaphore(%arg8 : memref<!tpu.dma_semaphore, #tpu.memory_space<semaphore_mem>>) src(%arg5 : memref<128x16xf32, #tpu.memory_space<vmem>>) dst(%dma_wait3A_254 : memref<10112x16xf32, #tpu.memory_space<vmem_shared>>)
      %dma_wait3A_255 = arith.constant 0 : i32
      %dma_wait3A_256 = tpu.memref_slice %arg4[%add3A_105, %dma_wait3A_255] : memref<80x128xi32, #tpu.memory_space<vmem>> -> memref<1x128xi32, #tpu.memory_space<vmem>>
      %dma_wait3A_257 = tpu.memref_squeeze %dma_wait3A_256 : memref<1x128xi32, #tpu.memory_space<vmem>> -> memref<128xi32, #tpu.memory_space<vmem>>
      %dma_wait3A_258 = arith.constant 0 : i32
      %dma_wait3A_259 = arith.constant 0 : i32
      %dma_wait3A_260 = tpu.memref_slice %arg7[%dma_wait3A_258, %dma_wait3A_259] : memref<10112x16xf32, #tpu.memory_space<vmem_shared>> -> memref<10112x16xf32, #tpu.memory_space<vmem_shared>>
      tpu.wait_indirect_dma semaphore(%arg8 : memref<!tpu.dma_semaphore, #tpu.memory_space<semaphore_mem>>) src(%arg5 : memref<128x16xf32, #tpu.memory_space<vmem>>) dst(%dma_wait3A_260 : memref<10112x16xf32, #tpu.memory_space<vmem_shared>>)
      %dma_wait3A_261 = arith.constant 0 : i32
      %dma_wait3A_262 = tpu.memref_slice %arg4[%add3A_117, %dma_wait3A_261] : memref<80x128xi32, #tpu.memory_space<vmem>> -> memref<1x128xi32, #tpu.memory_space<vmem>>
      %dma_wait3A_263 = tpu.memref_squeeze %dma_wait3A_262 : memref<1x128xi32, #tpu.memory_space<vmem>> -> memref<128xi32, #tpu.memory_space<vmem>>
      %dma_wait3A_264 = arith.constant 0 : i32
      %dma_wait3A_265 = arith.constant 0 : i32
      %dma_wait3A_266 = tpu.memref_slice %arg7[%dma_wait3A_264, %dma_wait3A_265] : memref<10112x16xf32, #tpu.memory_space<vmem_shared>> -> memref<10112x16xf32, #tpu.memory_space<vmem_shared>>
      tpu.wait_indirect_dma semaphore(%arg8 : memref<!tpu.dma_semaphore, #tpu.memory_space<semaphore_mem>>) src(%arg5 : memref<128x16xf32, #tpu.memory_space<vmem>>) dst(%dma_wait3A_266 : memref<10112x16xf32, #tpu.memory_space<vmem_shared>>)
      %dma_wait3A_267 = arith.constant 0 : i32
      %dma_wait3A_268 = tpu.memref_slice %arg4[%add3A_129, %dma_wait3A_267] : memref<80x128xi32, #tpu.memory_space<vmem>> -> memref<1x128xi32, #tpu.memory_space<vmem>>
      %dma_wait3A_269 = tpu.memref_squeeze %dma_wait3A_268 : memref<1x128xi32, #tpu.memory_space<vmem>> -> memref<128xi32, #tpu.memory_space<vmem>>
      %dma_wait3A_270 = arith.constant 0 : i32
      %dma_wait3A_271 = arith.constant 0 : i32
      %dma_wait3A_272 = tpu.memref_slice %arg7[%dma_wait3A_270, %dma_wait3A_271] : memref<10112x16xf32, #tpu.memory_space<vmem_shared>> -> memref<10112x16xf32, #tpu.memory_space<vmem_shared>>
      tpu.wait_indirect_dma semaphore(%arg8 : memref<!tpu.dma_semaphore, #tpu.memory_space<semaphore_mem>>) src(%arg5 : memref<128x16xf32, #tpu.memory_space<vmem>>) dst(%dma_wait3A_272 : memref<10112x16xf32, #tpu.memory_space<vmem_shared>>)
      %dma_wait3A_273 = arith.constant 0 : i32
      %dma_wait3A_274 = tpu.memref_slice %arg4[%add3A_141, %dma_wait3A_273] : memref<80x128xi32, #tpu.memory_space<vmem>> -> memref<1x128xi32, #tpu.memory_space<vmem>>
      %dma_wait3A_275 = tpu.memref_squeeze %dma_wait3A_274 : memref<1x128xi32, #tpu.memory_space<vmem>> -> memref<128xi32, #tpu.memory_space<vmem>>
      %dma_wait3A_276 = arith.constant 0 : i32
      %dma_wait3A_277 = arith.constant 0 : i32
      %dma_wait3A_278 = tpu.memref_slice %arg7[%dma_wait3A_276, %dma_wait3A_277] : memref<10112x16xf32, #tpu.memory_space<vmem_shared>> -> memref<10112x16xf32, #tpu.memory_space<vmem_shared>>
      tpu.wait_indirect_dma semaphore(%arg8 : memref<!tpu.dma_semaphore, #tpu.memory_space<semaphore_mem>>) src(%arg5 : memref<128x16xf32, #tpu.memory_space<vmem>>) dst(%dma_wait3A_278 : memref<10112x16xf32, #tpu.memory_space<vmem_shared>>)
      %dma_wait3A_279 = arith.constant 0 : i32
      %dma_wait3A_280 = tpu.memref_slice %arg4[%add3A_153, %dma_wait3A_279] : memref<80x128xi32, #tpu.memory_space<vmem>> -> memref<1x128xi32, #tpu.memory_space<vmem>>
      %dma_wait3A_281 = tpu.memref_squeeze %dma_wait3A_280 : memref<1x128xi32, #tpu.memory_space<vmem>> -> memref<128xi32, #tpu.memory_space<vmem>>
      %dma_wait3A_282 = arith.constant 0 : i32
      %dma_wait3A_283 = arith.constant 0 : i32
      %dma_wait3A_284 = tpu.memref_slice %arg7[%dma_wait3A_282, %dma_wait3A_283] : memref<10112x16xf32, #tpu.memory_space<vmem_shared>> -> memref<10112x16xf32, #tpu.memory_space<vmem_shared>>
      tpu.wait_indirect_dma semaphore(%arg8 : memref<!tpu.dma_semaphore, #tpu.memory_space<semaphore_mem>>) src(%arg5 : memref<128x16xf32, #tpu.memory_space<vmem>>) dst(%dma_wait3A_284 : memref<10112x16xf32, #tpu.memory_space<vmem_shared>>)
      %dma_wait3A_285 = arith.constant 0 : i32
      %dma_wait3A_286 = tpu.memref_slice %arg4[%add3A_165, %dma_wait3A_285] : memref<80x128xi32, #tpu.memory_space<vmem>> -> memref<1x128xi32, #tpu.memory_space<vmem>>
      %dma_wait3A_287 = tpu.memref_squeeze %dma_wait3A_286 : memref<1x128xi32, #tpu.memory_space<vmem>> -> memref<128xi32, #tpu.memory_space<vmem>>
      %dma_wait3A_288 = arith.constant 0 : i32
      %dma_wait3A_289 = arith.constant 0 : i32
      %dma_wait3A_290 = tpu.memref_slice %arg7[%dma_wait3A_288, %dma_wait3A_289] : memref<10112x16xf32, #tpu.memory_space<vmem_shared>> -> memref<10112x16xf32, #tpu.memory_space<vmem_shared>>
      tpu.wait_indirect_dma semaphore(%arg8 : memref<!tpu.dma_semaphore, #tpu.memory_space<semaphore_mem>>) src(%arg5 : memref<128x16xf32, #tpu.memory_space<vmem>>) dst(%dma_wait3A_290 : memref<10112x16xf32, #tpu.memory_space<vmem_shared>>)
      %dma_wait3A_291 = arith.constant 0 : i32
      %dma_wait3A_292 = tpu.memref_slice %arg4[%add3A_177, %dma_wait3A_291] : memref<80x128xi32, #tpu.memory_space<vmem>> -> memref<1x128xi32, #tpu.memory_space<vmem>>
      %dma_wait3A_293 = tpu.memref_squeeze %dma_wait3A_292 : memref<1x128xi32, #tpu.memory_space<vmem>> -> memref<128xi32, #tpu.memory_space<vmem>>
      %dma_wait3A_294 = arith.constant 0 : i32
      %dma_wait3A_295 = arith.constant 0 : i32
      %dma_wait3A_296 = tpu.memref_slice %arg7[%dma_wait3A_294, %dma_wait3A_295] : memref<10112x16xf32, #tpu.memory_space<vmem_shared>> -> memref<10112x16xf32, #tpu.memory_space<vmem_shared>>
      tpu.wait_indirect_dma semaphore(%arg8 : memref<!tpu.dma_semaphore, #tpu.memory_space<semaphore_mem>>) src(%arg5 : memref<128x16xf32, #tpu.memory_space<vmem>>) dst(%dma_wait3A_296 : memref<10112x16xf32, #tpu.memory_space<vmem_shared>>)
      %dma_wait3A_297 = arith.constant 0 : i32
      %dma_wait3A_298 = tpu.memref_slice %arg4[%add3A_189, %dma_wait3A_297] : memref<80x128xi32, #tpu.memory_space<vmem>> -> memref<1x128xi32, #tpu.memory_space<vmem>>
      %dma_wait3A_299 = tpu.memref_squeeze %dma_wait3A_298 : memref<1x128xi32, #tpu.memory_space<vmem>> -> memref<128xi32, #tpu.memory_space<vmem>>
      %dma_wait3A_300 = arith.constant 0 : i32
      %dma_wait3A_301 = arith.constant 0 : i32
      %dma_wait3A_302 = tpu.memref_slice %arg7[%dma_wait3A_300, %dma_wait3A_301] : memref<10112x16xf32, #tpu.memory_space<vmem_shared>> -> memref<10112x16xf32, #tpu.memory_space<vmem_shared>>
      tpu.wait_indirect_dma semaphore(%arg8 : memref<!tpu.dma_semaphore, #tpu.memory_space<semaphore_mem>>) src(%arg5 : memref<128x16xf32, #tpu.memory_space<vmem>>) dst(%dma_wait3A_302 : memref<10112x16xf32, #tpu.memory_space<vmem_shared>>)
      %dma_wait3A_303 = arith.constant 0 : i32
      %dma_wait3A_304 = tpu.memref_slice %arg4[%add3A_201, %dma_wait3A_303] : memref<80x128xi32, #tpu.memory_space<vmem>> -> memref<1x128xi32, #tpu.memory_space<vmem>>
      %dma_wait3A_305 = tpu.memref_squeeze %dma_wait3A_304 : memref<1x128xi32, #tpu.memory_space<vmem>> -> memref<128xi32, #tpu.memory_space<vmem>>
      %dma_wait3A_306 = arith.constant 0 : i32
      %dma_wait3A_307 = arith.constant 0 : i32
      %dma_wait3A_308 = tpu.memref_slice %arg7[%dma_wait3A_306, %dma_wait3A_307] : memref<10112x16xf32, #tpu.memory_space<vmem_shared>> -> memref<10112x16xf32, #tpu.memory_space<vmem_shared>>
      tpu.wait_indirect_dma semaphore(%arg8 : memref<!tpu.dma_semaphore, #tpu.memory_space<semaphore_mem>>) src(%arg5 : memref<128x16xf32, #tpu.memory_space<vmem>>) dst(%dma_wait3A_308 : memref<10112x16xf32, #tpu.memory_space<vmem_shared>>)
      %dma_wait3A_309 = arith.constant 0 : i32
      %dma_wait3A_310 = tpu.memref_slice %arg4[%add3A_213, %dma_wait3A_309] : memref<80x128xi32, #tpu.memory_space<vmem>> -> memref<1x128xi32, #tpu.memory_space<vmem>>
      %dma_wait3A_311 = tpu.memref_squeeze %dma_wait3A_310 : memref<1x128xi32, #tpu.memory_space<vmem>> -> memref<128xi32, #tpu.memory_space<vmem>>
      %dma_wait3A_312 = arith.constant 0 : i32
      %dma_wait3A_313 = arith.constant 0 : i32
      %dma_wait3A_314 = tpu.memref_slice %arg7[%dma_wait3A_312, %dma_wait3A_313] : memref<10112x16xf32, #tpu.memory_space<vmem_shared>> -> memref<10112x16xf32, #tpu.memory_space<vmem_shared>>
      tpu.wait_indirect_dma semaphore(%arg8 : memref<!tpu.dma_semaphore, #tpu.memory_space<semaphore_mem>>) src(%arg5 : memref<128x16xf32, #tpu.memory_space<vmem>>) dst(%dma_wait3A_314 : memref<10112x16xf32, #tpu.memory_space<vmem_shared>>)
    }
    %scan3A_18 = arith.constant 5 : i32
    %barrier3A_19 = arith.constant 0 : index
    tpu.barrier barrier_id(%barrier3A_19)
    %mul3A_20 = arith.constant 632 : i32
    %mul3A_21 = arith.muli %arg1, %mul3A_20 : i32
    %mul3A_22 = arith.constant 632 : i32
    %mul3A_23 = arith.muli %arg1, %mul3A_22 : i32
    "tpu.region"() ({
      %run_scoped3A = tpu.sem_alloc : memref<!tpu.dma_semaphore, #tpu.memory_space<semaphore_mem>>
      %dma_start3A = arith.constant 0 : i32
      %dma_start3A_24 = tpu.memref_slice %arg3[%arg0, %mul3A_23, %dma_start3A] : memref<2x10112x16xf32, #tpu.memory_space<hbm>> -> memref<1x632x16xf32, #tpu.memory_space<hbm>>
      %dma_start3A_25 = tpu.memref_squeeze %dma_start3A_24 : memref<1x632x16xf32, #tpu.memory_space<hbm>> -> memref<632x16xf32, #tpu.memory_space<hbm>>
      %dma_start3A_26 = arith.constant 0 : i32
      %dma_start3A_27 = tpu.memref_slice %arg7[%mul3A_21, %dma_start3A_26] : memref<10112x16xf32, #tpu.memory_space<vmem_shared>> -> memref<632x16xf32, #tpu.memory_space<vmem_shared>>
      tpu.enqueue_dma source(%dma_start3A_27 : memref<632x16xf32, #tpu.memory_space<vmem_shared>>) target(%dma_start3A_25 : memref<632x16xf32, #tpu.memory_space<hbm>>) target_semaphore(%run_scoped3A : memref<!tpu.dma_semaphore, #tpu.memory_space<semaphore_mem>>)
      %dma_wait3A = arith.constant 0 : i32
      %dma_wait3A_28 = tpu.memref_slice %arg3[%arg0, %mul3A_23, %dma_wait3A] : memref<2x10112x16xf32, #tpu.memory_space<hbm>> -> memref<1x632x16xf32, #tpu.memory_space<hbm>>
      %dma_wait3A_29 = tpu.memref_squeeze %dma_wait3A_28 : memref<1x632x16xf32, #tpu.memory_space<hbm>> -> memref<632x16xf32, #tpu.memory_space<hbm>>
      %dma_wait3A_30 = arith.constant 0 : i32
      %dma_wait3A_31 = tpu.memref_slice %arg7[%mul3A_21, %dma_wait3A_30] : memref<10112x16xf32, #tpu.memory_space<vmem_shared>> -> memref<632x16xf32, #tpu.memory_space<vmem_shared>>
      tpu.wait_dma2 semaphore(%run_scoped3A : memref<!tpu.dma_semaphore, #tpu.memory_space<semaphore_mem>>) src(%dma_wait3A_31 : memref<632x16xf32, #tpu.memory_space<vmem_shared>>) dst(%dma_wait3A_29 : memref<632x16xf32, #tpu.memory_space<hbm>>)
      tpu.yield
    }) : () -> ()
    return
  }
}

#map = affine_map<(d0, d1) -> (0, 0)>
#map1 = affine_map<(d0, d1) -> (0, 0, 0)>
module attributes {stable_mosaic.version = 14 : i64} {
  func.func @_agg_sc(%arg0: i32, %arg1: i32, %arg2: memref<10000x16xf32, #tpu.memory_space<hbm>>, %arg3: memref<2624x128xi32, #tpu.memory_space<hbm>>, %arg4: memref<2624x128xi32, #tpu.memory_space<hbm>>, %arg5: memref<2x10112x16xf32, #tpu.memory_space<hbm>>, %arg6: memref<112x128xi32, #tpu.memory_space<vmem>>, %arg7: memref<112x128xi32, #tpu.memory_space<vmem>>, %arg8: memref<1024x16xf32, #tpu.memory_space<vmem>>, %arg9: memref<1024x16xf32, #tpu.memory_space<vmem>>, %arg10: memref<632x16xf32, #tpu.memory_space<vmem>>, %arg11: memref<10112x16xf32, #tpu.memory_space<vmem_shared>>, %arg12: memref<!tpu.dma_semaphore, #tpu.memory_space<semaphore_mem>>, %arg13: memref<!tpu.dma_semaphore, #tpu.memory_space<semaphore_mem>>, %arg14: memref<!tpu.dma_semaphore, #tpu.memory_space<semaphore_mem>>, %arg15: memref<!tpu.dma_semaphore, #tpu.memory_space<semaphore_mem>>) attributes {dimension_semantics = [#tpu.dimension_semantics<core_parallel>, #tpu.dimension_semantics<subcore_parallel>], iteration_bounds = array<i64: 2, 16>, scalar_prefetch = 0 : i64, scratch_operands = 10 : i64, tpu.core_type = #tpu.core_type<sc_vector_subcore>, window_params = [{transform_indices = #map}, {transform_indices = #map}, {transform_indices = #map}, {transform_indices = #map1}]} {
    %mul3A = arith.constant 16 : i32
    %mul3A_0 = arith.muli %arg0, %mul3A : i32
    %add3A = arith.addi %mul3A_0, %arg1 : i32
    %eq3A = arith.constant 0 : i32
    %eq3A_1 = arith.cmpi eq, %arg0, %eq3A : i32
    %jit3A = arith.constant 7 : i32
    %jit3A_2 = arith.constant 3 : i32
    %select_n3A = arith.select %eq3A_1, %jit3A, %jit3A_2 : i32
    %mul3A_3 = arith.constant 112 : i32
    %mul3A_4 = arith.muli %arg1, %mul3A_3 : i32
    %mul3A_5 = arith.constant 48 : i32
    %mul3A_6 = arith.muli %arg1, %mul3A_5 : i32
    %add3A_7 = arith.constant 1792 : i32
    %add3A_8 = arith.addi %add3A_7, %mul3A_6 : i32
    %select_n3A_9 = arith.select %eq3A_1, %mul3A_4, %add3A_8 : i32
    "tpu.region"() ({
      %run_scoped3A = tpu.sem_alloc : memref<!tpu.dma_semaphore, #tpu.memory_space<semaphore_mem>>
      %dma_start3A = arith.constant 0 : i32
      %dma_start3A_26 = tpu.memref_slice %arg3[%select_n3A_9, %dma_start3A] : memref<2624x128xi32, #tpu.memory_space<hbm>> -> memref<112x128xi32, #tpu.memory_space<hbm>>
      %dma_start3A_27 = arith.constant 0 : i32
      %dma_start3A_28 = tpu.memref_slice %arg3[%select_n3A_9, %dma_start3A_27] : memref<2624x128xi32, #tpu.memory_space<hbm>> -> memref<112x128xi32, #tpu.memory_space<hbm>>
      tpu.enqueue_dma source(%dma_start3A_28 : memref<112x128xi32, #tpu.memory_space<hbm>>) target(%arg6 : memref<112x128xi32, #tpu.memory_space<vmem>>) target_semaphore(%run_scoped3A : memref<!tpu.dma_semaphore, #tpu.memory_space<semaphore_mem>>)
      %dma_wait3A = arith.constant 0 : i32
      %dma_wait3A_29 = tpu.memref_slice %arg3[%select_n3A_9, %dma_wait3A] : memref<2624x128xi32, #tpu.memory_space<hbm>> -> memref<112x128xi32, #tpu.memory_space<hbm>>
      %dma_wait3A_30 = arith.constant 0 : i32
      %dma_wait3A_31 = tpu.memref_slice %arg3[%select_n3A_9, %dma_wait3A_30] : memref<2624x128xi32, #tpu.memory_space<hbm>> -> memref<112x128xi32, #tpu.memory_space<hbm>>
      tpu.wait_dma2 semaphore(%run_scoped3A : memref<!tpu.dma_semaphore, #tpu.memory_space<semaphore_mem>>) src(%dma_wait3A_31 : memref<112x128xi32, #tpu.memory_space<hbm>>) dst(%arg6 : memref<112x128xi32, #tpu.memory_space<vmem>>)
      tpu.yield
    }) : () -> ()
    "tpu.region"() ({
      %run_scoped3A = tpu.sem_alloc : memref<!tpu.dma_semaphore, #tpu.memory_space<semaphore_mem>>
      %dma_start3A = arith.constant 0 : i32
      %dma_start3A_26 = tpu.memref_slice %arg4[%select_n3A_9, %dma_start3A] : memref<2624x128xi32, #tpu.memory_space<hbm>> -> memref<112x128xi32, #tpu.memory_space<hbm>>
      %dma_start3A_27 = arith.constant 0 : i32
      %dma_start3A_28 = tpu.memref_slice %arg4[%select_n3A_9, %dma_start3A_27] : memref<2624x128xi32, #tpu.memory_space<hbm>> -> memref<112x128xi32, #tpu.memory_space<hbm>>
      tpu.enqueue_dma source(%dma_start3A_28 : memref<112x128xi32, #tpu.memory_space<hbm>>) target(%arg7 : memref<112x128xi32, #tpu.memory_space<vmem>>) target_semaphore(%run_scoped3A : memref<!tpu.dma_semaphore, #tpu.memory_space<semaphore_mem>>)
      %dma_wait3A = arith.constant 0 : i32
      %dma_wait3A_29 = tpu.memref_slice %arg4[%select_n3A_9, %dma_wait3A] : memref<2624x128xi32, #tpu.memory_space<hbm>> -> memref<112x128xi32, #tpu.memory_space<hbm>>
      %dma_wait3A_30 = arith.constant 0 : i32
      %dma_wait3A_31 = tpu.memref_slice %arg4[%select_n3A_9, %dma_wait3A_30] : memref<2624x128xi32, #tpu.memory_space<hbm>> -> memref<112x128xi32, #tpu.memory_space<hbm>>
      tpu.wait_dma2 semaphore(%run_scoped3A : memref<!tpu.dma_semaphore, #tpu.memory_space<semaphore_mem>>) src(%dma_wait3A_31 : memref<112x128xi32, #tpu.memory_space<hbm>>) dst(%arg7 : memref<112x128xi32, #tpu.memory_space<vmem>>)
      tpu.yield
    }) : () -> ()
    %scan3A = arith.constant 0 : i32
    %scan3A_10 = arith.constant 632 : i32
    %scan3A_11 = arith.addi %scan3A, %scan3A_10 : i32
    %scan3A_12 = arith.constant 1 : i32
    scf.for %scan3A_26 = %scan3A to %scan3A_11 step %scan3A_12  : i32 {
      %mul3A_27 = arith.constant 1 : i32
      %mul3A_28 = arith.muli %scan3A_26, %mul3A_27 : i32
      %add3A_29 = arith.constant 0 : i32
      %add3A_30 = arith.addi %add3A_29, %mul3A_28 : i32
      %broadcast_in_dim3A = arith.constant 0.000000e+00 : f32
      %broadcast_in_dim3A_31 = vector.broadcast %broadcast_in_dim3A : f32 to vector<16xf32>
      %swap3A = arith.index_cast %add3A_30 : i32 to index
      %swap3A_32 = arith.constant 0 : index
      %swap3A_33 = tpu.vector_load %arg10[%swap3A, %swap3A_32] {strides = array<i32>} : memref<632x16xf32, #tpu.memory_space<vmem>>, vector<1x16xf32>,
      %swap3A_34 = vector.shape_cast %swap3A_33 : vector<1x16xf32> to vector<16xf32>
      %swap3A_35 = vector.shape_cast %broadcast_in_dim3A_31 : vector<16xf32> to vector<1x16xf32>
      tpu.vector_store %arg10[%swap3A, %swap3A_32], %swap3A_35 {strides = array<i32>} : memref<632x16xf32, #tpu.memory_space<vmem>>, vector<1x16xf32>,
    }
    %scan3A_13 = arith.constant 632 : i32
    %mul3A_14 = arith.constant 632 : i32
    %mul3A_15 = arith.muli %arg1, %mul3A_14 : i32
    "tpu.region"() ({
      %run_scoped3A = tpu.sem_alloc : memref<!tpu.dma_semaphore, #tpu.memory_space<semaphore_mem>>
      %dma_start3A = arith.constant 0 : i32
      %dma_start3A_26 = tpu.memref_slice %arg11[%mul3A_15, %dma_start3A] : memref<10112x16xf32, #tpu.memory_space<vmem_shared>> -> memref<632x16xf32, #tpu.memory_space<vmem_shared>>
      %dma_start3A_27 = arith.constant 0 : i32
      %dma_start3A_28 = tpu.memref_slice %arg11[%mul3A_15, %dma_start3A_27] : memref<10112x16xf32, #tpu.memory_space<vmem_shared>> -> memref<632x16xf32, #tpu.memory_space<vmem_shared>>
      tpu.enqueue_dma source(%arg10 : memref<632x16xf32, #tpu.memory_space<vmem>>) target(%dma_start3A_28 : memref<632x16xf32, #tpu.memory_space<vmem_shared>>) target_semaphore(%run_scoped3A : memref<!tpu.dma_semaphore, #tpu.memory_space<semaphore_mem>>)
      %dma_wait3A = arith.constant 0 : i32
      %dma_wait3A_29 = tpu.memref_slice %arg11[%mul3A_15, %dma_wait3A] : memref<10112x16xf32, #tpu.memory_space<vmem_shared>> -> memref<632x16xf32, #tpu.memory_space<vmem_shared>>
      %dma_wait3A_30 = arith.constant 0 : i32
      %dma_wait3A_31 = tpu.memref_slice %arg11[%mul3A_15, %dma_wait3A_30] : memref<10112x16xf32, #tpu.memory_space<vmem_shared>> -> memref<632x16xf32, #tpu.memory_space<vmem_shared>>
      tpu.wait_dma2 semaphore(%run_scoped3A : memref<!tpu.dma_semaphore, #tpu.memory_space<semaphore_mem>>) src(%arg10 : memref<632x16xf32, #tpu.memory_space<vmem>>) dst(%dma_wait3A_31 : memref<632x16xf32, #tpu.memory_space<vmem_shared>>)
      tpu.yield
    }) : () -> ()
    %barrier3A = arith.constant 0 : index
    tpu.barrier barrier_id(%barrier3A)
    %scan3A_16 = arith.constant 0 : i32
    %scan3A_17 = arith.constant 7 : i32
    %scan3A_18 = arith.addi %scan3A_16, %scan3A_17 : i32
    %scan3A_19 = arith.constant 1 : i32
    scf.for %scan3A_26 = %scan3A_16 to %scan3A_18 step %scan3A_19  : i32 {
      %mul3A_27 = arith.constant 1 : i32
      %mul3A_28 = arith.muli %scan3A_26, %mul3A_27 : i32
      %add3A_29 = arith.constant 0 : i32
      %add3A_30 = arith.addi %add3A_29, %mul3A_28 : i32
      %lt3A = arith.cmpi slt, %add3A_30, %select_n3A : i32
      %convert_element_type3A = arith.extui %lt3A : i1 to i32
      %cond3A = arith.constant 0 : i32
      %cond3A_31 = arith.cmpi ne, %convert_element_type3A, %cond3A : i32
      scf.if %cond3A_31 {
        %mul3A_32 = arith.constant 2 : i32
        %mul3A_33 = arith.muli %mul3A_32, %add3A_30 : i32
        %mul3A_34 = arith.constant 8 : i32
        %mul3A_35 = arith.muli %mul3A_33, %mul3A_34 : i32
        %add3A_36 = arith.constant 0 : i32
        %add3A_37 = arith.addi %mul3A_35, %add3A_36 : i32
        %dma_start3A = arith.constant 0 : i32
        %dma_start3A_38 = arith.constant 0 : i32
        %dma_start3A_39 = tpu.memref_slice %arg8[%dma_start3A, %dma_start3A_38] : memref<1024x16xf32, #tpu.memory_space<vmem>> -> memref<128x16xf32, #tpu.memory_space<vmem>>
        %dma_start3A_40 = arith.constant 0 : i32
        %dma_start3A_41 = tpu.memref_slice %arg6[%add3A_37, %dma_start3A_40] : memref<112x128xi32, #tpu.memory_space<vmem>> -> memref<1x128xi32, #tpu.memory_space<vmem>>
        %dma_start3A_42 = tpu.memref_squeeze %dma_start3A_41 : memref<1x128xi32, #tpu.memory_space<vmem>> -> memref<128xi32, #tpu.memory_space<vmem>>
        %dma_start3A_43 = arith.constant 0 : i32
        %dma_start3A_44 = arith.constant 0 : i32
        %dma_start3A_45 = tpu.memref_slice %arg2[%dma_start3A_43, %dma_start3A_44] : memref<10000x16xf32, #tpu.memory_space<hbm>> -> memref<10000x16xf32, #tpu.memory_space<hbm>>
        tpu.enqueue_indirect_dma source(%dma_start3A_45 : memref<10000x16xf32, #tpu.memory_space<hbm>>) target(%dma_start3A_39 : memref<128x16xf32, #tpu.memory_space<vmem>>) offsets(%dma_start3A_42 : memref<128xi32, #tpu.memory_space<vmem>>) semaphore(%arg12 : memref<!tpu.dma_semaphore, #tpu.memory_space<semaphore_mem>>)
        %mul3A_46 = arith.constant 8 : i32
        %mul3A_47 = arith.muli %mul3A_33, %mul3A_46 : i32
        %add3A_48 = arith.constant 1 : i32
        %add3A_49 = arith.addi %mul3A_47, %add3A_48 : i32
        %dma_start3A_50 = arith.constant 128 : i32
        %dma_start3A_51 = arith.constant 0 : i32
        %dma_start3A_52 = tpu.memref_slice %arg8[%dma_start3A_50, %dma_start3A_51] : memref<1024x16xf32, #tpu.memory_space<vmem>> -> memref<128x16xf32, #tpu.memory_space<vmem>>
        %dma_start3A_53 = arith.constant 0 : i32
        %dma_start3A_54 = tpu.memref_slice %arg6[%add3A_49, %dma_start3A_53] : memref<112x128xi32, #tpu.memory_space<vmem>> -> memref<1x128xi32, #tpu.memory_space<vmem>>
        %dma_start3A_55 = tpu.memref_squeeze %dma_start3A_54 : memref<1x128xi32, #tpu.memory_space<vmem>> -> memref<128xi32, #tpu.memory_space<vmem>>
        %dma_start3A_56 = arith.constant 0 : i32
        %dma_start3A_57 = arith.constant 0 : i32
        %dma_start3A_58 = tpu.memref_slice %arg2[%dma_start3A_56, %dma_start3A_57] : memref<10000x16xf32, #tpu.memory_space<hbm>> -> memref<10000x16xf32, #tpu.memory_space<hbm>>
        tpu.enqueue_indirect_dma source(%dma_start3A_58 : memref<10000x16xf32, #tpu.memory_space<hbm>>) target(%dma_start3A_52 : memref<128x16xf32, #tpu.memory_space<vmem>>) offsets(%dma_start3A_55 : memref<128xi32, #tpu.memory_space<vmem>>) semaphore(%arg12 : memref<!tpu.dma_semaphore, #tpu.memory_space<semaphore_mem>>)
        %mul3A_59 = arith.constant 8 : i32
        %mul3A_60 = arith.muli %mul3A_33, %mul3A_59 : i32
        %add3A_61 = arith.constant 2 : i32
        %add3A_62 = arith.addi %mul3A_60, %add3A_61 : i32
        %dma_start3A_63 = arith.constant 256 : i32
        %dma_start3A_64 = arith.constant 0 : i32
        %dma_start3A_65 = tpu.memref_slice %arg8[%dma_start3A_63, %dma_start3A_64] : memref<1024x16xf32, #tpu.memory_space<vmem>> -> memref<128x16xf32, #tpu.memory_space<vmem>>
        %dma_start3A_66 = arith.constant 0 : i32
        %dma_start3A_67 = tpu.memref_slice %arg6[%add3A_62, %dma_start3A_66] : memref<112x128xi32, #tpu.memory_space<vmem>> -> memref<1x128xi32, #tpu.memory_space<vmem>>
        %dma_start3A_68 = tpu.memref_squeeze %dma_start3A_67 : memref<1x128xi32, #tpu.memory_space<vmem>> -> memref<128xi32, #tpu.memory_space<vmem>>
        %dma_start3A_69 = arith.constant 0 : i32
        %dma_start3A_70 = arith.constant 0 : i32
        %dma_start3A_71 = tpu.memref_slice %arg2[%dma_start3A_69, %dma_start3A_70] : memref<10000x16xf32, #tpu.memory_space<hbm>> -> memref<10000x16xf32, #tpu.memory_space<hbm>>
        tpu.enqueue_indirect_dma source(%dma_start3A_71 : memref<10000x16xf32, #tpu.memory_space<hbm>>) target(%dma_start3A_65 : memref<128x16xf32, #tpu.memory_space<vmem>>) offsets(%dma_start3A_68 : memref<128xi32, #tpu.memory_space<vmem>>) semaphore(%arg12 : memref<!tpu.dma_semaphore, #tpu.memory_space<semaphore_mem>>)
        %mul3A_72 = arith.constant 8 : i32
        %mul3A_73 = arith.muli %mul3A_33, %mul3A_72 : i32
        %add3A_74 = arith.constant 3 : i32
        %add3A_75 = arith.addi %mul3A_73, %add3A_74 : i32
        %dma_start3A_76 = arith.constant 384 : i32
        %dma_start3A_77 = arith.constant 0 : i32
        %dma_start3A_78 = tpu.memref_slice %arg8[%dma_start3A_76, %dma_start3A_77] : memref<1024x16xf32, #tpu.memory_space<vmem>> -> memref<128x16xf32, #tpu.memory_space<vmem>>
        %dma_start3A_79 = arith.constant 0 : i32
        %dma_start3A_80 = tpu.memref_slice %arg6[%add3A_75, %dma_start3A_79] : memref<112x128xi32, #tpu.memory_space<vmem>> -> memref<1x128xi32, #tpu.memory_space<vmem>>
        %dma_start3A_81 = tpu.memref_squeeze %dma_start3A_80 : memref<1x128xi32, #tpu.memory_space<vmem>> -> memref<128xi32, #tpu.memory_space<vmem>>
        %dma_start3A_82 = arith.constant 0 : i32
        %dma_start3A_83 = arith.constant 0 : i32
        %dma_start3A_84 = tpu.memref_slice %arg2[%dma_start3A_82, %dma_start3A_83] : memref<10000x16xf32, #tpu.memory_space<hbm>> -> memref<10000x16xf32, #tpu.memory_space<hbm>>
        tpu.enqueue_indirect_dma source(%dma_start3A_84 : memref<10000x16xf32, #tpu.memory_space<hbm>>) target(%dma_start3A_78 : memref<128x16xf32, #tpu.memory_space<vmem>>) offsets(%dma_start3A_81 : memref<128xi32, #tpu.memory_space<vmem>>) semaphore(%arg12 : memref<!tpu.dma_semaphore, #tpu.memory_space<semaphore_mem>>)
        %mul3A_85 = arith.constant 8 : i32
        %mul3A_86 = arith.muli %mul3A_33, %mul3A_85 : i32
        %add3A_87 = arith.constant 4 : i32
        %add3A_88 = arith.addi %mul3A_86, %add3A_87 : i32
        %dma_start3A_89 = arith.constant 512 : i32
        %dma_start3A_90 = arith.constant 0 : i32
        %dma_start3A_91 = tpu.memref_slice %arg8[%dma_start3A_89, %dma_start3A_90] : memref<1024x16xf32, #tpu.memory_space<vmem>> -> memref<128x16xf32, #tpu.memory_space<vmem>>
        %dma_start3A_92 = arith.constant 0 : i32
        %dma_start3A_93 = tpu.memref_slice %arg6[%add3A_88, %dma_start3A_92] : memref<112x128xi32, #tpu.memory_space<vmem>> -> memref<1x128xi32, #tpu.memory_space<vmem>>
        %dma_start3A_94 = tpu.memref_squeeze %dma_start3A_93 : memref<1x128xi32, #tpu.memory_space<vmem>> -> memref<128xi32, #tpu.memory_space<vmem>>
        %dma_start3A_95 = arith.constant 0 : i32
        %dma_start3A_96 = arith.constant 0 : i32
        %dma_start3A_97 = tpu.memref_slice %arg2[%dma_start3A_95, %dma_start3A_96] : memref<10000x16xf32, #tpu.memory_space<hbm>> -> memref<10000x16xf32, #tpu.memory_space<hbm>>
        tpu.enqueue_indirect_dma source(%dma_start3A_97 : memref<10000x16xf32, #tpu.memory_space<hbm>>) target(%dma_start3A_91 : memref<128x16xf32, #tpu.memory_space<vmem>>) offsets(%dma_start3A_94 : memref<128xi32, #tpu.memory_space<vmem>>) semaphore(%arg12 : memref<!tpu.dma_semaphore, #tpu.memory_space<semaphore_mem>>)
        %mul3A_98 = arith.constant 8 : i32
        %mul3A_99 = arith.muli %mul3A_33, %mul3A_98 : i32
        %add3A_100 = arith.constant 5 : i32
        %add3A_101 = arith.addi %mul3A_99, %add3A_100 : i32
        %dma_start3A_102 = arith.constant 640 : i32
        %dma_start3A_103 = arith.constant 0 : i32
        %dma_start3A_104 = tpu.memref_slice %arg8[%dma_start3A_102, %dma_start3A_103] : memref<1024x16xf32, #tpu.memory_space<vmem>> -> memref<128x16xf32, #tpu.memory_space<vmem>>
        %dma_start3A_105 = arith.constant 0 : i32
        %dma_start3A_106 = tpu.memref_slice %arg6[%add3A_101, %dma_start3A_105] : memref<112x128xi32, #tpu.memory_space<vmem>> -> memref<1x128xi32, #tpu.memory_space<vmem>>
        %dma_start3A_107 = tpu.memref_squeeze %dma_start3A_106 : memref<1x128xi32, #tpu.memory_space<vmem>> -> memref<128xi32, #tpu.memory_space<vmem>>
        %dma_start3A_108 = arith.constant 0 : i32
        %dma_start3A_109 = arith.constant 0 : i32
        %dma_start3A_110 = tpu.memref_slice %arg2[%dma_start3A_108, %dma_start3A_109] : memref<10000x16xf32, #tpu.memory_space<hbm>> -> memref<10000x16xf32, #tpu.memory_space<hbm>>
        tpu.enqueue_indirect_dma source(%dma_start3A_110 : memref<10000x16xf32, #tpu.memory_space<hbm>>) target(%dma_start3A_104 : memref<128x16xf32, #tpu.memory_space<vmem>>) offsets(%dma_start3A_107 : memref<128xi32, #tpu.memory_space<vmem>>) semaphore(%arg12 : memref<!tpu.dma_semaphore, #tpu.memory_space<semaphore_mem>>)
        %mul3A_111 = arith.constant 8 : i32
        %mul3A_112 = arith.muli %mul3A_33, %mul3A_111 : i32
        %add3A_113 = arith.constant 6 : i32
        %add3A_114 = arith.addi %mul3A_112, %add3A_113 : i32
        %dma_start3A_115 = arith.constant 768 : i32
        %dma_start3A_116 = arith.constant 0 : i32
        %dma_start3A_117 = tpu.memref_slice %arg8[%dma_start3A_115, %dma_start3A_116] : memref<1024x16xf32, #tpu.memory_space<vmem>> -> memref<128x16xf32, #tpu.memory_space<vmem>>
        %dma_start3A_118 = arith.constant 0 : i32
        %dma_start3A_119 = tpu.memref_slice %arg6[%add3A_114, %dma_start3A_118] : memref<112x128xi32, #tpu.memory_space<vmem>> -> memref<1x128xi32, #tpu.memory_space<vmem>>
        %dma_start3A_120 = tpu.memref_squeeze %dma_start3A_119 : memref<1x128xi32, #tpu.memory_space<vmem>> -> memref<128xi32, #tpu.memory_space<vmem>>
        %dma_start3A_121 = arith.constant 0 : i32
        %dma_start3A_122 = arith.constant 0 : i32
        %dma_start3A_123 = tpu.memref_slice %arg2[%dma_start3A_121, %dma_start3A_122] : memref<10000x16xf32, #tpu.memory_space<hbm>> -> memref<10000x16xf32, #tpu.memory_space<hbm>>
        tpu.enqueue_indirect_dma source(%dma_start3A_123 : memref<10000x16xf32, #tpu.memory_space<hbm>>) target(%dma_start3A_117 : memref<128x16xf32, #tpu.memory_space<vmem>>) offsets(%dma_start3A_120 : memref<128xi32, #tpu.memory_space<vmem>>) semaphore(%arg12 : memref<!tpu.dma_semaphore, #tpu.memory_space<semaphore_mem>>)
        %mul3A_124 = arith.constant 8 : i32
        %mul3A_125 = arith.muli %mul3A_33, %mul3A_124 : i32
        %add3A_126 = arith.constant 7 : i32
        %add3A_127 = arith.addi %mul3A_125, %add3A_126 : i32
        %dma_start3A_128 = arith.constant 896 : i32
        %dma_start3A_129 = arith.constant 0 : i32
        %dma_start3A_130 = tpu.memref_slice %arg8[%dma_start3A_128, %dma_start3A_129] : memref<1024x16xf32, #tpu.memory_space<vmem>> -> memref<128x16xf32, #tpu.memory_space<vmem>>
        %dma_start3A_131 = arith.constant 0 : i32
        %dma_start3A_132 = tpu.memref_slice %arg6[%add3A_127, %dma_start3A_131] : memref<112x128xi32, #tpu.memory_space<vmem>> -> memref<1x128xi32, #tpu.memory_space<vmem>>
        %dma_start3A_133 = tpu.memref_squeeze %dma_start3A_132 : memref<1x128xi32, #tpu.memory_space<vmem>> -> memref<128xi32, #tpu.memory_space<vmem>>
        %dma_start3A_134 = arith.constant 0 : i32
        %dma_start3A_135 = arith.constant 0 : i32
        %dma_start3A_136 = tpu.memref_slice %arg2[%dma_start3A_134, %dma_start3A_135] : memref<10000x16xf32, #tpu.memory_space<hbm>> -> memref<10000x16xf32, #tpu.memory_space<hbm>>
        tpu.enqueue_indirect_dma source(%dma_start3A_136 : memref<10000x16xf32, #tpu.memory_space<hbm>>) target(%dma_start3A_130 : memref<128x16xf32, #tpu.memory_space<vmem>>) offsets(%dma_start3A_133 : memref<128xi32, #tpu.memory_space<vmem>>) semaphore(%arg12 : memref<!tpu.dma_semaphore, #tpu.memory_space<semaphore_mem>>)
        %add3A_137 = arith.constant 1 : i32
        %add3A_138 = arith.addi %mul3A_33, %add3A_137 : i32
        %mul3A_139 = arith.constant 8 : i32
        %mul3A_140 = arith.muli %add3A_138, %mul3A_139 : i32
        %add3A_141 = arith.constant 0 : i32
        %add3A_142 = arith.addi %mul3A_140, %add3A_141 : i32
        %dma_start3A_143 = arith.constant 0 : i32
        %dma_start3A_144 = arith.constant 0 : i32
        %dma_start3A_145 = tpu.memref_slice %arg9[%dma_start3A_143, %dma_start3A_144] : memref<1024x16xf32, #tpu.memory_space<vmem>> -> memref<128x16xf32, #tpu.memory_space<vmem>>
        %dma_start3A_146 = arith.constant 0 : i32
        %dma_start3A_147 = tpu.memref_slice %arg6[%add3A_142, %dma_start3A_146] : memref<112x128xi32, #tpu.memory_space<vmem>> -> memref<1x128xi32, #tpu.memory_space<vmem>>
        %dma_start3A_148 = tpu.memref_squeeze %dma_start3A_147 : memref<1x128xi32, #tpu.memory_space<vmem>> -> memref<128xi32, #tpu.memory_space<vmem>>
        %dma_start3A_149 = arith.constant 0 : i32
        %dma_start3A_150 = arith.constant 0 : i32
        %dma_start3A_151 = tpu.memref_slice %arg2[%dma_start3A_149, %dma_start3A_150] : memref<10000x16xf32, #tpu.memory_space<hbm>> -> memref<10000x16xf32, #tpu.memory_space<hbm>>
        tpu.enqueue_indirect_dma source(%dma_start3A_151 : memref<10000x16xf32, #tpu.memory_space<hbm>>) target(%dma_start3A_145 : memref<128x16xf32, #tpu.memory_space<vmem>>) offsets(%dma_start3A_148 : memref<128xi32, #tpu.memory_space<vmem>>) semaphore(%arg13 : memref<!tpu.dma_semaphore, #tpu.memory_space<semaphore_mem>>)
        %mul3A_152 = arith.constant 8 : i32
        %mul3A_153 = arith.muli %add3A_138, %mul3A_152 : i32
        %add3A_154 = arith.constant 1 : i32
        %add3A_155 = arith.addi %mul3A_153, %add3A_154 : i32
        %dma_start3A_156 = arith.constant 128 : i32
        %dma_start3A_157 = arith.constant 0 : i32
        %dma_start3A_158 = tpu.memref_slice %arg9[%dma_start3A_156, %dma_start3A_157] : memref<1024x16xf32, #tpu.memory_space<vmem>> -> memref<128x16xf32, #tpu.memory_space<vmem>>
        %dma_start3A_159 = arith.constant 0 : i32
        %dma_start3A_160 = tpu.memref_slice %arg6[%add3A_155, %dma_start3A_159] : memref<112x128xi32, #tpu.memory_space<vmem>> -> memref<1x128xi32, #tpu.memory_space<vmem>>
        %dma_start3A_161 = tpu.memref_squeeze %dma_start3A_160 : memref<1x128xi32, #tpu.memory_space<vmem>> -> memref<128xi32, #tpu.memory_space<vmem>>
        %dma_start3A_162 = arith.constant 0 : i32
        %dma_start3A_163 = arith.constant 0 : i32
        %dma_start3A_164 = tpu.memref_slice %arg2[%dma_start3A_162, %dma_start3A_163] : memref<10000x16xf32, #tpu.memory_space<hbm>> -> memref<10000x16xf32, #tpu.memory_space<hbm>>
        tpu.enqueue_indirect_dma source(%dma_start3A_164 : memref<10000x16xf32, #tpu.memory_space<hbm>>) target(%dma_start3A_158 : memref<128x16xf32, #tpu.memory_space<vmem>>) offsets(%dma_start3A_161 : memref<128xi32, #tpu.memory_space<vmem>>) semaphore(%arg13 : memref<!tpu.dma_semaphore, #tpu.memory_space<semaphore_mem>>)
        %mul3A_165 = arith.constant 8 : i32
        %mul3A_166 = arith.muli %add3A_138, %mul3A_165 : i32
        %add3A_167 = arith.constant 2 : i32
        %add3A_168 = arith.addi %mul3A_166, %add3A_167 : i32
        %dma_start3A_169 = arith.constant 256 : i32
        %dma_start3A_170 = arith.constant 0 : i32
        %dma_start3A_171 = tpu.memref_slice %arg9[%dma_start3A_169, %dma_start3A_170] : memref<1024x16xf32, #tpu.memory_space<vmem>> -> memref<128x16xf32, #tpu.memory_space<vmem>>
        %dma_start3A_172 = arith.constant 0 : i32
        %dma_start3A_173 = tpu.memref_slice %arg6[%add3A_168, %dma_start3A_172] : memref<112x128xi32, #tpu.memory_space<vmem>> -> memref<1x128xi32, #tpu.memory_space<vmem>>
        %dma_start3A_174 = tpu.memref_squeeze %dma_start3A_173 : memref<1x128xi32, #tpu.memory_space<vmem>> -> memref<128xi32, #tpu.memory_space<vmem>>
        %dma_start3A_175 = arith.constant 0 : i32
        %dma_start3A_176 = arith.constant 0 : i32
        %dma_start3A_177 = tpu.memref_slice %arg2[%dma_start3A_175, %dma_start3A_176] : memref<10000x16xf32, #tpu.memory_space<hbm>> -> memref<10000x16xf32, #tpu.memory_space<hbm>>
        tpu.enqueue_indirect_dma source(%dma_start3A_177 : memref<10000x16xf32, #tpu.memory_space<hbm>>) target(%dma_start3A_171 : memref<128x16xf32, #tpu.memory_space<vmem>>) offsets(%dma_start3A_174 : memref<128xi32, #tpu.memory_space<vmem>>) semaphore(%arg13 : memref<!tpu.dma_semaphore, #tpu.memory_space<semaphore_mem>>)
        %mul3A_178 = arith.constant 8 : i32
        %mul3A_179 = arith.muli %add3A_138, %mul3A_178 : i32
        %add3A_180 = arith.constant 3 : i32
        %add3A_181 = arith.addi %mul3A_179, %add3A_180 : i32
        %dma_start3A_182 = arith.constant 384 : i32
        %dma_start3A_183 = arith.constant 0 : i32
        %dma_start3A_184 = tpu.memref_slice %arg9[%dma_start3A_182, %dma_start3A_183] : memref<1024x16xf32, #tpu.memory_space<vmem>> -> memref<128x16xf32, #tpu.memory_space<vmem>>
        %dma_start3A_185 = arith.constant 0 : i32
        %dma_start3A_186 = tpu.memref_slice %arg6[%add3A_181, %dma_start3A_185] : memref<112x128xi32, #tpu.memory_space<vmem>> -> memref<1x128xi32, #tpu.memory_space<vmem>>
        %dma_start3A_187 = tpu.memref_squeeze %dma_start3A_186 : memref<1x128xi32, #tpu.memory_space<vmem>> -> memref<128xi32, #tpu.memory_space<vmem>>
        %dma_start3A_188 = arith.constant 0 : i32
        %dma_start3A_189 = arith.constant 0 : i32
        %dma_start3A_190 = tpu.memref_slice %arg2[%dma_start3A_188, %dma_start3A_189] : memref<10000x16xf32, #tpu.memory_space<hbm>> -> memref<10000x16xf32, #tpu.memory_space<hbm>>
        tpu.enqueue_indirect_dma source(%dma_start3A_190 : memref<10000x16xf32, #tpu.memory_space<hbm>>) target(%dma_start3A_184 : memref<128x16xf32, #tpu.memory_space<vmem>>) offsets(%dma_start3A_187 : memref<128xi32, #tpu.memory_space<vmem>>) semaphore(%arg13 : memref<!tpu.dma_semaphore, #tpu.memory_space<semaphore_mem>>)
        %mul3A_191 = arith.constant 8 : i32
        %mul3A_192 = arith.muli %add3A_138, %mul3A_191 : i32
        %add3A_193 = arith.constant 4 : i32
        %add3A_194 = arith.addi %mul3A_192, %add3A_193 : i32
        %dma_start3A_195 = arith.constant 512 : i32
        %dma_start3A_196 = arith.constant 0 : i32
        %dma_start3A_197 = tpu.memref_slice %arg9[%dma_start3A_195, %dma_start3A_196] : memref<1024x16xf32, #tpu.memory_space<vmem>> -> memref<128x16xf32, #tpu.memory_space<vmem>>
        %dma_start3A_198 = arith.constant 0 : i32
        %dma_start3A_199 = tpu.memref_slice %arg6[%add3A_194, %dma_start3A_198] : memref<112x128xi32, #tpu.memory_space<vmem>> -> memref<1x128xi32, #tpu.memory_space<vmem>>
        %dma_start3A_200 = tpu.memref_squeeze %dma_start3A_199 : memref<1x128xi32, #tpu.memory_space<vmem>> -> memref<128xi32, #tpu.memory_space<vmem>>
        %dma_start3A_201 = arith.constant 0 : i32
        %dma_start3A_202 = arith.constant 0 : i32
        %dma_start3A_203 = tpu.memref_slice %arg2[%dma_start3A_201, %dma_start3A_202] : memref<10000x16xf32, #tpu.memory_space<hbm>> -> memref<10000x16xf32, #tpu.memory_space<hbm>>
        tpu.enqueue_indirect_dma source(%dma_start3A_203 : memref<10000x16xf32, #tpu.memory_space<hbm>>) target(%dma_start3A_197 : memref<128x16xf32, #tpu.memory_space<vmem>>) offsets(%dma_start3A_200 : memref<128xi32, #tpu.memory_space<vmem>>) semaphore(%arg13 : memref<!tpu.dma_semaphore, #tpu.memory_space<semaphore_mem>>)
        %mul3A_204 = arith.constant 8 : i32
        %mul3A_205 = arith.muli %add3A_138, %mul3A_204 : i32
        %add3A_206 = arith.constant 5 : i32
        %add3A_207 = arith.addi %mul3A_205, %add3A_206 : i32
        %dma_start3A_208 = arith.constant 640 : i32
        %dma_start3A_209 = arith.constant 0 : i32
        %dma_start3A_210 = tpu.memref_slice %arg9[%dma_start3A_208, %dma_start3A_209] : memref<1024x16xf32, #tpu.memory_space<vmem>> -> memref<128x16xf32, #tpu.memory_space<vmem>>
        %dma_start3A_211 = arith.constant 0 : i32
        %dma_start3A_212 = tpu.memref_slice %arg6[%add3A_207, %dma_start3A_211] : memref<112x128xi32, #tpu.memory_space<vmem>> -> memref<1x128xi32, #tpu.memory_space<vmem>>
        %dma_start3A_213 = tpu.memref_squeeze %dma_start3A_212 : memref<1x128xi32, #tpu.memory_space<vmem>> -> memref<128xi32, #tpu.memory_space<vmem>>
        %dma_start3A_214 = arith.constant 0 : i32
        %dma_start3A_215 = arith.constant 0 : i32
        %dma_start3A_216 = tpu.memref_slice %arg2[%dma_start3A_214, %dma_start3A_215] : memref<10000x16xf32, #tpu.memory_space<hbm>> -> memref<10000x16xf32, #tpu.memory_space<hbm>>
        tpu.enqueue_indirect_dma source(%dma_start3A_216 : memref<10000x16xf32, #tpu.memory_space<hbm>>) target(%dma_start3A_210 : memref<128x16xf32, #tpu.memory_space<vmem>>) offsets(%dma_start3A_213 : memref<128xi32, #tpu.memory_space<vmem>>) semaphore(%arg13 : memref<!tpu.dma_semaphore, #tpu.memory_space<semaphore_mem>>)
        %mul3A_217 = arith.constant 8 : i32
        %mul3A_218 = arith.muli %add3A_138, %mul3A_217 : i32
        %add3A_219 = arith.constant 6 : i32
        %add3A_220 = arith.addi %mul3A_218, %add3A_219 : i32
        %dma_start3A_221 = arith.constant 768 : i32
        %dma_start3A_222 = arith.constant 0 : i32
        %dma_start3A_223 = tpu.memref_slice %arg9[%dma_start3A_221, %dma_start3A_222] : memref<1024x16xf32, #tpu.memory_space<vmem>> -> memref<128x16xf32, #tpu.memory_space<vmem>>
        %dma_start3A_224 = arith.constant 0 : i32
        %dma_start3A_225 = tpu.memref_slice %arg6[%add3A_220, %dma_start3A_224] : memref<112x128xi32, #tpu.memory_space<vmem>> -> memref<1x128xi32, #tpu.memory_space<vmem>>
        %dma_start3A_226 = tpu.memref_squeeze %dma_start3A_225 : memref<1x128xi32, #tpu.memory_space<vmem>> -> memref<128xi32, #tpu.memory_space<vmem>>
        %dma_start3A_227 = arith.constant 0 : i32
        %dma_start3A_228 = arith.constant 0 : i32
        %dma_start3A_229 = tpu.memref_slice %arg2[%dma_start3A_227, %dma_start3A_228] : memref<10000x16xf32, #tpu.memory_space<hbm>> -> memref<10000x16xf32, #tpu.memory_space<hbm>>
        tpu.enqueue_indirect_dma source(%dma_start3A_229 : memref<10000x16xf32, #tpu.memory_space<hbm>>) target(%dma_start3A_223 : memref<128x16xf32, #tpu.memory_space<vmem>>) offsets(%dma_start3A_226 : memref<128xi32, #tpu.memory_space<vmem>>) semaphore(%arg13 : memref<!tpu.dma_semaphore, #tpu.memory_space<semaphore_mem>>)
        %mul3A_230 = arith.constant 8 : i32
        %mul3A_231 = arith.muli %add3A_138, %mul3A_230 : i32
        %add3A_232 = arith.constant 7 : i32
        %add3A_233 = arith.addi %mul3A_231, %add3A_232 : i32
        %dma_start3A_234 = arith.constant 896 : i32
        %dma_start3A_235 = arith.constant 0 : i32
        %dma_start3A_236 = tpu.memref_slice %arg9[%dma_start3A_234, %dma_start3A_235] : memref<1024x16xf32, #tpu.memory_space<vmem>> -> memref<128x16xf32, #tpu.memory_space<vmem>>
        %dma_start3A_237 = arith.constant 0 : i32
        %dma_start3A_238 = tpu.memref_slice %arg6[%add3A_233, %dma_start3A_237] : memref<112x128xi32, #tpu.memory_space<vmem>> -> memref<1x128xi32, #tpu.memory_space<vmem>>
        %dma_start3A_239 = tpu.memref_squeeze %dma_start3A_238 : memref<1x128xi32, #tpu.memory_space<vmem>> -> memref<128xi32, #tpu.memory_space<vmem>>
        %dma_start3A_240 = arith.constant 0 : i32
        %dma_start3A_241 = arith.constant 0 : i32
        %dma_start3A_242 = tpu.memref_slice %arg2[%dma_start3A_240, %dma_start3A_241] : memref<10000x16xf32, #tpu.memory_space<hbm>> -> memref<10000x16xf32, #tpu.memory_space<hbm>>
        tpu.enqueue_indirect_dma source(%dma_start3A_242 : memref<10000x16xf32, #tpu.memory_space<hbm>>) target(%dma_start3A_236 : memref<128x16xf32, #tpu.memory_space<vmem>>) offsets(%dma_start3A_239 : memref<128xi32, #tpu.memory_space<vmem>>) semaphore(%arg13 : memref<!tpu.dma_semaphore, #tpu.memory_space<semaphore_mem>>)
        %dma_wait3A = arith.constant 0 : i32
        %dma_wait3A_243 = arith.constant 0 : i32
        %dma_wait3A_244 = tpu.memref_slice %arg8[%dma_wait3A, %dma_wait3A_243] : memref<1024x16xf32, #tpu.memory_space<vmem>> -> memref<128x16xf32, #tpu.memory_space<vmem>>
        %dma_wait3A_245 = arith.constant 0 : i32
        %dma_wait3A_246 = tpu.memref_slice %arg6[%add3A_37, %dma_wait3A_245] : memref<112x128xi32, #tpu.memory_space<vmem>> -> memref<1x128xi32, #tpu.memory_space<vmem>>
        %dma_wait3A_247 = tpu.memref_squeeze %dma_wait3A_246 : memref<1x128xi32, #tpu.memory_space<vmem>> -> memref<128xi32, #tpu.memory_space<vmem>>
        %dma_wait3A_248 = arith.constant 0 : i32
        %dma_wait3A_249 = arith.constant 0 : i32
        %dma_wait3A_250 = tpu.memref_slice %arg2[%dma_wait3A_248, %dma_wait3A_249] : memref<10000x16xf32, #tpu.memory_space<hbm>> -> memref<10000x16xf32, #tpu.memory_space<hbm>>
        tpu.wait_indirect_dma semaphore(%arg12 : memref<!tpu.dma_semaphore, #tpu.memory_space<semaphore_mem>>) src(%dma_wait3A_250 : memref<10000x16xf32, #tpu.memory_space<hbm>>) dst(%dma_wait3A_244 : memref<128x16xf32, #tpu.memory_space<vmem>>)
        %dma_wait3A_251 = arith.constant 128 : i32
        %dma_wait3A_252 = arith.constant 0 : i32
        %dma_wait3A_253 = tpu.memref_slice %arg8[%dma_wait3A_251, %dma_wait3A_252] : memref<1024x16xf32, #tpu.memory_space<vmem>> -> memref<128x16xf32, #tpu.memory_space<vmem>>
        %dma_wait3A_254 = arith.constant 0 : i32
        %dma_wait3A_255 = tpu.memref_slice %arg6[%add3A_49, %dma_wait3A_254] : memref<112x128xi32, #tpu.memory_space<vmem>> -> memref<1x128xi32, #tpu.memory_space<vmem>>
        %dma_wait3A_256 = tpu.memref_squeeze %dma_wait3A_255 : memref<1x128xi32, #tpu.memory_space<vmem>> -> memref<128xi32, #tpu.memory_space<vmem>>
        %dma_wait3A_257 = arith.constant 0 : i32
        %dma_wait3A_258 = arith.constant 0 : i32
        %dma_wait3A_259 = tpu.memref_slice %arg2[%dma_wait3A_257, %dma_wait3A_258] : memref<10000x16xf32, #tpu.memory_space<hbm>> -> memref<10000x16xf32, #tpu.memory_space<hbm>>
        tpu.wait_indirect_dma semaphore(%arg12 : memref<!tpu.dma_semaphore, #tpu.memory_space<semaphore_mem>>) src(%dma_wait3A_259 : memref<10000x16xf32, #tpu.memory_space<hbm>>) dst(%dma_wait3A_253 : memref<128x16xf32, #tpu.memory_space<vmem>>)
        %dma_wait3A_260 = arith.constant 256 : i32
        %dma_wait3A_261 = arith.constant 0 : i32
        %dma_wait3A_262 = tpu.memref_slice %arg8[%dma_wait3A_260, %dma_wait3A_261] : memref<1024x16xf32, #tpu.memory_space<vmem>> -> memref<128x16xf32, #tpu.memory_space<vmem>>
        %dma_wait3A_263 = arith.constant 0 : i32
        %dma_wait3A_264 = tpu.memref_slice %arg6[%add3A_62, %dma_wait3A_263] : memref<112x128xi32, #tpu.memory_space<vmem>> -> memref<1x128xi32, #tpu.memory_space<vmem>>
        %dma_wait3A_265 = tpu.memref_squeeze %dma_wait3A_264 : memref<1x128xi32, #tpu.memory_space<vmem>> -> memref<128xi32, #tpu.memory_space<vmem>>
        %dma_wait3A_266 = arith.constant 0 : i32
        %dma_wait3A_267 = arith.constant 0 : i32
        %dma_wait3A_268 = tpu.memref_slice %arg2[%dma_wait3A_266, %dma_wait3A_267] : memref<10000x16xf32, #tpu.memory_space<hbm>> -> memref<10000x16xf32, #tpu.memory_space<hbm>>
        tpu.wait_indirect_dma semaphore(%arg12 : memref<!tpu.dma_semaphore, #tpu.memory_space<semaphore_mem>>) src(%dma_wait3A_268 : memref<10000x16xf32, #tpu.memory_space<hbm>>) dst(%dma_wait3A_262 : memref<128x16xf32, #tpu.memory_space<vmem>>)
        %dma_wait3A_269 = arith.constant 384 : i32
        %dma_wait3A_270 = arith.constant 0 : i32
        %dma_wait3A_271 = tpu.memref_slice %arg8[%dma_wait3A_269, %dma_wait3A_270] : memref<1024x16xf32, #tpu.memory_space<vmem>> -> memref<128x16xf32, #tpu.memory_space<vmem>>
        %dma_wait3A_272 = arith.constant 0 : i32
        %dma_wait3A_273 = tpu.memref_slice %arg6[%add3A_75, %dma_wait3A_272] : memref<112x128xi32, #tpu.memory_space<vmem>> -> memref<1x128xi32, #tpu.memory_space<vmem>>
        %dma_wait3A_274 = tpu.memref_squeeze %dma_wait3A_273 : memref<1x128xi32, #tpu.memory_space<vmem>> -> memref<128xi32, #tpu.memory_space<vmem>>
        %dma_wait3A_275 = arith.constant 0 : i32
        %dma_wait3A_276 = arith.constant 0 : i32
        %dma_wait3A_277 = tpu.memref_slice %arg2[%dma_wait3A_275, %dma_wait3A_276] : memref<10000x16xf32, #tpu.memory_space<hbm>> -> memref<10000x16xf32, #tpu.memory_space<hbm>>
        tpu.wait_indirect_dma semaphore(%arg12 : memref<!tpu.dma_semaphore, #tpu.memory_space<semaphore_mem>>) src(%dma_wait3A_277 : memref<10000x16xf32, #tpu.memory_space<hbm>>) dst(%dma_wait3A_271 : memref<128x16xf32, #tpu.memory_space<vmem>>)
        %dma_wait3A_278 = arith.constant 512 : i32
        %dma_wait3A_279 = arith.constant 0 : i32
        %dma_wait3A_280 = tpu.memref_slice %arg8[%dma_wait3A_278, %dma_wait3A_279] : memref<1024x16xf32, #tpu.memory_space<vmem>> -> memref<128x16xf32, #tpu.memory_space<vmem>>
        %dma_wait3A_281 = arith.constant 0 : i32
        %dma_wait3A_282 = tpu.memref_slice %arg6[%add3A_88, %dma_wait3A_281] : memref<112x128xi32, #tpu.memory_space<vmem>> -> memref<1x128xi32, #tpu.memory_space<vmem>>
        %dma_wait3A_283 = tpu.memref_squeeze %dma_wait3A_282 : memref<1x128xi32, #tpu.memory_space<vmem>> -> memref<128xi32, #tpu.memory_space<vmem>>
        %dma_wait3A_284 = arith.constant 0 : i32
        %dma_wait3A_285 = arith.constant 0 : i32
        %dma_wait3A_286 = tpu.memref_slice %arg2[%dma_wait3A_284, %dma_wait3A_285] : memref<10000x16xf32, #tpu.memory_space<hbm>> -> memref<10000x16xf32, #tpu.memory_space<hbm>>
        tpu.wait_indirect_dma semaphore(%arg12 : memref<!tpu.dma_semaphore, #tpu.memory_space<semaphore_mem>>) src(%dma_wait3A_286 : memref<10000x16xf32, #tpu.memory_space<hbm>>) dst(%dma_wait3A_280 : memref<128x16xf32, #tpu.memory_space<vmem>>)
        %dma_wait3A_287 = arith.constant 640 : i32
        %dma_wait3A_288 = arith.constant 0 : i32
        %dma_wait3A_289 = tpu.memref_slice %arg8[%dma_wait3A_287, %dma_wait3A_288] : memref<1024x16xf32, #tpu.memory_space<vmem>> -> memref<128x16xf32, #tpu.memory_space<vmem>>
        %dma_wait3A_290 = arith.constant 0 : i32
        %dma_wait3A_291 = tpu.memref_slice %arg6[%add3A_101, %dma_wait3A_290] : memref<112x128xi32, #tpu.memory_space<vmem>> -> memref<1x128xi32, #tpu.memory_space<vmem>>
        %dma_wait3A_292 = tpu.memref_squeeze %dma_wait3A_291 : memref<1x128xi32, #tpu.memory_space<vmem>> -> memref<128xi32, #tpu.memory_space<vmem>>
        %dma_wait3A_293 = arith.constant 0 : i32
        %dma_wait3A_294 = arith.constant 0 : i32
        %dma_wait3A_295 = tpu.memref_slice %arg2[%dma_wait3A_293, %dma_wait3A_294] : memref<10000x16xf32, #tpu.memory_space<hbm>> -> memref<10000x16xf32, #tpu.memory_space<hbm>>
        tpu.wait_indirect_dma semaphore(%arg12 : memref<!tpu.dma_semaphore, #tpu.memory_space<semaphore_mem>>) src(%dma_wait3A_295 : memref<10000x16xf32, #tpu.memory_space<hbm>>) dst(%dma_wait3A_289 : memref<128x16xf32, #tpu.memory_space<vmem>>)
        %dma_wait3A_296 = arith.constant 768 : i32
        %dma_wait3A_297 = arith.constant 0 : i32
        %dma_wait3A_298 = tpu.memref_slice %arg8[%dma_wait3A_296, %dma_wait3A_297] : memref<1024x16xf32, #tpu.memory_space<vmem>> -> memref<128x16xf32, #tpu.memory_space<vmem>>
        %dma_wait3A_299 = arith.constant 0 : i32
        %dma_wait3A_300 = tpu.memref_slice %arg6[%add3A_114, %dma_wait3A_299] : memref<112x128xi32, #tpu.memory_space<vmem>> -> memref<1x128xi32, #tpu.memory_space<vmem>>
        %dma_wait3A_301 = tpu.memref_squeeze %dma_wait3A_300 : memref<1x128xi32, #tpu.memory_space<vmem>> -> memref<128xi32, #tpu.memory_space<vmem>>
        %dma_wait3A_302 = arith.constant 0 : i32
        %dma_wait3A_303 = arith.constant 0 : i32
        %dma_wait3A_304 = tpu.memref_slice %arg2[%dma_wait3A_302, %dma_wait3A_303] : memref<10000x16xf32, #tpu.memory_space<hbm>> -> memref<10000x16xf32, #tpu.memory_space<hbm>>
        tpu.wait_indirect_dma semaphore(%arg12 : memref<!tpu.dma_semaphore, #tpu.memory_space<semaphore_mem>>) src(%dma_wait3A_304 : memref<10000x16xf32, #tpu.memory_space<hbm>>) dst(%dma_wait3A_298 : memref<128x16xf32, #tpu.memory_space<vmem>>)
        %dma_wait3A_305 = arith.constant 896 : i32
        %dma_wait3A_306 = arith.constant 0 : i32
        %dma_wait3A_307 = tpu.memref_slice %arg8[%dma_wait3A_305, %dma_wait3A_306] : memref<1024x16xf32, #tpu.memory_space<vmem>> -> memref<128x16xf32, #tpu.memory_space<vmem>>
        %dma_wait3A_308 = arith.constant 0 : i32
        %dma_wait3A_309 = tpu.memref_slice %arg6[%add3A_127, %dma_wait3A_308] : memref<112x128xi32, #tpu.memory_space<vmem>> -> memref<1x128xi32, #tpu.memory_space<vmem>>
        %dma_wait3A_310 = tpu.memref_squeeze %dma_wait3A_309 : memref<1x128xi32, #tpu.memory_space<vmem>> -> memref<128xi32, #tpu.memory_space<vmem>>
        %dma_wait3A_311 = arith.constant 0 : i32
        %dma_wait3A_312 = arith.constant 0 : i32
        %dma_wait3A_313 = tpu.memref_slice %arg2[%dma_wait3A_311, %dma_wait3A_312] : memref<10000x16xf32, #tpu.memory_space<hbm>> -> memref<10000x16xf32, #tpu.memory_space<hbm>>
        tpu.wait_indirect_dma semaphore(%arg12 : memref<!tpu.dma_semaphore, #tpu.memory_space<semaphore_mem>>) src(%dma_wait3A_313 : memref<10000x16xf32, #tpu.memory_space<hbm>>) dst(%dma_wait3A_307 : memref<128x16xf32, #tpu.memory_space<vmem>>)
        %mul3A_314 = arith.constant 8 : i32
        %mul3A_315 = arith.muli %mul3A_33, %mul3A_314 : i32
        %add3A_316 = arith.constant 0 : i32
        %add3A_317 = arith.addi %mul3A_315, %add3A_316 : i32
        %dma_start3A_318 = arith.constant 0 : i32
        %dma_start3A_319 = arith.constant 0 : i32
        %dma_start3A_320 = tpu.memref_slice %arg8[%dma_start3A_318, %dma_start3A_319] : memref<1024x16xf32, #tpu.memory_space<vmem>> -> memref<128x16xf32, #tpu.memory_space<vmem>>
        %dma_start3A_321 = arith.constant 0 : i32
        %dma_start3A_322 = tpu.memref_slice %arg7[%add3A_317, %dma_start3A_321] : memref<112x128xi32, #tpu.memory_space<vmem>> -> memref<1x128xi32, #tpu.memory_space<vmem>>
        %dma_start3A_323 = tpu.memref_squeeze %dma_start3A_322 : memref<1x128xi32, #tpu.memory_space<vmem>> -> memref<128xi32, #tpu.memory_space<vmem>>
        %dma_start3A_324 = arith.constant 0 : i32
        %dma_start3A_325 = arith.constant 0 : i32
        %dma_start3A_326 = tpu.memref_slice %arg11[%dma_start3A_324, %dma_start3A_325] : memref<10112x16xf32, #tpu.memory_space<vmem_shared>> -> memref<10112x16xf32, #tpu.memory_space<vmem_shared>>
        tpu.enqueue_indirect_dma source(%dma_start3A_320 : memref<128x16xf32, #tpu.memory_space<vmem>>) target(%dma_start3A_326 : memref<10112x16xf32, #tpu.memory_space<vmem_shared>>) offsets(%dma_start3A_323 : memref<128xi32, #tpu.memory_space<vmem>>) semaphore(%arg14 : memref<!tpu.dma_semaphore, #tpu.memory_space<semaphore_mem>>) {add = true}
        %mul3A_327 = arith.constant 8 : i32
        %mul3A_328 = arith.muli %mul3A_33, %mul3A_327 : i32
        %add3A_329 = arith.constant 1 : i32
        %add3A_330 = arith.addi %mul3A_328, %add3A_329 : i32
        %dma_start3A_331 = arith.constant 128 : i32
        %dma_start3A_332 = arith.constant 0 : i32
        %dma_start3A_333 = tpu.memref_slice %arg8[%dma_start3A_331, %dma_start3A_332] : memref<1024x16xf32, #tpu.memory_space<vmem>> -> memref<128x16xf32, #tpu.memory_space<vmem>>
        %dma_start3A_334 = arith.constant 0 : i32
        %dma_start3A_335 = tpu.memref_slice %arg7[%add3A_330, %dma_start3A_334] : memref<112x128xi32, #tpu.memory_space<vmem>> -> memref<1x128xi32, #tpu.memory_space<vmem>>
        %dma_start3A_336 = tpu.memref_squeeze %dma_start3A_335 : memref<1x128xi32, #tpu.memory_space<vmem>> -> memref<128xi32, #tpu.memory_space<vmem>>
        %dma_start3A_337 = arith.constant 0 : i32
        %dma_start3A_338 = arith.constant 0 : i32
        %dma_start3A_339 = tpu.memref_slice %arg11[%dma_start3A_337, %dma_start3A_338] : memref<10112x16xf32, #tpu.memory_space<vmem_shared>> -> memref<10112x16xf32, #tpu.memory_space<vmem_shared>>
        tpu.enqueue_indirect_dma source(%dma_start3A_333 : memref<128x16xf32, #tpu.memory_space<vmem>>) target(%dma_start3A_339 : memref<10112x16xf32, #tpu.memory_space<vmem_shared>>) offsets(%dma_start3A_336 : memref<128xi32, #tpu.memory_space<vmem>>) semaphore(%arg14 : memref<!tpu.dma_semaphore, #tpu.memory_space<semaphore_mem>>) {add = true}
        %mul3A_340 = arith.constant 8 : i32
        %mul3A_341 = arith.muli %mul3A_33, %mul3A_340 : i32
        %add3A_342 = arith.constant 2 : i32
        %add3A_343 = arith.addi %mul3A_341, %add3A_342 : i32
        %dma_start3A_344 = arith.constant 256 : i32
        %dma_start3A_345 = arith.constant 0 : i32
        %dma_start3A_346 = tpu.memref_slice %arg8[%dma_start3A_344, %dma_start3A_345] : memref<1024x16xf32, #tpu.memory_space<vmem>> -> memref<128x16xf32, #tpu.memory_space<vmem>>
        %dma_start3A_347 = arith.constant 0 : i32
        %dma_start3A_348 = tpu.memref_slice %arg7[%add3A_343, %dma_start3A_347] : memref<112x128xi32, #tpu.memory_space<vmem>> -> memref<1x128xi32, #tpu.memory_space<vmem>>
        %dma_start3A_349 = tpu.memref_squeeze %dma_start3A_348 : memref<1x128xi32, #tpu.memory_space<vmem>> -> memref<128xi32, #tpu.memory_space<vmem>>
        %dma_start3A_350 = arith.constant 0 : i32
        %dma_start3A_351 = arith.constant 0 : i32
        %dma_start3A_352 = tpu.memref_slice %arg11[%dma_start3A_350, %dma_start3A_351] : memref<10112x16xf32, #tpu.memory_space<vmem_shared>> -> memref<10112x16xf32, #tpu.memory_space<vmem_shared>>
        tpu.enqueue_indirect_dma source(%dma_start3A_346 : memref<128x16xf32, #tpu.memory_space<vmem>>) target(%dma_start3A_352 : memref<10112x16xf32, #tpu.memory_space<vmem_shared>>) offsets(%dma_start3A_349 : memref<128xi32, #tpu.memory_space<vmem>>) semaphore(%arg14 : memref<!tpu.dma_semaphore, #tpu.memory_space<semaphore_mem>>) {add = true}
        %mul3A_353 = arith.constant 8 : i32
        %mul3A_354 = arith.muli %mul3A_33, %mul3A_353 : i32
        %add3A_355 = arith.constant 3 : i32
        %add3A_356 = arith.addi %mul3A_354, %add3A_355 : i32
        %dma_start3A_357 = arith.constant 384 : i32
        %dma_start3A_358 = arith.constant 0 : i32
        %dma_start3A_359 = tpu.memref_slice %arg8[%dma_start3A_357, %dma_start3A_358] : memref<1024x16xf32, #tpu.memory_space<vmem>> -> memref<128x16xf32, #tpu.memory_space<vmem>>
        %dma_start3A_360 = arith.constant 0 : i32
        %dma_start3A_361 = tpu.memref_slice %arg7[%add3A_356, %dma_start3A_360] : memref<112x128xi32, #tpu.memory_space<vmem>> -> memref<1x128xi32, #tpu.memory_space<vmem>>
        %dma_start3A_362 = tpu.memref_squeeze %dma_start3A_361 : memref<1x128xi32, #tpu.memory_space<vmem>> -> memref<128xi32, #tpu.memory_space<vmem>>
        %dma_start3A_363 = arith.constant 0 : i32
        %dma_start3A_364 = arith.constant 0 : i32
        %dma_start3A_365 = tpu.memref_slice %arg11[%dma_start3A_363, %dma_start3A_364] : memref<10112x16xf32, #tpu.memory_space<vmem_shared>> -> memref<10112x16xf32, #tpu.memory_space<vmem_shared>>
        tpu.enqueue_indirect_dma source(%dma_start3A_359 : memref<128x16xf32, #tpu.memory_space<vmem>>) target(%dma_start3A_365 : memref<10112x16xf32, #tpu.memory_space<vmem_shared>>) offsets(%dma_start3A_362 : memref<128xi32, #tpu.memory_space<vmem>>) semaphore(%arg14 : memref<!tpu.dma_semaphore, #tpu.memory_space<semaphore_mem>>) {add = true}
        %mul3A_366 = arith.constant 8 : i32
        %mul3A_367 = arith.muli %mul3A_33, %mul3A_366 : i32
        %add3A_368 = arith.constant 4 : i32
        %add3A_369 = arith.addi %mul3A_367, %add3A_368 : i32
        %dma_start3A_370 = arith.constant 512 : i32
        %dma_start3A_371 = arith.constant 0 : i32
        %dma_start3A_372 = tpu.memref_slice %arg8[%dma_start3A_370, %dma_start3A_371] : memref<1024x16xf32, #tpu.memory_space<vmem>> -> memref<128x16xf32, #tpu.memory_space<vmem>>
        %dma_start3A_373 = arith.constant 0 : i32
        %dma_start3A_374 = tpu.memref_slice %arg7[%add3A_369, %dma_start3A_373] : memref<112x128xi32, #tpu.memory_space<vmem>> -> memref<1x128xi32, #tpu.memory_space<vmem>>
        %dma_start3A_375 = tpu.memref_squeeze %dma_start3A_374 : memref<1x128xi32, #tpu.memory_space<vmem>> -> memref<128xi32, #tpu.memory_space<vmem>>
        %dma_start3A_376 = arith.constant 0 : i32
        %dma_start3A_377 = arith.constant 0 : i32
        %dma_start3A_378 = tpu.memref_slice %arg11[%dma_start3A_376, %dma_start3A_377] : memref<10112x16xf32, #tpu.memory_space<vmem_shared>> -> memref<10112x16xf32, #tpu.memory_space<vmem_shared>>
        tpu.enqueue_indirect_dma source(%dma_start3A_372 : memref<128x16xf32, #tpu.memory_space<vmem>>) target(%dma_start3A_378 : memref<10112x16xf32, #tpu.memory_space<vmem_shared>>) offsets(%dma_start3A_375 : memref<128xi32, #tpu.memory_space<vmem>>) semaphore(%arg14 : memref<!tpu.dma_semaphore, #tpu.memory_space<semaphore_mem>>) {add = true}
        %mul3A_379 = arith.constant 8 : i32
        %mul3A_380 = arith.muli %mul3A_33, %mul3A_379 : i32
        %add3A_381 = arith.constant 5 : i32
        %add3A_382 = arith.addi %mul3A_380, %add3A_381 : i32
        %dma_start3A_383 = arith.constant 640 : i32
        %dma_start3A_384 = arith.constant 0 : i32
        %dma_start3A_385 = tpu.memref_slice %arg8[%dma_start3A_383, %dma_start3A_384] : memref<1024x16xf32, #tpu.memory_space<vmem>> -> memref<128x16xf32, #tpu.memory_space<vmem>>
        %dma_start3A_386 = arith.constant 0 : i32
        %dma_start3A_387 = tpu.memref_slice %arg7[%add3A_382, %dma_start3A_386] : memref<112x128xi32, #tpu.memory_space<vmem>> -> memref<1x128xi32, #tpu.memory_space<vmem>>
        %dma_start3A_388 = tpu.memref_squeeze %dma_start3A_387 : memref<1x128xi32, #tpu.memory_space<vmem>> -> memref<128xi32, #tpu.memory_space<vmem>>
        %dma_start3A_389 = arith.constant 0 : i32
        %dma_start3A_390 = arith.constant 0 : i32
        %dma_start3A_391 = tpu.memref_slice %arg11[%dma_start3A_389, %dma_start3A_390] : memref<10112x16xf32, #tpu.memory_space<vmem_shared>> -> memref<10112x16xf32, #tpu.memory_space<vmem_shared>>
        tpu.enqueue_indirect_dma source(%dma_start3A_385 : memref<128x16xf32, #tpu.memory_space<vmem>>) target(%dma_start3A_391 : memref<10112x16xf32, #tpu.memory_space<vmem_shared>>) offsets(%dma_start3A_388 : memref<128xi32, #tpu.memory_space<vmem>>) semaphore(%arg14 : memref<!tpu.dma_semaphore, #tpu.memory_space<semaphore_mem>>) {add = true}
        %mul3A_392 = arith.constant 8 : i32
        %mul3A_393 = arith.muli %mul3A_33, %mul3A_392 : i32
        %add3A_394 = arith.constant 6 : i32
        %add3A_395 = arith.addi %mul3A_393, %add3A_394 : i32
        %dma_start3A_396 = arith.constant 768 : i32
        %dma_start3A_397 = arith.constant 0 : i32
        %dma_start3A_398 = tpu.memref_slice %arg8[%dma_start3A_396, %dma_start3A_397] : memref<1024x16xf32, #tpu.memory_space<vmem>> -> memref<128x16xf32, #tpu.memory_space<vmem>>
        %dma_start3A_399 = arith.constant 0 : i32
        %dma_start3A_400 = tpu.memref_slice %arg7[%add3A_395, %dma_start3A_399] : memref<112x128xi32, #tpu.memory_space<vmem>> -> memref<1x128xi32, #tpu.memory_space<vmem>>
        %dma_start3A_401 = tpu.memref_squeeze %dma_start3A_400 : memref<1x128xi32, #tpu.memory_space<vmem>> -> memref<128xi32, #tpu.memory_space<vmem>>
        %dma_start3A_402 = arith.constant 0 : i32
        %dma_start3A_403 = arith.constant 0 : i32
        %dma_start3A_404 = tpu.memref_slice %arg11[%dma_start3A_402, %dma_start3A_403] : memref<10112x16xf32, #tpu.memory_space<vmem_shared>> -> memref<10112x16xf32, #tpu.memory_space<vmem_shared>>
        tpu.enqueue_indirect_dma source(%dma_start3A_398 : memref<128x16xf32, #tpu.memory_space<vmem>>) target(%dma_start3A_404 : memref<10112x16xf32, #tpu.memory_space<vmem_shared>>) offsets(%dma_start3A_401 : memref<128xi32, #tpu.memory_space<vmem>>) semaphore(%arg14 : memref<!tpu.dma_semaphore, #tpu.memory_space<semaphore_mem>>) {add = true}
        %mul3A_405 = arith.constant 8 : i32
        %mul3A_406 = arith.muli %mul3A_33, %mul3A_405 : i32
        %add3A_407 = arith.constant 7 : i32
        %add3A_408 = arith.addi %mul3A_406, %add3A_407 : i32
        %dma_start3A_409 = arith.constant 896 : i32
        %dma_start3A_410 = arith.constant 0 : i32
        %dma_start3A_411 = tpu.memref_slice %arg8[%dma_start3A_409, %dma_start3A_410] : memref<1024x16xf32, #tpu.memory_space<vmem>> -> memref<128x16xf32, #tpu.memory_space<vmem>>
        %dma_start3A_412 = arith.constant 0 : i32
        %dma_start3A_413 = tpu.memref_slice %arg7[%add3A_408, %dma_start3A_412] : memref<112x128xi32, #tpu.memory_space<vmem>> -> memref<1x128xi32, #tpu.memory_space<vmem>>
        %dma_start3A_414 = tpu.memref_squeeze %dma_start3A_413 : memref<1x128xi32, #tpu.memory_space<vmem>> -> memref<128xi32, #tpu.memory_space<vmem>>
        %dma_start3A_415 = arith.constant 0 : i32
        %dma_start3A_416 = arith.constant 0 : i32
        %dma_start3A_417 = tpu.memref_slice %arg11[%dma_start3A_415, %dma_start3A_416] : memref<10112x16xf32, #tpu.memory_space<vmem_shared>> -> memref<10112x16xf32, #tpu.memory_space<vmem_shared>>
        tpu.enqueue_indirect_dma source(%dma_start3A_411 : memref<128x16xf32, #tpu.memory_space<vmem>>) target(%dma_start3A_417 : memref<10112x16xf32, #tpu.memory_space<vmem_shared>>) offsets(%dma_start3A_414 : memref<128xi32, #tpu.memory_space<vmem>>) semaphore(%arg14 : memref<!tpu.dma_semaphore, #tpu.memory_space<semaphore_mem>>) {add = true}
        %dma_wait3A_418 = arith.constant 0 : i32
        %dma_wait3A_419 = arith.constant 0 : i32
        %dma_wait3A_420 = tpu.memref_slice %arg9[%dma_wait3A_418, %dma_wait3A_419] : memref<1024x16xf32, #tpu.memory_space<vmem>> -> memref<128x16xf32, #tpu.memory_space<vmem>>
        %dma_wait3A_421 = arith.constant 0 : i32
        %dma_wait3A_422 = tpu.memref_slice %arg6[%add3A_142, %dma_wait3A_421] : memref<112x128xi32, #tpu.memory_space<vmem>> -> memref<1x128xi32, #tpu.memory_space<vmem>>
        %dma_wait3A_423 = tpu.memref_squeeze %dma_wait3A_422 : memref<1x128xi32, #tpu.memory_space<vmem>> -> memref<128xi32, #tpu.memory_space<vmem>>
        %dma_wait3A_424 = arith.constant 0 : i32
        %dma_wait3A_425 = arith.constant 0 : i32
        %dma_wait3A_426 = tpu.memref_slice %arg2[%dma_wait3A_424, %dma_wait3A_425] : memref<10000x16xf32, #tpu.memory_space<hbm>> -> memref<10000x16xf32, #tpu.memory_space<hbm>>
        tpu.wait_indirect_dma semaphore(%arg13 : memref<!tpu.dma_semaphore, #tpu.memory_space<semaphore_mem>>) src(%dma_wait3A_426 : memref<10000x16xf32, #tpu.memory_space<hbm>>) dst(%dma_wait3A_420 : memref<128x16xf32, #tpu.memory_space<vmem>>)
        %dma_wait3A_427 = arith.constant 128 : i32
        %dma_wait3A_428 = arith.constant 0 : i32
        %dma_wait3A_429 = tpu.memref_slice %arg9[%dma_wait3A_427, %dma_wait3A_428] : memref<1024x16xf32, #tpu.memory_space<vmem>> -> memref<128x16xf32, #tpu.memory_space<vmem>>
        %dma_wait3A_430 = arith.constant 0 : i32
        %dma_wait3A_431 = tpu.memref_slice %arg6[%add3A_155, %dma_wait3A_430] : memref<112x128xi32, #tpu.memory_space<vmem>> -> memref<1x128xi32, #tpu.memory_space<vmem>>
        %dma_wait3A_432 = tpu.memref_squeeze %dma_wait3A_431 : memref<1x128xi32, #tpu.memory_space<vmem>> -> memref<128xi32, #tpu.memory_space<vmem>>
        %dma_wait3A_433 = arith.constant 0 : i32
        %dma_wait3A_434 = arith.constant 0 : i32
        %dma_wait3A_435 = tpu.memref_slice %arg2[%dma_wait3A_433, %dma_wait3A_434] : memref<10000x16xf32, #tpu.memory_space<hbm>> -> memref<10000x16xf32, #tpu.memory_space<hbm>>
        tpu.wait_indirect_dma semaphore(%arg13 : memref<!tpu.dma_semaphore, #tpu.memory_space<semaphore_mem>>) src(%dma_wait3A_435 : memref<10000x16xf32, #tpu.memory_space<hbm>>) dst(%dma_wait3A_429 : memref<128x16xf32, #tpu.memory_space<vmem>>)
        %dma_wait3A_436 = arith.constant 256 : i32
        %dma_wait3A_437 = arith.constant 0 : i32
        %dma_wait3A_438 = tpu.memref_slice %arg9[%dma_wait3A_436, %dma_wait3A_437] : memref<1024x16xf32, #tpu.memory_space<vmem>> -> memref<128x16xf32, #tpu.memory_space<vmem>>
        %dma_wait3A_439 = arith.constant 0 : i32
        %dma_wait3A_440 = tpu.memref_slice %arg6[%add3A_168, %dma_wait3A_439] : memref<112x128xi32, #tpu.memory_space<vmem>> -> memref<1x128xi32, #tpu.memory_space<vmem>>
        %dma_wait3A_441 = tpu.memref_squeeze %dma_wait3A_440 : memref<1x128xi32, #tpu.memory_space<vmem>> -> memref<128xi32, #tpu.memory_space<vmem>>
        %dma_wait3A_442 = arith.constant 0 : i32
        %dma_wait3A_443 = arith.constant 0 : i32
        %dma_wait3A_444 = tpu.memref_slice %arg2[%dma_wait3A_442, %dma_wait3A_443] : memref<10000x16xf32, #tpu.memory_space<hbm>> -> memref<10000x16xf32, #tpu.memory_space<hbm>>
        tpu.wait_indirect_dma semaphore(%arg13 : memref<!tpu.dma_semaphore, #tpu.memory_space<semaphore_mem>>) src(%dma_wait3A_444 : memref<10000x16xf32, #tpu.memory_space<hbm>>) dst(%dma_wait3A_438 : memref<128x16xf32, #tpu.memory_space<vmem>>)
        %dma_wait3A_445 = arith.constant 384 : i32
        %dma_wait3A_446 = arith.constant 0 : i32
        %dma_wait3A_447 = tpu.memref_slice %arg9[%dma_wait3A_445, %dma_wait3A_446] : memref<1024x16xf32, #tpu.memory_space<vmem>> -> memref<128x16xf32, #tpu.memory_space<vmem>>
        %dma_wait3A_448 = arith.constant 0 : i32
        %dma_wait3A_449 = tpu.memref_slice %arg6[%add3A_181, %dma_wait3A_448] : memref<112x128xi32, #tpu.memory_space<vmem>> -> memref<1x128xi32, #tpu.memory_space<vmem>>
        %dma_wait3A_450 = tpu.memref_squeeze %dma_wait3A_449 : memref<1x128xi32, #tpu.memory_space<vmem>> -> memref<128xi32, #tpu.memory_space<vmem>>
        %dma_wait3A_451 = arith.constant 0 : i32
        %dma_wait3A_452 = arith.constant 0 : i32
        %dma_wait3A_453 = tpu.memref_slice %arg2[%dma_wait3A_451, %dma_wait3A_452] : memref<10000x16xf32, #tpu.memory_space<hbm>> -> memref<10000x16xf32, #tpu.memory_space<hbm>>
        tpu.wait_indirect_dma semaphore(%arg13 : memref<!tpu.dma_semaphore, #tpu.memory_space<semaphore_mem>>) src(%dma_wait3A_453 : memref<10000x16xf32, #tpu.memory_space<hbm>>) dst(%dma_wait3A_447 : memref<128x16xf32, #tpu.memory_space<vmem>>)
        %dma_wait3A_454 = arith.constant 512 : i32
        %dma_wait3A_455 = arith.constant 0 : i32
        %dma_wait3A_456 = tpu.memref_slice %arg9[%dma_wait3A_454, %dma_wait3A_455] : memref<1024x16xf32, #tpu.memory_space<vmem>> -> memref<128x16xf32, #tpu.memory_space<vmem>>
        %dma_wait3A_457 = arith.constant 0 : i32
        %dma_wait3A_458 = tpu.memref_slice %arg6[%add3A_194, %dma_wait3A_457] : memref<112x128xi32, #tpu.memory_space<vmem>> -> memref<1x128xi32, #tpu.memory_space<vmem>>
        %dma_wait3A_459 = tpu.memref_squeeze %dma_wait3A_458 : memref<1x128xi32, #tpu.memory_space<vmem>> -> memref<128xi32, #tpu.memory_space<vmem>>
        %dma_wait3A_460 = arith.constant 0 : i32
        %dma_wait3A_461 = arith.constant 0 : i32
        %dma_wait3A_462 = tpu.memref_slice %arg2[%dma_wait3A_460, %dma_wait3A_461] : memref<10000x16xf32, #tpu.memory_space<hbm>> -> memref<10000x16xf32, #tpu.memory_space<hbm>>
        tpu.wait_indirect_dma semaphore(%arg13 : memref<!tpu.dma_semaphore, #tpu.memory_space<semaphore_mem>>) src(%dma_wait3A_462 : memref<10000x16xf32, #tpu.memory_space<hbm>>) dst(%dma_wait3A_456 : memref<128x16xf32, #tpu.memory_space<vmem>>)
        %dma_wait3A_463 = arith.constant 640 : i32
        %dma_wait3A_464 = arith.constant 0 : i32
        %dma_wait3A_465 = tpu.memref_slice %arg9[%dma_wait3A_463, %dma_wait3A_464] : memref<1024x16xf32, #tpu.memory_space<vmem>> -> memref<128x16xf32, #tpu.memory_space<vmem>>
        %dma_wait3A_466 = arith.constant 0 : i32
        %dma_wait3A_467 = tpu.memref_slice %arg6[%add3A_207, %dma_wait3A_466] : memref<112x128xi32, #tpu.memory_space<vmem>> -> memref<1x128xi32, #tpu.memory_space<vmem>>
        %dma_wait3A_468 = tpu.memref_squeeze %dma_wait3A_467 : memref<1x128xi32, #tpu.memory_space<vmem>> -> memref<128xi32, #tpu.memory_space<vmem>>
        %dma_wait3A_469 = arith.constant 0 : i32
        %dma_wait3A_470 = arith.constant 0 : i32
        %dma_wait3A_471 = tpu.memref_slice %arg2[%dma_wait3A_469, %dma_wait3A_470] : memref<10000x16xf32, #tpu.memory_space<hbm>> -> memref<10000x16xf32, #tpu.memory_space<hbm>>
        tpu.wait_indirect_dma semaphore(%arg13 : memref<!tpu.dma_semaphore, #tpu.memory_space<semaphore_mem>>) src(%dma_wait3A_471 : memref<10000x16xf32, #tpu.memory_space<hbm>>) dst(%dma_wait3A_465 : memref<128x16xf32, #tpu.memory_space<vmem>>)
        %dma_wait3A_472 = arith.constant 768 : i32
        %dma_wait3A_473 = arith.constant 0 : i32
        %dma_wait3A_474 = tpu.memref_slice %arg9[%dma_wait3A_472, %dma_wait3A_473] : memref<1024x16xf32, #tpu.memory_space<vmem>> -> memref<128x16xf32, #tpu.memory_space<vmem>>
        %dma_wait3A_475 = arith.constant 0 : i32
        %dma_wait3A_476 = tpu.memref_slice %arg6[%add3A_220, %dma_wait3A_475] : memref<112x128xi32, #tpu.memory_space<vmem>> -> memref<1x128xi32, #tpu.memory_space<vmem>>
        %dma_wait3A_477 = tpu.memref_squeeze %dma_wait3A_476 : memref<1x128xi32, #tpu.memory_space<vmem>> -> memref<128xi32, #tpu.memory_space<vmem>>
        %dma_wait3A_478 = arith.constant 0 : i32
        %dma_wait3A_479 = arith.constant 0 : i32
        %dma_wait3A_480 = tpu.memref_slice %arg2[%dma_wait3A_478, %dma_wait3A_479] : memref<10000x16xf32, #tpu.memory_space<hbm>> -> memref<10000x16xf32, #tpu.memory_space<hbm>>
        tpu.wait_indirect_dma semaphore(%arg13 : memref<!tpu.dma_semaphore, #tpu.memory_space<semaphore_mem>>) src(%dma_wait3A_480 : memref<10000x16xf32, #tpu.memory_space<hbm>>) dst(%dma_wait3A_474 : memref<128x16xf32, #tpu.memory_space<vmem>>)
        %dma_wait3A_481 = arith.constant 896 : i32
        %dma_wait3A_482 = arith.constant 0 : i32
        %dma_wait3A_483 = tpu.memref_slice %arg9[%dma_wait3A_481, %dma_wait3A_482] : memref<1024x16xf32, #tpu.memory_space<vmem>> -> memref<128x16xf32, #tpu.memory_space<vmem>>
        %dma_wait3A_484 = arith.constant 0 : i32
        %dma_wait3A_485 = tpu.memref_slice %arg6[%add3A_233, %dma_wait3A_484] : memref<112x128xi32, #tpu.memory_space<vmem>> -> memref<1x128xi32, #tpu.memory_space<vmem>>
        %dma_wait3A_486 = tpu.memref_squeeze %dma_wait3A_485 : memref<1x128xi32, #tpu.memory_space<vmem>> -> memref<128xi32, #tpu.memory_space<vmem>>
        %dma_wait3A_487 = arith.constant 0 : i32
        %dma_wait3A_488 = arith.constant 0 : i32
        %dma_wait3A_489 = tpu.memref_slice %arg2[%dma_wait3A_487, %dma_wait3A_488] : memref<10000x16xf32, #tpu.memory_space<hbm>> -> memref<10000x16xf32, #tpu.memory_space<hbm>>
        tpu.wait_indirect_dma semaphore(%arg13 : memref<!tpu.dma_semaphore, #tpu.memory_space<semaphore_mem>>) src(%dma_wait3A_489 : memref<10000x16xf32, #tpu.memory_space<hbm>>) dst(%dma_wait3A_483 : memref<128x16xf32, #tpu.memory_space<vmem>>)
        %add3A_490 = arith.constant 1 : i32
        %add3A_491 = arith.addi %mul3A_33, %add3A_490 : i32
        %mul3A_492 = arith.constant 8 : i32
        %mul3A_493 = arith.muli %add3A_491, %mul3A_492 : i32
        %add3A_494 = arith.constant 0 : i32
        %add3A_495 = arith.addi %mul3A_493, %add3A_494 : i32
        %dma_start3A_496 = arith.constant 0 : i32
        %dma_start3A_497 = arith.constant 0 : i32
        %dma_start3A_498 = tpu.memref_slice %arg9[%dma_start3A_496, %dma_start3A_497] : memref<1024x16xf32, #tpu.memory_space<vmem>> -> memref<128x16xf32, #tpu.memory_space<vmem>>
        %dma_start3A_499 = arith.constant 0 : i32
        %dma_start3A_500 = tpu.memref_slice %arg7[%add3A_495, %dma_start3A_499] : memref<112x128xi32, #tpu.memory_space<vmem>> -> memref<1x128xi32, #tpu.memory_space<vmem>>
        %dma_start3A_501 = tpu.memref_squeeze %dma_start3A_500 : memref<1x128xi32, #tpu.memory_space<vmem>> -> memref<128xi32, #tpu.memory_space<vmem>>
        %dma_start3A_502 = arith.constant 0 : i32
        %dma_start3A_503 = arith.constant 0 : i32
        %dma_start3A_504 = tpu.memref_slice %arg11[%dma_start3A_502, %dma_start3A_503] : memref<10112x16xf32, #tpu.memory_space<vmem_shared>> -> memref<10112x16xf32, #tpu.memory_space<vmem_shared>>
        tpu.enqueue_indirect_dma source(%dma_start3A_498 : memref<128x16xf32, #tpu.memory_space<vmem>>) target(%dma_start3A_504 : memref<10112x16xf32, #tpu.memory_space<vmem_shared>>) offsets(%dma_start3A_501 : memref<128xi32, #tpu.memory_space<vmem>>) semaphore(%arg15 : memref<!tpu.dma_semaphore, #tpu.memory_space<semaphore_mem>>) {add = true}
        %mul3A_505 = arith.constant 8 : i32
        %mul3A_506 = arith.muli %add3A_491, %mul3A_505 : i32
        %add3A_507 = arith.constant 1 : i32
        %add3A_508 = arith.addi %mul3A_506, %add3A_507 : i32
        %dma_start3A_509 = arith.constant 128 : i32
        %dma_start3A_510 = arith.constant 0 : i32
        %dma_start3A_511 = tpu.memref_slice %arg9[%dma_start3A_509, %dma_start3A_510] : memref<1024x16xf32, #tpu.memory_space<vmem>> -> memref<128x16xf32, #tpu.memory_space<vmem>>
        %dma_start3A_512 = arith.constant 0 : i32
        %dma_start3A_513 = tpu.memref_slice %arg7[%add3A_508, %dma_start3A_512] : memref<112x128xi32, #tpu.memory_space<vmem>> -> memref<1x128xi32, #tpu.memory_space<vmem>>
        %dma_start3A_514 = tpu.memref_squeeze %dma_start3A_513 : memref<1x128xi32, #tpu.memory_space<vmem>> -> memref<128xi32, #tpu.memory_space<vmem>>
        %dma_start3A_515 = arith.constant 0 : i32
        %dma_start3A_516 = arith.constant 0 : i32
        %dma_start3A_517 = tpu.memref_slice %arg11[%dma_start3A_515, %dma_start3A_516] : memref<10112x16xf32, #tpu.memory_space<vmem_shared>> -> memref<10112x16xf32, #tpu.memory_space<vmem_shared>>
        tpu.enqueue_indirect_dma source(%dma_start3A_511 : memref<128x16xf32, #tpu.memory_space<vmem>>) target(%dma_start3A_517 : memref<10112x16xf32, #tpu.memory_space<vmem_shared>>) offsets(%dma_start3A_514 : memref<128xi32, #tpu.memory_space<vmem>>) semaphore(%arg15 : memref<!tpu.dma_semaphore, #tpu.memory_space<semaphore_mem>>) {add = true}
        %mul3A_518 = arith.constant 8 : i32
        %mul3A_519 = arith.muli %add3A_491, %mul3A_518 : i32
        %add3A_520 = arith.constant 2 : i32
        %add3A_521 = arith.addi %mul3A_519, %add3A_520 : i32
        %dma_start3A_522 = arith.constant 256 : i32
        %dma_start3A_523 = arith.constant 0 : i32
        %dma_start3A_524 = tpu.memref_slice %arg9[%dma_start3A_522, %dma_start3A_523] : memref<1024x16xf32, #tpu.memory_space<vmem>> -> memref<128x16xf32, #tpu.memory_space<vmem>>
        %dma_start3A_525 = arith.constant 0 : i32
        %dma_start3A_526 = tpu.memref_slice %arg7[%add3A_521, %dma_start3A_525] : memref<112x128xi32, #tpu.memory_space<vmem>> -> memref<1x128xi32, #tpu.memory_space<vmem>>
        %dma_start3A_527 = tpu.memref_squeeze %dma_start3A_526 : memref<1x128xi32, #tpu.memory_space<vmem>> -> memref<128xi32, #tpu.memory_space<vmem>>
        %dma_start3A_528 = arith.constant 0 : i32
        %dma_start3A_529 = arith.constant 0 : i32
        %dma_start3A_530 = tpu.memref_slice %arg11[%dma_start3A_528, %dma_start3A_529] : memref<10112x16xf32, #tpu.memory_space<vmem_shared>> -> memref<10112x16xf32, #tpu.memory_space<vmem_shared>>
        tpu.enqueue_indirect_dma source(%dma_start3A_524 : memref<128x16xf32, #tpu.memory_space<vmem>>) target(%dma_start3A_530 : memref<10112x16xf32, #tpu.memory_space<vmem_shared>>) offsets(%dma_start3A_527 : memref<128xi32, #tpu.memory_space<vmem>>) semaphore(%arg15 : memref<!tpu.dma_semaphore, #tpu.memory_space<semaphore_mem>>) {add = true}
        %mul3A_531 = arith.constant 8 : i32
        %mul3A_532 = arith.muli %add3A_491, %mul3A_531 : i32
        %add3A_533 = arith.constant 3 : i32
        %add3A_534 = arith.addi %mul3A_532, %add3A_533 : i32
        %dma_start3A_535 = arith.constant 384 : i32
        %dma_start3A_536 = arith.constant 0 : i32
        %dma_start3A_537 = tpu.memref_slice %arg9[%dma_start3A_535, %dma_start3A_536] : memref<1024x16xf32, #tpu.memory_space<vmem>> -> memref<128x16xf32, #tpu.memory_space<vmem>>
        %dma_start3A_538 = arith.constant 0 : i32
        %dma_start3A_539 = tpu.memref_slice %arg7[%add3A_534, %dma_start3A_538] : memref<112x128xi32, #tpu.memory_space<vmem>> -> memref<1x128xi32, #tpu.memory_space<vmem>>
        %dma_start3A_540 = tpu.memref_squeeze %dma_start3A_539 : memref<1x128xi32, #tpu.memory_space<vmem>> -> memref<128xi32, #tpu.memory_space<vmem>>
        %dma_start3A_541 = arith.constant 0 : i32
        %dma_start3A_542 = arith.constant 0 : i32
        %dma_start3A_543 = tpu.memref_slice %arg11[%dma_start3A_541, %dma_start3A_542] : memref<10112x16xf32, #tpu.memory_space<vmem_shared>> -> memref<10112x16xf32, #tpu.memory_space<vmem_shared>>
        tpu.enqueue_indirect_dma source(%dma_start3A_537 : memref<128x16xf32, #tpu.memory_space<vmem>>) target(%dma_start3A_543 : memref<10112x16xf32, #tpu.memory_space<vmem_shared>>) offsets(%dma_start3A_540 : memref<128xi32, #tpu.memory_space<vmem>>) semaphore(%arg15 : memref<!tpu.dma_semaphore, #tpu.memory_space<semaphore_mem>>) {add = true}
        %mul3A_544 = arith.constant 8 : i32
        %mul3A_545 = arith.muli %add3A_491, %mul3A_544 : i32
        %add3A_546 = arith.constant 4 : i32
        %add3A_547 = arith.addi %mul3A_545, %add3A_546 : i32
        %dma_start3A_548 = arith.constant 512 : i32
        %dma_start3A_549 = arith.constant 0 : i32
        %dma_start3A_550 = tpu.memref_slice %arg9[%dma_start3A_548, %dma_start3A_549] : memref<1024x16xf32, #tpu.memory_space<vmem>> -> memref<128x16xf32, #tpu.memory_space<vmem>>
        %dma_start3A_551 = arith.constant 0 : i32
        %dma_start3A_552 = tpu.memref_slice %arg7[%add3A_547, %dma_start3A_551] : memref<112x128xi32, #tpu.memory_space<vmem>> -> memref<1x128xi32, #tpu.memory_space<vmem>>
        %dma_start3A_553 = tpu.memref_squeeze %dma_start3A_552 : memref<1x128xi32, #tpu.memory_space<vmem>> -> memref<128xi32, #tpu.memory_space<vmem>>
        %dma_start3A_554 = arith.constant 0 : i32
        %dma_start3A_555 = arith.constant 0 : i32
        %dma_start3A_556 = tpu.memref_slice %arg11[%dma_start3A_554, %dma_start3A_555] : memref<10112x16xf32, #tpu.memory_space<vmem_shared>> -> memref<10112x16xf32, #tpu.memory_space<vmem_shared>>
        tpu.enqueue_indirect_dma source(%dma_start3A_550 : memref<128x16xf32, #tpu.memory_space<vmem>>) target(%dma_start3A_556 : memref<10112x16xf32, #tpu.memory_space<vmem_shared>>) offsets(%dma_start3A_553 : memref<128xi32, #tpu.memory_space<vmem>>) semaphore(%arg15 : memref<!tpu.dma_semaphore, #tpu.memory_space<semaphore_mem>>) {add = true}
        %mul3A_557 = arith.constant 8 : i32
        %mul3A_558 = arith.muli %add3A_491, %mul3A_557 : i32
        %add3A_559 = arith.constant 5 : i32
        %add3A_560 = arith.addi %mul3A_558, %add3A_559 : i32
        %dma_start3A_561 = arith.constant 640 : i32
        %dma_start3A_562 = arith.constant 0 : i32
        %dma_start3A_563 = tpu.memref_slice %arg9[%dma_start3A_561, %dma_start3A_562] : memref<1024x16xf32, #tpu.memory_space<vmem>> -> memref<128x16xf32, #tpu.memory_space<vmem>>
        %dma_start3A_564 = arith.constant 0 : i32
        %dma_start3A_565 = tpu.memref_slice %arg7[%add3A_560, %dma_start3A_564] : memref<112x128xi32, #tpu.memory_space<vmem>> -> memref<1x128xi32, #tpu.memory_space<vmem>>
        %dma_start3A_566 = tpu.memref_squeeze %dma_start3A_565 : memref<1x128xi32, #tpu.memory_space<vmem>> -> memref<128xi32, #tpu.memory_space<vmem>>
        %dma_start3A_567 = arith.constant 0 : i32
        %dma_start3A_568 = arith.constant 0 : i32
        %dma_start3A_569 = tpu.memref_slice %arg11[%dma_start3A_567, %dma_start3A_568] : memref<10112x16xf32, #tpu.memory_space<vmem_shared>> -> memref<10112x16xf32, #tpu.memory_space<vmem_shared>>
        tpu.enqueue_indirect_dma source(%dma_start3A_563 : memref<128x16xf32, #tpu.memory_space<vmem>>) target(%dma_start3A_569 : memref<10112x16xf32, #tpu.memory_space<vmem_shared>>) offsets(%dma_start3A_566 : memref<128xi32, #tpu.memory_space<vmem>>) semaphore(%arg15 : memref<!tpu.dma_semaphore, #tpu.memory_space<semaphore_mem>>) {add = true}
        %mul3A_570 = arith.constant 8 : i32
        %mul3A_571 = arith.muli %add3A_491, %mul3A_570 : i32
        %add3A_572 = arith.constant 6 : i32
        %add3A_573 = arith.addi %mul3A_571, %add3A_572 : i32
        %dma_start3A_574 = arith.constant 768 : i32
        %dma_start3A_575 = arith.constant 0 : i32
        %dma_start3A_576 = tpu.memref_slice %arg9[%dma_start3A_574, %dma_start3A_575] : memref<1024x16xf32, #tpu.memory_space<vmem>> -> memref<128x16xf32, #tpu.memory_space<vmem>>
        %dma_start3A_577 = arith.constant 0 : i32
        %dma_start3A_578 = tpu.memref_slice %arg7[%add3A_573, %dma_start3A_577] : memref<112x128xi32, #tpu.memory_space<vmem>> -> memref<1x128xi32, #tpu.memory_space<vmem>>
        %dma_start3A_579 = tpu.memref_squeeze %dma_start3A_578 : memref<1x128xi32, #tpu.memory_space<vmem>> -> memref<128xi32, #tpu.memory_space<vmem>>
        %dma_start3A_580 = arith.constant 0 : i32
        %dma_start3A_581 = arith.constant 0 : i32
        %dma_start3A_582 = tpu.memref_slice %arg11[%dma_start3A_580, %dma_start3A_581] : memref<10112x16xf32, #tpu.memory_space<vmem_shared>> -> memref<10112x16xf32, #tpu.memory_space<vmem_shared>>
        tpu.enqueue_indirect_dma source(%dma_start3A_576 : memref<128x16xf32, #tpu.memory_space<vmem>>) target(%dma_start3A_582 : memref<10112x16xf32, #tpu.memory_space<vmem_shared>>) offsets(%dma_start3A_579 : memref<128xi32, #tpu.memory_space<vmem>>) semaphore(%arg15 : memref<!tpu.dma_semaphore, #tpu.memory_space<semaphore_mem>>) {add = true}
        %mul3A_583 = arith.constant 8 : i32
        %mul3A_584 = arith.muli %add3A_491, %mul3A_583 : i32
        %add3A_585 = arith.constant 7 : i32
        %add3A_586 = arith.addi %mul3A_584, %add3A_585 : i32
        %dma_start3A_587 = arith.constant 896 : i32
        %dma_start3A_588 = arith.constant 0 : i32
        %dma_start3A_589 = tpu.memref_slice %arg9[%dma_start3A_587, %dma_start3A_588] : memref<1024x16xf32, #tpu.memory_space<vmem>> -> memref<128x16xf32, #tpu.memory_space<vmem>>
        %dma_start3A_590 = arith.constant 0 : i32
        %dma_start3A_591 = tpu.memref_slice %arg7[%add3A_586, %dma_start3A_590] : memref<112x128xi32, #tpu.memory_space<vmem>> -> memref<1x128xi32, #tpu.memory_space<vmem>>
        %dma_start3A_592 = tpu.memref_squeeze %dma_start3A_591 : memref<1x128xi32, #tpu.memory_space<vmem>> -> memref<128xi32, #tpu.memory_space<vmem>>
        %dma_start3A_593 = arith.constant 0 : i32
        %dma_start3A_594 = arith.constant 0 : i32
        %dma_start3A_595 = tpu.memref_slice %arg11[%dma_start3A_593, %dma_start3A_594] : memref<10112x16xf32, #tpu.memory_space<vmem_shared>> -> memref<10112x16xf32, #tpu.memory_space<vmem_shared>>
        tpu.enqueue_indirect_dma source(%dma_start3A_589 : memref<128x16xf32, #tpu.memory_space<vmem>>) target(%dma_start3A_595 : memref<10112x16xf32, #tpu.memory_space<vmem_shared>>) offsets(%dma_start3A_592 : memref<128xi32, #tpu.memory_space<vmem>>) semaphore(%arg15 : memref<!tpu.dma_semaphore, #tpu.memory_space<semaphore_mem>>) {add = true}
        %dma_wait3A_596 = arith.constant 0 : i32
        %dma_wait3A_597 = arith.constant 0 : i32
        %dma_wait3A_598 = tpu.memref_slice %arg8[%dma_wait3A_596, %dma_wait3A_597] : memref<1024x16xf32, #tpu.memory_space<vmem>> -> memref<128x16xf32, #tpu.memory_space<vmem>>
        %dma_wait3A_599 = arith.constant 0 : i32
        %dma_wait3A_600 = tpu.memref_slice %arg7[%add3A_317, %dma_wait3A_599] : memref<112x128xi32, #tpu.memory_space<vmem>> -> memref<1x128xi32, #tpu.memory_space<vmem>>
        %dma_wait3A_601 = tpu.memref_squeeze %dma_wait3A_600 : memref<1x128xi32, #tpu.memory_space<vmem>> -> memref<128xi32, #tpu.memory_space<vmem>>
        %dma_wait3A_602 = arith.constant 0 : i32
        %dma_wait3A_603 = arith.constant 0 : i32
        %dma_wait3A_604 = tpu.memref_slice %arg11[%dma_wait3A_602, %dma_wait3A_603] : memref<10112x16xf32, #tpu.memory_space<vmem_shared>> -> memref<10112x16xf32, #tpu.memory_space<vmem_shared>>
        tpu.wait_indirect_dma semaphore(%arg14 : memref<!tpu.dma_semaphore, #tpu.memory_space<semaphore_mem>>) src(%dma_wait3A_598 : memref<128x16xf32, #tpu.memory_space<vmem>>) dst(%dma_wait3A_604 : memref<10112x16xf32, #tpu.memory_space<vmem_shared>>)
        %dma_wait3A_605 = arith.constant 128 : i32
        %dma_wait3A_606 = arith.constant 0 : i32
        %dma_wait3A_607 = tpu.memref_slice %arg8[%dma_wait3A_605, %dma_wait3A_606] : memref<1024x16xf32, #tpu.memory_space<vmem>> -> memref<128x16xf32, #tpu.memory_space<vmem>>
        %dma_wait3A_608 = arith.constant 0 : i32
        %dma_wait3A_609 = tpu.memref_slice %arg7[%add3A_330, %dma_wait3A_608] : memref<112x128xi32, #tpu.memory_space<vmem>> -> memref<1x128xi32, #tpu.memory_space<vmem>>
        %dma_wait3A_610 = tpu.memref_squeeze %dma_wait3A_609 : memref<1x128xi32, #tpu.memory_space<vmem>> -> memref<128xi32, #tpu.memory_space<vmem>>
        %dma_wait3A_611 = arith.constant 0 : i32
        %dma_wait3A_612 = arith.constant 0 : i32
        %dma_wait3A_613 = tpu.memref_slice %arg11[%dma_wait3A_611, %dma_wait3A_612] : memref<10112x16xf32, #tpu.memory_space<vmem_shared>> -> memref<10112x16xf32, #tpu.memory_space<vmem_shared>>
        tpu.wait_indirect_dma semaphore(%arg14 : memref<!tpu.dma_semaphore, #tpu.memory_space<semaphore_mem>>) src(%dma_wait3A_607 : memref<128x16xf32, #tpu.memory_space<vmem>>) dst(%dma_wait3A_613 : memref<10112x16xf32, #tpu.memory_space<vmem_shared>>)
        %dma_wait3A_614 = arith.constant 256 : i32
        %dma_wait3A_615 = arith.constant 0 : i32
        %dma_wait3A_616 = tpu.memref_slice %arg8[%dma_wait3A_614, %dma_wait3A_615] : memref<1024x16xf32, #tpu.memory_space<vmem>> -> memref<128x16xf32, #tpu.memory_space<vmem>>
        %dma_wait3A_617 = arith.constant 0 : i32
        %dma_wait3A_618 = tpu.memref_slice %arg7[%add3A_343, %dma_wait3A_617] : memref<112x128xi32, #tpu.memory_space<vmem>> -> memref<1x128xi32, #tpu.memory_space<vmem>>
        %dma_wait3A_619 = tpu.memref_squeeze %dma_wait3A_618 : memref<1x128xi32, #tpu.memory_space<vmem>> -> memref<128xi32, #tpu.memory_space<vmem>>
        %dma_wait3A_620 = arith.constant 0 : i32
        %dma_wait3A_621 = arith.constant 0 : i32
        %dma_wait3A_622 = tpu.memref_slice %arg11[%dma_wait3A_620, %dma_wait3A_621] : memref<10112x16xf32, #tpu.memory_space<vmem_shared>> -> memref<10112x16xf32, #tpu.memory_space<vmem_shared>>
        tpu.wait_indirect_dma semaphore(%arg14 : memref<!tpu.dma_semaphore, #tpu.memory_space<semaphore_mem>>) src(%dma_wait3A_616 : memref<128x16xf32, #tpu.memory_space<vmem>>) dst(%dma_wait3A_622 : memref<10112x16xf32, #tpu.memory_space<vmem_shared>>)
        %dma_wait3A_623 = arith.constant 384 : i32
        %dma_wait3A_624 = arith.constant 0 : i32
        %dma_wait3A_625 = tpu.memref_slice %arg8[%dma_wait3A_623, %dma_wait3A_624] : memref<1024x16xf32, #tpu.memory_space<vmem>> -> memref<128x16xf32, #tpu.memory_space<vmem>>
        %dma_wait3A_626 = arith.constant 0 : i32
        %dma_wait3A_627 = tpu.memref_slice %arg7[%add3A_356, %dma_wait3A_626] : memref<112x128xi32, #tpu.memory_space<vmem>> -> memref<1x128xi32, #tpu.memory_space<vmem>>
        %dma_wait3A_628 = tpu.memref_squeeze %dma_wait3A_627 : memref<1x128xi32, #tpu.memory_space<vmem>> -> memref<128xi32, #tpu.memory_space<vmem>>
        %dma_wait3A_629 = arith.constant 0 : i32
        %dma_wait3A_630 = arith.constant 0 : i32
        %dma_wait3A_631 = tpu.memref_slice %arg11[%dma_wait3A_629, %dma_wait3A_630] : memref<10112x16xf32, #tpu.memory_space<vmem_shared>> -> memref<10112x16xf32, #tpu.memory_space<vmem_shared>>
        tpu.wait_indirect_dma semaphore(%arg14 : memref<!tpu.dma_semaphore, #tpu.memory_space<semaphore_mem>>) src(%dma_wait3A_625 : memref<128x16xf32, #tpu.memory_space<vmem>>) dst(%dma_wait3A_631 : memref<10112x16xf32, #tpu.memory_space<vmem_shared>>)
        %dma_wait3A_632 = arith.constant 512 : i32
        %dma_wait3A_633 = arith.constant 0 : i32
        %dma_wait3A_634 = tpu.memref_slice %arg8[%dma_wait3A_632, %dma_wait3A_633] : memref<1024x16xf32, #tpu.memory_space<vmem>> -> memref<128x16xf32, #tpu.memory_space<vmem>>
        %dma_wait3A_635 = arith.constant 0 : i32
        %dma_wait3A_636 = tpu.memref_slice %arg7[%add3A_369, %dma_wait3A_635] : memref<112x128xi32, #tpu.memory_space<vmem>> -> memref<1x128xi32, #tpu.memory_space<vmem>>
        %dma_wait3A_637 = tpu.memref_squeeze %dma_wait3A_636 : memref<1x128xi32, #tpu.memory_space<vmem>> -> memref<128xi32, #tpu.memory_space<vmem>>
        %dma_wait3A_638 = arith.constant 0 : i32
        %dma_wait3A_639 = arith.constant 0 : i32
        %dma_wait3A_640 = tpu.memref_slice %arg11[%dma_wait3A_638, %dma_wait3A_639] : memref<10112x16xf32, #tpu.memory_space<vmem_shared>> -> memref<10112x16xf32, #tpu.memory_space<vmem_shared>>
        tpu.wait_indirect_dma semaphore(%arg14 : memref<!tpu.dma_semaphore, #tpu.memory_space<semaphore_mem>>) src(%dma_wait3A_634 : memref<128x16xf32, #tpu.memory_space<vmem>>) dst(%dma_wait3A_640 : memref<10112x16xf32, #tpu.memory_space<vmem_shared>>)
        %dma_wait3A_641 = arith.constant 640 : i32
        %dma_wait3A_642 = arith.constant 0 : i32
        %dma_wait3A_643 = tpu.memref_slice %arg8[%dma_wait3A_641, %dma_wait3A_642] : memref<1024x16xf32, #tpu.memory_space<vmem>> -> memref<128x16xf32, #tpu.memory_space<vmem>>
        %dma_wait3A_644 = arith.constant 0 : i32
        %dma_wait3A_645 = tpu.memref_slice %arg7[%add3A_382, %dma_wait3A_644] : memref<112x128xi32, #tpu.memory_space<vmem>> -> memref<1x128xi32, #tpu.memory_space<vmem>>
        %dma_wait3A_646 = tpu.memref_squeeze %dma_wait3A_645 : memref<1x128xi32, #tpu.memory_space<vmem>> -> memref<128xi32, #tpu.memory_space<vmem>>
        %dma_wait3A_647 = arith.constant 0 : i32
        %dma_wait3A_648 = arith.constant 0 : i32
        %dma_wait3A_649 = tpu.memref_slice %arg11[%dma_wait3A_647, %dma_wait3A_648] : memref<10112x16xf32, #tpu.memory_space<vmem_shared>> -> memref<10112x16xf32, #tpu.memory_space<vmem_shared>>
        tpu.wait_indirect_dma semaphore(%arg14 : memref<!tpu.dma_semaphore, #tpu.memory_space<semaphore_mem>>) src(%dma_wait3A_643 : memref<128x16xf32, #tpu.memory_space<vmem>>) dst(%dma_wait3A_649 : memref<10112x16xf32, #tpu.memory_space<vmem_shared>>)
        %dma_wait3A_650 = arith.constant 768 : i32
        %dma_wait3A_651 = arith.constant 0 : i32
        %dma_wait3A_652 = tpu.memref_slice %arg8[%dma_wait3A_650, %dma_wait3A_651] : memref<1024x16xf32, #tpu.memory_space<vmem>> -> memref<128x16xf32, #tpu.memory_space<vmem>>
        %dma_wait3A_653 = arith.constant 0 : i32
        %dma_wait3A_654 = tpu.memref_slice %arg7[%add3A_395, %dma_wait3A_653] : memref<112x128xi32, #tpu.memory_space<vmem>> -> memref<1x128xi32, #tpu.memory_space<vmem>>
        %dma_wait3A_655 = tpu.memref_squeeze %dma_wait3A_654 : memref<1x128xi32, #tpu.memory_space<vmem>> -> memref<128xi32, #tpu.memory_space<vmem>>
        %dma_wait3A_656 = arith.constant 0 : i32
        %dma_wait3A_657 = arith.constant 0 : i32
        %dma_wait3A_658 = tpu.memref_slice %arg11[%dma_wait3A_656, %dma_wait3A_657] : memref<10112x16xf32, #tpu.memory_space<vmem_shared>> -> memref<10112x16xf32, #tpu.memory_space<vmem_shared>>
        tpu.wait_indirect_dma semaphore(%arg14 : memref<!tpu.dma_semaphore, #tpu.memory_space<semaphore_mem>>) src(%dma_wait3A_652 : memref<128x16xf32, #tpu.memory_space<vmem>>) dst(%dma_wait3A_658 : memref<10112x16xf32, #tpu.memory_space<vmem_shared>>)
        %dma_wait3A_659 = arith.constant 896 : i32
        %dma_wait3A_660 = arith.constant 0 : i32
        %dma_wait3A_661 = tpu.memref_slice %arg8[%dma_wait3A_659, %dma_wait3A_660] : memref<1024x16xf32, #tpu.memory_space<vmem>> -> memref<128x16xf32, #tpu.memory_space<vmem>>
        %dma_wait3A_662 = arith.constant 0 : i32
        %dma_wait3A_663 = tpu.memref_slice %arg7[%add3A_408, %dma_wait3A_662] : memref<112x128xi32, #tpu.memory_space<vmem>> -> memref<1x128xi32, #tpu.memory_space<vmem>>
        %dma_wait3A_664 = tpu.memref_squeeze %dma_wait3A_663 : memref<1x128xi32, #tpu.memory_space<vmem>> -> memref<128xi32, #tpu.memory_space<vmem>>
        %dma_wait3A_665 = arith.constant 0 : i32
        %dma_wait3A_666 = arith.constant 0 : i32
        %dma_wait3A_667 = tpu.memref_slice %arg11[%dma_wait3A_665, %dma_wait3A_666] : memref<10112x16xf32, #tpu.memory_space<vmem_shared>> -> memref<10112x16xf32, #tpu.memory_space<vmem_shared>>
        tpu.wait_indirect_dma semaphore(%arg14 : memref<!tpu.dma_semaphore, #tpu.memory_space<semaphore_mem>>) src(%dma_wait3A_661 : memref<128x16xf32, #tpu.memory_space<vmem>>) dst(%dma_wait3A_667 : memref<10112x16xf32, #tpu.memory_space<vmem_shared>>)
        %dma_wait3A_668 = arith.constant 0 : i32
        %dma_wait3A_669 = arith.constant 0 : i32
        %dma_wait3A_670 = tpu.memref_slice %arg9[%dma_wait3A_668, %dma_wait3A_669] : memref<1024x16xf32, #tpu.memory_space<vmem>> -> memref<128x16xf32, #tpu.memory_space<vmem>>
        %dma_wait3A_671 = arith.constant 0 : i32
        %dma_wait3A_672 = tpu.memref_slice %arg7[%add3A_495, %dma_wait3A_671] : memref<112x128xi32, #tpu.memory_space<vmem>> -> memref<1x128xi32, #tpu.memory_space<vmem>>
        %dma_wait3A_673 = tpu.memref_squeeze %dma_wait3A_672 : memref<1x128xi32, #tpu.memory_space<vmem>> -> memref<128xi32, #tpu.memory_space<vmem>>
        %dma_wait3A_674 = arith.constant 0 : i32
        %dma_wait3A_675 = arith.constant 0 : i32
        %dma_wait3A_676 = tpu.memref_slice %arg11[%dma_wait3A_674, %dma_wait3A_675] : memref<10112x16xf32, #tpu.memory_space<vmem_shared>> -> memref<10112x16xf32, #tpu.memory_space<vmem_shared>>
        tpu.wait_indirect_dma semaphore(%arg15 : memref<!tpu.dma_semaphore, #tpu.memory_space<semaphore_mem>>) src(%dma_wait3A_670 : memref<128x16xf32, #tpu.memory_space<vmem>>) dst(%dma_wait3A_676 : memref<10112x16xf32, #tpu.memory_space<vmem_shared>>)
        %dma_wait3A_677 = arith.constant 128 : i32
        %dma_wait3A_678 = arith.constant 0 : i32
        %dma_wait3A_679 = tpu.memref_slice %arg9[%dma_wait3A_677, %dma_wait3A_678] : memref<1024x16xf32, #tpu.memory_space<vmem>> -> memref<128x16xf32, #tpu.memory_space<vmem>>
        %dma_wait3A_680 = arith.constant 0 : i32
        %dma_wait3A_681 = tpu.memref_slice %arg7[%add3A_508, %dma_wait3A_680] : memref<112x128xi32, #tpu.memory_space<vmem>> -> memref<1x128xi32, #tpu.memory_space<vmem>>
        %dma_wait3A_682 = tpu.memref_squeeze %dma_wait3A_681 : memref<1x128xi32, #tpu.memory_space<vmem>> -> memref<128xi32, #tpu.memory_space<vmem>>
        %dma_wait3A_683 = arith.constant 0 : i32
        %dma_wait3A_684 = arith.constant 0 : i32
        %dma_wait3A_685 = tpu.memref_slice %arg11[%dma_wait3A_683, %dma_wait3A_684] : memref<10112x16xf32, #tpu.memory_space<vmem_shared>> -> memref<10112x16xf32, #tpu.memory_space<vmem_shared>>
        tpu.wait_indirect_dma semaphore(%arg15 : memref<!tpu.dma_semaphore, #tpu.memory_space<semaphore_mem>>) src(%dma_wait3A_679 : memref<128x16xf32, #tpu.memory_space<vmem>>) dst(%dma_wait3A_685 : memref<10112x16xf32, #tpu.memory_space<vmem_shared>>)
        %dma_wait3A_686 = arith.constant 256 : i32
        %dma_wait3A_687 = arith.constant 0 : i32
        %dma_wait3A_688 = tpu.memref_slice %arg9[%dma_wait3A_686, %dma_wait3A_687] : memref<1024x16xf32, #tpu.memory_space<vmem>> -> memref<128x16xf32, #tpu.memory_space<vmem>>
        %dma_wait3A_689 = arith.constant 0 : i32
        %dma_wait3A_690 = tpu.memref_slice %arg7[%add3A_521, %dma_wait3A_689] : memref<112x128xi32, #tpu.memory_space<vmem>> -> memref<1x128xi32, #tpu.memory_space<vmem>>
        %dma_wait3A_691 = tpu.memref_squeeze %dma_wait3A_690 : memref<1x128xi32, #tpu.memory_space<vmem>> -> memref<128xi32, #tpu.memory_space<vmem>>
        %dma_wait3A_692 = arith.constant 0 : i32
        %dma_wait3A_693 = arith.constant 0 : i32
        %dma_wait3A_694 = tpu.memref_slice %arg11[%dma_wait3A_692, %dma_wait3A_693] : memref<10112x16xf32, #tpu.memory_space<vmem_shared>> -> memref<10112x16xf32, #tpu.memory_space<vmem_shared>>
        tpu.wait_indirect_dma semaphore(%arg15 : memref<!tpu.dma_semaphore, #tpu.memory_space<semaphore_mem>>) src(%dma_wait3A_688 : memref<128x16xf32, #tpu.memory_space<vmem>>) dst(%dma_wait3A_694 : memref<10112x16xf32, #tpu.memory_space<vmem_shared>>)
        %dma_wait3A_695 = arith.constant 384 : i32
        %dma_wait3A_696 = arith.constant 0 : i32
        %dma_wait3A_697 = tpu.memref_slice %arg9[%dma_wait3A_695, %dma_wait3A_696] : memref<1024x16xf32, #tpu.memory_space<vmem>> -> memref<128x16xf32, #tpu.memory_space<vmem>>
        %dma_wait3A_698 = arith.constant 0 : i32
        %dma_wait3A_699 = tpu.memref_slice %arg7[%add3A_534, %dma_wait3A_698] : memref<112x128xi32, #tpu.memory_space<vmem>> -> memref<1x128xi32, #tpu.memory_space<vmem>>
        %dma_wait3A_700 = tpu.memref_squeeze %dma_wait3A_699 : memref<1x128xi32, #tpu.memory_space<vmem>> -> memref<128xi32, #tpu.memory_space<vmem>>
        %dma_wait3A_701 = arith.constant 0 : i32
        %dma_wait3A_702 = arith.constant 0 : i32
        %dma_wait3A_703 = tpu.memref_slice %arg11[%dma_wait3A_701, %dma_wait3A_702] : memref<10112x16xf32, #tpu.memory_space<vmem_shared>> -> memref<10112x16xf32, #tpu.memory_space<vmem_shared>>
        tpu.wait_indirect_dma semaphore(%arg15 : memref<!tpu.dma_semaphore, #tpu.memory_space<semaphore_mem>>) src(%dma_wait3A_697 : memref<128x16xf32, #tpu.memory_space<vmem>>) dst(%dma_wait3A_703 : memref<10112x16xf32, #tpu.memory_space<vmem_shared>>)
        %dma_wait3A_704 = arith.constant 512 : i32
        %dma_wait3A_705 = arith.constant 0 : i32
        %dma_wait3A_706 = tpu.memref_slice %arg9[%dma_wait3A_704, %dma_wait3A_705] : memref<1024x16xf32, #tpu.memory_space<vmem>> -> memref<128x16xf32, #tpu.memory_space<vmem>>
        %dma_wait3A_707 = arith.constant 0 : i32
        %dma_wait3A_708 = tpu.memref_slice %arg7[%add3A_547, %dma_wait3A_707] : memref<112x128xi32, #tpu.memory_space<vmem>> -> memref<1x128xi32, #tpu.memory_space<vmem>>
        %dma_wait3A_709 = tpu.memref_squeeze %dma_wait3A_708 : memref<1x128xi32, #tpu.memory_space<vmem>> -> memref<128xi32, #tpu.memory_space<vmem>>
        %dma_wait3A_710 = arith.constant 0 : i32
        %dma_wait3A_711 = arith.constant 0 : i32
        %dma_wait3A_712 = tpu.memref_slice %arg11[%dma_wait3A_710, %dma_wait3A_711] : memref<10112x16xf32, #tpu.memory_space<vmem_shared>> -> memref<10112x16xf32, #tpu.memory_space<vmem_shared>>
        tpu.wait_indirect_dma semaphore(%arg15 : memref<!tpu.dma_semaphore, #tpu.memory_space<semaphore_mem>>) src(%dma_wait3A_706 : memref<128x16xf32, #tpu.memory_space<vmem>>) dst(%dma_wait3A_712 : memref<10112x16xf32, #tpu.memory_space<vmem_shared>>)
        %dma_wait3A_713 = arith.constant 640 : i32
        %dma_wait3A_714 = arith.constant 0 : i32
        %dma_wait3A_715 = tpu.memref_slice %arg9[%dma_wait3A_713, %dma_wait3A_714] : memref<1024x16xf32, #tpu.memory_space<vmem>> -> memref<128x16xf32, #tpu.memory_space<vmem>>
        %dma_wait3A_716 = arith.constant 0 : i32
        %dma_wait3A_717 = tpu.memref_slice %arg7[%add3A_560, %dma_wait3A_716] : memref<112x128xi32, #tpu.memory_space<vmem>> -> memref<1x128xi32, #tpu.memory_space<vmem>>
        %dma_wait3A_718 = tpu.memref_squeeze %dma_wait3A_717 : memref<1x128xi32, #tpu.memory_space<vmem>> -> memref<128xi32, #tpu.memory_space<vmem>>
        %dma_wait3A_719 = arith.constant 0 : i32
        %dma_wait3A_720 = arith.constant 0 : i32
        %dma_wait3A_721 = tpu.memref_slice %arg11[%dma_wait3A_719, %dma_wait3A_720] : memref<10112x16xf32, #tpu.memory_space<vmem_shared>> -> memref<10112x16xf32, #tpu.memory_space<vmem_shared>>
        tpu.wait_indirect_dma semaphore(%arg15 : memref<!tpu.dma_semaphore, #tpu.memory_space<semaphore_mem>>) src(%dma_wait3A_715 : memref<128x16xf32, #tpu.memory_space<vmem>>) dst(%dma_wait3A_721 : memref<10112x16xf32, #tpu.memory_space<vmem_shared>>)
        %dma_wait3A_722 = arith.constant 768 : i32
        %dma_wait3A_723 = arith.constant 0 : i32
        %dma_wait3A_724 = tpu.memref_slice %arg9[%dma_wait3A_722, %dma_wait3A_723] : memref<1024x16xf32, #tpu.memory_space<vmem>> -> memref<128x16xf32, #tpu.memory_space<vmem>>
        %dma_wait3A_725 = arith.constant 0 : i32
        %dma_wait3A_726 = tpu.memref_slice %arg7[%add3A_573, %dma_wait3A_725] : memref<112x128xi32, #tpu.memory_space<vmem>> -> memref<1x128xi32, #tpu.memory_space<vmem>>
        %dma_wait3A_727 = tpu.memref_squeeze %dma_wait3A_726 : memref<1x128xi32, #tpu.memory_space<vmem>> -> memref<128xi32, #tpu.memory_space<vmem>>
        %dma_wait3A_728 = arith.constant 0 : i32
        %dma_wait3A_729 = arith.constant 0 : i32
        %dma_wait3A_730 = tpu.memref_slice %arg11[%dma_wait3A_728, %dma_wait3A_729] : memref<10112x16xf32, #tpu.memory_space<vmem_shared>> -> memref<10112x16xf32, #tpu.memory_space<vmem_shared>>
        tpu.wait_indirect_dma semaphore(%arg15 : memref<!tpu.dma_semaphore, #tpu.memory_space<semaphore_mem>>) src(%dma_wait3A_724 : memref<128x16xf32, #tpu.memory_space<vmem>>) dst(%dma_wait3A_730 : memref<10112x16xf32, #tpu.memory_space<vmem_shared>>)
        %dma_wait3A_731 = arith.constant 896 : i32
        %dma_wait3A_732 = arith.constant 0 : i32
        %dma_wait3A_733 = tpu.memref_slice %arg9[%dma_wait3A_731, %dma_wait3A_732] : memref<1024x16xf32, #tpu.memory_space<vmem>> -> memref<128x16xf32, #tpu.memory_space<vmem>>
        %dma_wait3A_734 = arith.constant 0 : i32
        %dma_wait3A_735 = tpu.memref_slice %arg7[%add3A_586, %dma_wait3A_734] : memref<112x128xi32, #tpu.memory_space<vmem>> -> memref<1x128xi32, #tpu.memory_space<vmem>>
        %dma_wait3A_736 = tpu.memref_squeeze %dma_wait3A_735 : memref<1x128xi32, #tpu.memory_space<vmem>> -> memref<128xi32, #tpu.memory_space<vmem>>
        %dma_wait3A_737 = arith.constant 0 : i32
        %dma_wait3A_738 = arith.constant 0 : i32
        %dma_wait3A_739 = tpu.memref_slice %arg11[%dma_wait3A_737, %dma_wait3A_738] : memref<10112x16xf32, #tpu.memory_space<vmem_shared>> -> memref<10112x16xf32, #tpu.memory_space<vmem_shared>>
        tpu.wait_indirect_dma semaphore(%arg15 : memref<!tpu.dma_semaphore, #tpu.memory_space<semaphore_mem>>) src(%dma_wait3A_733 : memref<128x16xf32, #tpu.memory_space<vmem>>) dst(%dma_wait3A_739 : memref<10112x16xf32, #tpu.memory_space<vmem_shared>>)
      } else {
      }
    }
    %scan3A_20 = arith.constant 7 : i32
    %barrier3A_21 = arith.constant 0 : index
    tpu.barrier barrier_id(%barrier3A_21)
    %mul3A_22 = arith.constant 632 : i32
    %mul3A_23 = arith.muli %arg1, %mul3A_22 : i32
    %mul3A_24 = arith.constant 632 : i32
    %mul3A_25 = arith.muli %arg1, %mul3A_24 : i32
    "tpu.region"() ({
      %run_scoped3A = tpu.sem_alloc : memref<!tpu.dma_semaphore, #tpu.memory_space<semaphore_mem>>
      %dma_start3A = arith.constant 0 : i32
      %dma_start3A_26 = tpu.memref_slice %arg5[%arg0, %mul3A_25, %dma_start3A] : memref<2x10112x16xf32, #tpu.memory_space<hbm>> -> memref<1x632x16xf32, #tpu.memory_space<hbm>>
      %dma_start3A_27 = tpu.memref_squeeze %dma_start3A_26 : memref<1x632x16xf32, #tpu.memory_space<hbm>> -> memref<632x16xf32, #tpu.memory_space<hbm>>
      %dma_start3A_28 = arith.constant 0 : i32
      %dma_start3A_29 = tpu.memref_slice %arg11[%mul3A_23, %dma_start3A_28] : memref<10112x16xf32, #tpu.memory_space<vmem_shared>> -> memref<632x16xf32, #tpu.memory_space<vmem_shared>>
      tpu.enqueue_dma source(%dma_start3A_29 : memref<632x16xf32, #tpu.memory_space<vmem_shared>>) target(%dma_start3A_27 : memref<632x16xf32, #tpu.memory_space<hbm>>) target_semaphore(%run_scoped3A : memref<!tpu.dma_semaphore, #tpu.memory_space<semaphore_mem>>)
      %dma_wait3A = arith.constant 0 : i32
      %dma_wait3A_30 = tpu.memref_slice %arg5[%arg0, %mul3A_25, %dma_wait3A] : memref<2x10112x16xf32, #tpu.memory_space<hbm>> -> memref<1x632x16xf32, #tpu.memory_space<hbm>>
      %dma_wait3A_31 = tpu.memref_squeeze %dma_wait3A_30 : memref<1x632x16xf32, #tpu.memory_space<hbm>> -> memref<632x16xf32, #tpu.memory_space<hbm>>
      %dma_wait3A_32 = arith.constant 0 : i32
      %dma_wait3A_33 = tpu.memref_slice %arg11[%mul3A_23, %dma_wait3A_32] : memref<10112x16xf32, #tpu.memory_space<vmem_shared>> -> memref<632x16xf32, #tpu.memory_space<vmem_shared>>
      tpu.wait_dma2 semaphore(%run_scoped3A : memref<!tpu.dma_semaphore, #tpu.memory_space<semaphore_mem>>) src(%dma_wait3A_33 : memref<632x16xf32, #tpu.memory_space<vmem_shared>>) dst(%dma_wait3A_31 : memref<632x16xf32, #tpu.memory_space<hbm>>)
      tpu.yield
    }) : () -> ()
    return
  }
}

module attributes {stable_mosaic.version = 14 : i64} {
  func.func @_prep_body(%arg0: i32, %arg1: memref<2x2500x128xi32, #tpu.memory_space<vmem>>, %arg2: memref<2624x128xi32, #tpu.memory_space<vmem>>, %arg3: memref<2624x128xi32, #tpu.memory_space<vmem>>) attributes {dimension_semantics = [#tpu.dimension_semantics<arbitrary>], iteration_bounds = array<i64: 1>, scalar_prefetch = 0 : i64, scratch_operands = 0 : i64, tpu.core_type = #tpu.core_type<tc>, window_params = [{pipeline_mode = #tpu.pipeline_mode<synchronous>, transform_indices = @transform_0, window_bounds = array<i64: 2, 2500, 128>}, {pipeline_mode = #tpu.pipeline_mode<synchronous>, transform_indices = @transform_1, window_bounds = array<i64: 2624, 128>}, {pipeline_mode = #tpu.pipeline_mode<synchronous>, transform_indices = @transform_2, window_bounds = array<i64: 2624, 128>}]} {
    %get3A = arith.constant 0 : index
    %get3A_0 = arith.constant 0 : index
    %get3A_1 = arith.constant 0 : index
    %get3A_2 = vector.load %arg1[%get3A, %get3A_0, %get3A_1] : memref<2x2500x128xi32, #tpu.memory_space<vmem>>, vector<1x2500x128xi32>
    %get3A_3 = vector.shape_cast %get3A_2 : vector<1x2500x128xi32> to vector<2500x128xi32>
    %swap3A = arith.constant 0 : index
    %swap3A_4 = arith.constant 0 : index
    %swap3A_5 = vector.load %arg2[%swap3A, %swap3A_4] : memref<2624x128xi32, #tpu.memory_space<vmem>>, vector<2500x128xi32>
    tpu.vector_store %arg2[%swap3A, %swap3A_4], %get3A_3 {strides = array<i32>} : memref<2624x128xi32, #tpu.memory_space<vmem>>, vector<2500x128xi32>,
    %get3A_6 = arith.constant 1 : index
    %get3A_7 = arith.constant 0 : index
    %get3A_8 = arith.constant 0 : index
    %get3A_9 = vector.load %arg1[%get3A_6, %get3A_7, %get3A_8] : memref<2x2500x128xi32, #tpu.memory_space<vmem>>, vector<1x2500x128xi32>
    %get3A_10 = vector.shape_cast %get3A_9 : vector<1x2500x128xi32> to vector<2500x128xi32>
    %swap3A_11 = arith.constant 0 : index
    %swap3A_12 = arith.constant 0 : index
    %swap3A_13 = vector.load %arg3[%swap3A_11, %swap3A_12] : memref<2624x128xi32, #tpu.memory_space<vmem>>, vector<2500x128xi32>
    tpu.vector_store %arg3[%swap3A_11, %swap3A_12], %get3A_10 {strides = array<i32>} : memref<2624x128xi32, #tpu.memory_space<vmem>>, vector<2500x128xi32>,
    %broadcast_in_dim3A = arith.constant 0 : i32
    %broadcast_in_dim3A_14 = vector.broadcast %broadcast_in_dim3A : i32 to vector<124x128xi32>
    %swap3A_15 = arith.constant 2500 : index
    %swap3A_16 = arith.constant 0 : index
    %swap3A_17 = vector.load %arg2[%swap3A_15, %swap3A_16] : memref<2624x128xi32, #tpu.memory_space<vmem>>, vector<124x128xi32>
    tpu.vector_store %arg2[%swap3A_15, %swap3A_16], %broadcast_in_dim3A_14 {strides = array<i32>} : memref<2624x128xi32, #tpu.memory_space<vmem>>, vector<124x128xi32>,
    %iota3A = tpu.iota {dimensions = array<i32: 1>} : vector<124x128xi32>
    %jit3A = arith.constant 16 : i32
    %eq3A = arith.constant 0 : i32
    %eq3A_18 = arith.cmpi eq, %jit3A, %eq3A : i32
    %jit3A_19 = arith.constant 1 : i32
    %select_n3A = arith.select %eq3A_18, %jit3A_19, %jit3A : i32
    %rem3A = vector.broadcast %select_n3A : i32 to vector<124x128xi32>
    %rem3A_20 = arith.remsi %iota3A, %rem3A : vector<124x128xi32>
    %ne3A = arith.constant 0 : i32
    %ne3A_21 = vector.broadcast %ne3A : i32 to vector<124x128xi32>
    %ne3A_22 = arith.cmpi ne, %rem3A_20, %ne3A_21 : vector<124x128xi32>
    %lt3A = arith.constant 0 : i32
    %lt3A_23 = vector.broadcast %lt3A : i32 to vector<124x128xi32>
    %lt3A_24 = arith.cmpi slt, %rem3A_20, %lt3A_23 : vector<124x128xi32>
    %lt3A_25 = arith.constant 0 : i32
    %lt3A_26 = arith.cmpi slt, %select_n3A, %lt3A_25 : i32
    %ne3A_27 = vector.broadcast %lt3A_26 : i1 to vector<124x128xi1>
    %ne3A_28 = vector.broadcast %ne3A_27 : vector<124x128xi1> to vector<124x128xi1>
    %ne3A_29 = arith.xori %lt3A_24, %ne3A_28 : vector<124x128xi1>
    %and3A = arith.andi %ne3A_29, %ne3A_22 : vector<124x128xi1>
    %add3A = vector.broadcast %select_n3A : i32 to vector<124x128xi32>
    %add3A_30 = arith.addi %rem3A_20, %add3A : vector<124x128xi32>
    %select_n3A_31 = arith.select %and3A, %add3A_30, %rem3A_20 : vector<124x128xi1>, vector<124x128xi32>
    %add3A_32 = arith.constant 10000 : i32
    %add3A_33 = vector.broadcast %add3A_32 : i32 to vector<124x128xi32>
    %add3A_34 = arith.addi %add3A_33, %select_n3A_31 : vector<124x128xi32>
    %swap3A_35 = arith.constant 2500 : index
    %swap3A_36 = arith.constant 0 : index
    %swap3A_37 = vector.load %arg3[%swap3A_35, %swap3A_36] : memref<2624x128xi32, #tpu.memory_space<vmem>>, vector<124x128xi32>
    tpu.vector_store %arg3[%swap3A_35, %swap3A_36], %add3A_34 {strides = array<i32>} : memref<2624x128xi32, #tpu.memory_space<vmem>>, vector<124x128xi32>,
    return
  }
  func.func @transform_0(%arg0: i32) -> (i32, i32, i32) {
    %c0_i32 = arith.constant 0 : i32
    %c0_i32_0 = arith.constant 0 : i32
    %c0_i32_1 = arith.constant 0 : i32
    %c0_i32_2 = arith.constant 0 : i32
    return %c0_i32, %c0_i32_0, %c0_i32_1 : i32, i32, i32
  }
  func.func @transform_1(%arg0: i32) -> (i32, i32) {
    %c0_i32 = arith.constant 0 : i32
    %c0_i32_0 = arith.constant 0 : i32
    %c0_i32_1 = arith.constant 0 : i32
    return %c0_i32, %c0_i32_0 : i32, i32
  }
  func.func @transform_2(%arg0: i32) -> (i32, i32) {
    %c0_i32 = arith.constant 0 : i32
    %c0_i32_0 = arith.constant 0 : i32
    %c0_i32_1 = arith.constant 0 : i32
    return %c0_i32, %c0_i32_0 : i32, i32
  }
}

module attributes {stable_mosaic.version = 14 : i64} {
  func.func @_tc0_body(%arg0: i32, %arg1: memref<10000x128xf32, #tpu.memory_space<vmem>>, %arg2: memref<128x16xf32, #tpu.memory_space<vmem>>, %arg3: memref<10000x16xf32, #tpu.memory_space<vmem>>) attributes {dimension_semantics = [#tpu.dimension_semantics<arbitrary>], iteration_bounds = array<i64: 1>, scalar_prefetch = 0 : i64, scratch_operands = 0 : i64, tpu.core_type = #tpu.core_type<tc>, window_params = [{transform_indices = @transform_0, window_bounds = array<i64: 10000, 128>}, {pipeline_mode = #tpu.pipeline_mode<synchronous>, transform_indices = @transform_1, window_bounds = array<i64: 128, 16>}, {transform_indices = @transform_2, window_bounds = array<i64: 10000, 16>}]} {
    %get3A = arith.constant 0 : index
    %get3A_0 = arith.constant 0 : index
    %get3A_1 = vector.load %arg1[%get3A, %get3A_0] : memref<10000x128xf32, #tpu.memory_space<vmem>>, vector<10000x128xf32>
    %get3A_2 = arith.constant 0 : index
    %get3A_3 = arith.constant 0 : index
    %get3A_4 = vector.load %arg2[%get3A_2, %get3A_3] : memref<128x16xf32, #tpu.memory_space<vmem>>, vector<128x16xf32>
    %dot_general3A = arith.constant dense<0.000000e+00> : vector<10000x16xf32>
    %dot_general3A_5 = tpu.matmul %get3A_1, %get3A_4, %dot_general3A {dimension_numbers = #tpu.dot_dimension_numbers<[1], [0], [0], [1], [0, 0, 1, 1], [], []>, transpose_lhs_hint = false} : vector<10000x128xf32>, vector<128x16xf32>, vector<10000x16xf32> -> vector<10000x16xf32>
    %swap3A = arith.constant 0 : index
    %swap3A_6 = arith.constant 0 : index
    %swap3A_7 = vector.load %arg3[%swap3A, %swap3A_6] : memref<10000x16xf32, #tpu.memory_space<vmem>>, vector<10000x16xf32>
    tpu.vector_store %arg3[%swap3A, %swap3A_6], %dot_general3A_5 {strides = array<i32>} : memref<10000x16xf32, #tpu.memory_space<vmem>>, vector<10000x16xf32>,
    return
  }
  func.func @transform_0(%arg0: i32) -> (i32, i32) {
    %c0_i32 = arith.constant 0 : i32
    %c0_i32_0 = arith.constant 0 : i32
    return %arg0, %c0_i32 : i32, i32
  }
  func.func @transform_1(%arg0: i32) -> (i32, i32) {
    %c0_i32 = arith.constant 0 : i32
    %c0_i32_0 = arith.constant 0 : i32
    %c0_i32_1 = arith.constant 0 : i32
    return %c0_i32, %c0_i32_0 : i32, i32
  }
  func.func @transform_2(%arg0: i32) -> (i32, i32) {
    %c0_i32 = arith.constant 0 : i32
    %c0_i32_0 = arith.constant 0 : i32
    return %arg0, %c0_i32 : i32, i32
  }
}

module attributes {stable_mosaic.version = 14 : i64} {
  func.func @_tc1_body(%arg0: i32, %arg1: memref<10000x16xf32, #tpu.memory_space<vmem>>, %arg2: memref<2x10000x16xf32, #tpu.memory_space<vmem>>, %arg3: memref<10000x16xf32, #tpu.memory_space<vmem>>, %arg4: memref<10000x16xf32, #tpu.memory_space<vmem>>) attributes {dimension_semantics = [#tpu.dimension_semantics<arbitrary>], iteration_bounds = array<i64: 1>, scalar_prefetch = 0 : i64, scratch_operands = 0 : i64, tpu.core_type = #tpu.core_type<tc>, window_params = [{transform_indices = @transform_0, window_bounds = array<i64: 10000, 16>}, {transform_indices = @transform_1, window_bounds = array<i64: 2, 10000, 16>}, {transform_indices = @transform_2, window_bounds = array<i64: 10000, 16>}, {transform_indices = @transform_3, window_bounds = array<i64: 10000, 16>}]} {
    %get3A = arith.constant 0 : index
    %get3A_0 = arith.constant 0 : index
    %get3A_1 = arith.constant 0 : index
    %get3A_2 = vector.load %arg2[%get3A, %get3A_0, %get3A_1] : memref<2x10000x16xf32, #tpu.memory_space<vmem>>, vector<1x10000x16xf32>
    %get3A_3 = vector.shape_cast %get3A_2 : vector<1x10000x16xf32> to vector<10000x16xf32>
    %get3A_4 = arith.constant 1 : index
    %get3A_5 = arith.constant 0 : index
    %get3A_6 = arith.constant 0 : index
    %get3A_7 = vector.load %arg2[%get3A_4, %get3A_5, %get3A_6] : memref<2x10000x16xf32, #tpu.memory_space<vmem>>, vector<1x10000x16xf32>
    %get3A_8 = vector.shape_cast %get3A_7 : vector<1x10000x16xf32> to vector<10000x16xf32>
    %add3A = arith.addf %get3A_3, %get3A_8 : vector<10000x16xf32>
    %add3A_9 = arith.constant 1.000000e+00 : f32
    %add3A_10 = vector.broadcast %add3A_9 : f32 to vector<10000x16xf32>
    %add3A_11 = arith.addf %add3A, %add3A_10 : vector<10000x16xf32>
    %rsqrt3A = math.rsqrt %add3A_11 : vector<10000x16xf32>
    %get3A_12 = arith.constant 0 : index
    %get3A_13 = arith.constant 0 : index
    %get3A_14 = vector.load %arg1[%get3A_12, %get3A_13] : memref<10000x16xf32, #tpu.memory_space<vmem>>, vector<10000x16xf32>
    %mul3A = arith.mulf %get3A_14, %rsqrt3A : vector<10000x16xf32>
    %swap3A = arith.constant 0 : index
    %swap3A_15 = arith.constant 0 : index
    %swap3A_16 = vector.load %arg3[%swap3A, %swap3A_15] : memref<10000x16xf32, #tpu.memory_space<vmem>>, vector<10000x16xf32>
    tpu.vector_store %arg3[%swap3A, %swap3A_15], %mul3A {strides = array<i32>} : memref<10000x16xf32, #tpu.memory_space<vmem>>, vector<10000x16xf32>,
    %swap3A_17 = arith.constant 0 : index
    %swap3A_18 = arith.constant 0 : index
    %swap3A_19 = vector.load %arg4[%swap3A_17, %swap3A_18] : memref<10000x16xf32, #tpu.memory_space<vmem>>, vector<10000x16xf32>
    tpu.vector_store %arg4[%swap3A_17, %swap3A_18], %rsqrt3A {strides = array<i32>} : memref<10000x16xf32, #tpu.memory_space<vmem>>, vector<10000x16xf32>,
    return
  }
  func.func @transform_0(%arg0: i32) -> (i32, i32) {
    %c0_i32 = arith.constant 0 : i32
    %c0_i32_0 = arith.constant 0 : i32
    return %arg0, %c0_i32 : i32, i32
  }
  func.func @transform_1(%arg0: i32) -> (i32, i32, i32) {
    %c0_i32 = arith.constant 0 : i32
    %c0_i32_0 = arith.constant 0 : i32
    %c0_i32_1 = arith.constant 0 : i32
    return %c0_i32, %arg0, %c0_i32_0 : i32, i32, i32
  }
  func.func @transform_2(%arg0: i32) -> (i32, i32) {
    %c0_i32 = arith.constant 0 : i32
    %c0_i32_0 = arith.constant 0 : i32
    return %arg0, %c0_i32 : i32, i32
  }
  func.func @transform_3(%arg0: i32) -> (i32, i32) {
    %c0_i32 = arith.constant 0 : i32
    %c0_i32_0 = arith.constant 0 : i32
    return %arg0, %c0_i32 : i32, i32
  }
}

module attributes {stable_mosaic.version = 14 : i64} {
  func.func @_tc2_body(%arg0: i32, %arg1: memref<2x10000x16xf32, #tpu.memory_space<vmem>>, %arg2: memref<10000x16xf32, #tpu.memory_space<vmem>>, %arg3: memref<10000x16xf32, #tpu.memory_space<vmem>>, %arg4: memref<1x16xf32, #tpu.memory_space<vmem>>, %arg5: memref<16x16xf32, #tpu.memory_space<vmem>>, %arg6: memref<10000x16xf32, #tpu.memory_space<vmem>>) attributes {dimension_semantics = [#tpu.dimension_semantics<arbitrary>], iteration_bounds = array<i64: 1>, scalar_prefetch = 0 : i64, scratch_operands = 0 : i64, tpu.core_type = #tpu.core_type<tc>, window_params = [{transform_indices = @transform_0, window_bounds = array<i64: 2, 10000, 16>}, {transform_indices = @transform_1, window_bounds = array<i64: 10000, 16>}, {transform_indices = @transform_2, window_bounds = array<i64: 10000, 16>}, {pipeline_mode = #tpu.pipeline_mode<synchronous>, transform_indices = @transform_3, window_bounds = array<i64: 1, 16>}, {pipeline_mode = #tpu.pipeline_mode<synchronous>, transform_indices = @transform_4, window_bounds = array<i64: 16, 16>}, {transform_indices = @transform_5, window_bounds = array<i64: 10000, 16>}]} {
    %get3A = arith.constant 0 : index
    %get3A_0 = arith.constant 0 : index
    %get3A_1 = arith.constant 0 : index
    %get3A_2 = vector.load %arg1[%get3A, %get3A_0, %get3A_1] : memref<2x10000x16xf32, #tpu.memory_space<vmem>>, vector<1x10000x16xf32>
    %get3A_3 = vector.shape_cast %get3A_2 : vector<1x10000x16xf32> to vector<10000x16xf32>
    %get3A_4 = arith.constant 1 : index
    %get3A_5 = arith.constant 0 : index
    %get3A_6 = arith.constant 0 : index
    %get3A_7 = vector.load %arg1[%get3A_4, %get3A_5, %get3A_6] : memref<2x10000x16xf32, #tpu.memory_space<vmem>>, vector<1x10000x16xf32>
    %get3A_8 = vector.shape_cast %get3A_7 : vector<1x10000x16xf32> to vector<10000x16xf32>
    %add3A = arith.addf %get3A_3, %get3A_8 : vector<10000x16xf32>
    %get3A_9 = arith.constant 0 : index
    %get3A_10 = arith.constant 0 : index
    %get3A_11 = vector.load %arg2[%get3A_9, %get3A_10] : memref<10000x16xf32, #tpu.memory_space<vmem>>, vector<10000x16xf32>
    %add3A_12 = arith.addf %add3A, %get3A_11 : vector<10000x16xf32>
    %get3A_13 = arith.constant 0 : index
    %get3A_14 = arith.constant 0 : index
    %get3A_15 = vector.load %arg3[%get3A_13, %get3A_14] : memref<10000x16xf32, #tpu.memory_space<vmem>>, vector<10000x16xf32>
    %mul3A = arith.mulf %get3A_15, %add3A_12 : vector<10000x16xf32>
    %get3A_16 = arith.constant 0 : index
    %get3A_17 = arith.constant 0 : index
    %get3A_18 = vector.load %arg4[%get3A_16, %get3A_17] : memref<1x16xf32, #tpu.memory_space<vmem>>, vector<1x16xf32>
    %add3A_19 = vector.broadcast %get3A_18 : vector<1x16xf32> to vector<10000x16xf32>
    %add3A_20 = arith.addf %mul3A, %add3A_19 : vector<10000x16xf32>
    %max3A = arith.constant 0.000000e+00 : f32
    %max3A_21 = vector.broadcast %max3A : f32 to vector<10000x16xf32>
    %max3A_22 = arith.maximumf %add3A_20, %max3A_21 : vector<10000x16xf32>
    %get3A_23 = arith.constant 0 : index
    %get3A_24 = arith.constant 0 : index
    %get3A_25 = vector.load %arg5[%get3A_23, %get3A_24] : memref<16x16xf32, #tpu.memory_space<vmem>>, vector<16x16xf32>
    %dot_general3A = arith.constant dense<0.000000e+00> : vector<10000x16xf32>
    %dot_general3A_26 = tpu.matmul %max3A_22, %get3A_25, %dot_general3A {dimension_numbers = #tpu.dot_dimension_numbers<[1], [0], [0], [1], [0, 0, 1, 1], [], []>, transpose_lhs_hint = false} : vector<10000x16xf32>, vector<16x16xf32>, vector<10000x16xf32> -> vector<10000x16xf32>
    %get3A_27 = arith.constant 0 : index
    %get3A_28 = arith.constant 0 : index
    %get3A_29 = vector.load %arg3[%get3A_27, %get3A_28] : memref<10000x16xf32, #tpu.memory_space<vmem>>, vector<10000x16xf32>
    %mul3A_30 = arith.mulf %dot_general3A_26, %get3A_29 : vector<10000x16xf32>
    %swap3A = arith.constant 0 : index
    %swap3A_31 = arith.constant 0 : index
    %swap3A_32 = vector.load %arg6[%swap3A, %swap3A_31] : memref<10000x16xf32, #tpu.memory_space<vmem>>, vector<10000x16xf32>
    tpu.vector_store %arg6[%swap3A, %swap3A_31], %mul3A_30 {strides = array<i32>} : memref<10000x16xf32, #tpu.memory_space<vmem>>, vector<10000x16xf32>,
    return
  }
  func.func @transform_0(%arg0: i32) -> (i32, i32, i32) {
    %c0_i32 = arith.constant 0 : i32
    %c0_i32_0 = arith.constant 0 : i32
    %c0_i32_1 = arith.constant 0 : i32
    return %c0_i32, %arg0, %c0_i32_0 : i32, i32, i32
  }
  func.func @transform_1(%arg0: i32) -> (i32, i32) {
    %c0_i32 = arith.constant 0 : i32
    %c0_i32_0 = arith.constant 0 : i32
    return %arg0, %c0_i32 : i32, i32
  }
  func.func @transform_2(%arg0: i32) -> (i32, i32) {
    %c0_i32 = arith.constant 0 : i32
    %c0_i32_0 = arith.constant 0 : i32
    return %arg0, %c0_i32 : i32, i32
  }
  func.func @transform_3(%arg0: i32) -> (i32, i32) {
    %c0_i32 = arith.constant 0 : i32
    %c0_i32_0 = arith.constant 0 : i32
    %c0_i32_1 = arith.constant 0 : i32
    return %c0_i32, %c0_i32_0 : i32, i32
  }
  func.func @transform_4(%arg0: i32) -> (i32, i32) {
    %c0_i32 = arith.constant 0 : i32
    %c0_i32_0 = arith.constant 0 : i32
    %c0_i32_1 = arith.constant 0 : i32
    return %c0_i32, %c0_i32_0 : i32, i32
  }
  func.func @transform_5(%arg0: i32) -> (i32, i32) {
    %c0_i32 = arith.constant 0 : i32
    %c0_i32_0 = arith.constant 0 : i32
    return %arg0, %c0_i32 : i32, i32
  }
}

module attributes {stable_mosaic.version = 14 : i64} {
  func.func @_tc3_body(%arg0: i32, %arg1: memref<2x10000x16xf32, #tpu.memory_space<vmem>>, %arg2: memref<10000x16xf32, #tpu.memory_space<vmem>>, %arg3: memref<10000x16xf32, #tpu.memory_space<vmem>>, %arg4: memref<1x16xf32, #tpu.memory_space<vmem>>, %arg5: memref<10000x7xf32, #tpu.memory_space<vmem>>) attributes {dimension_semantics = [#tpu.dimension_semantics<arbitrary>], iteration_bounds = array<i64: 1>, scalar_prefetch = 0 : i64, scratch_operands = 0 : i64, tpu.core_type = #tpu.core_type<tc>, window_params = [{transform_indices = @transform_0, window_bounds = array<i64: 2, 10000, 16>}, {transform_indices = @transform_1, window_bounds = array<i64: 10000, 16>}, {transform_indices = @transform_2, window_bounds = array<i64: 10000, 16>}, {pipeline_mode = #tpu.pipeline_mode<synchronous>, transform_indices = @transform_3, window_bounds = array<i64: 1, 16>}, {transform_indices = @transform_4, window_bounds = array<i64: 10000, 7>}]} {
    %get3A = arith.constant 0 : index
    %get3A_0 = arith.constant 0 : index
    %get3A_1 = arith.constant 0 : index
    %get3A_2 = vector.load %arg1[%get3A, %get3A_0, %get3A_1] : memref<2x10000x16xf32, #tpu.memory_space<vmem>>, vector<1x10000x16xf32>
    %get3A_3 = vector.shape_cast %get3A_2 : vector<1x10000x16xf32> to vector<10000x16xf32>
    %get3A_4 = arith.constant 1 : index
    %get3A_5 = arith.constant 0 : index
    %get3A_6 = arith.constant 0 : index
    %get3A_7 = vector.load %arg1[%get3A_4, %get3A_5, %get3A_6] : memref<2x10000x16xf32, #tpu.memory_space<vmem>>, vector<1x10000x16xf32>
    %get3A_8 = vector.shape_cast %get3A_7 : vector<1x10000x16xf32> to vector<10000x16xf32>
    %add3A = arith.addf %get3A_3, %get3A_8 : vector<10000x16xf32>
    %get3A_9 = arith.constant 0 : index
    %get3A_10 = arith.constant 0 : index
    %get3A_11 = vector.load %arg2[%get3A_9, %get3A_10] : memref<10000x16xf32, #tpu.memory_space<vmem>>, vector<10000x16xf32>
    %add3A_12 = arith.addf %add3A, %get3A_11 : vector<10000x16xf32>
    %get3A_13 = arith.constant 0 : index
    %get3A_14 = arith.constant 0 : index
    %get3A_15 = vector.load %arg3[%get3A_13, %get3A_14] : memref<10000x16xf32, #tpu.memory_space<vmem>>, vector<10000x16xf32>
    %mul3A = arith.mulf %get3A_15, %add3A_12 : vector<10000x16xf32>
    %get3A_16 = arith.constant 0 : index
    %get3A_17 = arith.constant 0 : index
    %get3A_18 = vector.load %arg4[%get3A_16, %get3A_17] : memref<1x16xf32, #tpu.memory_space<vmem>>, vector<1x16xf32>
    %add3A_19 = vector.broadcast %get3A_18 : vector<1x16xf32> to vector<10000x16xf32>
    %add3A_20 = arith.addf %mul3A, %add3A_19 : vector<10000x16xf32>
    %slice3A = vector.extract_strided_slice %add3A_20 {offsets = [0, 0], sizes = [10000, 7], strides = [1, 1]} : vector<10000x16xf32> to vector<10000x7xf32>
    %reduce_max3A = arith.constant dense<0xFF800000> : vector<10000xf32>
    %reduce_max3A_21 = vector.multi_reduction <maximumf>, %slice3A, %reduce_max3A [1] : vector<10000x7xf32> to vector<10000xf32>
    %broadcast_in_dim3A = vector.shape_cast %reduce_max3A_21 : vector<10000xf32> to vector<10000x1xf32>
    %sub3A = vector.broadcast %broadcast_in_dim3A : vector<10000x1xf32> to vector<10000x7xf32>
    %sub3A_22 = arith.subf %slice3A, %sub3A : vector<10000x7xf32>
    %exp3A = math.exp %sub3A_22 : vector<10000x7xf32>
    %reduce_sum3A = arith.constant dense<0.000000e+00> : vector<10000xf32>
    %reduce_sum3A_23 = vector.multi_reduction <add>, %exp3A, %reduce_sum3A [1] : vector<10000x7xf32> to vector<10000xf32>
    %broadcast_in_dim3A_24 = vector.shape_cast %reduce_sum3A_23 : vector<10000xf32> to vector<10000x1xf32>
    %log3A = math.log %broadcast_in_dim3A_24 : vector<10000x1xf32>
    %add3A_25 = arith.addf %log3A, %broadcast_in_dim3A : vector<10000x1xf32>
    %sub3A_26 = vector.broadcast %add3A_25 : vector<10000x1xf32> to vector<10000x7xf32>
    %sub3A_27 = arith.subf %slice3A, %sub3A_26 : vector<10000x7xf32>
    %swap3A = arith.constant 0 : index
    %swap3A_28 = arith.constant 0 : index
    %swap3A_29 = vector.load %arg5[%swap3A, %swap3A_28] : memref<10000x7xf32, #tpu.memory_space<vmem>>, vector<10000x7xf32>
    tpu.vector_store %arg5[%swap3A, %swap3A_28], %sub3A_27 {strides = array<i32>} : memref<10000x7xf32, #tpu.memory_space<vmem>>, vector<10000x7xf32>,
    return
  }
  func.func @transform_0(%arg0: i32) -> (i32, i32, i32) {
    %c0_i32 = arith.constant 0 : i32
    %c0_i32_0 = arith.constant 0 : i32
    %c0_i32_1 = arith.constant 0 : i32
    return %c0_i32, %arg0, %c0_i32_0 : i32, i32, i32
  }
  func.func @transform_1(%arg0: i32) -> (i32, i32) {
    %c0_i32 = arith.constant 0 : i32
    %c0_i32_0 = arith.constant 0 : i32
    return %arg0, %c0_i32 : i32, i32
  }
  func.func @transform_2(%arg0: i32) -> (i32, i32) {
    %c0_i32 = arith.constant 0 : i32
    %c0_i32_0 = arith.constant 0 : i32
    return %arg0, %c0_i32 : i32, i32
  }
  func.func @transform_3(%arg0: i32) -> (i32, i32) {
    %c0_i32 = arith.constant 0 : i32
    %c0_i32_0 = arith.constant 0 : i32
    %c0_i32_1 = arith.constant 0 : i32
    return %c0_i32, %c0_i32_0 : i32, i32
  }
  func.func @transform_4(%arg0: i32) -> (i32, i32) {
    %c0_i32 = arith.constant 0 : i32
    %c0_i32_0 = arith.constant 0 : i32
    return %arg0, %c0_i32 : i32, i32
  }
}

</mosaic_0001>

<sc_bundles>
// kernel: kernel.10.cloned.1.call-start
scs
__scs_entry_jumppad:
0x0: {  	(pc) =	sbr.rel $0x88, $3  }
0x1: {  	(tag) =	ssettag $0x0;
	lr =	simm.s32 $0x1  }
0x2: {  	[smem:$0x3F9B] =	sst lr;
	_ =	strace $0xD0000000  }
0x3: {  	_ = 	snop  }
0x4: {  	_ = 	snop  }
0x5: {  	_ = 	snop  }
0x6: {  	_ = 	snop  }
0x7: {  	_ = 	snop  }
__scs_overlays_trampoline_lowered:
0x8: {  	[smem:$0x3FAA] =	sst s0  }
0x9: {  	[smem:$0x3FAB] =	sst s1  }
0xa: {  	[smem:$0x3FAC] =	sst s2  }
0xb: {  	[smem:$0x3FAD] =	sst s3  }
0xc: {  	[smem:$0x3FAE] =	sst s4  }
0xd: {  	[smem:$0x3FAF] =	sst s5  }
0xe: {  	[smem:$0x3FB0] =	sst s6  }
0xf: {  	[smem:$0x3FB1] =	sst s7  }
0x10: {  	[smem:$0x3FB2] =	sst s8  }
0x11: {  	[smem:$0x3FB3] =	sst s9;
	s0 =	simm.s32 @!p0 $0x0  }
0x12: {  	s1 =	sld [smem:$0x3F99];
	s0 =	simm.s32 @p0 $0x1  }
0x13: {  	[smem:$0x3FB4] =	sst s0;
	s0 =	simm.s32 @!p1 $0x0  }
0x14: {  	s2 =	sld [smem:$0x3F98];
	s0 =	simm.s32 @p1 $0x1  }
0x15: {  	[smem:$0x3FB5] =	sst s0;
	s0 =	simm.s32 @!p2 $0x0  }
0x16: {  	s3 =	sld [smem:$0x3FDB];
	s0 =	simm.s32 @p2 $0x1  }
0x17: {  	s4 =	simm.s32 $0x1BF5;
	[smem:$0x3FB7] =	sst s0  }
0x18: {  	s0 =	sld [smem:$0x3F9A];
	_ =	swait.ge [sflag:s4], $0x0  }
0x19: {  	s7 =	sld [smem:$0x3F9B]  }
0x1a: {  	s8 =	sadd.s32 $0xFFFFE003, lr  }
0x1b: {  	s9 =	sadd.s32 $0xFFFFFEF7, lr;
	s5 =	simm.s32 $0xFFFFFFFF;
	p2 =	slt.u32 s8, $0xFFFFF086  }
0x1c: {  	p1 =	slt.u32 s9, $0xF7A;
	s5 =	simm.s32 @!p2 $0x0  }
0x1d: {  	s5 =	simm.s32 @p1 $0x1;
	p0 =	seq.s32 s7, s2  }
0x1e: {  	s7 =	smul.u32 @!p0 $0xF7A, s2;
	p2 =	seq.s32 @!p0 s5, $0x0  }
0x1f: {  	s9 =	smul.u32 $0xF7A, s1;
	s8 =	simm.s32 @!p0 $0x1BF5;
	p2 =	por !p2, p0  }
0x20: {  	[sflag:s8] =	ssyncset.s32 @!p0 $0xFFFFF086;
	s6 =	sadd.s32 @!p0 s3, s7;
	s7 =	simm.s32 @!p0 $0x108  }
0x21: {  	s3 =	sadd.s32 s3, s9;
	s6 =	sadd.s32 @!p0 $0x88, s6;
	s7 =	simm.s32 @p2 $0x1082  }
0x22: {  	[simem:s7], [sflag:s8] =	dma.local @!p0 [hbm:s6], $0xF7A  }
0x23: {  	s9 =	sor.u32 $0xD0000000, s2;
	s6 =	simm.s32 $0x108;
	_ =	swait.ge @!p0 [sflag:s8], $0x0  }
0x24: {  	s3 =	sadd.s32 $0x88, s3;
	s6 =	simm.s32 @!p1 $0x1082;
	[sflag:s4] =	ssyncset.s32 $0xFFFFF086  }
0x25: {  	[simem:s6], [sflag:s4] =	dma.local [hbm:s3], $0xF7A  }
0x26: {  	[smem:$0x3F9B] =	sst s1;
	(tag) =	ssettag s2;
	_ =	strace s9  }
0x27: {  	s1 =	sld [smem:$0x3FAB]  }
0x28: {  	s2 =	sld [smem:$0x3FAC]  }
0x29: {  	s4 =	sld [smem:$0x3FAE]  }
0x2a: {  	p0 =	seq.s32 s5, $0x0;
	s5 =	sld [smem:$0x3FAF]  }
0x2b: {  	s6 =	sld [smem:$0x3FB0]  }
0x2c: {  	s7 =	sld [smem:$0x3FB1]  }
0x2d: {  	s3 =	simm.s32 $0x108;
	s8 =	sld [smem:$0x3FB2]  }
0x2e: {  	s3 =	simm.s32 @!p0 $0x1082;
	s9 =	sld [smem:$0x3FB3]  }
0x2f: {  	lr =	sadd.s32 s0, s3;
	s0 =	sld [smem:$0x3FAA]  }
0x30: {  	s3 =	sld [smem:$0x3FAD]  }
0x31: {  	[smem:$0x3FB6] =	sst s10  }
0x32: {  	s10 =	sld [smem:$0x3FB4];
	_ =	sdelay $0x3  }
0x33: {  	p0 =	seq.s32 s10, $0x1;
	s10 =	sld [smem:$0x3FB6];
	_ =	sdelay $0x3  }
0x34: {  	[smem:$0x3FB6] =	sst s10  }
0x35: {  	s10 =	sld [smem:$0x3FB5];
	_ =	sdelay $0x3  }
0x36: {  	p1 =	seq.s32 s10, $0x1;
	s10 =	sld [smem:$0x3FB6];
	_ =	sdelay $0x3  }
0x37: {  	[smem:$0x3FB6] =	sst s10  }
0x38: {  	s10 =	sld [smem:$0x3FB7]  }
0x39: {  	_ = 	snop;
	(pc) =	sbr.ind lr, $3  }
0x3a: {  	_ = 	snop  }
0x3b: {  	_ = 	snop  }
0x3c: {  	p2 =	seq.s32 s10, $0x1;
	s10 =	sld [smem:$0x3FB6]  }
0x3d: {  	_ =	shalt  }
0x3e: {  	_ =	shalt  }
0x3f: {  	_ =	shalt  }
0x40: {  	_ =	shalt  }
0x41: {  	_ =	shalt  }
0x42: {  	_ =	shalt  }
0x43: {  	_ =	shalt  }
0x44: {  	_ =	shalt  }
0x45: {  	_ =	shalt  }
0x46: {  	_ =	shalt  }
0x47: {  	_ =	shalt  }
0x48: {  	_ =	shalt  }
0x49: {  	_ =	shalt  }
0x4a: {  	_ =	shalt  }
0x4b: {  	_ =	shalt  }
0x4c: {  	_ =	shalt  }
0x4d: {  	_ =	shalt  }
0x4e: {  	_ =	shalt  }
0x4f: {  	_ =	shalt  }
0x50: {  	_ =	shalt  }
0x51: {  	_ =	shalt  }
0x52: {  	_ =	shalt  }
0x53: {  	_ =	shalt  }
0x54: {  	_ =	shalt  }
0x55: {  	_ =	shalt  }
0x56: {  	_ =	shalt  }
0x57: {  	_ =	shalt  }
0x58: {  	_ =	shalt  }
0x59: {  	_ =	shalt  }
0x5a: {  	_ =	shalt  }
0x5b: {  	_ =	shalt  }
0x5c: {  	_ =	shalt  }
0x5d: {  	_ =	shalt  }
0x5e: {  	_ =	shalt  }
0x5f: {  	_ =	shalt  }
0x60: {  	_ =	shalt  }
0x61: {  	_ =	shalt  }
0x62: {  	_ =	shalt  }
0x63: {  	_ =	shalt  }
0x64: {  	_ =	shalt  }
0x65: {  	_ =	shalt  }
0x66: {  	_ =	shalt  }
0x67: {  	_ =	shalt  }
0x68: {  	_ =	shalt  }
0x69: {  	_ =	shalt  }
0x6a: {  	_ =	shalt  }
0x6b: {  	_ =	shalt  }
0x6c: {  	_ =	shalt  }
0x6d: {  	_ =	shalt  }
0x6e: {  	_ =	shalt  }
0x6f: {  	_ =	shalt  }
0x70: {  	_ =	shalt  }
0x71: {  	_ =	shalt  }
0x72: {  	_ =	shalt  }
0x73: {  	_ =	shalt  }
0x74: {  	_ =	shalt  }
0x75: {  	_ =	shalt  }
0x76: {  	_ =	shalt  }
0x77: {  	_ =	shalt  }
0x78: {  	_ =	shalt  }
0x79: {  	_ =	shalt  }
0x7a: {  	_ =	shalt  }
0x7b: {  	_ =	shalt  }
0x7c: {  	_ =	shalt  }
0x7d: {  	_ =	shalt  }
0x7e: {  	_ =	shalt  }
0x7f: {  	_ =	shalt  }
0x80: {  	_ =	shalt  }
0x81: {  	_ =	shalt  }
0x82: {  	_ =	shalt  }
0x83: {  	_ =	shalt  }
0x84: {  	_ =	shalt  }
0x85: {  	_ =	shalt  }
0x86: {  	_ =	shalt  }
0x87: {  	_ =	shalt  }
.Lfunc_end0:
.L_simem_size_0:
called_computation_lowered:
.L_overlay_start_0:
0x88: {  	s2 =	sld [smem:$0x3FD9]  }
0x89: {  	s3 =	sld [smem:$0x3FFE];
	_ =	sdelay $0x1  }
0x8a: {  	s1 =	srdreg.scid  }
0x8b: {  	s0 =	sand.u32 $0x1, s1  }
0x8c: {  	s16 =	sshll.u32 s0, $0xA;
	s2 =	sadd.s32 s3, s2  }
0x8d: {  	s2 =	sadd.s32 s2, s16  }
0x8e: {  	[smem:$0x3FC2] =	sst s2  }
0x8f: {  	_ = 	snop  }
0x90: {  	(tm) =	ssettm $0x1  }
0x91: {  	s17 =	sld [smem:$0x3FFB];
	_ =	sdelay $0x3  }
0x92: {  	_ =	strace s17  }
0x93: {  	s2 =	sld [smem:$0x3FFC];
	_ =	sdelay $0x3  }
0x94: {  	_ =	strace s2  }
0x95: {  	s2 =	sld [smem:$0x3FFD];
	_ =	sdelay $0x3  }
0x96: {  	_ =	strace s2  }
0x97: {  	_ =	strace $0x8FFFFFFF  }
0x98: {  	s18 =	sld [smem:$0x3FDB];
	_ =	sdelay $0x1  }
0x99: {  	s19 =	simm.s32 $_scs_section_size  }
0x9a: {  	s4 =	simm.s32 $_size__tile_overlayer_lowered;
	s5 =	simm.s32 $_tile_overlayer_lowered  }
0x9b: {  	s22 =	simm.s32 $0x1BFF;
	s21 =	sshll.u32 s5, $0x1;
	s2 =	sadd.s32 s19, s18  }
0x9c: {  	s6 =	simm.s32 $0x0;
	s20 =	sshll.u32 s4, $0x1;
	s4 =	sadd.s32 s21, s2  }
0x9d: {  	[timem:s6], [sflag:s22] =	dma.local [hbm:s4], s20  }
0x9e: {  	_ =	swait.ge [sflag:s22], s20  }
0x9f: {  	s3 =	ssub.s32 $0x0, s20;
	[sflag:s22] =	ssyncset.done $0x0  }
0xa0: {  	[sflag:s22] =	ssyncadd.s32 s3;
	_ =	sdelay $0x1  }
0xa1: {  	s23 =	simm.s32 $0x1B8B  }
0xa2: {  	_ =	swait.ge [sflag:s23], $0x1  }
0xa3: {  	[sflag:s23] =	ssyncset.done $0x0  }
0xa4: {  	s25 =	simm.s32 $0x1B8E;
	s24 =	sld [smem:$0x3FFE];
	[sflag:s23] =	ssyncadd.s32 $0xFFFFFFFF  }
0xa5: {  	s26 =	simm.s32 $execute0_lowered;
	[smem:$0x3FD2] =	sst s25  }
0xa6: {  	s4 =	sshll.u32 s26, $0x1;
	_ =	strace $0x80000046;
	[dreg:$0x1] =	wrdreg $0xFFFFFFFF  }
0xa7: {  	s28 =	simm.s32 $_size_execute0_lowered;
	s2 =	sadd.s32 s2, s4;
	[dreg:$0x0] =	wrdreg $0x0  }
0xa8: {  	s4 =	sshll.u32 s28, $0x1;
	[dreg:$0x2] =	wrdreg s2  }
0xa9: {  	[dreg:$0x3] =	wrdreg s4  }
0xaa: {  	[dreg:$0x4] =	wrdreg $0xC0  }
0xab: {  	_ =	task [dreg:s6], $0x5FFFF  }
0xac: {  	[dreg:$0x1] =	wrdreg $0xFFFFFFFF  }
0xad: {  	[dreg:$0x0] =	wrdreg $0x60  }
0xae: {  	[dreg:$0x2] =	wrdreg s24  }
0xaf: {  	[dreg:$0x3] =	wrdreg $0x57800  }
0xb0: {  	[dreg:$0x4] =	wrdreg $0x9  }
0xb1: {  	_ =	task.clear_ibuf [dreg:s6], $0x5FFFF;
	_ =	strace $0x90000046  }
0xb2: {  	s29 =	simm.s32 $0x9;
	_ =	strace $0x80000048  }
0xb3: {  	_ =	swait.ge [sflag:s29], $0x1  }
0xb4: {  	[sflag:s29] =	ssyncadd.s32 $0xFFFFFFFF  }
0xb5: {  	_ =	strace $0x90000048  }
0xb6: {  	_ =	sfence  }
0xb7: {  	s30 =	sld [smem:$0x0];
	_ =	sdelay $0x2  }
0xb8: {  	s31 =	sshll.u32 s1, $0xD;
	s1 =	sshrl.u32 s1, $0x2  }
0xb9: {  	s3 =	sand.u32 $0x4000, s31;
	s1 =	sadd.s32 s1, s30  }
0xba: {  	s0 =	sor.u32 s3, s0;
	s1 =	sshll.u32 s1, $0x11  }
0xbb: {  	s0 =	sor.u32 s1, s0  }
0xbc: {  	s0 =	sadd.s32 $0x8F2B, s0  }
0xbd: {  	[sflag:s0] =	ssyncadd.remote.s32 $0x1  }
0xbe: {  	_ =	sfence.sel $0xFFFF  }
0xbf: {  	[dreg:$0x0] =	wrdreg $0xFFFFFFFF;
	(pc) =	sbr.abs _section_cstart, $3  }
0xc0: {  	[dreg:$0x1] =	wrdreg $0xFFFFFFFF  }
0xc1: {  	_ =	task.clear_ibuf [dreg:s6], $0x2FFFF;
	_ =	strace $0x9FFFFFFF  }
0xc2: {  	(tm) =	ssettm $0x7FFFFFFF  }
0xc3: {  	_ =	shalt  }
tec
execute0_lowered:
.L_overlay_start_1:
0x0: {  	(tag) =	ssettag $0x1  }
0x1: {  	s4 =	rddreg [dreg:$0x0];
	s0 =	srdreg.scid  }
0x2: {  	s2 =	rddreg [dreg:$0x1];
	s1 =	stileid.u32  }
0x3: {  	s3 =	simm.s32 $0x0;
	s10 =	simm.s32 $0x80;
	s11 =	simm.s32 $0x2800  }
0x4: {  	s12 =	simm.s32 $0x1;
	s5 =	sand.u32 $0x1, s0;
	s0 =	rddreg [dreg:$0x2]  }
0x5: {  	s15 =	simm.s32 $0x0;
	s7 =	smul.u32 $0x2780, s1;
	[smem:$0x7FF] =	sst s3  }
0x6: {  	s13 =	sshll.u32 s1, $0x6;
	s6 =	sshll.u32 s5, $0x4;
	s8 =	smul.u32 $0x27800, s5  }
0x7: {  	_ =	strace $0x80000047;
	s5 =	ssub.s32 $0x2, s5;
	s6 =	sor.u32 s1, s6  }
0x8: {  	s13 =	sor.u32 $0x1C02, s13;
	s9 =	sshrl.u32 s5, $0x1;
	s6 =	smul.u32 $0x500, s6  }
0x9: {  	s8 =	sadd.s32 s7, s8;
	s9 =	ssub.s32 s5, s9;
	s5 =	sadd.s32 s7, s2  }
0xa: {  	s8 =	sshrl.u32 s8, $0x3;
	s7 =	smax.u32 s9, $0x1;
	s9 =	simm.s32 $0x3000  }
0xb: {  	s14 =	sshrl.u32 s5, $0x3;
	s6 =	sadd.s32 s6, s4;
	s8 =	sadd.s32 s8, s4  }
0xc: {  	v0 =	vimm.f32 $0.0e+00;
	v1 =	vimm.f32 $1.000000000e+00;
	s4 =	sadd.s32 $0x2000, s6;
	s6 =	sadd.s32 $0x16800, s8;
	s8 =	simm.s32 $0x2  }
.LBB2_1:
0xd: {  	[tilespmem:s3], [sflag:$0x2] =	stream.linear.gather [hbm4b:s4+s3], $0x2800, $0x38;
	[tilespmem:$0x7F00] =	vst v63  }
0xe: {  	_ =	swait.ge [sflag:s8], $0x2800  }
0xf: {  	[sflag:s8] =	ssyncset.done $0x0  }
0x10: {  	s16 =	simm.s32 $0x0;
	[sflag:s8] =	ssyncadd.s32 $0xFFFFD800  }
.LBB2_2:
0x11: {  	p0 =	sne.s32 s16, $0x9DC0  }
.Ltmp0:
0x12: {  	_ = 	snop;
	(pc) =	sbr.rel @p0 .LBB2_2-.Ltmp0, $3  }
0x13: {  	_ =	sdelay $0x1  }
0x14: {  	s17 =	sshra.s32 s16, $0x2  }
0x15: {  	s16 =	sadd.s32 $0x40, s16;
	[tilespmem:s17+$0x3000] =	vst v0  }
0x16: {  	s16 =	simm.s32 $0x40;
	s17 =	simm.s32 $0x0  }
.LBB2_4:
0x17: {  	p0 =	sne.s32 s16, $0x1FC0;
	[tilespmem:s17+$0x2800] =	vst v1;
	s17 =	smov.u32 s16;
	s16 =	sadd.s32 $0x40, s16  }
.Ltmp1:
0x18: {  	(pc) =	sbr.rel @p0 .LBB2_4-.Ltmp1, $2  }
0x19: {  	_ =	sdelay $0x2  }
0x1a: {  	s17 =	sshra.s32 s17, $0x2  }
0x1b: {  	[tilespmem:s17+$0x2800] =	vst v1  }
0x1c: {  	[spmem:s5] =	stream.linear.scatter [tilespmem:s9], [sflag:$0x2], $0x2780, $0x38;
	[tilespmem:$0x7F00] =	vst v63  }
0x1d: {  	_ =	swait.ge [sflag:s8], $0x2780  }
0x1e: {  	[sflag:s8] =	ssyncset.done $0x0  }
0x1f: {  	[sflag:s8] =	ssyncadd.s32 $0xFFFFD880  }
0x20: {  	s16 =	simm.s32 $0x0;
	[bflag:$0x0] =	sbarrier.arrive $0xFFFF  }
0x21: {  	[spmem:s2] =	stream.indirect.scatter.add.f32 [tilespmem:s11], [sflag:$0x1], $0x10, s16, s10, $0xb8;
	[tilespmem:$0x7F00] =	vst v63  }
0x22: {  	s31 =	simm.s32 $0x80  }
0x23: {  	[spmem:s2] =	stream.indirect.scatter.add.f32 [tilespmem:s11], [sflag:$0x1], $0x10, s31, s10, $0xb8;
	[tilespmem:$0x7F00] =	vst v63  }
0x24: {  	s17 =	simm.s32 $0x100  }
0x25: {  	[spmem:s2] =	stream.indirect.scatter.add.f32 [tilespmem:s11], [sflag:$0x1], $0x10, s17, s10, $0xb8;
	[tilespmem:$0x7F00] =	vst v63  }
0x26: {  	s18 =	simm.s32 $0x180  }
0x27: {  	[spmem:s2] =	stream.indirect.scatter.add.f32 [tilespmem:s11], [sflag:$0x1], $0x10, s18, s10, $0xb8;
	[tilespmem:$0x7F00] =	vst v63  }
0x28: {  	s19 =	simm.s32 $0x200  }
0x29: {  	[spmem:s2] =	stream.indirect.scatter.add.f32 [tilespmem:s11], [sflag:$0x1], $0x10, s19, s10, $0xb8;
	[tilespmem:$0x7F00] =	vst v63  }
0x2a: {  	s20 =	simm.s32 $0x280  }
0x2b: {  	[spmem:s2] =	stream.indirect.scatter.add.f32 [tilespmem:s11], [sflag:$0x1], $0x10, s20, s10, $0xb8;
	[tilespmem:$0x7F00] =	vst v63  }
0x2c: {  	s21 =	simm.s32 $0x300  }
0x2d: {  	[spmem:s2] =	stream.indirect.scatter.add.f32 [tilespmem:s11], [sflag:$0x1], $0x10, s21, s10, $0xb8;
	[tilespmem:$0x7F00] =	vst v63  }
0x2e: {  	s22 =	simm.s32 $0x380  }
0x2f: {  	[spmem:s2] =	stream.indirect.scatter.add.f32 [tilespmem:s11], [sflag:$0x1], $0x10, s22, s10, $0xb8;
	[tilespmem:$0x7F00] =	vst v63  }
0x30: {  	s23 =	simm.s32 $0x400  }
0x31: {  	[spmem:s2] =	stream.indirect.scatter.add.f32 [tilespmem:s11], [sflag:$0x1], $0x10, s23, s10, $0xb8;
	[tilespmem:$0x7F00] =	vst v63  }
0x32: {  	s24 =	simm.s32 $0x480  }
0x33: {  	[spmem:s2] =	stream.indirect.scatter.add.f32 [tilespmem:s11], [sflag:$0x1], $0x10, s24, s10, $0xb8;
	[tilespmem:$0x7F00] =	vst v63  }
0x34: {  	s25 =	simm.s32 $0x500  }
0x35: {  	[spmem:s2] =	stream.indirect.scatter.add.f32 [tilespmem:s11], [sflag:$0x1], $0x10, s25, s10, $0xb8;
	[tilespmem:$0x7F00] =	vst v63  }
0x36: {  	s26 =	simm.s32 $0x580  }
0x37: {  	[spmem:s2] =	stream.indirect.scatter.add.f32 [tilespmem:s11], [sflag:$0x1], $0x10, s26, s10, $0xb8;
	[tilespmem:$0x7F00] =	vst v63  }
0x38: {  	s28 =	simm.s32 $0x600  }
0x39: {  	[spmem:s2] =	stream.indirect.scatter.add.f32 [tilespmem:s11], [sflag:$0x1], $0x10, s28, s10, $0xb8;
	[tilespmem:$0x7F00] =	vst v63  }
0x3a: {  	s29 =	simm.s32 $0x680  }
0x3b: {  	[spmem:s2] =	stream.indirect.scatter.add.f32 [tilespmem:s11], [sflag:$0x1], $0x10, s29, s10, $0xb8;
	[tilespmem:$0x7F00] =	vst v63  }
0x3c: {  	s30 =	simm.s32 $0x700  }
0x3d: {  	[spmem:s2] =	stream.indirect.scatter.add.f32 [tilespmem:s11], [sflag:$0x1], $0x10, s30, s10, $0xb8;
	[tilespmem:$0x7F00] =	vst v63  }
0x3e: {  	s31 =	simm.s32 $0x780  }
0x3f: {  	[spmem:s2] =	stream.indirect.scatter.add.f32 [tilespmem:s11], [sflag:$0x1], $0x10, s31, s10, $0xb8;
	[tilespmem:$0x7F00] =	vst v63  }
0x40: {  	_ =	swait.ge [sflag:s12], $0x800  }
0x41: {  	[sflag:s12] =	ssyncset.done $0x0  }
0x42: {  	[sflag:s12] =	ssyncadd.s32 $0xFFFFF800  }
0x43: {  	_ =	swait.ge [sflag:s12], $0x800  }
0x44: {  	[sflag:s12] =	ssyncset.done $0x0  }
0x45: {  	[sflag:s12] =	ssyncadd.s32 $0xFFFFF800  }
0x46: {  	_ =	swait.ge [sflag:s12], $0x800  }
0x47: {  	[sflag:s12] =	ssyncset.done $0x0  }
0x48: {  	[sflag:s12] =	ssyncadd.s32 $0xFFFFF800  }
0x49: {  	_ =	swait.ge [sflag:s12], $0x800  }
0x4a: {  	[sflag:s12] =	ssyncset.done $0x0  }
0x4b: {  	[sflag:s12] =	ssyncadd.s32 $0xFFFFF800  }
0x4c: {  	_ =	swait.ge [sflag:s12], $0x800  }
0x4d: {  	[sflag:s12] =	ssyncset.done $0x0  }
0x4e: {  	[sflag:s12] =	ssyncadd.s32 $0xFFFFF800  }
0x4f: {  	_ =	swait.ge [sflag:s12], $0x800  }
0x50: {  	[sflag:s12] =	ssyncset.done $0x0  }
0x51: {  	[sflag:s12] =	ssyncadd.s32 $0xFFFFF800  }
0x52: {  	_ =	swait.ge [sflag:s12], $0x800  }
0x53: {  	[sflag:s12] =	ssyncset.done $0x0  }
0x54: {  	[sflag:s12] =	ssyncadd.s32 $0xFFFFF800  }
0x55: {  	_ =	swait.ge [sflag:s12], $0x800  }
0x56: {  	[sflag:s12] =	ssyncset.done $0x0  }
0x57: {  	[sflag:s12] =	ssyncadd.s32 $0xFFFFF800  }
0x58: {  	_ =	swait.ge [sflag:s12], $0x800  }
0x59: {  	[sflag:s12] =	ssyncset.done $0x0  }
0x5a: {  	[sflag:s12] =	ssyncadd.s32 $0xFFFFF800  }
0x5b: {  	_ =	swait.ge [sflag:s12], $0x800  }
0x5c: {  	[sflag:s12] =	ssyncset.done $0x0  }
0x5d: {  	[sflag:s12] =	ssyncadd.s32 $0xFFFFF800  }
0x5e: {  	_ =	swait.ge [sflag:s12], $0x800  }
0x5f: {  	[sflag:s12] =	ssyncset.done $0x0  }
0x60: {  	[sflag:s12] =	ssyncadd.s32 $0xFFFFF800  }
0x61: {  	_ =	swait.ge [sflag:s12], $0x800  }
0x62: {  	[sflag:s12] =	ssyncset.done $0x0  }
0x63: {  	[sflag:s12] =	ssyncadd.s32 $0xFFFFF800  }
0x64: {  	_ =	swait.ge [sflag:s12], $0x800  }
0x65: {  	[sflag:s12] =	ssyncset.done $0x0  }
0x66: {  	[sflag:s12] =	ssyncadd.s32 $0xFFFFF800  }
0x67: {  	_ =	swait.ge [sflag:s12], $0x800  }
0x68: {  	[sflag:s12] =	ssyncset.done $0x0  }
0x69: {  	[sflag:s12] =	ssyncadd.s32 $0xFFFFF800  }
0x6a: {  	_ =	swait.ge [sflag:s12], $0x800  }
0x6b: {  	[sflag:s12] =	ssyncset.done $0x0  }
0x6c: {  	[sflag:s12] =	ssyncadd.s32 $0xFFFFF800  }
0x6d: {  	_ =	swait.ge [sflag:s12], $0x800  }
0x6e: {  	s16 =	simm.s32 $0x2000;
	s19 =	simm.s32 $0x4000;
	[sflag:s12] =	ssyncset.done $0x0  }
.LBB2_6:
0x6f: {  	s18 =	sshra.s32 s16, $0x2  }
0x70: {  	[sflag:s12] =	ssyncadd.s32 $0xFFFFF800;
	s16 =	smov.u32 s19;
	s17 =	sadd.s32 $0x2000, s19  }
0x71: {  	[spmem:s2] =	stream.indirect.scatter.add.f32 [tilespmem:s11], [sflag:$0x1], $0x10, s18, s10, $0xb8;
	[tilespmem:$0x7F00] =	vst v63  }
0x72: {  	p0 =	sne.s32 s19, $0x8000;
	s19 =	sadd.s32 $0x80, s18  }
0x73: {  	[spmem:s2] =	stream.indirect.scatter.add.f32 [tilespmem:s11], [sflag:$0x1], $0x10, s19, s10, $0xb8;
	[tilespmem:$0x7F00] =	vst v63  }
0x74: {  	s19 =	sadd.s32 $0x100, s18  }
0x75: {  	[spmem:s2] =	stream.indirect.scatter.add.f32 [tilespmem:s11], [sflag:$0x1], $0x10, s19, s10, $0xb8;
	[tilespmem:$0x7F00] =	vst v63  }
0x76: {  	s19 =	sadd.s32 $0x180, s18  }
0x77: {  	[spmem:s2] =	stream.indirect.scatter.add.f32 [tilespmem:s11], [sflag:$0x1], $0x10, s19, s10, $0xb8;
	[tilespmem:$0x7F00] =	vst v63  }
0x78: {  	s19 =	sadd.s32 $0x200, s18  }
0x79: {  	[spmem:s2] =	stream.indirect.scatter.add.f32 [tilespmem:s11], [sflag:$0x1], $0x10, s19, s10, $0xb8;
	[tilespmem:$0x7F00] =	vst v63  }
0x7a: {  	s19 =	sadd.s32 $0x280, s18  }
0x7b: {  	[spmem:s2] =	stream.indirect.scatter.add.f32 [tilespmem:s11], [sflag:$0x1], $0x10, s19, s10, $0xb8;
	[tilespmem:$0x7F00] =	vst v63  }
0x7c: {  	s19 =	sadd.s32 $0x300, s18  }
0x7d: {  	[spmem:s2] =	stream.indirect.scatter.add.f32 [tilespmem:s11], [sflag:$0x1], $0x10, s19, s10, $0xb8;
	[tilespmem:$0x7F00] =	vst v63  }
0x7e: {  	s19 =	sadd.s32 $0x380, s18  }
0x7f: {  	[spmem:s2] =	stream.indirect.scatter.add.f32 [tilespmem:s11], [sflag:$0x1], $0x10, s19, s10, $0xb8;
	[tilespmem:$0x7F00] =	vst v63  }
0x80: {  	s19 =	sadd.s32 $0x400, s18  }
0x81: {  	[spmem:s2] =	stream.indirect.scatter.add.f32 [tilespmem:s11], [sflag:$0x1], $0x10, s19, s10, $0xb8;
	[tilespmem:$0x7F00] =	vst v63  }
0x82: {  	s19 =	sadd.s32 $0x480, s18  }
0x83: {  	[spmem:s2] =	stream.indirect.scatter.add.f32 [tilespmem:s11], [sflag:$0x1], $0x10, s19, s10, $0xb8;
	[tilespmem:$0x7F00] =	vst v63  }
0x84: {  	s19 =	sadd.s32 $0x500, s18  }
0x85: {  	[spmem:s2] =	stream.indirect.scatter.add.f32 [tilespmem:s11], [sflag:$0x1], $0x10, s19, s10, $0xb8;
	[tilespmem:$0x7F00] =	vst v63  }
0x86: {  	s19 =	sadd.s32 $0x580, s18  }
0x87: {  	[spmem:s2] =	stream.indirect.scatter.add.f32 [tilespmem:s11], [sflag:$0x1], $0x10, s19, s10, $0xb8;
	[tilespmem:$0x7F00] =	vst v63  }
0x88: {  	s19 =	sadd.s32 $0x600, s18  }
0x89: {  	[spmem:s2] =	stream.indirect.scatter.add.f32 [tilespmem:s11], [sflag:$0x1], $0x10, s19, s10, $0xb8;
	[tilespmem:$0x7F00] =	vst v63  }
0x8a: {  	s19 =	sadd.s32 $0x680, s18  }
0x8b: {  	[spmem:s2] =	stream.indirect.scatter.add.f32 [tilespmem:s11], [sflag:$0x1], $0x10, s19, s10, $0xb8;
	[tilespmem:$0x7F00] =	vst v63  }
0x8c: {  	s19 =	sadd.s32 $0x700, s18  }
0x8d: {  	[spmem:s2] =	stream.indirect.scatter.add.f32 [tilespmem:s11], [sflag:$0x1], $0x10, s19, s10, $0xb8;
	[tilespmem:$0x7F00] =	vst v63  }
0x8e: {  	s18 =	sadd.s32 $0x780, s18  }
0x8f: {  	[spmem:s2] =	stream.indirect.scatter.add.f32 [tilespmem:s11], [sflag:$0x1], $0x10, s18, s10, $0xb8;
	[tilespmem:$0x7F00] =	vst v63  }
0x90: {  	_ =	swait.ge [sflag:s12], $0x800  }
0x91: {  	[sflag:s12] =	ssyncset.done $0x0  }
0x92: {  	[sflag:s12] =	ssyncadd.s32 $0xFFFFF800  }
0x93: {  	_ =	swait.ge [sflag:s12], $0x800  }
0x94: {  	[sflag:s12] =	ssyncset.done $0x0  }
0x95: {  	[sflag:s12] =	ssyncadd.s32 $0xFFFFF800  }
0x96: {  	_ =	swait.ge [sflag:s12], $0x800  }
0x97: {  	[sflag:s12] =	ssyncset.done $0x0  }
0x98: {  	[sflag:s12] =	ssyncadd.s32 $0xFFFFF800  }
0x99: {  	_ =	swait.ge [sflag:s12], $0x800  }
0x9a: {  	[sflag:s12] =	ssyncset.done $0x0  }
0x9b: {  	[sflag:s12] =	ssyncadd.s32 $0xFFFFF800  }
0x9c: {  	_ =	swait.ge [sflag:s12], $0x800  }
0x9d: {  	[sflag:s12] =	ssyncset.done $0x0  }
0x9e: {  	[sflag:s12] =	ssyncadd.s32 $0xFFFFF800  }
0x9f: {  	_ =	swait.ge [sflag:s12], $0x800  }
0xa0: {  	[sflag:s12] =	ssyncset.done $0x0  }
0xa1: {  	[sflag:s12] =	ssyncadd.s32 $0xFFFFF800  }
0xa2: {  	_ =	swait.ge [sflag:s12], $0x800  }
0xa3: {  	[sflag:s12] =	ssyncset.done $0x0  }
0xa4: {  	[sflag:s12] =	ssyncadd.s32 $0xFFFFF800  }
0xa5: {  	_ =	swait.ge [sflag:s12], $0x800  }
0xa6: {  	[sflag:s12] =	ssyncset.done $0x0  }
0xa7: {  	[sflag:s12] =	ssyncadd.s32 $0xFFFFF800  }
0xa8: {  	_ =	swait.ge [sflag:s12], $0x800  }
0xa9: {  	[sflag:s12] =	ssyncset.done $0x0  }
0xaa: {  	[sflag:s12] =	ssyncadd.s32 $0xFFFFF800  }
0xab: {  	_ =	swait.ge [sflag:s12], $0x800  }
0xac: {  	[sflag:s12] =	ssyncset.done $0x0  }
0xad: {  	[sflag:s12] =	ssyncadd.s32 $0xFFFFF800  }
0xae: {  	_ =	swait.ge [sflag:s12], $0x800  }
0xaf: {  	[sflag:s12] =	ssyncset.done $0x0  }
0xb0: {  	[sflag:s12] =	ssyncadd.s32 $0xFFFFF800  }
0xb1: {  	_ =	swait.ge [sflag:s12], $0x800  }
0xb2: {  	[sflag:s12] =	ssyncset.done $0x0  }
0xb3: {  	[sflag:s12] =	ssyncadd.s32 $0xFFFFF800  }
0xb4: {  	_ =	swait.ge [sflag:s12], $0x800  }
0xb5: {  	[sflag:s12] =	ssyncset.done $0x0  }
0xb6: {  	[sflag:s12] =	ssyncadd.s32 $0xFFFFF800  }
0xb7: {  	_ =	swait.ge [sflag:s12], $0x800  }
0xb8: {  	[sflag:s12] =	ssyncset.done $0x0  }
0xb9: {  	[sflag:s12] =	ssyncadd.s32 $0xFFFFF800  }
.Ltmp2:
0xba: {  	_ =	swait.ge [sflag:s12], $0x800;
	(pc) =	sbr.rel @p0 .LBB2_6-.Ltmp2, $4  }
0xbb: {  	[sflag:s12] =	ssyncset.done $0x0  }
0xbc: {  	[sflag:s12] =	ssyncadd.s32 $0xFFFFF800  }
0xbd: {  	_ =	swait.ge [sflag:s12], $0x800  }
0xbe: {  	s19 =	smov.u32 s17;
	[sflag:s12] =	ssyncset.done $0x0  }
0xbf: {  	s16 =	sshra.s32 s16, $0x2;
	[sflag:s12] =	ssyncadd.s32 $0xFFFFF800  }
0xc0: {  	[spmem:s2] =	stream.indirect.scatter.add.f32 [tilespmem:s11], [sflag:$0x1], $0x10, s16, s10, $0xb8;
	[tilespmem:$0x7F00] =	vst v63  }
0xc1: {  	s17 =	sadd.s32 $0x80, s16  }
0xc2: {  	[spmem:s2] =	stream.indirect.scatter.add.f32 [tilespmem:s11], [sflag:$0x1], $0x10, s17, s10, $0xb8;
	[tilespmem:$0x7F00] =	vst v63  }
0xc3: {  	s18 =	sadd.s32 $0x100, s16  }
0xc4: {  	[spmem:s2] =	stream.indirect.scatter.add.f32 [tilespmem:s11], [sflag:$0x1], $0x10, s18, s10, $0xb8;
	[tilespmem:$0x7F00] =	vst v63  }
0xc5: {  	s19 =	sadd.s32 $0x180, s16  }
0xc6: {  	[spmem:s2] =	stream.indirect.scatter.add.f32 [tilespmem:s11], [sflag:$0x1], $0x10, s19, s10, $0xb8;
	[tilespmem:$0x7F00] =	vst v63  }
0xc7: {  	s20 =	sadd.s32 $0x200, s16  }
0xc8: {  	[spmem:s2] =	stream.indirect.scatter.add.f32 [tilespmem:s11], [sflag:$0x1], $0x10, s20, s10, $0xb8;
	[tilespmem:$0x7F00] =	vst v63  }
0xc9: {  	s21 =	sadd.s32 $0x280, s16  }
0xca: {  	[spmem:s2] =	stream.indirect.scatter.add.f32 [tilespmem:s11], [sflag:$0x1], $0x10, s21, s10, $0xb8;
	[tilespmem:$0x7F00] =	vst v63  }
0xcb: {  	s22 =	sadd.s32 $0x300, s16  }
0xcc: {  	[spmem:s2] =	stream.indirect.scatter.add.f32 [tilespmem:s11], [sflag:$0x1], $0x10, s22, s10, $0xb8;
	[tilespmem:$0x7F00] =	vst v63  }
0xcd: {  	s23 =	sadd.s32 $0x380, s16  }
0xce: {  	[spmem:s2] =	stream.indirect.scatter.add.f32 [tilespmem:s11], [sflag:$0x1], $0x10, s23, s10, $0xb8;
	[tilespmem:$0x7F00] =	vst v63  }
0xcf: {  	s24 =	sadd.s32 $0x400, s16  }
0xd0: {  	[spmem:s2] =	stream.indirect.scatter.add.f32 [tilespmem:s11], [sflag:$0x1], $0x10, s24, s10, $0xb8;
	[tilespmem:$0x7F00] =	vst v63  }
0xd1: {  	s25 =	sadd.s32 $0x480, s16  }
0xd2: {  	[spmem:s2] =	stream.indirect.scatter.add.f32 [tilespmem:s11], [sflag:$0x1], $0x10, s25, s10, $0xb8;
	[tilespmem:$0x7F00] =	vst v63  }
0xd3: {  	s26 =	sadd.s32 $0x500, s16  }
0xd4: {  	[spmem:s2] =	stream.indirect.scatter.add.f32 [tilespmem:s11], [sflag:$0x1], $0x10, s26, s10, $0xb8;
	[tilespmem:$0x7F00] =	vst v63  }
0xd5: {  	s28 =	sadd.s32 $0x580, s16  }
0xd6: {  	[spmem:s2] =	stream.indirect.scatter.add.f32 [tilespmem:s11], [sflag:$0x1], $0x10, s28, s10, $0xb8;
	[tilespmem:$0x7F00] =	vst v63  }
0xd7: {  	s29 =	sadd.s32 $0x600, s16  }
0xd8: {  	[spmem:s2] =	stream.indirect.scatter.add.f32 [tilespmem:s11], [sflag:$0x1], $0x10, s29, s10, $0xb8;
	[tilespmem:$0x7F00] =	vst v63  }
0xd9: {  	s30 =	sadd.s32 $0x680, s16  }
0xda: {  	[spmem:s2] =	stream.indirect.scatter.add.f32 [tilespmem:s11], [sflag:$0x1], $0x10, s30, s10, $0xb8;
	[tilespmem:$0x7F00] =	vst v63  }
0xdb: {  	s31 =	sadd.s32 $0x700, s16  }
0xdc: {  	[spmem:s2] =	stream.indirect.scatter.add.f32 [tilespmem:s11], [sflag:$0x1], $0x10, s31, s10, $0xb8;
	[tilespmem:$0x7F00] =	vst v63  }
0xdd: {  	s16 =	sadd.s32 $0x780, s16  }
0xde: {  	[spmem:s2] =	stream.indirect.scatter.add.f32 [tilespmem:s11], [sflag:$0x1], $0x10, s16, s10, $0xb8;
	[tilespmem:$0x7F00] =	vst v63  }
0xdf: {  	_ =	swait.ge [sflag:s12], $0x800  }
0xe0: {  	[sflag:s12] =	ssyncset.done $0x0  }
0xe1: {  	[sflag:s12] =	ssyncadd.s32 $0xFFFFF800  }
0xe2: {  	_ =	swait.ge [sflag:s12], $0x800  }
0xe3: {  	[sflag:s12] =	ssyncset.done $0x0  }
0xe4: {  	[sflag:s12] =	ssyncadd.s32 $0xFFFFF800  }
0xe5: {  	_ =	swait.ge [sflag:s12], $0x800  }
0xe6: {  	[sflag:s12] =	ssyncset.done $0x0  }
0xe7: {  	[sflag:s12] =	ssyncadd.s32 $0xFFFFF800  }
0xe8: {  	_ =	swait.ge [sflag:s12], $0x800  }
0xe9: {  	[sflag:s12] =	ssyncset.done $0x0  }
0xea: {  	[sflag:s12] =	ssyncadd.s32 $0xFFFFF800  }
0xeb: {  	_ =	swait.ge [sflag:s12], $0x800  }
0xec: {  	[sflag:s12] =	ssyncset.done $0x0  }
0xed: {  	[sflag:s12] =	ssyncadd.s32 $0xFFFFF800  }
0xee: {  	_ =	swait.ge [sflag:s12], $0x800  }
0xef: {  	[sflag:s12] =	ssyncset.done $0x0  }
0xf0: {  	[sflag:s12] =	ssyncadd.s32 $0xFFFFF800  }
0xf1: {  	_ =	swait.ge [sflag:s12], $0x800  }
0xf2: {  	[sflag:s12] =	ssyncset.done $0x0  }
0xf3: {  	[sflag:s12] =	ssyncadd.s32 $0xFFFFF800  }
0xf4: {  	_ =	swait.ge [sflag:s12], $0x800  }
0xf5: {  	[sflag:s12] =	ssyncset.done $0x0  }
0xf6: {  	[sflag:s12] =	ssyncadd.s32 $0xFFFFF800  }
0xf7: {  	_ =	swait.ge [sflag:s12], $0x800  }
0xf8: {  	[sflag:s12] =	ssyncset.done $0x0  }
0xf9: {  	[sflag:s12] =	ssyncadd.s32 $0xFFFFF800  }
0xfa: {  	_ =	swait.ge [sflag:s12], $0x800  }
0xfb: {  	[sflag:s12] =	ssyncset.done $0x0  }
0xfc: {  	[sflag:s12] =	ssyncadd.s32 $0xFFFFF800  }
0xfd: {  	_ =	swait.ge [sflag:s12], $0x800  }
0xfe: {  	[sflag:s12] =	ssyncset.done $0x0  }
0xff: {  	[sflag:s12] =	ssyncadd.s32 $0xFFFFF800  }
0x100: {  	_ =	swait.ge [sflag:s12], $0x800  }
0x101: {  	[sflag:s12] =	ssyncset.done $0x0  }
0x102: {  	[sflag:s12] =	ssyncadd.s32 $0xFFFFF800  }
0x103: {  	_ =	swait.ge [sflag:s12], $0x800  }
0x104: {  	[sflag:s12] =	ssyncset.done $0x0  }
0x105: {  	[sflag:s12] =	ssyncadd.s32 $0xFFFFF800  }
0x106: {  	_ =	swait.ge [sflag:s12], $0x800  }
0x107: {  	[sflag:s12] =	ssyncset.done $0x0  }
0x108: {  	[sflag:s12] =	ssyncadd.s32 $0xFFFFF800  }
0x109: {  	_ =	swait.ge [sflag:s12], $0x800  }
0x10a: {  	[sflag:s12] =	ssyncset.done $0x0  }
0x10b: {  	[sflag:s12] =	ssyncadd.s32 $0xFFFFF800  }
0x10c: {  	_ =	swait.ge [sflag:s12], $0x800  }
0x10d: {  	s15 =	sadd.s32 $0x1, s15;
	[sflag:s12] =	ssyncset.done $0x0  }
0x10e: {  	p0 =	sne.s32 s15, s7;
	[sflag:s12] =	ssyncadd.s32 $0xFFFFF800  }
.Ltmp3:
0x10f: {  	[bflag:$0x0] =	sbarrier.arrive $0xFFFF;
	(pc) =	sbr.rel @p0 .LBB2_1-.Ltmp3, $4  }
0x110: {  	[hbm:s6], [sflag:s13] =	dma.local [spmem:s14], $0x4F0  }
0x111: {  	_ =	swait.ge [sflag:s8], $0x4F0  }
0x112: {  	[sflag:s8] =	ssyncset.done $0x0  }
0x113: {  	[sflag:s8] =	ssyncadd.s32 $0xFFFFFB10  }
0x114: {  	_ =	sfence.sel $0x180000  }
0x115: {  	[bflag:$0x0] =	sbarrier.arrive $0xFFFF  }
0x116: {  	p0 =	sne.s32 s1, $0x0;
	_ =	strace $0x90000047  }
0x117: {  	s0 =	sadd.s32 @!p0 $0x100000, s0;
	[bflag:$0x2] =	sbarrier.arrive $0xFFFF  }
0x118: {  	[sflag:s0] =	ssyncadd.tile.s32 @!p0 $0x1;
	_ =	shalt  }
.Lfunc_end2:
_tile_overlayer_lowered:
.L_overlay_start_2:
0x119: {  	(tag) =	ssettag $0x2  }
0x11a: {  	s0 =	rddreg [dreg:$0x0];
	s2 =	stileid.u32  }
0x11b: {  	s1 =	rddreg [dreg:$0x1];
	p0 =	sne.s32 s2, $0x0  }
0x11c: {  	s3 =	rddreg [dreg:$0x2];
	[bflag:$0x3] =	sbarrier.arrive $0xFFFF;
	s2 =	simm.s32 @!p0 $0x1C02  }
0x11d: {  	[timem:s3], [sflag:s2] =	dma.local @!p0 [hbm:s0], s1  }
0x11e: {  	s0 =	simm.s32 @!p0 $0x2  }
0x11f: {  	_ =	swait.ge @!p0 [sflag:s0], s1  }
0x120: {  	s1 =	ssub.s32 @!p0 $0x0, s1;
	[sflag:s0] =	ssyncset.done @!p0 $0x0  }
0x121: {  	[sflag:s0] =	ssyncadd.s32 @!p0 s1  }
0x122: {  	[bflag:$0x3] =	sbarrier.arrive $0xFFFF  }
0x123: {  	_ =	shalt  }

// kernel: kernel.13.cloned.1.call-start
scs
__scs_entry_jumppad:
0x0: {  	(pc) =	sbr.rel $0x88, $3  }
0x1: {  	(tag) =	ssettag $0x0;
	lr =	simm.s32 $0x1  }
0x2: {  	[smem:$0x3F9B] =	sst lr;
	_ =	strace $0xD0000000  }
0x3: {  	_ = 	snop  }
0x4: {  	_ = 	snop  }
0x5: {  	_ = 	snop  }
0x6: {  	_ = 	snop  }
0x7: {  	_ = 	snop  }
__scs_overlays_trampoline_lowered:
0x8: {  	[smem:$0x3FAA] =	sst s0  }
0x9: {  	[smem:$0x3FAB] =	sst s1  }
0xa: {  	[smem:$0x3FAC] =	sst s2  }
0xb: {  	[smem:$0x3FAD] =	sst s3  }
0xc: {  	[smem:$0x3FAE] =	sst s4  }
0xd: {  	[smem:$0x3FAF] =	sst s5  }
0xe: {  	[smem:$0x3FB0] =	sst s6  }
0xf: {  	[smem:$0x3FB1] =	sst s7  }
0x10: {  	[smem:$0x3FB2] =	sst s8  }
0x11: {  	[smem:$0x3FB3] =	sst s9;
	s0 =	simm.s32 @!p0 $0x0  }
0x12: {  	s1 =	sld [smem:$0x3F99];
	s0 =	simm.s32 @p0 $0x1  }
0x13: {  	[smem:$0x3FB4] =	sst s0;
	s0 =	simm.s32 @!p1 $0x0  }
0x14: {  	s2 =	sld [smem:$0x3F98];
	s0 =	simm.s32 @p1 $0x1  }
0x15: {  	[smem:$0x3FB5] =	sst s0;
	s0 =	simm.s32 @!p2 $0x0  }
0x16: {  	s3 =	sld [smem:$0x3FDB];
	s0 =	simm.s32 @p2 $0x1  }
0x17: {  	s4 =	simm.s32 $0x1BF5;
	[smem:$0x3FB7] =	sst s0  }
0x18: {  	s0 =	sld [smem:$0x3F9A];
	_ =	swait.ge [sflag:s4], $0x0  }
0x19: {  	s7 =	sld [smem:$0x3F9B]  }
0x1a: {  	s8 =	sadd.s32 $0xFFFFE003, lr  }
0x1b: {  	s9 =	sadd.s32 $0xFFFFFEF7, lr;
	s5 =	simm.s32 $0xFFFFFFFF;
	p2 =	slt.u32 s8, $0xFFFFF086  }
0x1c: {  	p1 =	slt.u32 s9, $0xF7A;
	s5 =	simm.s32 @!p2 $0x0  }
0x1d: {  	s5 =	simm.s32 @p1 $0x1;
	p0 =	seq.s32 s7, s2  }
0x1e: {  	s7 =	smul.u32 @!p0 $0xF7A, s2;
	p2 =	seq.s32 @!p0 s5, $0x0  }
0x1f: {  	s9 =	smul.u32 $0xF7A, s1;
	s8 =	simm.s32 @!p0 $0x1BF5;
	p2 =	por !p2, p0  }
0x20: {  	[sflag:s8] =	ssyncset.s32 @!p0 $0xFFFFF086;
	s6 =	sadd.s32 @!p0 s3, s7;
	s7 =	simm.s32 @!p0 $0x108  }
0x21: {  	s3 =	sadd.s32 s3, s9;
	s6 =	sadd.s32 @!p0 $0x88, s6;
	s7 =	simm.s32 @p2 $0x1082  }
0x22: {  	[simem:s7], [sflag:s8] =	dma.local @!p0 [hbm:s6], $0xF7A  }
0x23: {  	s9 =	sor.u32 $0xD0000000, s2;
	s6 =	simm.s32 $0x108;
	_ =	swait.ge @!p0 [sflag:s8], $0x0  }
0x24: {  	s3 =	sadd.s32 $0x88, s3;
	s6 =	simm.s32 @!p1 $0x1082;
	[sflag:s4] =	ssyncset.s32 $0xFFFFF086  }
0x25: {  	[simem:s6], [sflag:s4] =	dma.local [hbm:s3], $0xF7A  }
0x26: {  	[smem:$0x3F9B] =	sst s1;
	(tag) =	ssettag s2;
	_ =	strace s9  }
0x27: {  	s1 =	sld [smem:$0x3FAB]  }
0x28: {  	s2 =	sld [smem:$0x3FAC]  }
0x29: {  	s4 =	sld [smem:$0x3FAE]  }
0x2a: {  	p0 =	seq.s32 s5, $0x0;
	s5 =	sld [smem:$0x3FAF]  }
0x2b: {  	s6 =	sld [smem:$0x3FB0]  }
0x2c: {  	s7 =	sld [smem:$0x3FB1]  }
0x2d: {  	s3 =	simm.s32 $0x108;
	s8 =	sld [smem:$0x3FB2]  }
0x2e: {  	s3 =	simm.s32 @!p0 $0x1082;
	s9 =	sld [smem:$0x3FB3]  }
0x2f: {  	lr =	sadd.s32 s0, s3;
	s0 =	sld [smem:$0x3FAA]  }
0x30: {  	s3 =	sld [smem:$0x3FAD]  }
0x31: {  	[smem:$0x3FB6] =	sst s10  }
0x32: {  	s10 =	sld [smem:$0x3FB4];
	_ =	sdelay $0x3  }
0x33: {  	p0 =	seq.s32 s10, $0x1;
	s10 =	sld [smem:$0x3FB6];
	_ =	sdelay $0x3  }
0x34: {  	[smem:$0x3FB6] =	sst s10  }
0x35: {  	s10 =	sld [smem:$0x3FB5];
	_ =	sdelay $0x3  }
0x36: {  	p1 =	seq.s32 s10, $0x1;
	s10 =	sld [smem:$0x3FB6];
	_ =	sdelay $0x3  }
0x37: {  	[smem:$0x3FB6] =	sst s10  }
0x38: {  	s10 =	sld [smem:$0x3FB7]  }
0x39: {  	_ = 	snop;
	(pc) =	sbr.ind lr, $3  }
0x3a: {  	_ = 	snop  }
0x3b: {  	_ = 	snop  }
0x3c: {  	p2 =	seq.s32 s10, $0x1;
	s10 =	sld [smem:$0x3FB6]  }
0x3d: {  	_ =	shalt  }
0x3e: {  	_ =	shalt  }
0x3f: {  	_ =	shalt  }
0x40: {  	_ =	shalt  }
0x41: {  	_ =	shalt  }
0x42: {  	_ =	shalt  }
0x43: {  	_ =	shalt  }
0x44: {  	_ =	shalt  }
0x45: {  	_ =	shalt  }
0x46: {  	_ =	shalt  }
0x47: {  	_ =	shalt  }
0x48: {  	_ =	shalt  }
0x49: {  	_ =	shalt  }
0x4a: {  	_ =	shalt  }
0x4b: {  	_ =	shalt  }
0x4c: {  	_ =	shalt  }
0x4d: {  	_ =	shalt  }
0x4e: {  	_ =	shalt  }
0x4f: {  	_ =	shalt  }
0x50: {  	_ =	shalt  }
0x51: {  	_ =	shalt  }
0x52: {  	_ =	shalt  }
0x53: {  	_ =	shalt  }
0x54: {  	_ =	shalt  }
0x55: {  	_ =	shalt  }
0x56: {  	_ =	shalt  }
0x57: {  	_ =	shalt  }
0x58: {  	_ =	shalt  }
0x59: {  	_ =	shalt  }
0x5a: {  	_ =	shalt  }
0x5b: {  	_ =	shalt  }
0x5c: {  	_ =	shalt  }
0x5d: {  	_ =	shalt  }
0x5e: {  	_ =	shalt  }
0x5f: {  	_ =	shalt  }
0x60: {  	_ =	shalt  }
0x61: {  	_ =	shalt  }
0x62: {  	_ =	shalt  }
0x63: {  	_ =	shalt  }
0x64: {  	_ =	shalt  }
0x65: {  	_ =	shalt  }
0x66: {  	_ =	shalt  }
0x67: {  	_ =	shalt  }
0x68: {  	_ =	shalt  }
0x69: {  	_ =	shalt  }
0x6a: {  	_ =	shalt  }
0x6b: {  	_ =	shalt  }
0x6c: {  	_ =	shalt  }
0x6d: {  	_ =	shalt  }
0x6e: {  	_ =	shalt  }
0x6f: {  	_ =	shalt  }
0x70: {  	_ =	shalt  }
0x71: {  	_ =	shalt  }
0x72: {  	_ =	shalt  }
0x73: {  	_ =	shalt  }
0x74: {  	_ =	shalt  }
0x75: {  	_ =	shalt  }
0x76: {  	_ =	shalt  }
0x77: {  	_ =	shalt  }
0x78: {  	_ =	shalt  }
0x79: {  	_ =	shalt  }
0x7a: {  	_ =	shalt  }
0x7b: {  	_ =	shalt  }
0x7c: {  	_ =	shalt  }
0x7d: {  	_ =	shalt  }
0x7e: {  	_ =	shalt  }
0x7f: {  	_ =	shalt  }
0x80: {  	_ =	shalt  }
0x81: {  	_ =	shalt  }
0x82: {  	_ =	shalt  }
0x83: {  	_ =	shalt  }
0x84: {  	_ =	shalt  }
0x85: {  	_ =	shalt  }
0x86: {  	_ =	shalt  }
0x87: {  	_ =	shalt  }
.Lfunc_end0:
.L_simem_size_0:
called_computation.1_lowered:
.L_overlay_start_0:
0x88: {  	s2 =	sld [smem:$0x3FD9]  }
0x89: {  	s3 =	sld [smem:$0x3FFE];
	_ =	sdelay $0x1  }
0x8a: {  	s1 =	srdreg.scid  }
0x8b: {  	s0 =	sand.u32 $0x1, s1  }
0x8c: {  	s16 =	sshll.u32 s0, $0xA;
	s2 =	sadd.s32 s3, s2  }
0x8d: {  	s2 =	sadd.s32 s2, s16  }
0x8e: {  	[smem:$0x3FC2] =	sst s2  }
0x8f: {  	_ = 	snop  }
0x90: {  	(tm) =	ssettm $0x1  }
0x91: {  	s17 =	sld [smem:$0x3FFB];
	_ =	sdelay $0x3  }
0x92: {  	_ =	strace s17  }
0x93: {  	s2 =	sld [smem:$0x3FFC];
	_ =	sdelay $0x3  }
0x94: {  	_ =	strace s2  }
0x95: {  	s2 =	sld [smem:$0x3FFD];
	_ =	sdelay $0x3  }
0x96: {  	_ =	strace s2  }
0x97: {  	_ =	strace $0x8FFFFFFF  }
0x98: {  	s18 =	sld [smem:$0x3FDB];
	_ =	sdelay $0x1  }
0x99: {  	s19 =	simm.s32 $_scs_section_size  }
0x9a: {  	s4 =	simm.s32 $_size__tile_overlayer_lowered;
	s5 =	simm.s32 $_tile_overlayer_lowered  }
0x9b: {  	s22 =	simm.s32 $0x1BFF;
	s21 =	sshll.u32 s5, $0x1;
	s2 =	sadd.s32 s19, s18  }
0x9c: {  	s6 =	simm.s32 $0x0;
	s20 =	sshll.u32 s4, $0x1;
	s4 =	sadd.s32 s21, s2  }
0x9d: {  	[timem:s6], [sflag:s22] =	dma.local [hbm:s4], s20  }
0x9e: {  	_ =	swait.ge [sflag:s22], s20  }
0x9f: {  	s3 =	ssub.s32 $0x0, s20;
	[sflag:s22] =	ssyncset.done $0x0  }
0xa0: {  	[sflag:s22] =	ssyncadd.s32 s3;
	_ =	sdelay $0x1  }
0xa1: {  	s23 =	simm.s32 $0x1B8B  }
0xa2: {  	_ =	swait.ge [sflag:s23], $0x1  }
0xa3: {  	[sflag:s23] =	ssyncset.done $0x0  }
0xa4: {  	s25 =	simm.s32 $0x1B8E;
	s24 =	sld [smem:$0x3FFE];
	[sflag:s23] =	ssyncadd.s32 $0xFFFFFFFF  }
0xa5: {  	s26 =	simm.s32 $execute0_lowered;
	[smem:$0x3FD2] =	sst s25  }
0xa6: {  	s4 =	sshll.u32 s26, $0x1;
	_ =	strace $0x80000049;
	[dreg:$0x1] =	wrdreg $0xFFFFFFFF  }
0xa7: {  	s28 =	simm.s32 $_size_execute0_lowered;
	s2 =	sadd.s32 s2, s4;
	[dreg:$0x0] =	wrdreg $0x0  }
0xa8: {  	s4 =	sshll.u32 s28, $0x1;
	[dreg:$0x2] =	wrdreg s2  }
0xa9: {  	[dreg:$0x3] =	wrdreg s4  }
0xaa: {  	[dreg:$0x4] =	wrdreg $0xC0  }
0xab: {  	_ =	task [dreg:s6], $0x5FFFF  }
0xac: {  	[dreg:$0x1] =	wrdreg $0xFFFFFFFF  }
0xad: {  	[dreg:$0x0] =	wrdreg $0x60  }
0xae: {  	[dreg:$0x2] =	wrdreg s24  }
0xaf: {  	[dreg:$0x3] =	wrdreg $0x117800  }
0xb0: {  	[dreg:$0x4] =	wrdreg $0x9  }
0xb1: {  	_ =	task.clear_ibuf [dreg:s6], $0x5FFFF;
	_ =	strace $0x90000049  }
0xb2: {  	s29 =	simm.s32 $0x9;
	_ =	strace $0x8000004B  }
0xb3: {  	_ =	swait.ge [sflag:s29], $0x1  }
0xb4: {  	[sflag:s29] =	ssyncadd.s32 $0xFFFFFFFF  }
0xb5: {  	_ =	strace $0x9000004B  }
0xb6: {  	_ =	sfence  }
0xb7: {  	s30 =	sld [smem:$0x0];
	_ =	sdelay $0x2  }
0xb8: {  	s31 =	sshll.u32 s1, $0xD;
	s1 =	sshrl.u32 s1, $0x2  }
0xb9: {  	s3 =	sand.u32 $0x4000, s31;
	s1 =	sadd.s32 s1, s30  }
0xba: {  	s0 =	sor.u32 s3, s0;
	s1 =	sshll.u32 s1, $0x11  }
0xbb: {  	s0 =	sor.u32 s1, s0  }
0xbc: {  	s0 =	sadd.s32 $0x8F2B, s0  }
0xbd: {  	[sflag:s0] =	ssyncadd.remote.s32 $0x1  }
0xbe: {  	_ =	sfence.sel $0xFFFF  }
0xbf: {  	[dreg:$0x0] =	wrdreg $0xFFFFFFFF;
	(pc) =	sbr.abs _section_cstart, $3  }
0xc0: {  	[dreg:$0x1] =	wrdreg $0xFFFFFFFF  }
0xc1: {  	_ =	task.clear_ibuf [dreg:s6], $0x2FFFF;
	_ =	strace $0x9FFFFFFF  }
0xc2: {  	(tm) =	ssettm $0x7FFFFFFF  }
0xc3: {  	_ =	shalt  }
tec
execute0_lowered:
.L_overlay_start_1:
0x0: {  	(tag) =	ssettag $0x1  }
0x1: {  	s0 =	rddreg [dreg:$0x0]  }
0x2: {  	s2 =	rddreg [dreg:$0x1]  }
0x3: {  	s5 =	stileid.u32;
	s4 =	simm.s32 $0x0;
	s1 =	srdreg.scid  }
0x4: {  	s11 =	simm.s32 $0x5;
	s14 =	simm.s32 $0x80;
	s15 =	simm.s32 $0x7000  }
0x5: {  	s16 =	simm.s32 $0x7800;
	s17 =	simm.s32 $0x8000;
	s18 =	simm.s32 $0x8800  }
0x6: {  	s19 =	simm.s32 $0x9000;
	s20 =	simm.s32 $0x9800;
	s21 =	simm.s32 $0xA000  }
0x7: {  	s22 =	simm.s32 $0xA800;
	s23 =	simm.s32 $0xB000;
	s28 =	simm.s32 $0xD000  }
0x8: {  	s29 =	simm.s32 $0xD800;
	s30 =	simm.s32 $0xE000;
	s3 =	smul.u32 $0x30, s5  }
0x9: {  	s31 =	simm.s32 $0xE800;
	[smem:$0x7FF] =	sst s4;
	s4 =	smul.u32 $0x70, s5  }
0xa: {  	s12 =	simm.s32 $0x3;
	s1 =	sand.u32 $0x1, s1;
	s6 =	smul.u32 $0x2780, s5  }
0xb: {  	s13 =	simm.s32 $0x4;
	p0 =	seq.s32 s1, $0x0;
	s24 =	smul.u32 $0x27800, s1  }
0xc: {  	_ =	strace $0x8000004A;
	s1 =	ssub.s32 $0x2, s1;
	s3 =	sadd.s32 $0x700, s3  }
0xd: {  	s8 =	sshrl.u32 s1, $0x1;
	s3 =	smov.u32 @p0 s4;
	s4 =	sadd.s32 $0x16800, s0  }
0xe: {  	s5 =	sadd.s32 s6, s24;
	s1 =	ssub.s32 s1, s8;
	s8 =	sadd.s32 s6, s2  }
0xf: {  	s24 =	simm.s32 $0xB800;
	s3 =	sshll.u32 s3, $0x4;
	s7 =	sshrl.u32 s5, $0x3  }
0x10: {  	s5 =	simm.s32 $0x7;
	s26 =	smax.u32 s1, $0x1;
	s3 =	sadd.s32 s3, s0  }
.Ltmp0:
0x11: {  	[dreg:$0x6] =	wrdreg s26;
	s25 =	sadd.s32 $0xC400, s3;
	(pc) =	sbr.rel .LBB2_1-.Ltmp0, $4  }
0x12: {  	s0 =	sadd.s32 s7, s0;
	s3 =	sadd.s32 $0x2000, s3;
	[dreg:$0x3] =	wrdreg s25  }
0x13: {  	s1 =	simm.s32 $0x2;
	s0 =	sadd.s32 $0x1B800, s0;
	[dreg:$0x4] =	wrdreg s3  }
0x14: {  	s5 =	simm.s32 @!p0 $0x3;
	s26 =	simm.s32 $0xC800;
	[dreg:$0x5] =	wrdreg s0  }
0x15: {  	v0 =	vimm.f32 $0.0e+00;
	s25 =	simm.s32 $0xC000;
	s0 =	simm.s32 $0x1;
	s3 =	simm.s32 $0x0  }
.LBB2_7:
0x16: {  	s6 =	stileid.u32  }
0x17: {  	[bflag:$0x0] =	sbarrier.arrive $0xFFFF;
	s6 =	sshll.u32 s6, $0x6  }
0x18: {  	s7 =	sshrl.u32 s8, $0x3;
	s9 =	rddreg [dreg:$0x5];
	s6 =	sor.u32 $0x1C05, s6  }
0x19: {  	[hbm:s9], [sflag:s6] =	dma.local [spmem:s7], $0x4F0  }
0x1a: {  	_ =	swait.ge [sflag:s11], $0x4F0  }
0x1b: {  	s3 =	sadd.s32 $0x1, s3;
	s10 =	rddreg [dreg:$0x6]  }
0x1c: {  	p0 =	sne.s32 s3, s10  }
.Ltmp1:
0x1d: {  	_ = 	snop;
	(pc) =	sbr.rel @!p0 .LBB2_8-.Ltmp1, $3  }
0x1e: {  	_ =	sdelay $0x1  }
0x1f: {  	[sflag:s11] =	ssyncset.done $0x0  }
0x20: {  	[sflag:s11] =	ssyncadd.s32 $0xFFFFFB10  }
.LBB2_1:
0x21: {  	s6 =	simm.s32 $0x0;
	s7 =	rddreg [dreg:$0x3]  }
0x22: {  	[tilespmem:s6], [sflag:$0x5] =	stream.linear.gather [hbm4b:s7+s6], $0x3800, $0x38;
	[tilespmem:$0x13F00] =	vst v63  }
0x23: {  	_ =	swait.ge [sflag:s11], $0x3800  }
0x24: {  	[sflag:s11] =	ssyncset.done $0x0  }
0x25: {  	s9 =	simm.s32 $0x3800;
	s10 =	rddreg [dreg:$0x4];
	[sflag:s11] =	ssyncadd.s32 $0xFFFFC800  }
0x26: {  	[tilespmem:s9], [sflag:$0x5] =	stream.linear.gather [hbm4b:s10+s6], $0x3800, $0x38;
	[tilespmem:$0x13F00] =	vst v63  }
0x27: {  	_ =	swait.ge [sflag:s11], $0x3800  }
0x28: {  	[sflag:s11] =	ssyncset.done $0x0  }
0x29: {  	s7 =	simm.s32 $0x0;
	s6 =	simm.s32 $0x40;
	[sflag:s11] =	ssyncadd.s32 $0xFFFFC800  }
.LBB2_2:
0x2a: {  	p0 =	sne.s32 s6, $0x9DC0;
	[tilespmem:s7+$0xF000] =	vst v0;
	s7 =	smov.u32 s6;
	s6 =	sadd.s32 $0x40, s6  }
.Ltmp2:
0x2b: {  	(pc) =	sbr.rel @p0 .LBB2_2-.Ltmp2, $2  }
0x2c: {  	_ =	sdelay $0x2  }
0x2d: {  	s7 =	sshra.s32 s7, $0x2  }
0x2e: {  	[tilespmem:s7+$0xF000] =	vst v0;
	s6 =	simm.s32 $0xF000  }
0x2f: {  	[spmem:s8] =	stream.linear.scatter [tilespmem:s6], [sflag:$0x5], $0x2780, $0x38;
	[tilespmem:$0x13F00] =	vst v63  }
.Ltmp3:
0x30: {  	_ =	swait.ge [sflag:s11], $0x2780;
	(pc) =	sbr.rel .LBB2_4-.Ltmp3, $4  }
0x31: {  	[sflag:s11] =	ssyncset.done $0x0  }
0x32: {  	[sflag:s11] =	ssyncadd.s32 $0xFFFFD880  }
0x33: {  	[bflag:$0x0] =	sbarrier.arrive $0xFFFF  }
0x34: {  	s7 =	simm.s32 $0x0;
	s6 =	simm.s32 $0x0  }
.LBB2_6:
0x35: {  	s6 =	sadd.s32 $0x2000, s6  }
0x36: {  	p0 =	sne.s32 s6, $0xE000  }
.Ltmp4:
0x37: {  	_ = 	snop;
	(pc) =	sbr.rel @!p0 .LBB2_7-.Ltmp4, $2  }
0x38: {  	_ =	sdelay $0x2  }
0x39: {  	s7 =	sadd.s32 $0x1, s7  }
.LBB2_4:
0x3a: {  	p0 =	sge.u32 s7, s5  }
.Ltmp5:
0x3b: {  	_ = 	snop;
	(pc) =	sbr.rel @p0 .LBB2_6-.Ltmp5, $1  }
0x3c: {  	_ =	sdelay $0x3  }
0x3d: {  	s9 =	sshra.s32 s6, $0x2  }
0x3e: {  	[tilespmem:s15], [sflag:$0x1] =	stream.indirect.gather [hbm4b:s4+s14], $0x10, s9, s14, $0xb8;
	[tilespmem:$0x13F00] =	vst v63  }
0x3f: {  	s10 =	sadd.s32 $0x80, s9  }
0x40: {  	[tilespmem:s16], [sflag:$0x1] =	stream.indirect.gather [hbm4b:s4+s14], $0x10, s10, s14, $0xb8;
	[tilespmem:$0x13F00] =	vst v63  }
0x41: {  	s10 =	sadd.s32 $0x100, s9  }
0x42: {  	[tilespmem:s17], [sflag:$0x1] =	stream.indirect.gather [hbm4b:s4+s14], $0x10, s10, s14, $0xb8;
	[tilespmem:$0x13F00] =	vst v63  }
0x43: {  	s10 =	sadd.s32 $0x180, s9  }
0x44: {  	[tilespmem:s18], [sflag:$0x1] =	stream.indirect.gather [hbm4b:s4+s14], $0x10, s10, s14, $0xb8;
	[tilespmem:$0x13F00] =	vst v63  }
0x45: {  	s10 =	sadd.s32 $0x200, s9  }
0x46: {  	[tilespmem:s19], [sflag:$0x1] =	stream.indirect.gather [hbm4b:s4+s14], $0x10, s10, s14, $0xb8;
	[tilespmem:$0x13F00] =	vst v63  }
0x47: {  	s10 =	sadd.s32 $0x280, s9  }
0x48: {  	[tilespmem:s20], [sflag:$0x1] =	stream.indirect.gather [hbm4b:s4+s14], $0x10, s10, s14, $0xb8;
	[tilespmem:$0x13F00] =	vst v63  }
0x49: {  	s10 =	sadd.s32 $0x300, s9  }
0x4a: {  	[tilespmem:s21], [sflag:$0x1] =	stream.indirect.gather [hbm4b:s4+s14], $0x10, s10, s14, $0xb8;
	[tilespmem:$0x13F00] =	vst v63  }
0x4b: {  	s10 =	sadd.s32 $0x380, s9  }
0x4c: {  	[tilespmem:s22], [sflag:$0x1] =	stream.indirect.gather [hbm4b:s4+s14], $0x10, s10, s14, $0xb8;
	[tilespmem:$0x13F00] =	vst v63  }
0x4d: {  	s10 =	sadd.s32 $0x400, s9  }
0x4e: {  	[tilespmem:s23], [sflag:$0x2] =	stream.indirect.gather [hbm4b:s4+s14], $0x10, s10, s14, $0xb8;
	[tilespmem:$0x13F00] =	vst v63  }
0x4f: {  	s10 =	sadd.s32 $0x480, s9  }
0x50: {  	[tilespmem:s24], [sflag:$0x2] =	stream.indirect.gather [hbm4b:s4+s14], $0x10, s10, s14, $0xb8;
	[tilespmem:$0x13F00] =	vst v63  }
0x51: {  	s10 =	sadd.s32 $0x500, s9  }
0x52: {  	[tilespmem:s25], [sflag:$0x2] =	stream.indirect.gather [hbm4b:s4+s14], $0x10, s10, s14, $0xb8;
	[tilespmem:$0x13F00] =	vst v63  }
0x53: {  	s10 =	sadd.s32 $0x580, s9  }
0x54: {  	[tilespmem:s26], [sflag:$0x2] =	stream.indirect.gather [hbm4b:s4+s14], $0x10, s10, s14, $0xb8;
	[tilespmem:$0x13F00] =	vst v63  }
0x55: {  	s10 =	sadd.s32 $0x600, s9  }
0x56: {  	[tilespmem:s28], [sflag:$0x2] =	stream.indirect.gather [hbm4b:s4+s14], $0x10, s10, s14, $0xb8;
	[tilespmem:$0x13F00] =	vst v63  }
0x57: {  	s10 =	sadd.s32 $0x680, s9  }
0x58: {  	[tilespmem:s29], [sflag:$0x2] =	stream.indirect.gather [hbm4b:s4+s14], $0x10, s10, s14, $0xb8;
	[tilespmem:$0x13F00] =	vst v63  }
0x59: {  	s10 =	sadd.s32 $0x700, s9  }
0x5a: {  	[tilespmem:s30], [sflag:$0x2] =	stream.indirect.gather [hbm4b:s4+s14], $0x10, s10, s14, $0xb8;
	[tilespmem:$0x13F00] =	vst v63  }
0x5b: {  	s10 =	sadd.s32 $0x780, s9  }
0x5c: {  	[tilespmem:s31], [sflag:$0x2] =	stream.indirect.gather [hbm4b:s4+s14], $0x10, s10, s14, $0xb8;
	[tilespmem:$0x13F00] =	vst v63  }
0x5d: {  	_ =	swait.ge [sflag:s0], $0x800  }
0x5e: {  	[sflag:s0] =	ssyncset.done $0x0  }
0x5f: {  	[sflag:s0] =	ssyncadd.s32 $0xFFFFF800  }
0x60: {  	_ =	swait.ge [sflag:s0], $0x800  }
0x61: {  	[sflag:s0] =	ssyncset.done $0x0  }
0x62: {  	[sflag:s0] =	ssyncadd.s32 $0xFFFFF800  }
0x63: {  	_ =	swait.ge [sflag:s0], $0x800  }
0x64: {  	[sflag:s0] =	ssyncset.done $0x0  }
0x65: {  	[sflag:s0] =	ssyncadd.s32 $0xFFFFF800  }
0x66: {  	_ =	swait.ge [sflag:s0], $0x800  }
0x67: {  	[sflag:s0] =	ssyncset.done $0x0  }
0x68: {  	[sflag:s0] =	ssyncadd.s32 $0xFFFFF800  }
0x69: {  	_ =	swait.ge [sflag:s0], $0x800  }
0x6a: {  	[sflag:s0] =	ssyncset.done $0x0  }
0x6b: {  	[sflag:s0] =	ssyncadd.s32 $0xFFFFF800  }
0x6c: {  	_ =	swait.ge [sflag:s0], $0x800  }
0x6d: {  	[sflag:s0] =	ssyncset.done $0x0  }
0x6e: {  	[sflag:s0] =	ssyncadd.s32 $0xFFFFF800  }
0x6f: {  	_ =	swait.ge [sflag:s0], $0x800  }
0x70: {  	[sflag:s0] =	ssyncset.done $0x0  }
0x71: {  	[sflag:s0] =	ssyncadd.s32 $0xFFFFF800  }
0x72: {  	_ =	swait.ge [sflag:s0], $0x800  }
0x73: {  	[sflag:s0] =	ssyncset.done $0x0  }
0x74: {  	s10 =	sadd.s32 $0x3800, s9;
	[sflag:s0] =	ssyncadd.s32 $0xFFFFF800  }
0x75: {  	[spmem:s2] =	stream.indirect.scatter.add.f32 [tilespmem:s15], [sflag:$0x3], $0x10, s10, s14, $0xb8;
	[tilespmem:$0x13F00] =	vst v63  }
0x76: {  	s10 =	sadd.s32 $0x3880, s9  }
0x77: {  	[spmem:s2] =	stream.indirect.scatter.add.f32 [tilespmem:s16], [sflag:$0x3], $0x10, s10, s14, $0xb8;
	[tilespmem:$0x13F00] =	vst v63  }
0x78: {  	s10 =	sadd.s32 $0x3900, s9  }
0x79: {  	[spmem:s2] =	stream.indirect.scatter.add.f32 [tilespmem:s17], [sflag:$0x3], $0x10, s10, s14, $0xb8;
	[tilespmem:$0x13F00] =	vst v63  }
0x7a: {  	s10 =	sadd.s32 $0x3980, s9  }
0x7b: {  	[spmem:s2] =	stream.indirect.scatter.add.f32 [tilespmem:s18], [sflag:$0x3], $0x10, s10, s14, $0xb8;
	[tilespmem:$0x13F00] =	vst v63  }
0x7c: {  	s10 =	sadd.s32 $0x3A00, s9  }
0x7d: {  	[spmem:s2] =	stream.indirect.scatter.add.f32 [tilespmem:s19], [sflag:$0x3], $0x10, s10, s14, $0xb8;
	[tilespmem:$0x13F00] =	vst v63  }
0x7e: {  	s10 =	sadd.s32 $0x3A80, s9  }
0x7f: {  	[spmem:s2] =	stream.indirect.scatter.add.f32 [tilespmem:s20], [sflag:$0x3], $0x10, s10, s14, $0xb8;
	[tilespmem:$0x13F00] =	vst v63  }
0x80: {  	s10 =	sadd.s32 $0x3B00, s9  }
0x81: {  	[spmem:s2] =	stream.indirect.scatter.add.f32 [tilespmem:s21], [sflag:$0x3], $0x10, s10, s14, $0xb8;
	[tilespmem:$0x13F00] =	vst v63  }
0x82: {  	s10 =	sadd.s32 $0x3B80, s9  }
0x83: {  	[spmem:s2] =	stream.indirect.scatter.add.f32 [tilespmem:s22], [sflag:$0x3], $0x10, s10, s14, $0xb8;
	[tilespmem:$0x13F00] =	vst v63  }
0x84: {  	_ =	swait.ge [sflag:s1], $0x800  }
0x85: {  	[sflag:s1] =	ssyncset.done $0x0  }
0x86: {  	[sflag:s1] =	ssyncadd.s32 $0xFFFFF800  }
0x87: {  	_ =	swait.ge [sflag:s1], $0x800  }
0x88: {  	[sflag:s1] =	ssyncset.done $0x0  }
0x89: {  	[sflag:s1] =	ssyncadd.s32 $0xFFFFF800  }
0x8a: {  	_ =	swait.ge [sflag:s1], $0x800  }
0x8b: {  	[sflag:s1] =	ssyncset.done $0x0  }
0x8c: {  	[sflag:s1] =	ssyncadd.s32 $0xFFFFF800  }
0x8d: {  	_ =	swait.ge [sflag:s1], $0x800  }
0x8e: {  	[sflag:s1] =	ssyncset.done $0x0  }
0x8f: {  	[sflag:s1] =	ssyncadd.s32 $0xFFFFF800  }
0x90: {  	_ =	swait.ge [sflag:s1], $0x800  }
0x91: {  	[sflag:s1] =	ssyncset.done $0x0  }
0x92: {  	[sflag:s1] =	ssyncadd.s32 $0xFFFFF800  }
0x93: {  	_ =	swait.ge [sflag:s1], $0x800  }
0x94: {  	[sflag:s1] =	ssyncset.done $0x0  }
0x95: {  	[sflag:s1] =	ssyncadd.s32 $0xFFFFF800  }
0x96: {  	_ =	swait.ge [sflag:s1], $0x800  }
0x97: {  	[sflag:s1] =	ssyncset.done $0x0  }
0x98: {  	[sflag:s1] =	ssyncadd.s32 $0xFFFFF800  }
0x99: {  	_ =	swait.ge [sflag:s1], $0x800  }
0x9a: {  	[sflag:s1] =	ssyncset.done $0x0  }
0x9b: {  	s10 =	sadd.s32 $0x3C00, s9;
	[sflag:s1] =	ssyncadd.s32 $0xFFFFF800  }
0x9c: {  	[spmem:s2] =	stream.indirect.scatter.add.f32 [tilespmem:s23], [sflag:$0x4], $0x10, s10, s14, $0xb8;
	[tilespmem:$0x13F00] =	vst v63  }
0x9d: {  	s10 =	sadd.s32 $0x3C80, s9  }
0x9e: {  	[spmem:s2] =	stream.indirect.scatter.add.f32 [tilespmem:s24], [sflag:$0x4], $0x10, s10, s14, $0xb8;
	[tilespmem:$0x13F00] =	vst v63  }
0x9f: {  	s10 =	sadd.s32 $0x3D00, s9  }
0xa0: {  	[spmem:s2] =	stream.indirect.scatter.add.f32 [tilespmem:s25], [sflag:$0x4], $0x10, s10, s14, $0xb8;
	[tilespmem:$0x13F00] =	vst v63  }
0xa1: {  	s10 =	sadd.s32 $0x3D80, s9  }
0xa2: {  	[spmem:s2] =	stream.indirect.scatter.add.f32 [tilespmem:s26], [sflag:$0x4], $0x10, s10, s14, $0xb8;
	[tilespmem:$0x13F00] =	vst v63  }
0xa3: {  	s10 =	sadd.s32 $0x3E00, s9  }
0xa4: {  	[spmem:s2] =	stream.indirect.scatter.add.f32 [tilespmem:s28], [sflag:$0x4], $0x10, s10, s14, $0xb8;
	[tilespmem:$0x13F00] =	vst v63  }
0xa5: {  	s10 =	sadd.s32 $0x3E80, s9  }
0xa6: {  	[spmem:s2] =	stream.indirect.scatter.add.f32 [tilespmem:s29], [sflag:$0x4], $0x10, s10, s14, $0xb8;
	[tilespmem:$0x13F00] =	vst v63  }
0xa7: {  	s10 =	sadd.s32 $0x3F00, s9  }
0xa8: {  	[spmem:s2] =	stream.indirect.scatter.add.f32 [tilespmem:s30], [sflag:$0x4], $0x10, s10, s14, $0xb8;
	[tilespmem:$0x13F00] =	vst v63  }
0xa9: {  	s9 =	sadd.s32 $0x3F80, s9  }
0xaa: {  	[spmem:s2] =	stream.indirect.scatter.add.f32 [tilespmem:s31], [sflag:$0x4], $0x10, s9, s14, $0xb8;
	[tilespmem:$0x13F00] =	vst v63  }
0xab: {  	_ =	swait.ge [sflag:s12], $0x800  }
0xac: {  	[sflag:s12] =	ssyncset.done $0x0  }
0xad: {  	[sflag:s12] =	ssyncadd.s32 $0xFFFFF800  }
0xae: {  	_ =	swait.ge [sflag:s12], $0x800  }
0xaf: {  	[sflag:s12] =	ssyncset.done $0x0  }
0xb0: {  	[sflag:s12] =	ssyncadd.s32 $0xFFFFF800  }
0xb1: {  	_ =	swait.ge [sflag:s12], $0x800  }
0xb2: {  	[sflag:s12] =	ssyncset.done $0x0  }
0xb3: {  	[sflag:s12] =	ssyncadd.s32 $0xFFFFF800  }
0xb4: {  	_ =	swait.ge [sflag:s12], $0x800  }
0xb5: {  	[sflag:s12] =	ssyncset.done $0x0  }
0xb6: {  	[sflag:s12] =	ssyncadd.s32 $0xFFFFF800  }
0xb7: {  	_ =	swait.ge [sflag:s12], $0x800  }
0xb8: {  	[sflag:s12] =	ssyncset.done $0x0  }
0xb9: {  	[sflag:s12] =	ssyncadd.s32 $0xFFFFF800  }
0xba: {  	_ =	swait.ge [sflag:s12], $0x800  }
0xbb: {  	[sflag:s12] =	ssyncset.done $0x0  }
0xbc: {  	[sflag:s12] =	ssyncadd.s32 $0xFFFFF800  }
0xbd: {  	_ =	swait.ge [sflag:s12], $0x800  }
0xbe: {  	[sflag:s12] =	ssyncset.done $0x0  }
0xbf: {  	[sflag:s12] =	ssyncadd.s32 $0xFFFFF800  }
0xc0: {  	_ =	swait.ge [sflag:s12], $0x800  }
0xc1: {  	[sflag:s12] =	ssyncset.done $0x0  }
0xc2: {  	[sflag:s12] =	ssyncadd.s32 $0xFFFFF800  }
0xc3: {  	_ =	swait.ge [sflag:s13], $0x800  }
0xc4: {  	[sflag:s13] =	ssyncset.done $0x0  }
0xc5: {  	[sflag:s13] =	ssyncadd.s32 $0xFFFFF800  }
0xc6: {  	_ =	swait.ge [sflag:s13], $0x800  }
0xc7: {  	[sflag:s13] =	ssyncset.done $0x0  }
0xc8: {  	[sflag:s13] =	ssyncadd.s32 $0xFFFFF800  }
0xc9: {  	_ =	swait.ge [sflag:s13], $0x800  }
0xca: {  	[sflag:s13] =	ssyncset.done $0x0  }
0xcb: {  	[sflag:s13] =	ssyncadd.s32 $0xFFFFF800  }
0xcc: {  	_ =	swait.ge [sflag:s13], $0x800  }
0xcd: {  	[sflag:s13] =	ssyncset.done $0x0  }
0xce: {  	[sflag:s13] =	ssyncadd.s32 $0xFFFFF800  }
0xcf: {  	_ =	swait.ge [sflag:s13], $0x800  }
0xd0: {  	[sflag:s13] =	ssyncset.done $0x0  }
0xd1: {  	[sflag:s13] =	ssyncadd.s32 $0xFFFFF800  }
0xd2: {  	_ =	swait.ge [sflag:s13], $0x800  }
0xd3: {  	[sflag:s13] =	ssyncset.done $0x0  }
0xd4: {  	[sflag:s13] =	ssyncadd.s32 $0xFFFFF800  }
0xd5: {  	_ =	swait.ge [sflag:s13], $0x800  }
.Ltmp6:
0xd6: {  	[sflag:s13] =	ssyncset.done $0x0;
	(pc) =	sbr.rel .LBB2_6-.Ltmp6, $4  }
0xd7: {  	[sflag:s13] =	ssyncadd.s32 $0xFFFFF800  }
0xd8: {  	_ =	swait.ge [sflag:s13], $0x800  }
0xd9: {  	[sflag:s13] =	ssyncset.done $0x0  }
0xda: {  	[sflag:s13] =	ssyncadd.s32 $0xFFFFF800  }
.LBB2_8:
0xdb: {  	_ =	sfence.sel $0x180000  }
0xdc: {  	[bflag:$0x0] =	sbarrier.arrive $0xFFFF  }
0xdd: {  	_ =	strace $0x9000004A  }
0xde: {  	s0 =	stileid.u32;
	[bflag:$0x2] =	sbarrier.arrive $0xFFFF  }
0xdf: {  	p0 =	sne.s32 s0, $0x0;
	s0 =	rddreg [dreg:$0x2]  }
0xe0: {  	s0 =	sadd.s32 @!p0 $0x100000, s0  }
0xe1: {  	[sflag:s0] =	ssyncadd.tile.s32 @!p0 $0x1;
	_ =	shalt  }
.Lfunc_end2:
_tile_overlayer_lowered:
.L_overlay_start_2:
0xe2: {  	(tag) =	ssettag $0x2  }
0xe3: {  	s0 =	rddreg [dreg:$0x0];
	s2 =	stileid.u32  }
0xe4: {  	s1 =	rddreg [dreg:$0x1];
	p0 =	sne.s32 s2, $0x0  }
0xe5: {  	s3 =	rddreg [dreg:$0x2];
	[bflag:$0x3] =	sbarrier.arrive $0xFFFF;
	s2 =	simm.s32 @!p0 $0x1C05  }
0xe6: {  	[timem:s3], [sflag:s2] =	dma.local @!p0 [hbm:s0], s1  }
0xe7: {  	s0 =	simm.s32 @!p0 $0x5  }
0xe8: {  	_ =	swait.ge @!p0 [sflag:s0], s1  }
0xe9: {  	s1 =	ssub.s32 @!p0 $0x0, s1;
	[sflag:s0] =	ssyncset.done @!p0 $0x0  }
0xea: {  	[sflag:s0] =	ssyncadd.s32 @!p0 s1  }
0xeb: {  	[bflag:$0x3] =	sbarrier.arrive $0xFFFF  }
0xec: {  	_ =	shalt  }

// kernel: kernel.16.cloned.1.call-start
scs
__scs_entry_jumppad:
0x0: {  	(pc) =	sbr.rel $0x88, $3  }
0x1: {  	(tag) =	ssettag $0x0;
	lr =	simm.s32 $0x1  }
0x2: {  	[smem:$0x3F9B] =	sst lr;
	_ =	strace $0xD0000000  }
0x3: {  	_ = 	snop  }
0x4: {  	_ = 	snop  }
0x5: {  	_ = 	snop  }
0x6: {  	_ = 	snop  }
0x7: {  	_ = 	snop  }
__scs_overlays_trampoline_lowered:
0x8: {  	[smem:$0x3FAA] =	sst s0  }
0x9: {  	[smem:$0x3FAB] =	sst s1  }
0xa: {  	[smem:$0x3FAC] =	sst s2  }
0xb: {  	[smem:$0x3FAD] =	sst s3  }
0xc: {  	[smem:$0x3FAE] =	sst s4  }
0xd: {  	[smem:$0x3FAF] =	sst s5  }
0xe: {  	[smem:$0x3FB0] =	sst s6  }
0xf: {  	[smem:$0x3FB1] =	sst s7  }
0x10: {  	[smem:$0x3FB2] =	sst s8  }
0x11: {  	[smem:$0x3FB3] =	sst s9;
	s0 =	simm.s32 @!p0 $0x0  }
0x12: {  	s1 =	sld [smem:$0x3F99];
	s0 =	simm.s32 @p0 $0x1  }
0x13: {  	[smem:$0x3FB4] =	sst s0;
	s0 =	simm.s32 @!p1 $0x0  }
0x14: {  	s2 =	sld [smem:$0x3F98];
	s0 =	simm.s32 @p1 $0x1  }
0x15: {  	[smem:$0x3FB5] =	sst s0;
	s0 =	simm.s32 @!p2 $0x0  }
0x16: {  	s3 =	sld [smem:$0x3FDB];
	s0 =	simm.s32 @p2 $0x1  }
0x17: {  	s4 =	simm.s32 $0x1BF5;
	[smem:$0x3FB7] =	sst s0  }
0x18: {  	s0 =	sld [smem:$0x3F9A];
	_ =	swait.ge [sflag:s4], $0x0  }
0x19: {  	s7 =	sld [smem:$0x3F9B]  }
0x1a: {  	s8 =	sadd.s32 $0xFFFFE003, lr  }
0x1b: {  	s9 =	sadd.s32 $0xFFFFFEF7, lr;
	s5 =	simm.s32 $0xFFFFFFFF;
	p2 =	slt.u32 s8, $0xFFFFF086  }
0x1c: {  	p1 =	slt.u32 s9, $0xF7A;
	s5 =	simm.s32 @!p2 $0x0  }
0x1d: {  	s5 =	simm.s32 @p1 $0x1;
	p0 =	seq.s32 s7, s2  }
0x1e: {  	s7 =	smul.u32 @!p0 $0xF7A, s2;
	p2 =	seq.s32 @!p0 s5, $0x0  }
0x1f: {  	s9 =	smul.u32 $0xF7A, s1;
	s8 =	simm.s32 @!p0 $0x1BF5;
	p2 =	por !p2, p0  }
0x20: {  	[sflag:s8] =	ssyncset.s32 @!p0 $0xFFFFF086;
	s6 =	sadd.s32 @!p0 s3, s7;
	s7 =	simm.s32 @!p0 $0x108  }
0x21: {  	s3 =	sadd.s32 s3, s9;
	s6 =	sadd.s32 @!p0 $0x88, s6;
	s7 =	simm.s32 @p2 $0x1082  }
0x22: {  	[simem:s7], [sflag:s8] =	dma.local @!p0 [hbm:s6], $0xF7A  }
0x23: {  	s9 =	sor.u32 $0xD0000000, s2;
	s6 =	simm.s32 $0x108;
	_ =	swait.ge @!p0 [sflag:s8], $0x0  }
0x24: {  	s3 =	sadd.s32 $0x88, s3;
	s6 =	simm.s32 @!p1 $0x1082;
	[sflag:s4] =	ssyncset.s32 $0xFFFFF086  }
0x25: {  	[simem:s6], [sflag:s4] =	dma.local [hbm:s3], $0xF7A  }
0x26: {  	[smem:$0x3F9B] =	sst s1;
	(tag) =	ssettag s2;
	_ =	strace s9  }
0x27: {  	s1 =	sld [smem:$0x3FAB]  }
0x28: {  	s2 =	sld [smem:$0x3FAC]  }
0x29: {  	s4 =	sld [smem:$0x3FAE]  }
0x2a: {  	p0 =	seq.s32 s5, $0x0;
	s5 =	sld [smem:$0x3FAF]  }
0x2b: {  	s6 =	sld [smem:$0x3FB0]  }
0x2c: {  	s7 =	sld [smem:$0x3FB1]  }
0x2d: {  	s3 =	simm.s32 $0x108;
	s8 =	sld [smem:$0x3FB2]  }
0x2e: {  	s3 =	simm.s32 @!p0 $0x1082;
	s9 =	sld [smem:$0x3FB3]  }
0x2f: {  	lr =	sadd.s32 s0, s3;
	s0 =	sld [smem:$0x3FAA]  }
0x30: {  	s3 =	sld [smem:$0x3FAD]  }
0x31: {  	[smem:$0x3FB6] =	sst s10  }
0x32: {  	s10 =	sld [smem:$0x3FB4];
	_ =	sdelay $0x3  }
0x33: {  	p0 =	seq.s32 s10, $0x1;
	s10 =	sld [smem:$0x3FB6];
	_ =	sdelay $0x3  }
0x34: {  	[smem:$0x3FB6] =	sst s10  }
0x35: {  	s10 =	sld [smem:$0x3FB5];
	_ =	sdelay $0x3  }
0x36: {  	p1 =	seq.s32 s10, $0x1;
	s10 =	sld [smem:$0x3FB6];
	_ =	sdelay $0x3  }
0x37: {  	[smem:$0x3FB6] =	sst s10  }
0x38: {  	s10 =	sld [smem:$0x3FB7]  }
0x39: {  	_ = 	snop;
	(pc) =	sbr.ind lr, $3  }
0x3a: {  	_ = 	snop  }
0x3b: {  	_ = 	snop  }
0x3c: {  	p2 =	seq.s32 s10, $0x1;
	s10 =	sld [smem:$0x3FB6]  }
0x3d: {  	_ =	shalt  }
0x3e: {  	_ =	shalt  }
0x3f: {  	_ =	shalt  }
0x40: {  	_ =	shalt  }
0x41: {  	_ =	shalt  }
0x42: {  	_ =	shalt  }
0x43: {  	_ =	shalt  }
0x44: {  	_ =	shalt  }
0x45: {  	_ =	shalt  }
0x46: {  	_ =	shalt  }
0x47: {  	_ =	shalt  }
0x48: {  	_ =	shalt  }
0x49: {  	_ =	shalt  }
0x4a: {  	_ =	shalt  }
0x4b: {  	_ =	shalt  }
0x4c: {  	_ =	shalt  }
0x4d: {  	_ =	shalt  }
0x4e: {  	_ =	shalt  }
0x4f: {  	_ =	shalt  }
0x50: {  	_ =	shalt  }
0x51: {  	_ =	shalt  }
0x52: {  	_ =	shalt  }
0x53: {  	_ =	shalt  }
0x54: {  	_ =	shalt  }
0x55: {  	_ =	shalt  }
0x56: {  	_ =	shalt  }
0x57: {  	_ =	shalt  }
0x58: {  	_ =	shalt  }
0x59: {  	_ =	shalt  }
0x5a: {  	_ =	shalt  }
0x5b: {  	_ =	shalt  }
0x5c: {  	_ =	shalt  }
0x5d: {  	_ =	shalt  }
0x5e: {  	_ =	shalt  }
0x5f: {  	_ =	shalt  }
0x60: {  	_ =	shalt  }
0x61: {  	_ =	shalt  }
0x62: {  	_ =	shalt  }
0x63: {  	_ =	shalt  }
0x64: {  	_ =	shalt  }
0x65: {  	_ =	shalt  }
0x66: {  	_ =	shalt  }
0x67: {  	_ =	shalt  }
0x68: {  	_ =	shalt  }
0x69: {  	_ =	shalt  }
0x6a: {  	_ =	shalt  }
0x6b: {  	_ =	shalt  }
0x6c: {  	_ =	shalt  }
0x6d: {  	_ =	shalt  }
0x6e: {  	_ =	shalt  }
0x6f: {  	_ =	shalt  }
0x70: {  	_ =	shalt  }
0x71: {  	_ =	shalt  }
0x72: {  	_ =	shalt  }
0x73: {  	_ =	shalt  }
0x74: {  	_ =	shalt  }
0x75: {  	_ =	shalt  }
0x76: {  	_ =	shalt  }
0x77: {  	_ =	shalt  }
0x78: {  	_ =	shalt  }
0x79: {  	_ =	shalt  }
0x7a: {  	_ =	shalt  }
0x7b: {  	_ =	shalt  }
0x7c: {  	_ =	shalt  }
0x7d: {  	_ =	shalt  }
0x7e: {  	_ =	shalt  }
0x7f: {  	_ =	shalt  }
0x80: {  	_ =	shalt  }
0x81: {  	_ =	shalt  }
0x82: {  	_ =	shalt  }
0x83: {  	_ =	shalt  }
0x84: {  	_ =	shalt  }
0x85: {  	_ =	shalt  }
0x86: {  	_ =	shalt  }
0x87: {  	_ =	shalt  }
.Lfunc_end0:
.L_simem_size_0:
called_computation.2_lowered:
.L_overlay_start_0:
0x88: {  	s2 =	sld [smem:$0x3FD9]  }
0x89: {  	s3 =	sld [smem:$0x3FFE];
	_ =	sdelay $0x1  }
0x8a: {  	s1 =	srdreg.scid  }
0x8b: {  	s0 =	sand.u32 $0x1, s1  }
0x8c: {  	s16 =	sshll.u32 s0, $0xA;
	s2 =	sadd.s32 s3, s2  }
0x8d: {  	s2 =	sadd.s32 s2, s16  }
0x8e: {  	[smem:$0x3FC2] =	sst s2  }
0x8f: {  	_ = 	snop  }
0x90: {  	(tm) =	ssettm $0x1  }
0x91: {  	s17 =	sld [smem:$0x3FFB];
	_ =	sdelay $0x3  }
0x92: {  	_ =	strace s17  }
0x93: {  	s2 =	sld [smem:$0x3FFC];
	_ =	sdelay $0x3  }
0x94: {  	_ =	strace s2  }
0x95: {  	s2 =	sld [smem:$0x3FFD];
	_ =	sdelay $0x3  }
0x96: {  	_ =	strace s2  }
0x97: {  	_ =	strace $0x8FFFFFFF  }
0x98: {  	s18 =	sld [smem:$0x3FDB];
	_ =	sdelay $0x1  }
0x99: {  	s19 =	simm.s32 $_scs_section_size  }
0x9a: {  	s4 =	simm.s32 $_size__tile_overlayer_lowered;
	s5 =	simm.s32 $_tile_overlayer_lowered  }
0x9b: {  	s22 =	simm.s32 $0x1BFF;
	s21 =	sshll.u32 s5, $0x1;
	s2 =	sadd.s32 s19, s18  }
0x9c: {  	s6 =	simm.s32 $0x0;
	s20 =	sshll.u32 s4, $0x1;
	s4 =	sadd.s32 s21, s2  }
0x9d: {  	[timem:s6], [sflag:s22] =	dma.local [hbm:s4], s20  }
0x9e: {  	_ =	swait.ge [sflag:s22], s20  }
0x9f: {  	s3 =	ssub.s32 $0x0, s20;
	[sflag:s22] =	ssyncset.done $0x0  }
0xa0: {  	[sflag:s22] =	ssyncadd.s32 s3;
	_ =	sdelay $0x1  }
0xa1: {  	s23 =	simm.s32 $0x1B8B  }
0xa2: {  	_ =	swait.ge [sflag:s23], $0x1  }
0xa3: {  	[sflag:s23] =	ssyncset.done $0x0  }
0xa4: {  	s25 =	simm.s32 $0x1B8E;
	s24 =	sld [smem:$0x3FFE];
	[sflag:s23] =	ssyncadd.s32 $0xFFFFFFFF  }
0xa5: {  	s26 =	simm.s32 $execute0_lowered;
	[smem:$0x3FD2] =	sst s25  }
0xa6: {  	s4 =	sshll.u32 s26, $0x1;
	_ =	strace $0x8000004C;
	[dreg:$0x1] =	wrdreg $0xFFFFFFFF  }
0xa7: {  	s28 =	simm.s32 $_size_execute0_lowered;
	s2 =	sadd.s32 s2, s4;
	[dreg:$0x0] =	wrdreg $0x0  }
0xa8: {  	s4 =	sshll.u32 s28, $0x1;
	[dreg:$0x2] =	wrdreg s2  }
0xa9: {  	[dreg:$0x3] =	wrdreg s4  }
0xaa: {  	[dreg:$0x4] =	wrdreg $0xC0  }
0xab: {  	_ =	task [dreg:s6], $0x5FFFF  }
0xac: {  	[dreg:$0x1] =	wrdreg $0xFFFFFFFF  }
0xad: {  	[dreg:$0x0] =	wrdreg $0x60  }
0xae: {  	[dreg:$0x2] =	wrdreg s24  }
0xaf: {  	[dreg:$0x3] =	wrdreg $0x117800  }
0xb0: {  	[dreg:$0x4] =	wrdreg $0x9  }
0xb1: {  	_ =	task.clear_ibuf [dreg:s6], $0x5FFFF;
	_ =	strace $0x9000004C  }
0xb2: {  	s29 =	simm.s32 $0x9;
	_ =	strace $0x8000004E  }
0xb3: {  	_ =	swait.ge [sflag:s29], $0x1  }
0xb4: {  	[sflag:s29] =	ssyncadd.s32 $0xFFFFFFFF  }
0xb5: {  	_ =	strace $0x9000004E  }
0xb6: {  	_ =	sfence  }
0xb7: {  	s30 =	sld [smem:$0x0];
	_ =	sdelay $0x2  }
0xb8: {  	s31 =	sshll.u32 s1, $0xD;
	s1 =	sshrl.u32 s1, $0x2  }
0xb9: {  	s3 =	sand.u32 $0x4000, s31;
	s1 =	sadd.s32 s1, s30  }
0xba: {  	s0 =	sor.u32 s3, s0;
	s1 =	sshll.u32 s1, $0x11  }
0xbb: {  	s0 =	sor.u32 s1, s0  }
0xbc: {  	s0 =	sadd.s32 $0x8F2B, s0  }
0xbd: {  	[sflag:s0] =	ssyncadd.remote.s32 $0x1  }
0xbe: {  	_ =	sfence.sel $0xFFFF  }
0xbf: {  	[dreg:$0x0] =	wrdreg $0xFFFFFFFF;
	(pc) =	sbr.abs _section_cstart, $3  }
0xc0: {  	[dreg:$0x1] =	wrdreg $0xFFFFFFFF  }
0xc1: {  	_ =	task.clear_ibuf [dreg:s6], $0x2FFFF;
	_ =	strace $0x9FFFFFFF  }
0xc2: {  	(tm) =	ssettm $0x7FFFFFFF  }
0xc3: {  	_ =	shalt  }
tec
execute0_lowered:
.L_overlay_start_1:
0x0: {  	(tag) =	ssettag $0x1  }
0x1: {  	s0 =	rddreg [dreg:$0x0]  }
0x2: {  	s2 =	rddreg [dreg:$0x1]  }
0x3: {  	s5 =	stileid.u32;
	s4 =	simm.s32 $0x0;
	s1 =	srdreg.scid  }
0x4: {  	s11 =	simm.s32 $0x5;
	s14 =	simm.s32 $0x80;
	s15 =	simm.s32 $0x7000  }
0x5: {  	s16 =	simm.s32 $0x7800;
	s17 =	simm.s32 $0x8000;
	s18 =	simm.s32 $0x8800  }
0x6: {  	s19 =	simm.s32 $0x9000;
	s20 =	simm.s32 $0x9800;
	s21 =	simm.s32 $0xA000  }
0x7: {  	s22 =	simm.s32 $0xA800;
	s23 =	simm.s32 $0xB000;
	s28 =	simm.s32 $0xD000  }
0x8: {  	s29 =	simm.s32 $0xD800;
	s30 =	simm.s32 $0xE000;
	s3 =	smul.u32 $0x30, s5  }
0x9: {  	s31 =	simm.s32 $0xE800;
	[smem:$0x7FF] =	sst s4;
	s4 =	smul.u32 $0x70, s5  }
0xa: {  	s12 =	simm.s32 $0x3;
	s1 =	sand.u32 $0x1, s1;
	s6 =	smul.u32 $0x2780, s5  }
0xb: {  	s13 =	simm.s32 $0x4;
	p0 =	seq.s32 s1, $0x0;
	s24 =	smul.u32 $0x27800, s1  }
0xc: {  	_ =	strace $0x8000004D;
	s1 =	ssub.s32 $0x2, s1;
	s3 =	sadd.s32 $0x700, s3  }
0xd: {  	s8 =	sshrl.u32 s1, $0x1;
	s3 =	smov.u32 @p0 s4;
	s4 =	sadd.s32 $0x16800, s0  }
0xe: {  	s5 =	sadd.s32 s6, s24;
	s1 =	ssub.s32 s1, s8;
	s8 =	sadd.s32 s6, s2  }
0xf: {  	s24 =	simm.s32 $0xB800;
	s3 =	sshll.u32 s3, $0x4;
	s7 =	sshrl.u32 s5, $0x3  }
0x10: {  	s5 =	simm.s32 $0x7;
	s26 =	smax.u32 s1, $0x1;
	s3 =	sadd.s32 s3, s0  }
.Ltmp0:
0x11: {  	[dreg:$0x6] =	wrdreg s26;
	s25 =	sadd.s32 $0xC400, s3;
	(pc) =	sbr.rel .LBB2_1-.Ltmp0, $4  }
0x12: {  	s0 =	sadd.s32 s7, s0;
	s3 =	sadd.s32 $0x2000, s3;
	[dreg:$0x3] =	wrdreg s25  }
0x13: {  	s1 =	simm.s32 $0x2;
	s0 =	sadd.s32 $0x1B800, s0;
	[dreg:$0x4] =	wrdreg s3  }
0x14: {  	s5 =	simm.s32 @!p0 $0x3;
	s26 =	simm.s32 $0xC800;
	[dreg:$0x5] =	wrdreg s0  }
0x15: {  	v0 =	vimm.f32 $0.0e+00;
	s25 =	simm.s32 $0xC000;
	s0 =	simm.s32 $0x1;
	s3 =	simm.s32 $0x0  }
.LBB2_7:
0x16: {  	s6 =	stileid.u32  }
0x17: {  	[bflag:$0x0] =	sbarrier.arrive $0xFFFF;
	s6 =	sshll.u32 s6, $0x6  }
0x18: {  	s7 =	sshrl.u32 s8, $0x3;
	s9 =	rddreg [dreg:$0x5];
	s6 =	sor.u32 $0x1C05, s6  }
0x19: {  	[hbm:s9], [sflag:s6] =	dma.local [spmem:s7], $0x4F0  }
0x1a: {  	_ =	swait.ge [sflag:s11], $0x4F0  }
0x1b: {  	s3 =	sadd.s32 $0x1, s3;
	s10 =	rddreg [dreg:$0x6]  }
0x1c: {  	p0 =	sne.s32 s3, s10  }
.Ltmp1:
0x1d: {  	_ = 	snop;
	(pc) =	sbr.rel @!p0 .LBB2_8-.Ltmp1, $3  }
0x1e: {  	_ =	sdelay $0x1  }
0x1f: {  	[sflag:s11] =	ssyncset.done $0x0  }
0x20: {  	[sflag:s11] =	ssyncadd.s32 $0xFFFFFB10  }
.LBB2_1:
0x21: {  	s6 =	simm.s32 $0x0;
	s7 =	rddreg [dreg:$0x3]  }
0x22: {  	[tilespmem:s6], [sflag:$0x5] =	stream.linear.gather [hbm4b:s7+s6], $0x3800, $0x38;
	[tilespmem:$0x13F00] =	vst v63  }
0x23: {  	_ =	swait.ge [sflag:s11], $0x3800  }
0x24: {  	[sflag:s11] =	ssyncset.done $0x0  }
0x25: {  	s9 =	simm.s32 $0x3800;
	s10 =	rddreg [dreg:$0x4];
	[sflag:s11] =	ssyncadd.s32 $0xFFFFC800  }
0x26: {  	[tilespmem:s9], [sflag:$0x5] =	stream.linear.gather [hbm4b:s10+s6], $0x3800, $0x38;
	[tilespmem:$0x13F00] =	vst v63  }
0x27: {  	_ =	swait.ge [sflag:s11], $0x3800  }
0x28: {  	[sflag:s11] =	ssyncset.done $0x0  }
0x29: {  	s7 =	simm.s32 $0x0;
	s6 =	simm.s32 $0x40;
	[sflag:s11] =	ssyncadd.s32 $0xFFFFC800  }
.LBB2_2:
0x2a: {  	p0 =	sne.s32 s6, $0x9DC0;
	[tilespmem:s7+$0xF000] =	vst v0;
	s7 =	smov.u32 s6;
	s6 =	sadd.s32 $0x40, s6  }
.Ltmp2:
0x2b: {  	(pc) =	sbr.rel @p0 .LBB2_2-.Ltmp2, $2  }
0x2c: {  	_ =	sdelay $0x2  }
0x2d: {  	s7 =	sshra.s32 s7, $0x2  }
0x2e: {  	[tilespmem:s7+$0xF000] =	vst v0;
	s6 =	simm.s32 $0xF000  }
0x2f: {  	[spmem:s8] =	stream.linear.scatter [tilespmem:s6], [sflag:$0x5], $0x2780, $0x38;
	[tilespmem:$0x13F00] =	vst v63  }
.Ltmp3:
0x30: {  	_ =	swait.ge [sflag:s11], $0x2780;
	(pc) =	sbr.rel .LBB2_4-.Ltmp3, $4  }
0x31: {  	[sflag:s11] =	ssyncset.done $0x0  }
0x32: {  	[sflag:s11] =	ssyncadd.s32 $0xFFFFD880  }
0x33: {  	[bflag:$0x0] =	sbarrier.arrive $0xFFFF  }
0x34: {  	s7 =	simm.s32 $0x0;
	s6 =	simm.s32 $0x0  }
.LBB2_6:
0x35: {  	s6 =	sadd.s32 $0x2000, s6  }
0x36: {  	p0 =	sne.s32 s6, $0xE000  }
.Ltmp4:
0x37: {  	_ = 	snop;
	(pc) =	sbr.rel @!p0 .LBB2_7-.Ltmp4, $2  }
0x38: {  	_ =	sdelay $0x2  }
0x39: {  	s7 =	sadd.s32 $0x1, s7  }
.LBB2_4:
0x3a: {  	p0 =	sge.u32 s7, s5  }
.Ltmp5:
0x3b: {  	_ = 	snop;
	(pc) =	sbr.rel @p0 .LBB2_6-.Ltmp5, $1  }
0x3c: {  	_ =	sdelay $0x3  }
0x3d: {  	s9 =	sshra.s32 s6, $0x2  }
0x3e: {  	[tilespmem:s15], [sflag:$0x1] =	stream.indirect.gather [hbm4b:s4+s14], $0x10, s9, s14, $0xb8;
	[tilespmem:$0x13F00] =	vst v63  }
0x3f: {  	s10 =	sadd.s32 $0x80, s9  }
0x40: {  	[tilespmem:s16], [sflag:$0x1] =	stream.indirect.gather [hbm4b:s4+s14], $0x10, s10, s14, $0xb8;
	[tilespmem:$0x13F00] =	vst v63  }
0x41: {  	s10 =	sadd.s32 $0x100, s9  }
0x42: {  	[tilespmem:s17], [sflag:$0x1] =	stream.indirect.gather [hbm4b:s4+s14], $0x10, s10, s14, $0xb8;
	[tilespmem:$0x13F00] =	vst v63  }
0x43: {  	s10 =	sadd.s32 $0x180, s9  }
0x44: {  	[tilespmem:s18], [sflag:$0x1] =	stream.indirect.gather [hbm4b:s4+s14], $0x10, s10, s14, $0xb8;
	[tilespmem:$0x13F00] =	vst v63  }
0x45: {  	s10 =	sadd.s32 $0x200, s9  }
0x46: {  	[tilespmem:s19], [sflag:$0x1] =	stream.indirect.gather [hbm4b:s4+s14], $0x10, s10, s14, $0xb8;
	[tilespmem:$0x13F00] =	vst v63  }
0x47: {  	s10 =	sadd.s32 $0x280, s9  }
0x48: {  	[tilespmem:s20], [sflag:$0x1] =	stream.indirect.gather [hbm4b:s4+s14], $0x10, s10, s14, $0xb8;
	[tilespmem:$0x13F00] =	vst v63  }
0x49: {  	s10 =	sadd.s32 $0x300, s9  }
0x4a: {  	[tilespmem:s21], [sflag:$0x1] =	stream.indirect.gather [hbm4b:s4+s14], $0x10, s10, s14, $0xb8;
	[tilespmem:$0x13F00] =	vst v63  }
0x4b: {  	s10 =	sadd.s32 $0x380, s9  }
0x4c: {  	[tilespmem:s22], [sflag:$0x1] =	stream.indirect.gather [hbm4b:s4+s14], $0x10, s10, s14, $0xb8;
	[tilespmem:$0x13F00] =	vst v63  }
0x4d: {  	s10 =	sadd.s32 $0x400, s9  }
0x4e: {  	[tilespmem:s23], [sflag:$0x2] =	stream.indirect.gather [hbm4b:s4+s14], $0x10, s10, s14, $0xb8;
	[tilespmem:$0x13F00] =	vst v63  }
0x4f: {  	s10 =	sadd.s32 $0x480, s9  }
0x50: {  	[tilespmem:s24], [sflag:$0x2] =	stream.indirect.gather [hbm4b:s4+s14], $0x10, s10, s14, $0xb8;
	[tilespmem:$0x13F00] =	vst v63  }
0x51: {  	s10 =	sadd.s32 $0x500, s9  }
0x52: {  	[tilespmem:s25], [sflag:$0x2] =	stream.indirect.gather [hbm4b:s4+s14], $0x10, s10, s14, $0xb8;
	[tilespmem:$0x13F00] =	vst v63  }
0x53: {  	s10 =	sadd.s32 $0x580, s9  }
0x54: {  	[tilespmem:s26], [sflag:$0x2] =	stream.indirect.gather [hbm4b:s4+s14], $0x10, s10, s14, $0xb8;
	[tilespmem:$0x13F00] =	vst v63  }
0x55: {  	s10 =	sadd.s32 $0x600, s9  }
0x56: {  	[tilespmem:s28], [sflag:$0x2] =	stream.indirect.gather [hbm4b:s4+s14], $0x10, s10, s14, $0xb8;
	[tilespmem:$0x13F00] =	vst v63  }
0x57: {  	s10 =	sadd.s32 $0x680, s9  }
0x58: {  	[tilespmem:s29], [sflag:$0x2] =	stream.indirect.gather [hbm4b:s4+s14], $0x10, s10, s14, $0xb8;
	[tilespmem:$0x13F00] =	vst v63  }
0x59: {  	s10 =	sadd.s32 $0x700, s9  }
0x5a: {  	[tilespmem:s30], [sflag:$0x2] =	stream.indirect.gather [hbm4b:s4+s14], $0x10, s10, s14, $0xb8;
	[tilespmem:$0x13F00] =	vst v63  }
0x5b: {  	s10 =	sadd.s32 $0x780, s9  }
0x5c: {  	[tilespmem:s31], [sflag:$0x2] =	stream.indirect.gather [hbm4b:s4+s14], $0x10, s10, s14, $0xb8;
	[tilespmem:$0x13F00] =	vst v63  }
0x5d: {  	_ =	swait.ge [sflag:s0], $0x800  }
0x5e: {  	[sflag:s0] =	ssyncset.done $0x0  }
0x5f: {  	[sflag:s0] =	ssyncadd.s32 $0xFFFFF800  }
0x60: {  	_ =	swait.ge [sflag:s0], $0x800  }
0x61: {  	[sflag:s0] =	ssyncset.done $0x0  }
0x62: {  	[sflag:s0] =	ssyncadd.s32 $0xFFFFF800  }
0x63: {  	_ =	swait.ge [sflag:s0], $0x800  }
0x64: {  	[sflag:s0] =	ssyncset.done $0x0  }
0x65: {  	[sflag:s0] =	ssyncadd.s32 $0xFFFFF800  }
0x66: {  	_ =	swait.ge [sflag:s0], $0x800  }
0x67: {  	[sflag:s0] =	ssyncset.done $0x0  }
0x68: {  	[sflag:s0] =	ssyncadd.s32 $0xFFFFF800  }
0x69: {  	_ =	swait.ge [sflag:s0], $0x800  }
0x6a: {  	[sflag:s0] =	ssyncset.done $0x0  }
0x6b: {  	[sflag:s0] =	ssyncadd.s32 $0xFFFFF800  }
0x6c: {  	_ =	swait.ge [sflag:s0], $0x800  }
0x6d: {  	[sflag:s0] =	ssyncset.done $0x0  }
0x6e: {  	[sflag:s0] =	ssyncadd.s32 $0xFFFFF800  }
0x6f: {  	_ =	swait.ge [sflag:s0], $0x800  }
0x70: {  	[sflag:s0] =	ssyncset.done $0x0  }
0x71: {  	[sflag:s0] =	ssyncadd.s32 $0xFFFFF800  }
0x72: {  	_ =	swait.ge [sflag:s0], $0x800  }
0x73: {  	[sflag:s0] =	ssyncset.done $0x0  }
0x74: {  	s10 =	sadd.s32 $0x3800, s9;
	[sflag:s0] =	ssyncadd.s32 $0xFFFFF800  }
0x75: {  	[spmem:s2] =	stream.indirect.scatter.add.f32 [tilespmem:s15], [sflag:$0x3], $0x10, s10, s14, $0xb8;
	[tilespmem:$0x13F00] =	vst v63  }
0x76: {  	s10 =	sadd.s32 $0x3880, s9  }
0x77: {  	[spmem:s2] =	stream.indirect.scatter.add.f32 [tilespmem:s16], [sflag:$0x3], $0x10, s10, s14, $0xb8;
	[tilespmem:$0x13F00] =	vst v63  }
0x78: {  	s10 =	sadd.s32 $0x3900, s9  }
0x79: {  	[spmem:s2] =	stream.indirect.scatter.add.f32 [tilespmem:s17], [sflag:$0x3], $0x10, s10, s14, $0xb8;
	[tilespmem:$0x13F00] =	vst v63  }
0x7a: {  	s10 =	sadd.s32 $0x3980, s9  }
0x7b: {  	[spmem:s2] =	stream.indirect.scatter.add.f32 [tilespmem:s18], [sflag:$0x3], $0x10, s10, s14, $0xb8;
	[tilespmem:$0x13F00] =	vst v63  }
0x7c: {  	s10 =	sadd.s32 $0x3A00, s9  }
0x7d: {  	[spmem:s2] =	stream.indirect.scatter.add.f32 [tilespmem:s19], [sflag:$0x3], $0x10, s10, s14, $0xb8;
	[tilespmem:$0x13F00] =	vst v63  }
0x7e: {  	s10 =	sadd.s32 $0x3A80, s9  }
0x7f: {  	[spmem:s2] =	stream.indirect.scatter.add.f32 [tilespmem:s20], [sflag:$0x3], $0x10, s10, s14, $0xb8;
	[tilespmem:$0x13F00] =	vst v63  }
0x80: {  	s10 =	sadd.s32 $0x3B00, s9  }
0x81: {  	[spmem:s2] =	stream.indirect.scatter.add.f32 [tilespmem:s21], [sflag:$0x3], $0x10, s10, s14, $0xb8;
	[tilespmem:$0x13F00] =	vst v63  }
0x82: {  	s10 =	sadd.s32 $0x3B80, s9  }
0x83: {  	[spmem:s2] =	stream.indirect.scatter.add.f32 [tilespmem:s22], [sflag:$0x3], $0x10, s10, s14, $0xb8;
	[tilespmem:$0x13F00] =	vst v63  }
0x84: {  	_ =	swait.ge [sflag:s1], $0x800  }
0x85: {  	[sflag:s1] =	ssyncset.done $0x0  }
0x86: {  	[sflag:s1] =	ssyncadd.s32 $0xFFFFF800  }
0x87: {  	_ =	swait.ge [sflag:s1], $0x800  }
0x88: {  	[sflag:s1] =	ssyncset.done $0x0  }
0x89: {  	[sflag:s1] =	ssyncadd.s32 $0xFFFFF800  }
0x8a: {  	_ =	swait.ge [sflag:s1], $0x800  }
0x8b: {  	[sflag:s1] =	ssyncset.done $0x0  }
0x8c: {  	[sflag:s1] =	ssyncadd.s32 $0xFFFFF800  }
0x8d: {  	_ =	swait.ge [sflag:s1], $0x800  }
0x8e: {  	[sflag:s1] =	ssyncset.done $0x0  }
0x8f: {  	[sflag:s1] =	ssyncadd.s32 $0xFFFFF800  }
0x90: {  	_ =	swait.ge [sflag:s1], $0x800  }
0x91: {  	[sflag:s1] =	ssyncset.done $0x0  }
0x92: {  	[sflag:s1] =	ssyncadd.s32 $0xFFFFF800  }
0x93: {  	_ =	swait.ge [sflag:s1], $0x800  }
0x94: {  	[sflag:s1] =	ssyncset.done $0x0  }
0x95: {  	[sflag:s1] =	ssyncadd.s32 $0xFFFFF800  }
0x96: {  	_ =	swait.ge [sflag:s1], $0x800  }
0x97: {  	[sflag:s1] =	ssyncset.done $0x0  }
0x98: {  	[sflag:s1] =	ssyncadd.s32 $0xFFFFF800  }
0x99: {  	_ =	swait.ge [sflag:s1], $0x800  }
0x9a: {  	[sflag:s1] =	ssyncset.done $0x0  }
0x9b: {  	s10 =	sadd.s32 $0x3C00, s9;
	[sflag:s1] =	ssyncadd.s32 $0xFFFFF800  }
0x9c: {  	[spmem:s2] =	stream.indirect.scatter.add.f32 [tilespmem:s23], [sflag:$0x4], $0x10, s10, s14, $0xb8;
	[tilespmem:$0x13F00] =	vst v63  }
0x9d: {  	s10 =	sadd.s32 $0x3C80, s9  }
0x9e: {  	[spmem:s2] =	stream.indirect.scatter.add.f32 [tilespmem:s24], [sflag:$0x4], $0x10, s10, s14, $0xb8;
	[tilespmem:$0x13F00] =	vst v63  }
0x9f: {  	s10 =	sadd.s32 $0x3D00, s9  }
0xa0: {  	[spmem:s2] =	stream.indirect.scatter.add.f32 [tilespmem:s25], [sflag:$0x4], $0x10, s10, s14, $0xb8;
	[tilespmem:$0x13F00] =	vst v63  }
0xa1: {  	s10 =	sadd.s32 $0x3D80, s9  }
0xa2: {  	[spmem:s2] =	stream.indirect.scatter.add.f32 [tilespmem:s26], [sflag:$0x4], $0x10, s10, s14, $0xb8;
	[tilespmem:$0x13F00] =	vst v63  }
0xa3: {  	s10 =	sadd.s32 $0x3E00, s9  }
0xa4: {  	[spmem:s2] =	stream.indirect.scatter.add.f32 [tilespmem:s28], [sflag:$0x4], $0x10, s10, s14, $0xb8;
	[tilespmem:$0x13F00] =	vst v63  }
0xa5: {  	s10 =	sadd.s32 $0x3E80, s9  }
0xa6: {  	[spmem:s2] =	stream.indirect.scatter.add.f32 [tilespmem:s29], [sflag:$0x4], $0x10, s10, s14, $0xb8;
	[tilespmem:$0x13F00] =	vst v63  }
0xa7: {  	s10 =	sadd.s32 $0x3F00, s9  }
0xa8: {  	[spmem:s2] =	stream.indirect.scatter.add.f32 [tilespmem:s30], [sflag:$0x4], $0x10, s10, s14, $0xb8;
	[tilespmem:$0x13F00] =	vst v63  }
0xa9: {  	s9 =	sadd.s32 $0x3F80, s9  }
0xaa: {  	[spmem:s2] =	stream.indirect.scatter.add.f32 [tilespmem:s31], [sflag:$0x4], $0x10, s9, s14, $0xb8;
	[tilespmem:$0x13F00] =	vst v63  }
0xab: {  	_ =	swait.ge [sflag:s12], $0x800  }
0xac: {  	[sflag:s12] =	ssyncset.done $0x0  }
0xad: {  	[sflag:s12] =	ssyncadd.s32 $0xFFFFF800  }
0xae: {  	_ =	swait.ge [sflag:s12], $0x800  }
0xaf: {  	[sflag:s12] =	ssyncset.done $0x0  }
0xb0: {  	[sflag:s12] =	ssyncadd.s32 $0xFFFFF800  }
0xb1: {  	_ =	swait.ge [sflag:s12], $0x800  }
0xb2: {  	[sflag:s12] =	ssyncset.done $0x0  }
0xb3: {  	[sflag:s12] =	ssyncadd.s32 $0xFFFFF800  }
0xb4: {  	_ =	swait.ge [sflag:s12], $0x800  }
0xb5: {  	[sflag:s12] =	ssyncset.done $0x0  }
0xb6: {  	[sflag:s12] =	ssyncadd.s32 $0xFFFFF800  }
0xb7: {  	_ =	swait.ge [sflag:s12], $0x800  }
0xb8: {  	[sflag:s12] =	ssyncset.done $0x0  }
0xb9: {  	[sflag:s12] =	ssyncadd.s32 $0xFFFFF800  }
0xba: {  	_ =	swait.ge [sflag:s12], $0x800  }
0xbb: {  	[sflag:s12] =	ssyncset.done $0x0  }
0xbc: {  	[sflag:s12] =	ssyncadd.s32 $0xFFFFF800  }
0xbd: {  	_ =	swait.ge [sflag:s12], $0x800  }
0xbe: {  	[sflag:s12] =	ssyncset.done $0x0  }
0xbf: {  	[sflag:s12] =	ssyncadd.s32 $0xFFFFF800  }
0xc0: {  	_ =	swait.ge [sflag:s12], $0x800  }
0xc1: {  	[sflag:s12] =	ssyncset.done $0x0  }
0xc2: {  	[sflag:s12] =	ssyncadd.s32 $0xFFFFF800  }
0xc3: {  	_ =	swait.ge [sflag:s13], $0x800  }
0xc4: {  	[sflag:s13] =	ssyncset.done $0x0  }
0xc5: {  	[sflag:s13] =	ssyncadd.s32 $0xFFFFF800  }
0xc6: {  	_ =	swait.ge [sflag:s13], $0x800  }
0xc7: {  	[sflag:s13] =	ssyncset.done $0x0  }
0xc8: {  	[sflag:s13] =	ssyncadd.s32 $0xFFFFF800  }
0xc9: {  	_ =	swait.ge [sflag:s13], $0x800  }
0xca: {  	[sflag:s13] =	ssyncset.done $0x0  }
0xcb: {  	[sflag:s13] =	ssyncadd.s32 $0xFFFFF800  }
0xcc: {  	_ =	swait.ge [sflag:s13], $0x800  }
0xcd: {  	[sflag:s13] =	ssyncset.done $0x0  }
0xce: {  	[sflag:s13] =	ssyncadd.s32 $0xFFFFF800  }
0xcf: {  	_ =	swait.ge [sflag:s13], $0x800  }
0xd0: {  	[sflag:s13] =	ssyncset.done $0x0  }
0xd1: {  	[sflag:s13] =	ssyncadd.s32 $0xFFFFF800  }
0xd2: {  	_ =	swait.ge [sflag:s13], $0x800  }
0xd3: {  	[sflag:s13] =	ssyncset.done $0x0  }
0xd4: {  	[sflag:s13] =	ssyncadd.s32 $0xFFFFF800  }
0xd5: {  	_ =	swait.ge [sflag:s13], $0x800  }
.Ltmp6:
0xd6: {  	[sflag:s13] =	ssyncset.done $0x0;
	(pc) =	sbr.rel .LBB2_6-.Ltmp6, $4  }
0xd7: {  	[sflag:s13] =	ssyncadd.s32 $0xFFFFF800  }
0xd8: {  	_ =	swait.ge [sflag:s13], $0x800  }
0xd9: {  	[sflag:s13] =	ssyncset.done $0x0  }
0xda: {  	[sflag:s13] =	ssyncadd.s32 $0xFFFFF800  }
.LBB2_8:
0xdb: {  	_ =	sfence.sel $0x180000  }
0xdc: {  	[bflag:$0x0] =	sbarrier.arrive $0xFFFF  }
0xdd: {  	_ =	strace $0x9000004D  }
0xde: {  	s0 =	stileid.u32;
	[bflag:$0x2] =	sbarrier.arrive $0xFFFF  }
0xdf: {  	p0 =	sne.s32 s0, $0x0;
	s0 =	rddreg [dreg:$0x2]  }
0xe0: {  	s0 =	sadd.s32 @!p0 $0x100000, s0  }
0xe1: {  	[sflag:s0] =	ssyncadd.tile.s32 @!p0 $0x1;
	_ =	shalt  }
.Lfunc_end2:
_tile_overlayer_lowered:
.L_overlay_start_2:
0xe2: {  	(tag) =	ssettag $0x2  }
0xe3: {  	s0 =	rddreg [dreg:$0x0];
	s2 =	stileid.u32  }
0xe4: {  	s1 =	rddreg [dreg:$0x1];
	p0 =	sne.s32 s2, $0x0  }
0xe5: {  	s3 =	rddreg [dreg:$0x2];
	[bflag:$0x3] =	sbarrier.arrive $0xFFFF;
	s2 =	simm.s32 @!p0 $0x1C05  }
0xe6: {  	[timem:s3], [sflag:s2] =	dma.local @!p0 [hbm:s0], s1  }
0xe7: {  	s0 =	simm.s32 @!p0 $0x5  }
0xe8: {  	_ =	swait.ge @!p0 [sflag:s0], s1  }
0xe9: {  	s1 =	ssub.s32 @!p0 $0x0, s1;
	[sflag:s0] =	ssyncset.done @!p0 $0x0  }
0xea: {  	[sflag:s0] =	ssyncadd.s32 @!p0 s1  }
0xeb: {  	[bflag:$0x3] =	sbarrier.arrive $0xFFFF  }
0xec: {  	_ =	shalt  }

</sc_bundles>
